<compile_context>
chip_gen: v7x
topology: tpu7x:2x2x1
jax: 0.10.2.dev20260603
libtpu: 0.0.44.dev20260713+nightly
codegen_flags: <defaults>
</compile_context>

<pallas_src>
import functools

import jax
import jax.numpy as jnp
from jax import lax
from jax.experimental import pallas as pl
from jax.experimental.pallas import tpu as pltpu
from jax.experimental.pallas import tpu_sc as plsc

N_NODES = 10000
NPAD = 10240
D = 64
NW = 32
CHUNK = 128
ROWS_PT = NPAD // 16

_mesh = functools.partial(
    plsc.VectorSubcoreMesh, core_axis_name="c", subcore_axis_name="s")
_sc_params = pltpu.CompilerParams(use_tc_tiling_on_sc=False)


def _load_idx(real_hbm, pad_hbm, idx_v, wid, nch, nreal):
    npadr = NW * nch - nreal
    nlast = nch - npadr
    if npadr == 0:
        pltpu.sync_copy(real_hbm.at[pl.ds(wid * nch, nch)], idx_v)
        return

    @pl.when(wid < NW - 1)
    def _full():
        pltpu.sync_copy(real_hbm.at[pl.ds(wid * nch, nch)], idx_v)

    @pl.when(wid == NW - 1)
    def _split():
        pltpu.sync_copy(real_hbm.at[pl.ds(nreal - nlast, nlast)],
                        idx_v.at[pl.ds(0, nlast)])
        pltpu.sync_copy(pad_hbm, idx_v.at[pl.ds(nlast, npadr)])


def _make_deg_kernel(nch, nreal):

    @functools.partial(
        pl.kernel,
        mesh=_mesh(),
        compiler_params=_sc_params,
        out_type=jax.ShapeDtypeStruct((2, NPAD), jnp.float32),
        scratch_types=[
            pltpu.VMEM((nch, CHUNK), jnp.int32),
            pltpu.VMEM((CHUNK,), jnp.float32),
            pltpu.VMEM_SHARED((NPAD,), jnp.float32),
            [pltpu.SemaphoreType.DMA] * 4,
        ],
    )
    def deg_kernel(edge_hbm, dpad_hbm, init_hbm, out_hbm,
                   dst_v, ones_v, acc_sh, ssems):
        c = lax.axis_index("c")
        s = lax.axis_index("s")
        wid = s * 2 + c
        _load_idx(edge_hbm.at[1], dpad_hbm, dst_v, wid, nch, nreal)
        pltpu.sync_copy(init_hbm.at[pl.ds(0, CHUNK)], ones_v)
        pltpu.sync_copy(init_hbm.at[pl.ds(s * ROWS_PT, ROWS_PT)],
                        acc_sh.at[pl.ds(s * ROWS_PT, ROWS_PT)])
        plsc.subcore_barrier()

        def body(i, _):
            for b in range(4):
                j = i * 4 + b

                @pl.when(j >= 4)
                def _drain():
                    pltpu.make_async_copy(
                        ones_v, acc_sh.at[dst_v.at[j - 4]], ssems[b]).wait()

                pltpu.async_copy(ones_v, acc_sh.at[dst_v.at[j]],
                                 ssems[b], add=True)
            return _

        lax.fori_loop(0, nch // 4, body, None)
        for b in range(4):
            pltpu.make_async_copy(ones_v,
                                  acc_sh.at[dst_v.at[nch - 4 + b]],
                                  ssems[b]).wait()
        plsc.subcore_barrier()
        pltpu.sync_copy(acc_sh.at[pl.ds(s * ROWS_PT, ROWS_PT)],
                        out_hbm.at[c, pl.ds(s * ROWS_PT, ROWS_PT)])

    return deg_kernel


def _make_agg_kernel(nch, nreal):

    kb = 1
    nbuf = 8
    lookahead = 4
    nsup = nch // kb

    @functools.partial(
        pl.kernel,
        mesh=_mesh(),
        compiler_params=_sc_params,
        out_type=jax.ShapeDtypeStruct((2, NPAD, D), jnp.float32),
        scratch_types=[
            pltpu.VMEM((nch, CHUNK), jnp.int32),
            pltpu.VMEM((nch, CHUNK), jnp.int32),
            pltpu.VMEM((nbuf, kb, CHUNK, D), jnp.float32),
            pltpu.VMEM_SHARED((NPAD, D), jnp.float32),
            [pltpu.SemaphoreType.DMA] * 8,
            [pltpu.SemaphoreType.DMA] * 8,
        ],
    )
    def agg_kernel(y_hbm, edge_hbm, spad_hbm, dpad_hbm, out_hbm,
                   src_v, dst_v, rows_v, acc_sh, gsems, ssems):
        c = lax.axis_index("c")
        s = lax.axis_index("s")
        wid = s * 2 + c
        _load_idx(edge_hbm.at[0], spad_hbm, src_v, wid, nch, nreal)
        _load_idx(edge_hbm.at[1], dpad_hbm, dst_v, wid, nch, nreal)

        def gather(g, b):
            for k in range(kb):
                pltpu.async_copy(y_hbm.at[src_v.at[g * kb + k]],
                                 rows_v.at[b, k], gsems[b])

        def gather_wait(g, b):
            for k in range(kb):
                pltpu.make_async_copy(y_hbm.at[src_v.at[g * kb + k]],
                                      rows_v.at[b, k], gsems[b]).wait()

        def scatter(g, b):
            for k in range(kb):
                pltpu.async_copy(rows_v.at[b, k],
                                 acc_sh.at[dst_v.at[g * kb + k]],
                                 ssems[b], add=True)

        def scatter_wait(g, b):
            for k in range(kb):
                pltpu.make_async_copy(rows_v.at[b, k],
                                      acc_sh.at[dst_v.at[g * kb + k]],
                                      ssems[b]).wait()

        for g0 in range(lookahead):
            gather(g0, g0)
        pltpu.sync_copy(y_hbm.at[pl.ds(s * ROWS_PT, ROWS_PT)],
                        acc_sh.at[pl.ds(s * ROWS_PT, ROWS_PT)])
        plsc.subcore_barrier()

        def body(i, _):
            for bi in range(nbuf):
                g = i * nbuf + bi
                gather_wait(g, bi)
                scatter(g, bi)
                nb = (bi + lookahead) % nbuf
                lag = nbuf - lookahead

                @pl.when(g >= lag)
                def _drain():
                    scatter_wait(g - lag, nb)

                @pl.when(g + lookahead < nsup)
                def _fire():
                    gather(g + lookahead, nb)
            return _

        lax.fori_loop(0, nsup // nbuf, body, None)
        for gt in range(nsup - (nbuf - lookahead), nsup):
            scatter_wait(gt, gt % nbuf)
        plsc.subcore_barrier()
        pltpu.sync_copy(acc_sh.at[pl.ds(s * ROWS_PT, ROWS_PT)],
                        out_hbm.at[c, pl.ds(s * ROWS_PT, ROWS_PT)])

    return agg_kernel


_NB = 1024
_NPAIR = NPAD // 2
_NPR = N_NODES // 2


def _pair_cols(W):
    k, n = W.shape
    z = jnp.zeros((k, n), W.dtype)
    return jnp.concatenate(
        [jnp.concatenate([W, z], axis=1),
         jnp.concatenate([z, W], axis=1)], axis=0)


def _tc_first(Xp, disp, W1b):

    def body(x_ref, m_ref, w_ref, y_ref):
        y_ref[...] = m_ref[...] * jnp.dot(x_ref[...], w_ref[...],
                                          preferred_element_type=jnp.float32)

    return pl.pallas_call(
        body,
        grid=(_NPAIR // _NB,),
        in_specs=[
            pl.BlockSpec((_NB, 256), lambda i: (i, 0)),
            pl.BlockSpec((_NB, 128), lambda i: (i, 0)),
            pl.BlockSpec((256, 128), lambda i: (0, 0)),
        ],
        out_specs=pl.BlockSpec((_NB, 128), lambda i: (i, 0)),
        out_shape=jax.ShapeDtypeStruct((_NPAIR, 128), jnp.float32),
    )(Xp, disp, W1b)


def _tc_mid(S_pair, Y, disp, c3p, W2b, b1p):

    def body(s_ref, y_ref, m_ref, c_ref, w_ref, b_ref, o_ref):
        tot = s_ref[0] + s_ref[1] - y_ref[...]
        h = jnp.maximum(tot * c_ref[...] + b_ref[...], 0.0)
        o_ref[...] = m_ref[...] * jnp.dot(h, w_ref[...],
                                          preferred_element_type=jnp.float32)

    return pl.pallas_call(
        body,
        grid=(_NPAIR // _NB,),
        in_specs=[
            pl.BlockSpec((2, _NB, 128), lambda i: (0, i, 0)),
            pl.BlockSpec((_NB, 128), lambda i: (i, 0)),
            pl.BlockSpec((_NB, 128), lambda i: (i, 0)),
            pl.BlockSpec((_NB, 128), lambda i: (i, 0)),
            pl.BlockSpec((128, 128), lambda i: (0, 0)),
            pl.BlockSpec((1, 128), lambda i: (0, 0)),
        ],
        out_specs=pl.BlockSpec((_NB, 128), lambda i: (i, 0)),
        out_shape=jax.ShapeDtypeStruct((_NPAIR, 128), jnp.float32),
    )(S_pair, Y, disp, c3p, W2b, b1p)


def _tc_last(S_pair, Y, c3p, b2p, Wcb, bcp):
    n2 = Wcb.shape[1]
    nb = 1000

    def body(s_ref, y_ref, c_ref, b2_ref, w_ref, bc_ref, o_ref):
        tot = s_ref[0] + s_ref[1] - y_ref[...]
        h = jnp.maximum(tot * c_ref[...] + b2_ref[...], 0.0)
        o_ref[...] = jnp.dot(h, w_ref[...],
                             preferred_element_type=jnp.float32) + bc_ref[...]

    return pl.pallas_call(
        body,
        grid=(_NPR // nb,),
        in_specs=[
            pl.BlockSpec((2, nb, 128), lambda i: (0, i, 0)),
            pl.BlockSpec((nb, 128), lambda i: (i, 0)),
            pl.BlockSpec((nb, 128), lambda i: (i, 0)),
            pl.BlockSpec((1, 128), lambda i: (0, 0)),
            pl.BlockSpec((128, n2), lambda i: (0, 0)),
            pl.BlockSpec((1, n2), lambda i: (0, 0)),
        ],
        out_specs=pl.BlockSpec((nb, n2), lambda i: (i, 0)),
        out_shape=jax.ShapeDtypeStruct((_NPR, n2), jnp.float32),
    )(S_pair, Y, c3p, b2p, Wcb, bcp)


def kernel(X, edge_index, W1, b1, W2, b2, Wc, bc):
    edges = edge_index.astype(jnp.int32)
    n_edges = edges.shape[1]
    if n_edges % CHUNK:
        extra = CHUNK - n_edges % CHUNK
        tail = jnp.stack([jnp.zeros((extra,), jnp.int32),
                          jnp.full((extra,), N_NODES, jnp.int32)])
        edges = jnp.concatenate([edges, tail], axis=1)
        n_edges += extra
    nreal = n_edges // CHUNK
    nch = -(-nreal // NW)
    nch = -(-nch // 8) * 8
    npadr = NW * nch - nreal

    edge3d = edges.reshape(2, nreal, CHUNK)
    rng = jnp.arange(npadr * CHUNK, dtype=jnp.int32)
    spad = (rng % N_NODES).reshape(npadr, CHUNK)
    dpad = (N_NODES + rng % (NPAD - N_NODES)).reshape(npadr, CHUNK)
    ones_init = jnp.ones((NPAD,), jnp.float32)

    deg_pair = _make_deg_kernel(nch, nreal)(edge3d, dpad, ones_init)
    deg = jnp.maximum(deg_pair[0] + deg_pair[1] - 1.0, 1.0)
    dis = lax.rsqrt(deg)
    disp = jnp.broadcast_to(dis[:, None], (NPAD, D)).reshape(_NPAIR, 128)
    c3p = jnp.broadcast_to((dis / deg)[:, None], (NPAD, D)).reshape(_NPAIR, 128)

    agg = _make_agg_kernel(nch, nreal)
    W1b = _pair_cols(W1)
    W2b = _pair_cols(W2)
    Wcb = _pair_cols(Wc)
    b1p = jnp.concatenate([b1, b1]).reshape(1, 128)
    b2p = jnp.concatenate([b2, b2]).reshape(1, 128)
    bcp = jnp.concatenate([bc, bc]).reshape(1, -1)
    Xp = X.reshape(N_NODES // 2, 256)

    Y1 = _tc_first(Xp, disp, W1b)
    S1 = agg(Y1.reshape(NPAD, D), edge3d, spad, dpad)
    S1p = S1.reshape(2, _NPAIR, 128)
    Y2 = _tc_mid(S1p, Y1, disp, c3p, W2b, b1p)
    S2 = agg(Y2.reshape(NPAD, D), edge3d, spad, dpad)
    S2p = S2.reshape(2, _NPAIR, 128)
    lp = _tc_last(S2p, Y2, c3p, b2p, Wcb, bcp)
    return lp.reshape(N_NODES, Wc.shape[1])

# --- scband reference (transcript-rebuilt; emitter-appended) ---
"""Pipeline reference for scband-gcn-66425964200295 (READ-ONLY COPY).

The authoritative reference and input builder live on the scoring server;
editing this copy changes nothing except your own understanding.
"""

import jax, jax.numpy as jnp
import numpy as np

N_NODES = 10000
N_EDGES = 320000
IN_DIM = 128
H1 = 64
H2 = 64
NCLS = 16


def gcn_conv_mean(x, W, b, src, dst, n_nodes):
    # Faithful to torch_geometric.nn.GCNConv(in, out, aggr='mean'):
    #   1) linear transform (no bias inside lin)
    #   2) gcn_norm: add self-loops, symmetric normalization by degree (computed on dst/col)
    #   3) message = norm * x_j, aggregated with MEAN over destination nodes
    #   4) add bias
    x = x @ W
    loop = jnp.arange(n_nodes, dtype=src.dtype)
    src2 = jnp.concatenate([src, loop])
    dst2 = jnp.concatenate([dst, loop])
    ones = jnp.ones(src2.shape[0], dtype=x.dtype)
    deg = jax.ops.segment_sum(ones, dst2, num_segments=n_nodes)
    deg_inv_sqrt = jnp.where(deg > 0, deg ** -0.5, 0.0)
    norm = deg_inv_sqrt[src2] * deg_inv_sqrt[dst2]
    msg = x[src2] * norm[:, None]
    summed = jax.ops.segment_sum(msg, dst2, num_segments=n_nodes)
    cnt = jax.ops.segment_sum(ones, dst2, num_segments=n_nodes)
    out = summed / jnp.maximum(cnt, 1.0)[:, None]
    return out + b


def setup_inputs(seed: int = 0) -> dict:
    key = jax.random.key(seed)
    k = jax.random.split(key, 8)
    X = jax.random.normal(k[0], (N_NODES, IN_DIM), dtype=jnp.float32)
    edge_index = jax.random.randint(k[1], (2, N_EDGES), 0, N_NODES, dtype=jnp.int64)
    W1 = jax.random.normal(k[2], (IN_DIM, H1), dtype=jnp.float32) * (1.0 / np.sqrt(IN_DIM))
    b1 = jnp.zeros((H1,), dtype=jnp.float32)
    W2 = jax.random.normal(k[3], (H1, H2), dtype=jnp.float32) * (1.0 / np.sqrt(H1))
    b2 = jnp.zeros((H2,), dtype=jnp.float32)
    Wc = jax.random.normal(k[4], (H2, NCLS), dtype=jnp.float32) * (1.0 / np.sqrt(H2))
    bc = jnp.zeros((NCLS,), dtype=jnp.float32)
    return {"X": X, "edge_index": edge_index, "W1": W1, "b1": b1, "W2": W2, "b2": b2, "Wc": Wc, "bc": bc}


def reference(X, edge_index, W1, b1, W2, b2, Wc, bc):
    src = edge_index[0]
    dst = edge_index[1]
    h = jax.nn.relu(gcn_conv_mean(X, W1, b1, src, dst, N_NODES))
    h = jax.nn.relu(gcn_conv_mean(h, W2, b2, src, dst, N_NODES))
    logits = h @ Wc + bc
    return logits

if __name__ == "__main__":
    import jax
    _d = setup_inputs()
    print(jax.jit(kernel)(*tuple(_d.values())))

</pallas_src>

<mosaic_0001>
#map = affine_map<(d0, d1) -> (0, 0, 0)>
#map1 = affine_map<(d0, d1) -> (0, 0)>
#map2 = affine_map<(d0, d1) -> (0)>
module attributes {stable_mosaic.version = 14 : i64} {
  func.func @deg_kernel(%arg0: i32, %arg1: i32, %arg2: memref<2x2500x128xi32, #tpu.memory_space<hbm>>, %arg3: memref<60x128xi32, #tpu.memory_space<hbm>>, %arg4: memref<10240xf32, #tpu.memory_space<hbm>>, %arg5: memref<2x10240xf32, #tpu.memory_space<hbm>>, %arg6: memref<80x128xi32, #tpu.memory_space<vmem>>, %arg7: memref<128xf32, #tpu.memory_space<vmem>>, %arg8: memref<10240xf32, #tpu.memory_space<vmem_shared>>, %arg9: memref<!tpu.dma_semaphore, #tpu.memory_space<semaphore_mem>>, %arg10: memref<!tpu.dma_semaphore, #tpu.memory_space<semaphore_mem>>, %arg11: memref<!tpu.dma_semaphore, #tpu.memory_space<semaphore_mem>>, %arg12: memref<!tpu.dma_semaphore, #tpu.memory_space<semaphore_mem>>) attributes {dimension_semantics = [#tpu.dimension_semantics<core_parallel>, #tpu.dimension_semantics<subcore_parallel>], iteration_bounds = array<i64: 2, 16>, scalar_prefetch = 0 : i64, scratch_operands = 7 : i64, tpu.core_type = #tpu.core_type<sc_vector_subcore>, window_params = [{transform_indices = #map}, {transform_indices = #map1}, {transform_indices = #map2}, {transform_indices = #map1}]} {
    %mul3A = arith.constant 2 : i32
    %mul3A_0 = arith.muli %arg1, %mul3A : i32
    %add3A = arith.addi %mul3A_0, %arg0 : i32
    %lt3A = arith.constant 31 : i32
    %lt3A_1 = arith.cmpi slt, %add3A, %lt3A : i32
    %convert_element_type3A = arith.extui %lt3A_1 : i1 to i32
    %cond3A = arith.constant 1 : i32
    %cond3A_2 = arith.constant 0 : i32
    %cond3A_3 = arith.cmpi ne, %convert_element_type3A, %cond3A_2 : i32
    scf.if %cond3A_3 {
      %mul3A_45 = arith.constant 80 : i32
      %mul3A_46 = arith.muli %add3A, %mul3A_45 : i32
      "tpu.region"() ({
        %run_scoped3A = tpu.sem_alloc : memref<!tpu.dma_semaphore, #tpu.memory_space<semaphore_mem>>
        %dma_start3A = arith.constant 0 : i32
        %dma_start3A_47 = arith.constant 0 : i32
        %dma_start3A_48 = tpu.memref_slice %arg2[%cond3A, %dma_start3A, %dma_start3A_47] : memref<2x2500x128xi32, #tpu.memory_space<hbm>> -> memref<1x2500x128xi32, #tpu.memory_space<hbm>>
        %dma_start3A_49 = tpu.memref_squeeze %dma_start3A_48 : memref<1x2500x128xi32, #tpu.memory_space<hbm>> -> memref<2500x128xi32, #tpu.memory_space<hbm>>
        %dma_start3A_50 = arith.constant 0 : i32
        %dma_start3A_51 = tpu.memref_slice %dma_start3A_49[%mul3A_46, %dma_start3A_50] : memref<2500x128xi32, #tpu.memory_space<hbm>> -> memref<80x128xi32, #tpu.memory_space<hbm>>
        %dma_start3A_52 = arith.constant 0 : i32
        %dma_start3A_53 = arith.constant 0 : i32
        %dma_start3A_54 = tpu.memref_slice %arg2[%cond3A, %dma_start3A_52, %dma_start3A_53] : memref<2x2500x128xi32, #tpu.memory_space<hbm>> -> memref<1x2500x128xi32, #tpu.memory_space<hbm>>
        %dma_start3A_55 = tpu.memref_squeeze %dma_start3A_54 : memref<1x2500x128xi32, #tpu.memory_space<hbm>> -> memref<2500x128xi32, #tpu.memory_space<hbm>>
        %dma_start3A_56 = arith.constant 0 : i32
        %dma_start3A_57 = tpu.memref_slice %dma_start3A_55[%mul3A_46, %dma_start3A_56] : memref<2500x128xi32, #tpu.memory_space<hbm>> -> memref<80x128xi32, #tpu.memory_space<hbm>>
        tpu.enqueue_dma source(%dma_start3A_57 : memref<80x128xi32, #tpu.memory_space<hbm>>) target(%arg6 : memref<80x128xi32, #tpu.memory_space<vmem>>) target_semaphore(%run_scoped3A : memref<!tpu.dma_semaphore, #tpu.memory_space<semaphore_mem>>)
        %dma_wait3A_58 = arith.constant 0 : i32
        %dma_wait3A_59 = arith.constant 0 : i32
        %dma_wait3A_60 = tpu.memref_slice %arg2[%cond3A, %dma_wait3A_58, %dma_wait3A_59] : memref<2x2500x128xi32, #tpu.memory_space<hbm>> -> memref<1x2500x128xi32, #tpu.memory_space<hbm>>
        %dma_wait3A_61 = tpu.memref_squeeze %dma_wait3A_60 : memref<1x2500x128xi32, #tpu.memory_space<hbm>> -> memref<2500x128xi32, #tpu.memory_space<hbm>>
        %dma_wait3A_62 = arith.constant 0 : i32
        %dma_wait3A_63 = tpu.memref_slice %dma_wait3A_61[%mul3A_46, %dma_wait3A_62] : memref<2500x128xi32, #tpu.memory_space<hbm>> -> memref<80x128xi32, #tpu.memory_space<hbm>>
        %dma_wait3A_64 = arith.constant 0 : i32
        %dma_wait3A_65 = arith.constant 0 : i32
        %dma_wait3A_66 = tpu.memref_slice %arg2[%cond3A, %dma_wait3A_64, %dma_wait3A_65] : memref<2x2500x128xi32, #tpu.memory_space<hbm>> -> memref<1x2500x128xi32, #tpu.memory_space<hbm>>
        %dma_wait3A_67 = tpu.memref_squeeze %dma_wait3A_66 : memref<1x2500x128xi32, #tpu.memory_space<hbm>> -> memref<2500x128xi32, #tpu.memory_space<hbm>>
        %dma_wait3A_68 = arith.constant 0 : i32
        %dma_wait3A_69 = tpu.memref_slice %dma_wait3A_67[%mul3A_46, %dma_wait3A_68] : memref<2500x128xi32, #tpu.memory_space<hbm>> -> memref<80x128xi32, #tpu.memory_space<hbm>>
        tpu.wait_dma2 semaphore(%run_scoped3A : memref<!tpu.dma_semaphore, #tpu.memory_space<semaphore_mem>>) src(%dma_wait3A_69 : memref<80x128xi32, #tpu.memory_space<hbm>>) dst(%arg6 : memref<80x128xi32, #tpu.memory_space<vmem>>)
        tpu.yield
      }) : () -> ()
    } else {
    }
    %eq3A = arith.constant 31 : i32
    %eq3A_4 = arith.cmpi eq, %add3A, %eq3A : i32
    %convert_element_type3A_5 = arith.extui %eq3A_4 : i1 to i32
    %cond3A_6 = arith.constant 1 : i32
    %cond3A_7 = arith.constant 0 : i32
    %cond3A_8 = arith.cmpi ne, %convert_element_type3A_5, %cond3A_7 : i32
    scf.if %cond3A_8 {
      "tpu.region"() ({
        %run_scoped3A = tpu.sem_alloc : memref<!tpu.dma_semaphore, #tpu.memory_space<semaphore_mem>>
        %dma_start3A = arith.constant 0 : i32
        %dma_start3A_45 = arith.constant 0 : i32
        %dma_start3A_46 = tpu.memref_slice %arg6[%dma_start3A, %dma_start3A_45] : memref<80x128xi32, #tpu.memory_space<vmem>> -> memref<20x128xi32, #tpu.memory_space<vmem>>
        %dma_start3A_47 = arith.constant 0 : i32
        %dma_start3A_48 = arith.constant 0 : i32
        %dma_start3A_49 = tpu.memref_slice %arg2[%cond3A_6, %dma_start3A_47, %dma_start3A_48] : memref<2x2500x128xi32, #tpu.memory_space<hbm>> -> memref<1x2500x128xi32, #tpu.memory_space<hbm>>
        %dma_start3A_50 = tpu.memref_squeeze %dma_start3A_49 : memref<1x2500x128xi32, #tpu.memory_space<hbm>> -> memref<2500x128xi32, #tpu.memory_space<hbm>>
        %dma_start3A_51 = arith.constant 2480 : i32
        %dma_start3A_52 = arith.constant 0 : i32
        %dma_start3A_53 = tpu.memref_slice %dma_start3A_50[%dma_start3A_51, %dma_start3A_52] : memref<2500x128xi32, #tpu.memory_space<hbm>> -> memref<20x128xi32, #tpu.memory_space<hbm>>
        %dma_start3A_54 = arith.constant 0 : i32
        %dma_start3A_55 = arith.constant 0 : i32
        %dma_start3A_56 = tpu.memref_slice %arg6[%dma_start3A_54, %dma_start3A_55] : memref<80x128xi32, #tpu.memory_space<vmem>> -> memref<20x128xi32, #tpu.memory_space<vmem>>
        %dma_start3A_57 = arith.constant 0 : i32
        %dma_start3A_58 = arith.constant 0 : i32
        %dma_start3A_59 = tpu.memref_slice %arg2[%cond3A_6, %dma_start3A_57, %dma_start3A_58] : memref<2x2500x128xi32, #tpu.memory_space<hbm>> -> memref<1x2500x128xi32, #tpu.memory_space<hbm>>
        %dma_start3A_60 = tpu.memref_squeeze %dma_start3A_59 : memref<1x2500x128xi32, #tpu.memory_space<hbm>> -> memref<2500x128xi32, #tpu.memory_space<hbm>>
        %dma_start3A_61 = arith.constant 2480 : i32
        %dma_start3A_62 = arith.constant 0 : i32
        %dma_start3A_63 = tpu.memref_slice %dma_start3A_60[%dma_start3A_61, %dma_start3A_62] : memref<2500x128xi32, #tpu.memory_space<hbm>> -> memref<20x128xi32, #tpu.memory_space<hbm>>
        tpu.enqueue_dma source(%dma_start3A_63 : memref<20x128xi32, #tpu.memory_space<hbm>>) target(%dma_start3A_56 : memref<20x128xi32, #tpu.memory_space<vmem>>) target_semaphore(%run_scoped3A : memref<!tpu.dma_semaphore, #tpu.memory_space<semaphore_mem>>)
        %dma_wait3A_64 = arith.constant 0 : i32
        %dma_wait3A_65 = arith.constant 0 : i32
        %dma_wait3A_66 = tpu.memref_slice %arg6[%dma_wait3A_64, %dma_wait3A_65] : memref<80x128xi32, #tpu.memory_space<vmem>> -> memref<20x128xi32, #tpu.memory_space<vmem>>
        %dma_wait3A_67 = arith.constant 0 : i32
        %dma_wait3A_68 = arith.constant 0 : i32
        %dma_wait3A_69 = tpu.memref_slice %arg2[%cond3A_6, %dma_wait3A_67, %dma_wait3A_68] : memref<2x2500x128xi32, #tpu.memory_space<hbm>> -> memref<1x2500x128xi32, #tpu.memory_space<hbm>>
        %dma_wait3A_70 = tpu.memref_squeeze %dma_wait3A_69 : memref<1x2500x128xi32, #tpu.memory_space<hbm>> -> memref<2500x128xi32, #tpu.memory_space<hbm>>
        %dma_wait3A_71 = arith.constant 2480 : i32
        %dma_wait3A_72 = arith.constant 0 : i32
        %dma_wait3A_73 = tpu.memref_slice %dma_wait3A_70[%dma_wait3A_71, %dma_wait3A_72] : memref<2500x128xi32, #tpu.memory_space<hbm>> -> memref<20x128xi32, #tpu.memory_space<hbm>>
        %dma_wait3A_74 = arith.constant 0 : i32
        %dma_wait3A_75 = arith.constant 0 : i32
        %dma_wait3A_76 = tpu.memref_slice %arg6[%dma_wait3A_74, %dma_wait3A_75] : memref<80x128xi32, #tpu.memory_space<vmem>> -> memref<20x128xi32, #tpu.memory_space<vmem>>
        %dma_wait3A_77 = arith.constant 0 : i32
        %dma_wait3A_78 = arith.constant 0 : i32
        %dma_wait3A_79 = tpu.memref_slice %arg2[%cond3A_6, %dma_wait3A_77, %dma_wait3A_78] : memref<2x2500x128xi32, #tpu.memory_space<hbm>> -> memref<1x2500x128xi32, #tpu.memory_space<hbm>>
        %dma_wait3A_80 = tpu.memref_squeeze %dma_wait3A_79 : memref<1x2500x128xi32, #tpu.memory_space<hbm>> -> memref<2500x128xi32, #tpu.memory_space<hbm>>
        %dma_wait3A_81 = arith.constant 2480 : i32
        %dma_wait3A_82 = arith.constant 0 : i32
        %dma_wait3A_83 = tpu.memref_slice %dma_wait3A_80[%dma_wait3A_81, %dma_wait3A_82] : memref<2500x128xi32, #tpu.memory_space<hbm>> -> memref<20x128xi32, #tpu.memory_space<hbm>>
        tpu.wait_dma2 semaphore(%run_scoped3A : memref<!tpu.dma_semaphore, #tpu.memory_space<semaphore_mem>>) src(%dma_wait3A_83 : memref<20x128xi32, #tpu.memory_space<hbm>>) dst(%dma_wait3A_76 : memref<20x128xi32, #tpu.memory_space<vmem>>)
        tpu.yield
      }) : () -> ()
      "tpu.region"() ({
        %run_scoped3A = tpu.sem_alloc : memref<!tpu.dma_semaphore, #tpu.memory_space<semaphore_mem>>
        %dma_start3A = arith.constant 20 : i32
        %dma_start3A_45 = arith.constant 0 : i32
        %dma_start3A_46 = tpu.memref_slice %arg6[%dma_start3A, %dma_start3A_45] : memref<80x128xi32, #tpu.memory_space<vmem>> -> memref<60x128xi32, #tpu.memory_space<vmem>>
        %dma_start3A_47 = arith.constant 20 : i32
        %dma_start3A_48 = arith.constant 0 : i32
        %dma_start3A_49 = tpu.memref_slice %arg6[%dma_start3A_47, %dma_start3A_48] : memref<80x128xi32, #tpu.memory_space<vmem>> -> memref<60x128xi32, #tpu.memory_space<vmem>>
        tpu.enqueue_dma source(%arg3 : memref<60x128xi32, #tpu.memory_space<hbm>>) target(%dma_start3A_49 : memref<60x128xi32, #tpu.memory_space<vmem>>) target_semaphore(%run_scoped3A : memref<!tpu.dma_semaphore, #tpu.memory_space<semaphore_mem>>)
        %dma_wait3A_50 = arith.constant 20 : i32
        %dma_wait3A_51 = arith.constant 0 : i32
        %dma_wait3A_52 = tpu.memref_slice %arg6[%dma_wait3A_50, %dma_wait3A_51] : memref<80x128xi32, #tpu.memory_space<vmem>> -> memref<60x128xi32, #tpu.memory_space<vmem>>
        %dma_wait3A_53 = arith.constant 20 : i32
        %dma_wait3A_54 = arith.constant 0 : i32
        %dma_wait3A_55 = tpu.memref_slice %arg6[%dma_wait3A_53, %dma_wait3A_54] : memref<80x128xi32, #tpu.memory_space<vmem>> -> memref<60x128xi32, #tpu.memory_space<vmem>>
        tpu.wait_dma2 semaphore(%run_scoped3A : memref<!tpu.dma_semaphore, #tpu.memory_space<semaphore_mem>>) src(%arg3 : memref<60x128xi32, #tpu.memory_space<hbm>>) dst(%dma_wait3A_55 : memref<60x128xi32, #tpu.memory_space<vmem>>)
        tpu.yield
      }) : () -> ()
    } else {
    }
    "tpu.region"() ({
      %run_scoped3A = tpu.sem_alloc : memref<!tpu.dma_semaphore, #tpu.memory_space<semaphore_mem>>
      %dma_start3A = arith.constant 0 : i32
      %dma_start3A_45 = tpu.memref_slice %arg4[%dma_start3A] : memref<10240xf32, #tpu.memory_space<hbm>> -> memref<128xf32, #tpu.memory_space<hbm>>
      %dma_start3A_46 = arith.constant 0 : i32
      %dma_start3A_47 = tpu.memref_slice %arg4[%dma_start3A_46] : memref<10240xf32, #tpu.memory_space<hbm>> -> memref<128xf32, #tpu.memory_space<hbm>>
      tpu.enqueue_dma source(%dma_start3A_47 : memref<128xf32, #tpu.memory_space<hbm>>) target(%arg7 : memref<128xf32, #tpu.memory_space<vmem>>) target_semaphore(%run_scoped3A : memref<!tpu.dma_semaphore, #tpu.memory_space<semaphore_mem>>)
      %dma_wait3A_48 = arith.constant 0 : i32
      %dma_wait3A_49 = tpu.memref_slice %arg4[%dma_wait3A_48] : memref<10240xf32, #tpu.memory_space<hbm>> -> memref<128xf32, #tpu.memory_space<hbm>>
      %dma_wait3A_50 = arith.constant 0 : i32
      %dma_wait3A_51 = tpu.memref_slice %arg4[%dma_wait3A_50] : memref<10240xf32, #tpu.memory_space<hbm>> -> memref<128xf32, #tpu.memory_space<hbm>>
      tpu.wait_dma2 semaphore(%run_scoped3A : memref<!tpu.dma_semaphore, #tpu.memory_space<semaphore_mem>>) src(%dma_wait3A_51 : memref<128xf32, #tpu.memory_space<hbm>>) dst(%arg7 : memref<128xf32, #tpu.memory_space<vmem>>)
      tpu.yield
    }) : () -> ()
    %mul3A_9 = arith.constant 640 : i32
    %mul3A_10 = arith.muli %arg1, %mul3A_9 : i32
    %mul3A_11 = arith.constant 640 : i32
    %mul3A_12 = arith.muli %arg1, %mul3A_11 : i32
    "tpu.region"() ({
      %run_scoped3A = tpu.sem_alloc : memref<!tpu.dma_semaphore, #tpu.memory_space<semaphore_mem>>
      %dma_start3A = tpu.memref_slice %arg8[%mul3A_12] : memref<10240xf32, #tpu.memory_space<vmem_shared>> -> memref<640xf32, #tpu.memory_space<vmem_shared>>
      %dma_start3A_45 = tpu.memref_slice %arg4[%mul3A_10] : memref<10240xf32, #tpu.memory_space<hbm>> -> memref<640xf32, #tpu.memory_space<hbm>>
      tpu.enqueue_dma source(%dma_start3A_45 : memref<640xf32, #tpu.memory_space<hbm>>) target(%dma_start3A : memref<640xf32, #tpu.memory_space<vmem_shared>>) target_semaphore(%run_scoped3A : memref<!tpu.dma_semaphore, #tpu.memory_space<semaphore_mem>>)
      %dma_wait3A_46 = tpu.memref_slice %arg8[%mul3A_12] : memref<10240xf32, #tpu.memory_space<vmem_shared>> -> memref<640xf32, #tpu.memory_space<vmem_shared>>
      %dma_wait3A_47 = tpu.memref_slice %arg4[%mul3A_10] : memref<10240xf32, #tpu.memory_space<hbm>> -> memref<640xf32, #tpu.memory_space<hbm>>
      tpu.wait_dma2 semaphore(%run_scoped3A : memref<!tpu.dma_semaphore, #tpu.memory_space<semaphore_mem>>) src(%dma_wait3A_47 : memref<640xf32, #tpu.memory_space<hbm>>) dst(%dma_wait3A_46 : memref<640xf32, #tpu.memory_space<vmem_shared>>)
      tpu.yield
    }) : () -> ()
    %barrier3A = arith.constant 0 : index
    tpu.barrier barrier_id(%barrier3A)
    %scan3A = arith.constant 0 : i32
    %scan3A_13 = arith.constant 20 : i32
    %scan3A_14 = arith.addi %scan3A, %scan3A_13 : i32
    %scan3A_15 = arith.constant 1 : i32
    scf.for %scan3A_45 = %scan3A to %scan3A_14 step %scan3A_15  : i32 {
      %mul3A_46 = arith.constant 4 : i32
      %mul3A_47 = arith.muli %scan3A_45, %mul3A_46 : i32
      %add3A_48 = arith.constant 0 : i32
      %add3A_49 = arith.addi %mul3A_47, %add3A_48 : i32
      %ge3A = arith.constant 4 : i32
      %ge3A_50 = arith.cmpi sge, %add3A_49, %ge3A : i32
      %convert_element_type3A_51 = arith.extui %ge3A_50 : i1 to i32
      %cond3A_52 = arith.constant 0 : i32
      %cond3A_53 = arith.cmpi ne, %convert_element_type3A_51, %cond3A_52 : i32
      scf.if %cond3A_53 {
        %sub3A = arith.constant 4 : i32
        %sub3A_100 = arith.subi %add3A_49, %sub3A : i32
        %dma_wait3A_101 = arith.constant 0 : i32
        %dma_wait3A_102 = tpu.memref_slice %arg6[%sub3A_100, %dma_wait3A_101] : memref<80x128xi32, #tpu.memory_space<vmem>> -> memref<1x128xi32, #tpu.memory_space<vmem>>
        %dma_wait3A_103 = tpu.memref_squeeze %dma_wait3A_102 : memref<1x128xi32, #tpu.memory_space<vmem>> -> memref<128xi32, #tpu.memory_space<vmem>>
        %dma_wait3A_104 = arith.constant 0 : i32
        %dma_wait3A_105 = tpu.memref_slice %arg8[%dma_wait3A_104] : memref<10240xf32, #tpu.memory_space<vmem_shared>> -> memref<10240xf32, #tpu.memory_space<vmem_shared>>
        tpu.wait_indirect_dma semaphore(%arg9 : memref<!tpu.dma_semaphore, #tpu.memory_space<semaphore_mem>>) src(%arg7 : memref<128xf32, #tpu.memory_space<vmem>>) dst(%dma_wait3A_105 : memref<10240xf32, #tpu.memory_space<vmem_shared>>)
      } else {
      }
      %dma_start3A = arith.constant 0 : i32
      %dma_start3A_54 = tpu.memref_slice %arg6[%add3A_49, %dma_start3A] : memref<80x128xi32, #tpu.memory_space<vmem>> -> memref<1x128xi32, #tpu.memory_space<vmem>>
      %dma_start3A_55 = tpu.memref_squeeze %dma_start3A_54 : memref<1x128xi32, #tpu.memory_space<vmem>> -> memref<128xi32, #tpu.memory_space<vmem>>
      %dma_start3A_56 = arith.constant 0 : i32
      %dma_start3A_57 = tpu.memref_slice %arg8[%dma_start3A_56] : memref<10240xf32, #tpu.memory_space<vmem_shared>> -> memref<10240xf32, #tpu.memory_space<vmem_shared>>
      tpu.enqueue_indirect_dma source(%arg7 : memref<128xf32, #tpu.memory_space<vmem>>) target(%dma_start3A_57 : memref<10240xf32, #tpu.memory_space<vmem_shared>>) offsets(%dma_start3A_55 : memref<128xi32, #tpu.memory_space<vmem>>) semaphore(%arg9 : memref<!tpu.dma_semaphore, #tpu.memory_space<semaphore_mem>>) {add = true}
      %mul3A_58 = arith.constant 4 : i32
      %mul3A_59 = arith.muli %scan3A_45, %mul3A_58 : i32
      %add3A_60 = arith.constant 1 : i32
      %add3A_61 = arith.addi %mul3A_59, %add3A_60 : i32
      %ge3A_62 = arith.constant 4 : i32
      %ge3A_63 = arith.cmpi sge, %add3A_61, %ge3A_62 : i32
      %convert_element_type3A_64 = arith.extui %ge3A_63 : i1 to i32
      %cond3A_65 = arith.constant 0 : i32
      %cond3A_66 = arith.cmpi ne, %convert_element_type3A_64, %cond3A_65 : i32
      scf.if %cond3A_66 {
        %sub3A = arith.constant 4 : i32
        %sub3A_100 = arith.subi %add3A_61, %sub3A : i32
        %dma_wait3A_101 = arith.constant 0 : i32
        %dma_wait3A_102 = tpu.memref_slice %arg6[%sub3A_100, %dma_wait3A_101] : memref<80x128xi32, #tpu.memory_space<vmem>> -> memref<1x128xi32, #tpu.memory_space<vmem>>
        %dma_wait3A_103 = tpu.memref_squeeze %dma_wait3A_102 : memref<1x128xi32, #tpu.memory_space<vmem>> -> memref<128xi32, #tpu.memory_space<vmem>>
        %dma_wait3A_104 = arith.constant 0 : i32
        %dma_wait3A_105 = tpu.memref_slice %arg8[%dma_wait3A_104] : memref<10240xf32, #tpu.memory_space<vmem_shared>> -> memref<10240xf32, #tpu.memory_space<vmem_shared>>
        tpu.wait_indirect_dma semaphore(%arg10 : memref<!tpu.dma_semaphore, #tpu.memory_space<semaphore_mem>>) src(%arg7 : memref<128xf32, #tpu.memory_space<vmem>>) dst(%dma_wait3A_105 : memref<10240xf32, #tpu.memory_space<vmem_shared>>)
      } else {
      }
      %dma_start3A_67 = arith.constant 0 : i32
      %dma_start3A_68 = tpu.memref_slice %arg6[%add3A_61, %dma_start3A_67] : memref<80x128xi32, #tpu.memory_space<vmem>> -> memref<1x128xi32, #tpu.memory_space<vmem>>
      %dma_start3A_69 = tpu.memref_squeeze %dma_start3A_68 : memref<1x128xi32, #tpu.memory_space<vmem>> -> memref<128xi32, #tpu.memory_space<vmem>>
      %dma_start3A_70 = arith.constant 0 : i32
      %dma_start3A_71 = tpu.memref_slice %arg8[%dma_start3A_70] : memref<10240xf32, #tpu.memory_space<vmem_shared>> -> memref<10240xf32, #tpu.memory_space<vmem_shared>>
      tpu.enqueue_indirect_dma source(%arg7 : memref<128xf32, #tpu.memory_space<vmem>>) target(%dma_start3A_71 : memref<10240xf32, #tpu.memory_space<vmem_shared>>) offsets(%dma_start3A_69 : memref<128xi32, #tpu.memory_space<vmem>>) semaphore(%arg10 : memref<!tpu.dma_semaphore, #tpu.memory_space<semaphore_mem>>) {add = true}
      %mul3A_72 = arith.constant 4 : i32
      %mul3A_73 = arith.muli %scan3A_45, %mul3A_72 : i32
      %add3A_74 = arith.constant 2 : i32
      %add3A_75 = arith.addi %mul3A_73, %add3A_74 : i32
      %ge3A_76 = arith.constant 4 : i32
      %ge3A_77 = arith.cmpi sge, %add3A_75, %ge3A_76 : i32
      %convert_element_type3A_78 = arith.extui %ge3A_77 : i1 to i32
      %cond3A_79 = arith.constant 0 : i32
      %cond3A_80 = arith.cmpi ne, %convert_element_type3A_78, %cond3A_79 : i32
      scf.if %cond3A_80 {
        %sub3A = arith.constant 4 : i32
        %sub3A_100 = arith.subi %add3A_75, %sub3A : i32
        %dma_wait3A_101 = arith.constant 0 : i32
        %dma_wait3A_102 = tpu.memref_slice %arg6[%sub3A_100, %dma_wait3A_101] : memref<80x128xi32, #tpu.memory_space<vmem>> -> memref<1x128xi32, #tpu.memory_space<vmem>>
        %dma_wait3A_103 = tpu.memref_squeeze %dma_wait3A_102 : memref<1x128xi32, #tpu.memory_space<vmem>> -> memref<128xi32, #tpu.memory_space<vmem>>
        %dma_wait3A_104 = arith.constant 0 : i32
        %dma_wait3A_105 = tpu.memref_slice %arg8[%dma_wait3A_104] : memref<10240xf32, #tpu.memory_space<vmem_shared>> -> memref<10240xf32, #tpu.memory_space<vmem_shared>>
        tpu.wait_indirect_dma semaphore(%arg11 : memref<!tpu.dma_semaphore, #tpu.memory_space<semaphore_mem>>) src(%arg7 : memref<128xf32, #tpu.memory_space<vmem>>) dst(%dma_wait3A_105 : memref<10240xf32, #tpu.memory_space<vmem_shared>>)
      } else {
      }
      %dma_start3A_81 = arith.constant 0 : i32
      %dma_start3A_82 = tpu.memref_slice %arg6[%add3A_75, %dma_start3A_81] : memref<80x128xi32, #tpu.memory_space<vmem>> -> memref<1x128xi32, #tpu.memory_space<vmem>>
      %dma_start3A_83 = tpu.memref_squeeze %dma_start3A_82 : memref<1x128xi32, #tpu.memory_space<vmem>> -> memref<128xi32, #tpu.memory_space<vmem>>
      %dma_start3A_84 = arith.constant 0 : i32
      %dma_start3A_85 = tpu.memref_slice %arg8[%dma_start3A_84] : memref<10240xf32, #tpu.memory_space<vmem_shared>> -> memref<10240xf32, #tpu.memory_space<vmem_shared>>
      tpu.enqueue_indirect_dma source(%arg7 : memref<128xf32, #tpu.memory_space<vmem>>) target(%dma_start3A_85 : memref<10240xf32, #tpu.memory_space<vmem_shared>>) offsets(%dma_start3A_83 : memref<128xi32, #tpu.memory_space<vmem>>) semaphore(%arg11 : memref<!tpu.dma_semaphore, #tpu.memory_space<semaphore_mem>>) {add = true}
      %mul3A_86 = arith.constant 4 : i32
      %mul3A_87 = arith.muli %scan3A_45, %mul3A_86 : i32
      %add3A_88 = arith.constant 3 : i32
      %add3A_89 = arith.addi %mul3A_87, %add3A_88 : i32
      %ge3A_90 = arith.constant 4 : i32
      %ge3A_91 = arith.cmpi sge, %add3A_89, %ge3A_90 : i32
      %convert_element_type3A_92 = arith.extui %ge3A_91 : i1 to i32
      %cond3A_93 = arith.constant 0 : i32
      %cond3A_94 = arith.cmpi ne, %convert_element_type3A_92, %cond3A_93 : i32
      scf.if %cond3A_94 {
        %sub3A = arith.constant 4 : i32
        %sub3A_100 = arith.subi %add3A_89, %sub3A : i32
        %dma_wait3A_101 = arith.constant 0 : i32
        %dma_wait3A_102 = tpu.memref_slice %arg6[%sub3A_100, %dma_wait3A_101] : memref<80x128xi32, #tpu.memory_space<vmem>> -> memref<1x128xi32, #tpu.memory_space<vmem>>
        %dma_wait3A_103 = tpu.memref_squeeze %dma_wait3A_102 : memref<1x128xi32, #tpu.memory_space<vmem>> -> memref<128xi32, #tpu.memory_space<vmem>>
        %dma_wait3A_104 = arith.constant 0 : i32
        %dma_wait3A_105 = tpu.memref_slice %arg8[%dma_wait3A_104] : memref<10240xf32, #tpu.memory_space<vmem_shared>> -> memref<10240xf32, #tpu.memory_space<vmem_shared>>
        tpu.wait_indirect_dma semaphore(%arg12 : memref<!tpu.dma_semaphore, #tpu.memory_space<semaphore_mem>>) src(%arg7 : memref<128xf32, #tpu.memory_space<vmem>>) dst(%dma_wait3A_105 : memref<10240xf32, #tpu.memory_space<vmem_shared>>)
      } else {
      }
      %dma_start3A_95 = arith.constant 0 : i32
      %dma_start3A_96 = tpu.memref_slice %arg6[%add3A_89, %dma_start3A_95] : memref<80x128xi32, #tpu.memory_space<vmem>> -> memref<1x128xi32, #tpu.memory_space<vmem>>
      %dma_start3A_97 = tpu.memref_squeeze %dma_start3A_96 : memref<1x128xi32, #tpu.memory_space<vmem>> -> memref<128xi32, #tpu.memory_space<vmem>>
      %dma_start3A_98 = arith.constant 0 : i32
      %dma_start3A_99 = tpu.memref_slice %arg8[%dma_start3A_98] : memref<10240xf32, #tpu.memory_space<vmem_shared>> -> memref<10240xf32, #tpu.memory_space<vmem_shared>>
      tpu.enqueue_indirect_dma source(%arg7 : memref<128xf32, #tpu.memory_space<vmem>>) target(%dma_start3A_99 : memref<10240xf32, #tpu.memory_space<vmem_shared>>) offsets(%dma_start3A_97 : memref<128xi32, #tpu.memory_space<vmem>>) semaphore(%arg12 : memref<!tpu.dma_semaphore, #tpu.memory_space<semaphore_mem>>) {add = true}
    }
    %scan3A_16 = arith.constant 20 : i32
    %dma_wait3A = arith.constant 76 : i32
    %dma_wait3A_17 = arith.constant 0 : i32
    %dma_wait3A_18 = tpu.memref_slice %arg6[%dma_wait3A, %dma_wait3A_17] : memref<80x128xi32, #tpu.memory_space<vmem>> -> memref<1x128xi32, #tpu.memory_space<vmem>>
    %dma_wait3A_19 = tpu.memref_squeeze %dma_wait3A_18 : memref<1x128xi32, #tpu.memory_space<vmem>> -> memref<128xi32, #tpu.memory_space<vmem>>
    %dma_wait3A_20 = arith.constant 0 : i32
    %dma_wait3A_21 = tpu.memref_slice %arg8[%dma_wait3A_20] : memref<10240xf32, #tpu.memory_space<vmem_shared>> -> memref<10240xf32, #tpu.memory_space<vmem_shared>>
    tpu.wait_indirect_dma semaphore(%arg9 : memref<!tpu.dma_semaphore, #tpu.memory_space<semaphore_mem>>) src(%arg7 : memref<128xf32, #tpu.memory_space<vmem>>) dst(%dma_wait3A_21 : memref<10240xf32, #tpu.memory_space<vmem_shared>>)
    %dma_wait3A_22 = arith.constant 77 : i32
    %dma_wait3A_23 = arith.constant 0 : i32
    %dma_wait3A_24 = tpu.memref_slice %arg6[%dma_wait3A_22, %dma_wait3A_23] : memref<80x128xi32, #tpu.memory_space<vmem>> -> memref<1x128xi32, #tpu.memory_space<vmem>>
    %dma_wait3A_25 = tpu.memref_squeeze %dma_wait3A_24 : memref<1x128xi32, #tpu.memory_space<vmem>> -> memref<128xi32, #tpu.memory_space<vmem>>
    %dma_wait3A_26 = arith.constant 0 : i32
    %dma_wait3A_27 = tpu.memref_slice %arg8[%dma_wait3A_26] : memref<10240xf32, #tpu.memory_space<vmem_shared>> -> memref<10240xf32, #tpu.memory_space<vmem_shared>>
    tpu.wait_indirect_dma semaphore(%arg10 : memref<!tpu.dma_semaphore, #tpu.memory_space<semaphore_mem>>) src(%arg7 : memref<128xf32, #tpu.memory_space<vmem>>) dst(%dma_wait3A_27 : memref<10240xf32, #tpu.memory_space<vmem_shared>>)
    %dma_wait3A_28 = arith.constant 78 : i32
    %dma_wait3A_29 = arith.constant 0 : i32
    %dma_wait3A_30 = tpu.memref_slice %arg6[%dma_wait3A_28, %dma_wait3A_29] : memref<80x128xi32, #tpu.memory_space<vmem>> -> memref<1x128xi32, #tpu.memory_space<vmem>>
    %dma_wait3A_31 = tpu.memref_squeeze %dma_wait3A_30 : memref<1x128xi32, #tpu.memory_space<vmem>> -> memref<128xi32, #tpu.memory_space<vmem>>
    %dma_wait3A_32 = arith.constant 0 : i32
    %dma_wait3A_33 = tpu.memref_slice %arg8[%dma_wait3A_32] : memref<10240xf32, #tpu.memory_space<vmem_shared>> -> memref<10240xf32, #tpu.memory_space<vmem_shared>>
    tpu.wait_indirect_dma semaphore(%arg11 : memref<!tpu.dma_semaphore, #tpu.memory_space<semaphore_mem>>) src(%arg7 : memref<128xf32, #tpu.memory_space<vmem>>) dst(%dma_wait3A_33 : memref<10240xf32, #tpu.memory_space<vmem_shared>>)
    %dma_wait3A_34 = arith.constant 79 : i32
    %dma_wait3A_35 = arith.constant 0 : i32
    %dma_wait3A_36 = tpu.memref_slice %arg6[%dma_wait3A_34, %dma_wait3A_35] : memref<80x128xi32, #tpu.memory_space<vmem>> -> memref<1x128xi32, #tpu.memory_space<vmem>>
    %dma_wait3A_37 = tpu.memref_squeeze %dma_wait3A_36 : memref<1x128xi32, #tpu.memory_space<vmem>> -> memref<128xi32, #tpu.memory_space<vmem>>
    %dma_wait3A_38 = arith.constant 0 : i32
    %dma_wait3A_39 = tpu.memref_slice %arg8[%dma_wait3A_38] : memref<10240xf32, #tpu.memory_space<vmem_shared>> -> memref<10240xf32, #tpu.memory_space<vmem_shared>>
    tpu.wait_indirect_dma semaphore(%arg12 : memref<!tpu.dma_semaphore, #tpu.memory_space<semaphore_mem>>) src(%arg7 : memref<128xf32, #tpu.memory_space<vmem>>) dst(%dma_wait3A_39 : memref<10240xf32, #tpu.memory_space<vmem_shared>>)
    %barrier3A_40 = arith.constant 0 : index
    tpu.barrier barrier_id(%barrier3A_40)
    %mul3A_41 = arith.constant 640 : i32
    %mul3A_42 = arith.muli %arg1, %mul3A_41 : i32
    %mul3A_43 = arith.constant 640 : i32
    %mul3A_44 = arith.muli %arg1, %mul3A_43 : i32
    "tpu.region"() ({
      %run_scoped3A = tpu.sem_alloc : memref<!tpu.dma_semaphore, #tpu.memory_space<semaphore_mem>>
      %dma_start3A = tpu.memref_slice %arg5[%arg0, %mul3A_44] : memref<2x10240xf32, #tpu.memory_space<hbm>> -> memref<1x640xf32, #tpu.memory_space<hbm>>
      %dma_start3A_45 = tpu.memref_squeeze %dma_start3A : memref<1x640xf32, #tpu.memory_space<hbm>> -> memref<640xf32, #tpu.memory_space<hbm>>
      %dma_start3A_46 = tpu.memref_slice %arg8[%mul3A_42] : memref<10240xf32, #tpu.memory_space<vmem_shared>> -> memref<640xf32, #tpu.memory_space<vmem_shared>>
      tpu.enqueue_dma source(%dma_start3A_46 : memref<640xf32, #tpu.memory_space<vmem_shared>>) target(%dma_start3A_45 : memref<640xf32, #tpu.memory_space<hbm>>) target_semaphore(%run_scoped3A : memref<!tpu.dma_semaphore, #tpu.memory_space<semaphore_mem>>)
      %dma_wait3A_47 = tpu.memref_slice %arg5[%arg0, %mul3A_44] : memref<2x10240xf32, #tpu.memory_space<hbm>> -> memref<1x640xf32, #tpu.memory_space<hbm>>
      %dma_wait3A_48 = tpu.memref_squeeze %dma_wait3A_47 : memref<1x640xf32, #tpu.memory_space<hbm>> -> memref<640xf32, #tpu.memory_space<hbm>>
      %dma_wait3A_49 = tpu.memref_slice %arg8[%mul3A_42] : memref<10240xf32, #tpu.memory_space<vmem_shared>> -> memref<640xf32, #tpu.memory_space<vmem_shared>>
      tpu.wait_dma2 semaphore(%run_scoped3A : memref<!tpu.dma_semaphore, #tpu.memory_space<semaphore_mem>>) src(%dma_wait3A_49 : memref<640xf32, #tpu.memory_space<vmem_shared>>) dst(%dma_wait3A_48 : memref<640xf32, #tpu.memory_space<hbm>>)
      tpu.yield
    }) : () -> ()
    return
  }
}

#map = affine_map<(d0, d1) -> (0, 0)>
#map1 = affine_map<(d0, d1) -> (0, 0, 0)>
module attributes {stable_mosaic.version = 14 : i64} {
  func.func @agg_kernel(%arg0: i32, %arg1: i32, %arg2: memref<10240x64xf32, #tpu.memory_space<hbm>>, %arg3: memref<2x2500x128xi32, #tpu.memory_space<hbm>>, %arg4: memref<60x128xi32, #tpu.memory_space<hbm>>, %arg5: memref<60x128xi32, #tpu.memory_space<hbm>>, %arg6: memref<2x10240x64xf32, #tpu.memory_space<hbm>>, %arg7: memref<80x128xi32, #tpu.memory_space<vmem>>, %arg8: memref<80x128xi32, #tpu.memory_space<vmem>>, %arg9: memref<8x1x128x64xf32, #tpu.memory_space<vmem>>, %arg10: memref<10240x64xf32, #tpu.memory_space<vmem_shared>>, %arg11: memref<!tpu.dma_semaphore, #tpu.memory_space<semaphore_mem>>, %arg12: memref<!tpu.dma_semaphore, #tpu.memory_space<semaphore_mem>>, %arg13: memref<!tpu.dma_semaphore, #tpu.memory_space<semaphore_mem>>, %arg14: memref<!tpu.dma_semaphore, #tpu.memory_space<semaphore_mem>>, %arg15: memref<!tpu.dma_semaphore, #tpu.memory_space<semaphore_mem>>, %arg16: memref<!tpu.dma_semaphore, #tpu.memory_space<semaphore_mem>>, %arg17: memref<!tpu.dma_semaphore, #tpu.memory_space<semaphore_mem>>, %arg18: memref<!tpu.dma_semaphore, #tpu.memory_space<semaphore_mem>>, %arg19: memref<!tpu.dma_semaphore, #tpu.memory_space<semaphore_mem>>, %arg20: memref<!tpu.dma_semaphore, #tpu.memory_space<semaphore_mem>>, %arg21: memref<!tpu.dma_semaphore, #tpu.memory_space<semaphore_mem>>, %arg22: memref<!tpu.dma_semaphore, #tpu.memory_space<semaphore_mem>>, %arg23: memref<!tpu.dma_semaphore, #tpu.memory_space<semaphore_mem>>, %arg24: memref<!tpu.dma_semaphore, #tpu.memory_space<semaphore_mem>>, %arg25: memref<!tpu.dma_semaphore, #tpu.memory_space<semaphore_mem>>, %arg26: memref<!tpu.dma_semaphore, #tpu.memory_space<semaphore_mem>>) attributes {dimension_semantics = [#tpu.dimension_semantics<core_parallel>, #tpu.dimension_semantics<subcore_parallel>], iteration_bounds = array<i64: 2, 16>, scalar_prefetch = 0 : i64, scratch_operands = 20 : i64, tpu.core_type = #tpu.core_type<sc_vector_subcore>, window_params = [{transform_indices = #map}, {transform_indices = #map1}, {transform_indices = #map}, {transform_indices = #map}, {transform_indices = #map1}]} {
    %mul3A = arith.constant 2 : i32
    %mul3A_0 = arith.muli %arg1, %mul3A : i32
    %add3A = arith.addi %mul3A_0, %arg0 : i32
    %lt3A = arith.constant 31 : i32
    %lt3A_1 = arith.cmpi slt, %add3A, %lt3A : i32
    %convert_element_type3A = arith.extui %lt3A_1 : i1 to i32
    %cond3A = arith.constant 0 : i32
    %cond3A_2 = arith.constant 0 : i32
    %cond3A_3 = arith.cmpi ne, %convert_element_type3A, %cond3A_2 : i32
    scf.if %cond3A_3 {
      %mul3A_136 = arith.constant 80 : i32
      %mul3A_137 = arith.muli %add3A, %mul3A_136 : i32
      "tpu.region"() ({
        %run_scoped3A = tpu.sem_alloc : memref<!tpu.dma_semaphore, #tpu.memory_space<semaphore_mem>>
        %dma_start3A_138 = arith.constant 0 : i32
        %dma_start3A_139 = arith.constant 0 : i32
        %dma_start3A_140 = tpu.memref_slice %arg3[%cond3A, %dma_start3A_138, %dma_start3A_139] : memref<2x2500x128xi32, #tpu.memory_space<hbm>> -> memref<1x2500x128xi32, #tpu.memory_space<hbm>>
        %dma_start3A_141 = tpu.memref_squeeze %dma_start3A_140 : memref<1x2500x128xi32, #tpu.memory_space<hbm>> -> memref<2500x128xi32, #tpu.memory_space<hbm>>
        %dma_start3A_142 = arith.constant 0 : i32
        %dma_start3A_143 = tpu.memref_slice %dma_start3A_141[%mul3A_137, %dma_start3A_142] : memref<2500x128xi32, #tpu.memory_space<hbm>> -> memref<80x128xi32, #tpu.memory_space<hbm>>
        %dma_start3A_144 = arith.constant 0 : i32
        %dma_start3A_145 = arith.constant 0 : i32
        %dma_start3A_146 = tpu.memref_slice %arg3[%cond3A, %dma_start3A_144, %dma_start3A_145] : memref<2x2500x128xi32, #tpu.memory_space<hbm>> -> memref<1x2500x128xi32, #tpu.memory_space<hbm>>
        %dma_start3A_147 = tpu.memref_squeeze %dma_start3A_146 : memref<1x2500x128xi32, #tpu.memory_space<hbm>> -> memref<2500x128xi32, #tpu.memory_space<hbm>>
        %dma_start3A_148 = arith.constant 0 : i32
        %dma_start3A_149 = tpu.memref_slice %dma_start3A_147[%mul3A_137, %dma_start3A_148] : memref<2500x128xi32, #tpu.memory_space<hbm>> -> memref<80x128xi32, #tpu.memory_space<hbm>>
        tpu.enqueue_dma source(%dma_start3A_149 : memref<80x128xi32, #tpu.memory_space<hbm>>) target(%arg7 : memref<80x128xi32, #tpu.memory_space<vmem>>) target_semaphore(%run_scoped3A : memref<!tpu.dma_semaphore, #tpu.memory_space<semaphore_mem>>)
        %dma_wait3A_150 = arith.constant 0 : i32
        %dma_wait3A_151 = arith.constant 0 : i32
        %dma_wait3A_152 = tpu.memref_slice %arg3[%cond3A, %dma_wait3A_150, %dma_wait3A_151] : memref<2x2500x128xi32, #tpu.memory_space<hbm>> -> memref<1x2500x128xi32, #tpu.memory_space<hbm>>
        %dma_wait3A_153 = tpu.memref_squeeze %dma_wait3A_152 : memref<1x2500x128xi32, #tpu.memory_space<hbm>> -> memref<2500x128xi32, #tpu.memory_space<hbm>>
        %dma_wait3A_154 = arith.constant 0 : i32
        %dma_wait3A_155 = tpu.memref_slice %dma_wait3A_153[%mul3A_137, %dma_wait3A_154] : memref<2500x128xi32, #tpu.memory_space<hbm>> -> memref<80x128xi32, #tpu.memory_space<hbm>>
        %dma_wait3A_156 = arith.constant 0 : i32
        %dma_wait3A_157 = arith.constant 0 : i32
        %dma_wait3A_158 = tpu.memref_slice %arg3[%cond3A, %dma_wait3A_156, %dma_wait3A_157] : memref<2x2500x128xi32, #tpu.memory_space<hbm>> -> memref<1x2500x128xi32, #tpu.memory_space<hbm>>
        %dma_wait3A_159 = tpu.memref_squeeze %dma_wait3A_158 : memref<1x2500x128xi32, #tpu.memory_space<hbm>> -> memref<2500x128xi32, #tpu.memory_space<hbm>>
        %dma_wait3A_160 = arith.constant 0 : i32
        %dma_wait3A_161 = tpu.memref_slice %dma_wait3A_159[%mul3A_137, %dma_wait3A_160] : memref<2500x128xi32, #tpu.memory_space<hbm>> -> memref<80x128xi32, #tpu.memory_space<hbm>>
        tpu.wait_dma2 semaphore(%run_scoped3A : memref<!tpu.dma_semaphore, #tpu.memory_space<semaphore_mem>>) src(%dma_wait3A_161 : memref<80x128xi32, #tpu.memory_space<hbm>>) dst(%arg7 : memref<80x128xi32, #tpu.memory_space<vmem>>)
        tpu.yield
      }) : () -> ()
    } else {
    }
    %eq3A = arith.constant 31 : i32
    %eq3A_4 = arith.cmpi eq, %add3A, %eq3A : i32
    %convert_element_type3A_5 = arith.extui %eq3A_4 : i1 to i32
    %cond3A_6 = arith.constant 0 : i32
    %cond3A_7 = arith.constant 0 : i32
    %cond3A_8 = arith.cmpi ne, %convert_element_type3A_5, %cond3A_7 : i32
    scf.if %cond3A_8 {
      "tpu.region"() ({
        %run_scoped3A = tpu.sem_alloc : memref<!tpu.dma_semaphore, #tpu.memory_space<semaphore_mem>>
        %dma_start3A_136 = arith.constant 0 : i32
        %dma_start3A_137 = arith.constant 0 : i32
        %dma_start3A_138 = tpu.memref_slice %arg7[%dma_start3A_136, %dma_start3A_137] : memref<80x128xi32, #tpu.memory_space<vmem>> -> memref<20x128xi32, #tpu.memory_space<vmem>>
        %dma_start3A_139 = arith.constant 0 : i32
        %dma_start3A_140 = arith.constant 0 : i32
        %dma_start3A_141 = tpu.memref_slice %arg3[%cond3A_6, %dma_start3A_139, %dma_start3A_140] : memref<2x2500x128xi32, #tpu.memory_space<hbm>> -> memref<1x2500x128xi32, #tpu.memory_space<hbm>>
        %dma_start3A_142 = tpu.memref_squeeze %dma_start3A_141 : memref<1x2500x128xi32, #tpu.memory_space<hbm>> -> memref<2500x128xi32, #tpu.memory_space<hbm>>
        %dma_start3A_143 = arith.constant 2480 : i32
        %dma_start3A_144 = arith.constant 0 : i32
        %dma_start3A_145 = tpu.memref_slice %dma_start3A_142[%dma_start3A_143, %dma_start3A_144] : memref<2500x128xi32, #tpu.memory_space<hbm>> -> memref<20x128xi32, #tpu.memory_space<hbm>>
        %dma_start3A_146 = arith.constant 0 : i32
        %dma_start3A_147 = arith.constant 0 : i32
        %dma_start3A_148 = tpu.memref_slice %arg7[%dma_start3A_146, %dma_start3A_147] : memref<80x128xi32, #tpu.memory_space<vmem>> -> memref<20x128xi32, #tpu.memory_space<vmem>>
        %dma_start3A_149 = arith.constant 0 : i32
        %dma_start3A_150 = arith.constant 0 : i32
        %dma_start3A_151 = tpu.memref_slice %arg3[%cond3A_6, %dma_start3A_149, %dma_start3A_150] : memref<2x2500x128xi32, #tpu.memory_space<hbm>> -> memref<1x2500x128xi32, #tpu.memory_space<hbm>>
        %dma_start3A_152 = tpu.memref_squeeze %dma_start3A_151 : memref<1x2500x128xi32, #tpu.memory_space<hbm>> -> memref<2500x128xi32, #tpu.memory_space<hbm>>
        %dma_start3A_153 = arith.constant 2480 : i32
        %dma_start3A_154 = arith.constant 0 : i32
        %dma_start3A_155 = tpu.memref_slice %dma_start3A_152[%dma_start3A_153, %dma_start3A_154] : memref<2500x128xi32, #tpu.memory_space<hbm>> -> memref<20x128xi32, #tpu.memory_space<hbm>>
        tpu.enqueue_dma source(%dma_start3A_155 : memref<20x128xi32, #tpu.memory_space<hbm>>) target(%dma_start3A_148 : memref<20x128xi32, #tpu.memory_space<vmem>>) target_semaphore(%run_scoped3A : memref<!tpu.dma_semaphore, #tpu.memory_space<semaphore_mem>>)
        %dma_wait3A_156 = arith.constant 0 : i32
        %dma_wait3A_157 = arith.constant 0 : i32
        %dma_wait3A_158 = tpu.memref_slice %arg7[%dma_wait3A_156, %dma_wait3A_157] : memref<80x128xi32, #tpu.memory_space<vmem>> -> memref<20x128xi32, #tpu.memory_space<vmem>>
        %dma_wait3A_159 = arith.constant 0 : i32
        %dma_wait3A_160 = arith.constant 0 : i32
        %dma_wait3A_161 = tpu.memref_slice %arg3[%cond3A_6, %dma_wait3A_159, %dma_wait3A_160] : memref<2x2500x128xi32, #tpu.memory_space<hbm>> -> memref<1x2500x128xi32, #tpu.memory_space<hbm>>
        %dma_wait3A_162 = tpu.memref_squeeze %dma_wait3A_161 : memref<1x2500x128xi32, #tpu.memory_space<hbm>> -> memref<2500x128xi32, #tpu.memory_space<hbm>>
        %dma_wait3A_163 = arith.constant 2480 : i32
        %dma_wait3A_164 = arith.constant 0 : i32
        %dma_wait3A_165 = tpu.memref_slice %dma_wait3A_162[%dma_wait3A_163, %dma_wait3A_164] : memref<2500x128xi32, #tpu.memory_space<hbm>> -> memref<20x128xi32, #tpu.memory_space<hbm>>
        %dma_wait3A_166 = arith.constant 0 : i32
        %dma_wait3A_167 = arith.constant 0 : i32
        %dma_wait3A_168 = tpu.memref_slice %arg7[%dma_wait3A_166, %dma_wait3A_167] : memref<80x128xi32, #tpu.memory_space<vmem>> -> memref<20x128xi32, #tpu.memory_space<vmem>>
        %dma_wait3A_169 = arith.constant 0 : i32
        %dma_wait3A_170 = arith.constant 0 : i32
        %dma_wait3A_171 = tpu.memref_slice %arg3[%cond3A_6, %dma_wait3A_169, %dma_wait3A_170] : memref<2x2500x128xi32, #tpu.memory_space<hbm>> -> memref<1x2500x128xi32, #tpu.memory_space<hbm>>
        %dma_wait3A_172 = tpu.memref_squeeze %dma_wait3A_171 : memref<1x2500x128xi32, #tpu.memory_space<hbm>> -> memref<2500x128xi32, #tpu.memory_space<hbm>>
        %dma_wait3A_173 = arith.constant 2480 : i32
        %dma_wait3A_174 = arith.constant 0 : i32
        %dma_wait3A_175 = tpu.memref_slice %dma_wait3A_172[%dma_wait3A_173, %dma_wait3A_174] : memref<2500x128xi32, #tpu.memory_space<hbm>> -> memref<20x128xi32, #tpu.memory_space<hbm>>
        tpu.wait_dma2 semaphore(%run_scoped3A : memref<!tpu.dma_semaphore, #tpu.memory_space<semaphore_mem>>) src(%dma_wait3A_175 : memref<20x128xi32, #tpu.memory_space<hbm>>) dst(%dma_wait3A_168 : memref<20x128xi32, #tpu.memory_space<vmem>>)
        tpu.yield
      }) : () -> ()
      "tpu.region"() ({
        %run_scoped3A = tpu.sem_alloc : memref<!tpu.dma_semaphore, #tpu.memory_space<semaphore_mem>>
        %dma_start3A_136 = arith.constant 20 : i32
        %dma_start3A_137 = arith.constant 0 : i32
        %dma_start3A_138 = tpu.memref_slice %arg7[%dma_start3A_136, %dma_start3A_137] : memref<80x128xi32, #tpu.memory_space<vmem>> -> memref<60x128xi32, #tpu.memory_space<vmem>>
        %dma_start3A_139 = arith.constant 20 : i32
        %dma_start3A_140 = arith.constant 0 : i32
        %dma_start3A_141 = tpu.memref_slice %arg7[%dma_start3A_139, %dma_start3A_140] : memref<80x128xi32, #tpu.memory_space<vmem>> -> memref<60x128xi32, #tpu.memory_space<vmem>>
        tpu.enqueue_dma source(%arg4 : memref<60x128xi32, #tpu.memory_space<hbm>>) target(%dma_start3A_141 : memref<60x128xi32, #tpu.memory_space<vmem>>) target_semaphore(%run_scoped3A : memref<!tpu.dma_semaphore, #tpu.memory_space<semaphore_mem>>)
        %dma_wait3A_142 = arith.constant 20 : i32
        %dma_wait3A_143 = arith.constant 0 : i32
        %dma_wait3A_144 = tpu.memref_slice %arg7[%dma_wait3A_142, %dma_wait3A_143] : memref<80x128xi32, #tpu.memory_space<vmem>> -> memref<60x128xi32, #tpu.memory_space<vmem>>
        %dma_wait3A_145 = arith.constant 20 : i32
        %dma_wait3A_146 = arith.constant 0 : i32
        %dma_wait3A_147 = tpu.memref_slice %arg7[%dma_wait3A_145, %dma_wait3A_146] : memref<80x128xi32, #tpu.memory_space<vmem>> -> memref<60x128xi32, #tpu.memory_space<vmem>>
        tpu.wait_dma2 semaphore(%run_scoped3A : memref<!tpu.dma_semaphore, #tpu.memory_space<semaphore_mem>>) src(%arg4 : memref<60x128xi32, #tpu.memory_space<hbm>>) dst(%dma_wait3A_147 : memref<60x128xi32, #tpu.memory_space<vmem>>)
        tpu.yield
      }) : () -> ()
    } else {
    }
    %lt3A_9 = arith.constant 31 : i32
    %lt3A_10 = arith.cmpi slt, %add3A, %lt3A_9 : i32
    %convert_element_type3A_11 = arith.extui %lt3A_10 : i1 to i32
    %cond3A_12 = arith.constant 1 : i32
    %cond3A_13 = arith.constant 0 : i32
    %cond3A_14 = arith.cmpi ne, %convert_element_type3A_11, %cond3A_13 : i32
    scf.if %cond3A_14 {
      %mul3A_136 = arith.constant 80 : i32
      %mul3A_137 = arith.muli %add3A, %mul3A_136 : i32
      "tpu.region"() ({
        %run_scoped3A = tpu.sem_alloc : memref<!tpu.dma_semaphore, #tpu.memory_space<semaphore_mem>>
        %dma_start3A_138 = arith.constant 0 : i32
        %dma_start3A_139 = arith.constant 0 : i32
        %dma_start3A_140 = tpu.memref_slice %arg3[%cond3A_12, %dma_start3A_138, %dma_start3A_139] : memref<2x2500x128xi32, #tpu.memory_space<hbm>> -> memref<1x2500x128xi32, #tpu.memory_space<hbm>>
        %dma_start3A_141 = tpu.memref_squeeze %dma_start3A_140 : memref<1x2500x128xi32, #tpu.memory_space<hbm>> -> memref<2500x128xi32, #tpu.memory_space<hbm>>
        %dma_start3A_142 = arith.constant 0 : i32
        %dma_start3A_143 = tpu.memref_slice %dma_start3A_141[%mul3A_137, %dma_start3A_142] : memref<2500x128xi32, #tpu.memory_space<hbm>> -> memref<80x128xi32, #tpu.memory_space<hbm>>
        %dma_start3A_144 = arith.constant 0 : i32
        %dma_start3A_145 = arith.constant 0 : i32
        %dma_start3A_146 = tpu.memref_slice %arg3[%cond3A_12, %dma_start3A_144, %dma_start3A_145] : memref<2x2500x128xi32, #tpu.memory_space<hbm>> -> memref<1x2500x128xi32, #tpu.memory_space<hbm>>
        %dma_start3A_147 = tpu.memref_squeeze %dma_start3A_146 : memref<1x2500x128xi32, #tpu.memory_space<hbm>> -> memref<2500x128xi32, #tpu.memory_space<hbm>>
        %dma_start3A_148 = arith.constant 0 : i32
        %dma_start3A_149 = tpu.memref_slice %dma_start3A_147[%mul3A_137, %dma_start3A_148] : memref<2500x128xi32, #tpu.memory_space<hbm>> -> memref<80x128xi32, #tpu.memory_space<hbm>>
        tpu.enqueue_dma source(%dma_start3A_149 : memref<80x128xi32, #tpu.memory_space<hbm>>) target(%arg8 : memref<80x128xi32, #tpu.memory_space<vmem>>) target_semaphore(%run_scoped3A : memref<!tpu.dma_semaphore, #tpu.memory_space<semaphore_mem>>)
        %dma_wait3A_150 = arith.constant 0 : i32
        %dma_wait3A_151 = arith.constant 0 : i32
        %dma_wait3A_152 = tpu.memref_slice %arg3[%cond3A_12, %dma_wait3A_150, %dma_wait3A_151] : memref<2x2500x128xi32, #tpu.memory_space<hbm>> -> memref<1x2500x128xi32, #tpu.memory_space<hbm>>
        %dma_wait3A_153 = tpu.memref_squeeze %dma_wait3A_152 : memref<1x2500x128xi32, #tpu.memory_space<hbm>> -> memref<2500x128xi32, #tpu.memory_space<hbm>>
        %dma_wait3A_154 = arith.constant 0 : i32
        %dma_wait3A_155 = tpu.memref_slice %dma_wait3A_153[%mul3A_137, %dma_wait3A_154] : memref<2500x128xi32, #tpu.memory_space<hbm>> -> memref<80x128xi32, #tpu.memory_space<hbm>>
        %dma_wait3A_156 = arith.constant 0 : i32
        %dma_wait3A_157 = arith.constant 0 : i32
        %dma_wait3A_158 = tpu.memref_slice %arg3[%cond3A_12, %dma_wait3A_156, %dma_wait3A_157] : memref<2x2500x128xi32, #tpu.memory_space<hbm>> -> memref<1x2500x128xi32, #tpu.memory_space<hbm>>
        %dma_wait3A_159 = tpu.memref_squeeze %dma_wait3A_158 : memref<1x2500x128xi32, #tpu.memory_space<hbm>> -> memref<2500x128xi32, #tpu.memory_space<hbm>>
        %dma_wait3A_160 = arith.constant 0 : i32
        %dma_wait3A_161 = tpu.memref_slice %dma_wait3A_159[%mul3A_137, %dma_wait3A_160] : memref<2500x128xi32, #tpu.memory_space<hbm>> -> memref<80x128xi32, #tpu.memory_space<hbm>>
        tpu.wait_dma2 semaphore(%run_scoped3A : memref<!tpu.dma_semaphore, #tpu.memory_space<semaphore_mem>>) src(%dma_wait3A_161 : memref<80x128xi32, #tpu.memory_space<hbm>>) dst(%arg8 : memref<80x128xi32, #tpu.memory_space<vmem>>)
        tpu.yield
      }) : () -> ()
    } else {
    }
    %eq3A_15 = arith.constant 31 : i32
    %eq3A_16 = arith.cmpi eq, %add3A, %eq3A_15 : i32
    %convert_element_type3A_17 = arith.extui %eq3A_16 : i1 to i32
    %cond3A_18 = arith.constant 1 : i32
    %cond3A_19 = arith.constant 0 : i32
    %cond3A_20 = arith.cmpi ne, %convert_element_type3A_17, %cond3A_19 : i32
    scf.if %cond3A_20 {
      "tpu.region"() ({
        %run_scoped3A = tpu.sem_alloc : memref<!tpu.dma_semaphore, #tpu.memory_space<semaphore_mem>>
        %dma_start3A_136 = arith.constant 0 : i32
        %dma_start3A_137 = arith.constant 0 : i32
        %dma_start3A_138 = tpu.memref_slice %arg8[%dma_start3A_136, %dma_start3A_137] : memref<80x128xi32, #tpu.memory_space<vmem>> -> memref<20x128xi32, #tpu.memory_space<vmem>>
        %dma_start3A_139 = arith.constant 0 : i32
        %dma_start3A_140 = arith.constant 0 : i32
        %dma_start3A_141 = tpu.memref_slice %arg3[%cond3A_18, %dma_start3A_139, %dma_start3A_140] : memref<2x2500x128xi32, #tpu.memory_space<hbm>> -> memref<1x2500x128xi32, #tpu.memory_space<hbm>>
        %dma_start3A_142 = tpu.memref_squeeze %dma_start3A_141 : memref<1x2500x128xi32, #tpu.memory_space<hbm>> -> memref<2500x128xi32, #tpu.memory_space<hbm>>
        %dma_start3A_143 = arith.constant 2480 : i32
        %dma_start3A_144 = arith.constant 0 : i32
        %dma_start3A_145 = tpu.memref_slice %dma_start3A_142[%dma_start3A_143, %dma_start3A_144] : memref<2500x128xi32, #tpu.memory_space<hbm>> -> memref<20x128xi32, #tpu.memory_space<hbm>>
        %dma_start3A_146 = arith.constant 0 : i32
        %dma_start3A_147 = arith.constant 0 : i32
        %dma_start3A_148 = tpu.memref_slice %arg8[%dma_start3A_146, %dma_start3A_147] : memref<80x128xi32, #tpu.memory_space<vmem>> -> memref<20x128xi32, #tpu.memory_space<vmem>>
        %dma_start3A_149 = arith.constant 0 : i32
        %dma_start3A_150 = arith.constant 0 : i32
        %dma_start3A_151 = tpu.memref_slice %arg3[%cond3A_18, %dma_start3A_149, %dma_start3A_150] : memref<2x2500x128xi32, #tpu.memory_space<hbm>> -> memref<1x2500x128xi32, #tpu.memory_space<hbm>>
        %dma_start3A_152 = tpu.memref_squeeze %dma_start3A_151 : memref<1x2500x128xi32, #tpu.memory_space<hbm>> -> memref<2500x128xi32, #tpu.memory_space<hbm>>
        %dma_start3A_153 = arith.constant 2480 : i32
        %dma_start3A_154 = arith.constant 0 : i32
        %dma_start3A_155 = tpu.memref_slice %dma_start3A_152[%dma_start3A_153, %dma_start3A_154] : memref<2500x128xi32, #tpu.memory_space<hbm>> -> memref<20x128xi32, #tpu.memory_space<hbm>>
        tpu.enqueue_dma source(%dma_start3A_155 : memref<20x128xi32, #tpu.memory_space<hbm>>) target(%dma_start3A_148 : memref<20x128xi32, #tpu.memory_space<vmem>>) target_semaphore(%run_scoped3A : memref<!tpu.dma_semaphore, #tpu.memory_space<semaphore_mem>>)
        %dma_wait3A_156 = arith.constant 0 : i32
        %dma_wait3A_157 = arith.constant 0 : i32
        %dma_wait3A_158 = tpu.memref_slice %arg8[%dma_wait3A_156, %dma_wait3A_157] : memref<80x128xi32, #tpu.memory_space<vmem>> -> memref<20x128xi32, #tpu.memory_space<vmem>>
        %dma_wait3A_159 = arith.constant 0 : i32
        %dma_wait3A_160 = arith.constant 0 : i32
        %dma_wait3A_161 = tpu.memref_slice %arg3[%cond3A_18, %dma_wait3A_159, %dma_wait3A_160] : memref<2x2500x128xi32, #tpu.memory_space<hbm>> -> memref<1x2500x128xi32, #tpu.memory_space<hbm>>
        %dma_wait3A_162 = tpu.memref_squeeze %dma_wait3A_161 : memref<1x2500x128xi32, #tpu.memory_space<hbm>> -> memref<2500x128xi32, #tpu.memory_space<hbm>>
        %dma_wait3A_163 = arith.constant 2480 : i32
        %dma_wait3A_164 = arith.constant 0 : i32
        %dma_wait3A_165 = tpu.memref_slice %dma_wait3A_162[%dma_wait3A_163, %dma_wait3A_164] : memref<2500x128xi32, #tpu.memory_space<hbm>> -> memref<20x128xi32, #tpu.memory_space<hbm>>
        %dma_wait3A_166 = arith.constant 0 : i32
        %dma_wait3A_167 = arith.constant 0 : i32
        %dma_wait3A_168 = tpu.memref_slice %arg8[%dma_wait3A_166, %dma_wait3A_167] : memref<80x128xi32, #tpu.memory_space<vmem>> -> memref<20x128xi32, #tpu.memory_space<vmem>>
        %dma_wait3A_169 = arith.constant 0 : i32
        %dma_wait3A_170 = arith.constant 0 : i32
        %dma_wait3A_171 = tpu.memref_slice %arg3[%cond3A_18, %dma_wait3A_169, %dma_wait3A_170] : memref<2x2500x128xi32, #tpu.memory_space<hbm>> -> memref<1x2500x128xi32, #tpu.memory_space<hbm>>
        %dma_wait3A_172 = tpu.memref_squeeze %dma_wait3A_171 : memref<1x2500x128xi32, #tpu.memory_space<hbm>> -> memref<2500x128xi32, #tpu.memory_space<hbm>>
        %dma_wait3A_173 = arith.constant 2480 : i32
        %dma_wait3A_174 = arith.constant 0 : i32
        %dma_wait3A_175 = tpu.memref_slice %dma_wait3A_172[%dma_wait3A_173, %dma_wait3A_174] : memref<2500x128xi32, #tpu.memory_space<hbm>> -> memref<20x128xi32, #tpu.memory_space<hbm>>
        tpu.wait_dma2 semaphore(%run_scoped3A : memref<!tpu.dma_semaphore, #tpu.memory_space<semaphore_mem>>) src(%dma_wait3A_175 : memref<20x128xi32, #tpu.memory_space<hbm>>) dst(%dma_wait3A_168 : memref<20x128xi32, #tpu.memory_space<vmem>>)
        tpu.yield
      }) : () -> ()
      "tpu.region"() ({
        %run_scoped3A = tpu.sem_alloc : memref<!tpu.dma_semaphore, #tpu.memory_space<semaphore_mem>>
        %dma_start3A_136 = arith.constant 20 : i32
        %dma_start3A_137 = arith.constant 0 : i32
        %dma_start3A_138 = tpu.memref_slice %arg8[%dma_start3A_136, %dma_start3A_137] : memref<80x128xi32, #tpu.memory_space<vmem>> -> memref<60x128xi32, #tpu.memory_space<vmem>>
        %dma_start3A_139 = arith.constant 20 : i32
        %dma_start3A_140 = arith.constant 0 : i32
        %dma_start3A_141 = tpu.memref_slice %arg8[%dma_start3A_139, %dma_start3A_140] : memref<80x128xi32, #tpu.memory_space<vmem>> -> memref<60x128xi32, #tpu.memory_space<vmem>>
        tpu.enqueue_dma source(%arg5 : memref<60x128xi32, #tpu.memory_space<hbm>>) target(%dma_start3A_141 : memref<60x128xi32, #tpu.memory_space<vmem>>) target_semaphore(%run_scoped3A : memref<!tpu.dma_semaphore, #tpu.memory_space<semaphore_mem>>)
        %dma_wait3A_142 = arith.constant 20 : i32
        %dma_wait3A_143 = arith.constant 0 : i32
        %dma_wait3A_144 = tpu.memref_slice %arg8[%dma_wait3A_142, %dma_wait3A_143] : memref<80x128xi32, #tpu.memory_space<vmem>> -> memref<60x128xi32, #tpu.memory_space<vmem>>
        %dma_wait3A_145 = arith.constant 20 : i32
        %dma_wait3A_146 = arith.constant 0 : i32
        %dma_wait3A_147 = tpu.memref_slice %arg8[%dma_wait3A_145, %dma_wait3A_146] : memref<80x128xi32, #tpu.memory_space<vmem>> -> memref<60x128xi32, #tpu.memory_space<vmem>>
        tpu.wait_dma2 semaphore(%run_scoped3A : memref<!tpu.dma_semaphore, #tpu.memory_space<semaphore_mem>>) src(%arg5 : memref<60x128xi32, #tpu.memory_space<hbm>>) dst(%dma_wait3A_147 : memref<60x128xi32, #tpu.memory_space<vmem>>)
        tpu.yield
      }) : () -> ()
    } else {
    }
    %dma_start3A = arith.constant 0 : i32
    %dma_start3A_21 = arith.constant 0 : i32
    %dma_start3A_22 = arith.constant 0 : i32
    %dma_start3A_23 = arith.constant 0 : i32
    %dma_start3A_24 = arith.constant 0 : i32
    %dma_start3A_25 = tpu.memref_slice %arg9[%dma_start3A_21, %dma_start3A_22, %dma_start3A_23, %dma_start3A_24] : memref<8x1x128x64xf32, #tpu.memory_space<vmem>> -> memref<1x1x128x64xf32, #tpu.memory_space<vmem>>
    %dma_start3A_26 = tpu.memref_squeeze %dma_start3A_25 : memref<1x1x128x64xf32, #tpu.memory_space<vmem>> -> memref<128x64xf32, #tpu.memory_space<vmem>>
    %dma_start3A_27 = arith.constant 0 : i32
    %dma_start3A_28 = tpu.memref_slice %arg7[%dma_start3A, %dma_start3A_27] : memref<80x128xi32, #tpu.memory_space<vmem>> -> memref<1x128xi32, #tpu.memory_space<vmem>>
    %dma_start3A_29 = tpu.memref_squeeze %dma_start3A_28 : memref<1x128xi32, #tpu.memory_space<vmem>> -> memref<128xi32, #tpu.memory_space<vmem>>
    %dma_start3A_30 = arith.constant 0 : i32
    %dma_start3A_31 = arith.constant 0 : i32
    %dma_start3A_32 = tpu.memref_slice %arg2[%dma_start3A_30, %dma_start3A_31] : memref<10240x64xf32, #tpu.memory_space<hbm>> -> memref<10240x64xf32, #tpu.memory_space<hbm>>
    tpu.enqueue_indirect_dma source(%dma_start3A_32 : memref<10240x64xf32, #tpu.memory_space<hbm>>) target(%dma_start3A_26 : memref<128x64xf32, #tpu.memory_space<vmem>>) offsets(%dma_start3A_29 : memref<128xi32, #tpu.memory_space<vmem>>) semaphore(%arg11 : memref<!tpu.dma_semaphore, #tpu.memory_space<semaphore_mem>>)
    %dma_start3A_33 = arith.constant 1 : i32
    %dma_start3A_34 = arith.constant 1 : i32
    %dma_start3A_35 = arith.constant 0 : i32
    %dma_start3A_36 = arith.constant 0 : i32
    %dma_start3A_37 = arith.constant 0 : i32
    %dma_start3A_38 = tpu.memref_slice %arg9[%dma_start3A_34, %dma_start3A_35, %dma_start3A_36, %dma_start3A_37] : memref<8x1x128x64xf32, #tpu.memory_space<vmem>> -> memref<1x1x128x64xf32, #tpu.memory_space<vmem>>
    %dma_start3A_39 = tpu.memref_squeeze %dma_start3A_38 : memref<1x1x128x64xf32, #tpu.memory_space<vmem>> -> memref<128x64xf32, #tpu.memory_space<vmem>>
    %dma_start3A_40 = arith.constant 0 : i32
    %dma_start3A_41 = tpu.memref_slice %arg7[%dma_start3A_33, %dma_start3A_40] : memref<80x128xi32, #tpu.memory_space<vmem>> -> memref<1x128xi32, #tpu.memory_space<vmem>>
    %dma_start3A_42 = tpu.memref_squeeze %dma_start3A_41 : memref<1x128xi32, #tpu.memory_space<vmem>> -> memref<128xi32, #tpu.memory_space<vmem>>
    %dma_start3A_43 = arith.constant 0 : i32
    %dma_start3A_44 = arith.constant 0 : i32
    %dma_start3A_45 = tpu.memref_slice %arg2[%dma_start3A_43, %dma_start3A_44] : memref<10240x64xf32, #tpu.memory_space<hbm>> -> memref<10240x64xf32, #tpu.memory_space<hbm>>
    tpu.enqueue_indirect_dma source(%dma_start3A_45 : memref<10240x64xf32, #tpu.memory_space<hbm>>) target(%dma_start3A_39 : memref<128x64xf32, #tpu.memory_space<vmem>>) offsets(%dma_start3A_42 : memref<128xi32, #tpu.memory_space<vmem>>) semaphore(%arg12 : memref<!tpu.dma_semaphore, #tpu.memory_space<semaphore_mem>>)
    %dma_start3A_46 = arith.constant 2 : i32
    %dma_start3A_47 = arith.constant 2 : i32
    %dma_start3A_48 = arith.constant 0 : i32
    %dma_start3A_49 = arith.constant 0 : i32
    %dma_start3A_50 = arith.constant 0 : i32
    %dma_start3A_51 = tpu.memref_slice %arg9[%dma_start3A_47, %dma_start3A_48, %dma_start3A_49, %dma_start3A_50] : memref<8x1x128x64xf32, #tpu.memory_space<vmem>> -> memref<1x1x128x64xf32, #tpu.memory_space<vmem>>
    %dma_start3A_52 = tpu.memref_squeeze %dma_start3A_51 : memref<1x1x128x64xf32, #tpu.memory_space<vmem>> -> memref<128x64xf32, #tpu.memory_space<vmem>>
    %dma_start3A_53 = arith.constant 0 : i32
    %dma_start3A_54 = tpu.memref_slice %arg7[%dma_start3A_46, %dma_start3A_53] : memref<80x128xi32, #tpu.memory_space<vmem>> -> memref<1x128xi32, #tpu.memory_space<vmem>>
    %dma_start3A_55 = tpu.memref_squeeze %dma_start3A_54 : memref<1x128xi32, #tpu.memory_space<vmem>> -> memref<128xi32, #tpu.memory_space<vmem>>
    %dma_start3A_56 = arith.constant 0 : i32
    %dma_start3A_57 = arith.constant 0 : i32
    %dma_start3A_58 = tpu.memref_slice %arg2[%dma_start3A_56, %dma_start3A_57] : memref<10240x64xf32, #tpu.memory_space<hbm>> -> memref<10240x64xf32, #tpu.memory_space<hbm>>
    tpu.enqueue_indirect_dma source(%dma_start3A_58 : memref<10240x64xf32, #tpu.memory_space<hbm>>) target(%dma_start3A_52 : memref<128x64xf32, #tpu.memory_space<vmem>>) offsets(%dma_start3A_55 : memref<128xi32, #tpu.memory_space<vmem>>) semaphore(%arg13 : memref<!tpu.dma_semaphore, #tpu.memory_space<semaphore_mem>>)
    %dma_start3A_59 = arith.constant 3 : i32
    %dma_start3A_60 = arith.constant 3 : i32
    %dma_start3A_61 = arith.constant 0 : i32
    %dma_start3A_62 = arith.constant 0 : i32
    %dma_start3A_63 = arith.constant 0 : i32
    %dma_start3A_64 = tpu.memref_slice %arg9[%dma_start3A_60, %dma_start3A_61, %dma_start3A_62, %dma_start3A_63] : memref<8x1x128x64xf32, #tpu.memory_space<vmem>> -> memref<1x1x128x64xf32, #tpu.memory_space<vmem>>
    %dma_start3A_65 = tpu.memref_squeeze %dma_start3A_64 : memref<1x1x128x64xf32, #tpu.memory_space<vmem>> -> memref<128x64xf32, #tpu.memory_space<vmem>>
    %dma_start3A_66 = arith.constant 0 : i32
    %dma_start3A_67 = tpu.memref_slice %arg7[%dma_start3A_59, %dma_start3A_66] : memref<80x128xi32, #tpu.memory_space<vmem>> -> memref<1x128xi32, #tpu.memory_space<vmem>>
    %dma_start3A_68 = tpu.memref_squeeze %dma_start3A_67 : memref<1x128xi32, #tpu.memory_space<vmem>> -> memref<128xi32, #tpu.memory_space<vmem>>
    %dma_start3A_69 = arith.constant 0 : i32
    %dma_start3A_70 = arith.constant 0 : i32
    %dma_start3A_71 = tpu.memref_slice %arg2[%dma_start3A_69, %dma_start3A_70] : memref<10240x64xf32, #tpu.memory_space<hbm>> -> memref<10240x64xf32, #tpu.memory_space<hbm>>
    tpu.enqueue_indirect_dma source(%dma_start3A_71 : memref<10240x64xf32, #tpu.memory_space<hbm>>) target(%dma_start3A_65 : memref<128x64xf32, #tpu.memory_space<vmem>>) offsets(%dma_start3A_68 : memref<128xi32, #tpu.memory_space<vmem>>) semaphore(%arg14 : memref<!tpu.dma_semaphore, #tpu.memory_space<semaphore_mem>>)
    %mul3A_72 = arith.constant 640 : i32
    %mul3A_73 = arith.muli %arg1, %mul3A_72 : i32
    %mul3A_74 = arith.constant 640 : i32
    %mul3A_75 = arith.muli %arg1, %mul3A_74 : i32
    "tpu.region"() ({
      %run_scoped3A = tpu.sem_alloc : memref<!tpu.dma_semaphore, #tpu.memory_space<semaphore_mem>>
      %dma_start3A_136 = arith.constant 0 : i32
      %dma_start3A_137 = tpu.memref_slice %arg10[%mul3A_75, %dma_start3A_136] : memref<10240x64xf32, #tpu.memory_space<vmem_shared>> -> memref<640x64xf32, #tpu.memory_space<vmem_shared>>
      %dma_start3A_138 = arith.constant 0 : i32
      %dma_start3A_139 = tpu.memref_slice %arg2[%mul3A_73, %dma_start3A_138] : memref<10240x64xf32, #tpu.memory_space<hbm>> -> memref<640x64xf32, #tpu.memory_space<hbm>>
      tpu.enqueue_dma source(%dma_start3A_139 : memref<640x64xf32, #tpu.memory_space<hbm>>) target(%dma_start3A_137 : memref<640x64xf32, #tpu.memory_space<vmem_shared>>) target_semaphore(%run_scoped3A : memref<!tpu.dma_semaphore, #tpu.memory_space<semaphore_mem>>)
      %dma_wait3A_140 = arith.constant 0 : i32
      %dma_wait3A_141 = tpu.memref_slice %arg10[%mul3A_75, %dma_wait3A_140] : memref<10240x64xf32, #tpu.memory_space<vmem_shared>> -> memref<640x64xf32, #tpu.memory_space<vmem_shared>>
      %dma_wait3A_142 = arith.constant 0 : i32
      %dma_wait3A_143 = tpu.memref_slice %arg2[%mul3A_73, %dma_wait3A_142] : memref<10240x64xf32, #tpu.memory_space<hbm>> -> memref<640x64xf32, #tpu.memory_space<hbm>>
      tpu.wait_dma2 semaphore(%run_scoped3A : memref<!tpu.dma_semaphore, #tpu.memory_space<semaphore_mem>>) src(%dma_wait3A_143 : memref<640x64xf32, #tpu.memory_space<hbm>>) dst(%dma_wait3A_141 : memref<640x64xf32, #tpu.memory_space<vmem_shared>>)
      tpu.yield
    }) : () -> ()
    %barrier3A = arith.constant 0 : index
    tpu.barrier barrier_id(%barrier3A)
    %scan3A = arith.constant 0 : i32
    %scan3A_76 = arith.constant 10 : i32
    %scan3A_77 = arith.addi %scan3A, %scan3A_76 : i32
    %scan3A_78 = arith.constant 1 : i32
    scf.for %scan3A_136 = %scan3A to %scan3A_77 step %scan3A_78  : i32 {
      %mul3A_137 = arith.constant 8 : i32
      %mul3A_138 = arith.muli %scan3A_136, %mul3A_137 : i32
      %add3A_139 = arith.constant 0 : i32
      %add3A_140 = arith.addi %mul3A_138, %add3A_139 : i32
      %mul3A_141 = arith.constant 1 : i32
      %mul3A_142 = arith.muli %add3A_140, %mul3A_141 : i32
      %add3A_143 = arith.constant 0 : i32
      %add3A_144 = arith.addi %mul3A_142, %add3A_143 : i32
      %dma_wait3A_145 = arith.constant 0 : i32
      %dma_wait3A_146 = arith.constant 0 : i32
      %dma_wait3A_147 = arith.constant 0 : i32
      %dma_wait3A_148 = arith.constant 0 : i32
      %dma_wait3A_149 = tpu.memref_slice %arg9[%dma_wait3A_145, %dma_wait3A_146, %dma_wait3A_147, %dma_wait3A_148] : memref<8x1x128x64xf32, #tpu.memory_space<vmem>> -> memref<1x1x128x64xf32, #tpu.memory_space<vmem>>
      %dma_wait3A_150 = tpu.memref_squeeze %dma_wait3A_149 : memref<1x1x128x64xf32, #tpu.memory_space<vmem>> -> memref<128x64xf32, #tpu.memory_space<vmem>>
      %dma_wait3A_151 = arith.constant 0 : i32
      %dma_wait3A_152 = tpu.memref_slice %arg7[%add3A_144, %dma_wait3A_151] : memref<80x128xi32, #tpu.memory_space<vmem>> -> memref<1x128xi32, #tpu.memory_space<vmem>>
      %dma_wait3A_153 = tpu.memref_squeeze %dma_wait3A_152 : memref<1x128xi32, #tpu.memory_space<vmem>> -> memref<128xi32, #tpu.memory_space<vmem>>
      %dma_wait3A_154 = arith.constant 0 : i32
      %dma_wait3A_155 = arith.constant 0 : i32
      %dma_wait3A_156 = tpu.memref_slice %arg2[%dma_wait3A_154, %dma_wait3A_155] : memref<10240x64xf32, #tpu.memory_space<hbm>> -> memref<10240x64xf32, #tpu.memory_space<hbm>>
      tpu.wait_indirect_dma semaphore(%arg11 : memref<!tpu.dma_semaphore, #tpu.memory_space<semaphore_mem>>) src(%dma_wait3A_156 : memref<10240x64xf32, #tpu.memory_space<hbm>>) dst(%dma_wait3A_150 : memref<128x64xf32, #tpu.memory_space<vmem>>)
      %mul3A_157 = arith.constant 1 : i32
      %mul3A_158 = arith.muli %add3A_140, %mul3A_157 : i32
      %add3A_159 = arith.constant 0 : i32
      %add3A_160 = arith.addi %mul3A_158, %add3A_159 : i32
      %dma_start3A_161 = arith.constant 0 : i32
      %dma_start3A_162 = arith.constant 0 : i32
      %dma_start3A_163 = arith.constant 0 : i32
      %dma_start3A_164 = arith.constant 0 : i32
      %dma_start3A_165 = tpu.memref_slice %arg9[%dma_start3A_161, %dma_start3A_162, %dma_start3A_163, %dma_start3A_164] : memref<8x1x128x64xf32, #tpu.memory_space<vmem>> -> memref<1x1x128x64xf32, #tpu.memory_space<vmem>>
      %dma_start3A_166 = tpu.memref_squeeze %dma_start3A_165 : memref<1x1x128x64xf32, #tpu.memory_space<vmem>> -> memref<128x64xf32, #tpu.memory_space<vmem>>
      %dma_start3A_167 = arith.constant 0 : i32
      %dma_start3A_168 = tpu.memref_slice %arg8[%add3A_160, %dma_start3A_167] : memref<80x128xi32, #tpu.memory_space<vmem>> -> memref<1x128xi32, #tpu.memory_space<vmem>>
      %dma_start3A_169 = tpu.memref_squeeze %dma_start3A_168 : memref<1x128xi32, #tpu.memory_space<vmem>> -> memref<128xi32, #tpu.memory_space<vmem>>
      %dma_start3A_170 = arith.constant 0 : i32
      %dma_start3A_171 = arith.constant 0 : i32
      %dma_start3A_172 = tpu.memref_slice %arg10[%dma_start3A_170, %dma_start3A_171] : memref<10240x64xf32, #tpu.memory_space<vmem_shared>> -> memref<10240x64xf32, #tpu.memory_space<vmem_shared>>
      tpu.enqueue_indirect_dma source(%dma_start3A_166 : memref<128x64xf32, #tpu.memory_space<vmem>>) target(%dma_start3A_172 : memref<10240x64xf32, #tpu.memory_space<vmem_shared>>) offsets(%dma_start3A_169 : memref<128xi32, #tpu.memory_space<vmem>>) semaphore(%arg19 : memref<!tpu.dma_semaphore, #tpu.memory_space<semaphore_mem>>) {add = true}
      %ge3A = arith.constant 4 : i32
      %ge3A_173 = arith.cmpi sge, %add3A_140, %ge3A : i32
      %convert_element_type3A_174 = arith.extui %ge3A_173 : i1 to i32
      %cond3A_175 = arith.constant 0 : i32
      %cond3A_176 = arith.cmpi ne, %convert_element_type3A_174, %cond3A_175 : i32
      scf.if %cond3A_176 {
        %sub3A = arith.constant 4 : i32
        %sub3A_520 = arith.subi %add3A_140, %sub3A : i32
        %mul3A_521 = arith.constant 1 : i32
        %mul3A_522 = arith.muli %sub3A_520, %mul3A_521 : i32
        %add3A_523 = arith.constant 0 : i32
        %add3A_524 = arith.addi %mul3A_522, %add3A_523 : i32
        %dma_wait3A_525 = arith.constant 4 : i32
        %dma_wait3A_526 = arith.constant 0 : i32
        %dma_wait3A_527 = arith.constant 0 : i32
        %dma_wait3A_528 = arith.constant 0 : i32
        %dma_wait3A_529 = tpu.memref_slice %arg9[%dma_wait3A_525, %dma_wait3A_526, %dma_wait3A_527, %dma_wait3A_528] : memref<8x1x128x64xf32, #tpu.memory_space<vmem>> -> memref<1x1x128x64xf32, #tpu.memory_space<vmem>>
        %dma_wait3A_530 = tpu.memref_squeeze %dma_wait3A_529 : memref<1x1x128x64xf32, #tpu.memory_space<vmem>> -> memref<128x64xf32, #tpu.memory_space<vmem>>
        %dma_wait3A_531 = arith.constant 0 : i32
        %dma_wait3A_532 = tpu.memref_slice %arg8[%add3A_524, %dma_wait3A_531] : memref<80x128xi32, #tpu.memory_space<vmem>> -> memref<1x128xi32, #tpu.memory_space<vmem>>
        %dma_wait3A_533 = tpu.memref_squeeze %dma_wait3A_532 : memref<1x128xi32, #tpu.memory_space<vmem>> -> memref<128xi32, #tpu.memory_space<vmem>>
        %dma_wait3A_534 = arith.constant 0 : i32
        %dma_wait3A_535 = arith.constant 0 : i32
        %dma_wait3A_536 = tpu.memref_slice %arg10[%dma_wait3A_534, %dma_wait3A_535] : memref<10240x64xf32, #tpu.memory_space<vmem_shared>> -> memref<10240x64xf32, #tpu.memory_space<vmem_shared>>
        tpu.wait_indirect_dma semaphore(%arg23 : memref<!tpu.dma_semaphore, #tpu.memory_space<semaphore_mem>>) src(%dma_wait3A_530 : memref<128x64xf32, #tpu.memory_space<vmem>>) dst(%dma_wait3A_536 : memref<10240x64xf32, #tpu.memory_space<vmem_shared>>)
      } else {
      }
      %add3A_177 = arith.constant 4 : i32
      %add3A_178 = arith.addi %add3A_140, %add3A_177 : i32
      %lt3A_179 = arith.constant 80 : i32
      %lt3A_180 = arith.cmpi slt, %add3A_178, %lt3A_179 : i32
      %convert_element_type3A_181 = arith.extui %lt3A_180 : i1 to i32
      %cond3A_182 = arith.constant 0 : i32
      %cond3A_183 = arith.cmpi ne, %convert_element_type3A_181, %cond3A_182 : i32
      scf.if %cond3A_183 {
        %add3A_520 = arith.constant 4 : i32
        %add3A_521 = arith.addi %add3A_140, %add3A_520 : i32
        %mul3A_522 = arith.constant 1 : i32
        %mul3A_523 = arith.muli %add3A_521, %mul3A_522 : i32
        %add3A_524 = arith.constant 0 : i32
        %add3A_525 = arith.addi %mul3A_523, %add3A_524 : i32
        %dma_start3A_526 = arith.constant 4 : i32
        %dma_start3A_527 = arith.constant 0 : i32
        %dma_start3A_528 = arith.constant 0 : i32
        %dma_start3A_529 = arith.constant 0 : i32
        %dma_start3A_530 = tpu.memref_slice %arg9[%dma_start3A_526, %dma_start3A_527, %dma_start3A_528, %dma_start3A_529] : memref<8x1x128x64xf32, #tpu.memory_space<vmem>> -> memref<1x1x128x64xf32, #tpu.memory_space<vmem>>
        %dma_start3A_531 = tpu.memref_squeeze %dma_start3A_530 : memref<1x1x128x64xf32, #tpu.memory_space<vmem>> -> memref<128x64xf32, #tpu.memory_space<vmem>>
        %dma_start3A_532 = arith.constant 0 : i32
        %dma_start3A_533 = tpu.memref_slice %arg7[%add3A_525, %dma_start3A_532] : memref<80x128xi32, #tpu.memory_space<vmem>> -> memref<1x128xi32, #tpu.memory_space<vmem>>
        %dma_start3A_534 = tpu.memref_squeeze %dma_start3A_533 : memref<1x128xi32, #tpu.memory_space<vmem>> -> memref<128xi32, #tpu.memory_space<vmem>>
        %dma_start3A_535 = arith.constant 0 : i32
        %dma_start3A_536 = arith.constant 0 : i32
        %dma_start3A_537 = tpu.memref_slice %arg2[%dma_start3A_535, %dma_start3A_536] : memref<10240x64xf32, #tpu.memory_space<hbm>> -> memref<10240x64xf32, #tpu.memory_space<hbm>>
        tpu.enqueue_indirect_dma source(%dma_start3A_537 : memref<10240x64xf32, #tpu.memory_space<hbm>>) target(%dma_start3A_531 : memref<128x64xf32, #tpu.memory_space<vmem>>) offsets(%dma_start3A_534 : memref<128xi32, #tpu.memory_space<vmem>>) semaphore(%arg15 : memref<!tpu.dma_semaphore, #tpu.memory_space<semaphore_mem>>)
      } else {
      }
      %mul3A_184 = arith.constant 8 : i32
      %mul3A_185 = arith.muli %scan3A_136, %mul3A_184 : i32
      %add3A_186 = arith.constant 1 : i32
      %add3A_187 = arith.addi %mul3A_185, %add3A_186 : i32
      %mul3A_188 = arith.constant 1 : i32
      %mul3A_189 = arith.muli %add3A_187, %mul3A_188 : i32
      %add3A_190 = arith.constant 0 : i32
      %add3A_191 = arith.addi %mul3A_189, %add3A_190 : i32
      %dma_wait3A_192 = arith.constant 1 : i32
      %dma_wait3A_193 = arith.constant 0 : i32
      %dma_wait3A_194 = arith.constant 0 : i32
      %dma_wait3A_195 = arith.constant 0 : i32
      %dma_wait3A_196 = tpu.memref_slice %arg9[%dma_wait3A_192, %dma_wait3A_193, %dma_wait3A_194, %dma_wait3A_195] : memref<8x1x128x64xf32, #tpu.memory_space<vmem>> -> memref<1x1x128x64xf32, #tpu.memory_space<vmem>>
      %dma_wait3A_197 = tpu.memref_squeeze %dma_wait3A_196 : memref<1x1x128x64xf32, #tpu.memory_space<vmem>> -> memref<128x64xf32, #tpu.memory_space<vmem>>
      %dma_wait3A_198 = arith.constant 0 : i32
      %dma_wait3A_199 = tpu.memref_slice %arg7[%add3A_191, %dma_wait3A_198] : memref<80x128xi32, #tpu.memory_space<vmem>> -> memref<1x128xi32, #tpu.memory_space<vmem>>
      %dma_wait3A_200 = tpu.memref_squeeze %dma_wait3A_199 : memref<1x128xi32, #tpu.memory_space<vmem>> -> memref<128xi32, #tpu.memory_space<vmem>>
      %dma_wait3A_201 = arith.constant 0 : i32
      %dma_wait3A_202 = arith.constant 0 : i32
      %dma_wait3A_203 = tpu.memref_slice %arg2[%dma_wait3A_201, %dma_wait3A_202] : memref<10240x64xf32, #tpu.memory_space<hbm>> -> memref<10240x64xf32, #tpu.memory_space<hbm>>
      tpu.wait_indirect_dma semaphore(%arg12 : memref<!tpu.dma_semaphore, #tpu.memory_space<semaphore_mem>>) src(%dma_wait3A_203 : memref<10240x64xf32, #tpu.memory_space<hbm>>) dst(%dma_wait3A_197 : memref<128x64xf32, #tpu.memory_space<vmem>>)
      %mul3A_204 = arith.constant 1 : i32
      %mul3A_205 = arith.muli %add3A_187, %mul3A_204 : i32
      %add3A_206 = arith.constant 0 : i32
      %add3A_207 = arith.addi %mul3A_205, %add3A_206 : i32
      %dma_start3A_208 = arith.constant 1 : i32
      %dma_start3A_209 = arith.constant 0 : i32
      %dma_start3A_210 = arith.constant 0 : i32
      %dma_start3A_211 = arith.constant 0 : i32
      %dma_start3A_212 = tpu.memref_slice %arg9[%dma_start3A_208, %dma_start3A_209, %dma_start3A_210, %dma_start3A_211] : memref<8x1x128x64xf32, #tpu.memory_space<vmem>> -> memref<1x1x128x64xf32, #tpu.memory_space<vmem>>
      %dma_start3A_213 = tpu.memref_squeeze %dma_start3A_212 : memref<1x1x128x64xf32, #tpu.memory_space<vmem>> -> memref<128x64xf32, #tpu.memory_space<vmem>>
      %dma_start3A_214 = arith.constant 0 : i32
      %dma_start3A_215 = tpu.memref_slice %arg8[%add3A_207, %dma_start3A_214] : memref<80x128xi32, #tpu.memory_space<vmem>> -> memref<1x128xi32, #tpu.memory_space<vmem>>
      %dma_start3A_216 = tpu.memref_squeeze %dma_start3A_215 : memref<1x128xi32, #tpu.memory_space<vmem>> -> memref<128xi32, #tpu.memory_space<vmem>>
      %dma_start3A_217 = arith.constant 0 : i32
      %dma_start3A_218 = arith.constant 0 : i32
      %dma_start3A_219 = tpu.memref_slice %arg10[%dma_start3A_217, %dma_start3A_218] : memref<10240x64xf32, #tpu.memory_space<vmem_shared>> -> memref<10240x64xf32, #tpu.memory_space<vmem_shared>>
      tpu.enqueue_indirect_dma source(%dma_start3A_213 : memref<128x64xf32, #tpu.memory_space<vmem>>) target(%dma_start3A_219 : memref<10240x64xf32, #tpu.memory_space<vmem_shared>>) offsets(%dma_start3A_216 : memref<128xi32, #tpu.memory_space<vmem>>) semaphore(%arg20 : memref<!tpu.dma_semaphore, #tpu.memory_space<semaphore_mem>>) {add = true}
      %ge3A_220 = arith.constant 4 : i32
      %ge3A_221 = arith.cmpi sge, %add3A_187, %ge3A_220 : i32
      %convert_element_type3A_222 = arith.extui %ge3A_221 : i1 to i32
      %cond3A_223 = arith.constant 0 : i32
      %cond3A_224 = arith.cmpi ne, %convert_element_type3A_222, %cond3A_223 : i32
      scf.if %cond3A_224 {
        %sub3A = arith.constant 4 : i32
        %sub3A_520 = arith.subi %add3A_187, %sub3A : i32
        %mul3A_521 = arith.constant 1 : i32
        %mul3A_522 = arith.muli %sub3A_520, %mul3A_521 : i32
        %add3A_523 = arith.constant 0 : i32
        %add3A_524 = arith.addi %mul3A_522, %add3A_523 : i32
        %dma_wait3A_525 = arith.constant 5 : i32
        %dma_wait3A_526 = arith.constant 0 : i32
        %dma_wait3A_527 = arith.constant 0 : i32
        %dma_wait3A_528 = arith.constant 0 : i32
        %dma_wait3A_529 = tpu.memref_slice %arg9[%dma_wait3A_525, %dma_wait3A_526, %dma_wait3A_527, %dma_wait3A_528] : memref<8x1x128x64xf32, #tpu.memory_space<vmem>> -> memref<1x1x128x64xf32, #tpu.memory_space<vmem>>
        %dma_wait3A_530 = tpu.memref_squeeze %dma_wait3A_529 : memref<1x1x128x64xf32, #tpu.memory_space<vmem>> -> memref<128x64xf32, #tpu.memory_space<vmem>>
        %dma_wait3A_531 = arith.constant 0 : i32
        %dma_wait3A_532 = tpu.memref_slice %arg8[%add3A_524, %dma_wait3A_531] : memref<80x128xi32, #tpu.memory_space<vmem>> -> memref<1x128xi32, #tpu.memory_space<vmem>>
        %dma_wait3A_533 = tpu.memref_squeeze %dma_wait3A_532 : memref<1x128xi32, #tpu.memory_space<vmem>> -> memref<128xi32, #tpu.memory_space<vmem>>
        %dma_wait3A_534 = arith.constant 0 : i32
        %dma_wait3A_535 = arith.constant 0 : i32
        %dma_wait3A_536 = tpu.memref_slice %arg10[%dma_wait3A_534, %dma_wait3A_535] : memref<10240x64xf32, #tpu.memory_space<vmem_shared>> -> memref<10240x64xf32, #tpu.memory_space<vmem_shared>>
        tpu.wait_indirect_dma semaphore(%arg24 : memref<!tpu.dma_semaphore, #tpu.memory_space<semaphore_mem>>) src(%dma_wait3A_530 : memref<128x64xf32, #tpu.memory_space<vmem>>) dst(%dma_wait3A_536 : memref<10240x64xf32, #tpu.memory_space<vmem_shared>>)
      } else {
      }
      %add3A_225 = arith.constant 4 : i32
      %add3A_226 = arith.addi %add3A_187, %add3A_225 : i32
      %lt3A_227 = arith.constant 80 : i32
      %lt3A_228 = arith.cmpi slt, %add3A_226, %lt3A_227 : i32
      %convert_element_type3A_229 = arith.extui %lt3A_228 : i1 to i32
      %cond3A_230 = arith.constant 0 : i32
      %cond3A_231 = arith.cmpi ne, %convert_element_type3A_229, %cond3A_230 : i32
      scf.if %cond3A_231 {
        %add3A_520 = arith.constant 4 : i32
        %add3A_521 = arith.addi %add3A_187, %add3A_520 : i32
        %mul3A_522 = arith.constant 1 : i32
        %mul3A_523 = arith.muli %add3A_521, %mul3A_522 : i32
        %add3A_524 = arith.constant 0 : i32
        %add3A_525 = arith.addi %mul3A_523, %add3A_524 : i32
        %dma_start3A_526 = arith.constant 5 : i32
        %dma_start3A_527 = arith.constant 0 : i32
        %dma_start3A_528 = arith.constant 0 : i32
        %dma_start3A_529 = arith.constant 0 : i32
        %dma_start3A_530 = tpu.memref_slice %arg9[%dma_start3A_526, %dma_start3A_527, %dma_start3A_528, %dma_start3A_529] : memref<8x1x128x64xf32, #tpu.memory_space<vmem>> -> memref<1x1x128x64xf32, #tpu.memory_space<vmem>>
        %dma_start3A_531 = tpu.memref_squeeze %dma_start3A_530 : memref<1x1x128x64xf32, #tpu.memory_space<vmem>> -> memref<128x64xf32, #tpu.memory_space<vmem>>
        %dma_start3A_532 = arith.constant 0 : i32
        %dma_start3A_533 = tpu.memref_slice %arg7[%add3A_525, %dma_start3A_532] : memref<80x128xi32, #tpu.memory_space<vmem>> -> memref<1x128xi32, #tpu.memory_space<vmem>>
        %dma_start3A_534 = tpu.memref_squeeze %dma_start3A_533 : memref<1x128xi32, #tpu.memory_space<vmem>> -> memref<128xi32, #tpu.memory_space<vmem>>
        %dma_start3A_535 = arith.constant 0 : i32
        %dma_start3A_536 = arith.constant 0 : i32
        %dma_start3A_537 = tpu.memref_slice %arg2[%dma_start3A_535, %dma_start3A_536] : memref<10240x64xf32, #tpu.memory_space<hbm>> -> memref<10240x64xf32, #tpu.memory_space<hbm>>
        tpu.enqueue_indirect_dma source(%dma_start3A_537 : memref<10240x64xf32, #tpu.memory_space<hbm>>) target(%dma_start3A_531 : memref<128x64xf32, #tpu.memory_space<vmem>>) offsets(%dma_start3A_534 : memref<128xi32, #tpu.memory_space<vmem>>) semaphore(%arg16 : memref<!tpu.dma_semaphore, #tpu.memory_space<semaphore_mem>>)
      } else {
      }
      %mul3A_232 = arith.constant 8 : i32
      %mul3A_233 = arith.muli %scan3A_136, %mul3A_232 : i32
      %add3A_234 = arith.constant 2 : i32
      %add3A_235 = arith.addi %mul3A_233, %add3A_234 : i32
      %mul3A_236 = arith.constant 1 : i32
      %mul3A_237 = arith.muli %add3A_235, %mul3A_236 : i32
      %add3A_238 = arith.constant 0 : i32
      %add3A_239 = arith.addi %mul3A_237, %add3A_238 : i32
      %dma_wait3A_240 = arith.constant 2 : i32
      %dma_wait3A_241 = arith.constant 0 : i32
      %dma_wait3A_242 = arith.constant 0 : i32
      %dma_wait3A_243 = arith.constant 0 : i32
      %dma_wait3A_244 = tpu.memref_slice %arg9[%dma_wait3A_240, %dma_wait3A_241, %dma_wait3A_242, %dma_wait3A_243] : memref<8x1x128x64xf32, #tpu.memory_space<vmem>> -> memref<1x1x128x64xf32, #tpu.memory_space<vmem>>
      %dma_wait3A_245 = tpu.memref_squeeze %dma_wait3A_244 : memref<1x1x128x64xf32, #tpu.memory_space<vmem>> -> memref<128x64xf32, #tpu.memory_space<vmem>>
      %dma_wait3A_246 = arith.constant 0 : i32
      %dma_wait3A_247 = tpu.memref_slice %arg7[%add3A_239, %dma_wait3A_246] : memref<80x128xi32, #tpu.memory_space<vmem>> -> memref<1x128xi32, #tpu.memory_space<vmem>>
      %dma_wait3A_248 = tpu.memref_squeeze %dma_wait3A_247 : memref<1x128xi32, #tpu.memory_space<vmem>> -> memref<128xi32, #tpu.memory_space<vmem>>
      %dma_wait3A_249 = arith.constant 0 : i32
      %dma_wait3A_250 = arith.constant 0 : i32
      %dma_wait3A_251 = tpu.memref_slice %arg2[%dma_wait3A_249, %dma_wait3A_250] : memref<10240x64xf32, #tpu.memory_space<hbm>> -> memref<10240x64xf32, #tpu.memory_space<hbm>>
      tpu.wait_indirect_dma semaphore(%arg13 : memref<!tpu.dma_semaphore, #tpu.memory_space<semaphore_mem>>) src(%dma_wait3A_251 : memref<10240x64xf32, #tpu.memory_space<hbm>>) dst(%dma_wait3A_245 : memref<128x64xf32, #tpu.memory_space<vmem>>)
      %mul3A_252 = arith.constant 1 : i32
      %mul3A_253 = arith.muli %add3A_235, %mul3A_252 : i32
      %add3A_254 = arith.constant 0 : i32
      %add3A_255 = arith.addi %mul3A_253, %add3A_254 : i32
      %dma_start3A_256 = arith.constant 2 : i32
      %dma_start3A_257 = arith.constant 0 : i32
      %dma_start3A_258 = arith.constant 0 : i32
      %dma_start3A_259 = arith.constant 0 : i32
      %dma_start3A_260 = tpu.memref_slice %arg9[%dma_start3A_256, %dma_start3A_257, %dma_start3A_258, %dma_start3A_259] : memref<8x1x128x64xf32, #tpu.memory_space<vmem>> -> memref<1x1x128x64xf32, #tpu.memory_space<vmem>>
      %dma_start3A_261 = tpu.memref_squeeze %dma_start3A_260 : memref<1x1x128x64xf32, #tpu.memory_space<vmem>> -> memref<128x64xf32, #tpu.memory_space<vmem>>
      %dma_start3A_262 = arith.constant 0 : i32
      %dma_start3A_263 = tpu.memref_slice %arg8[%add3A_255, %dma_start3A_262] : memref<80x128xi32, #tpu.memory_space<vmem>> -> memref<1x128xi32, #tpu.memory_space<vmem>>
      %dma_start3A_264 = tpu.memref_squeeze %dma_start3A_263 : memref<1x128xi32, #tpu.memory_space<vmem>> -> memref<128xi32, #tpu.memory_space<vmem>>
      %dma_start3A_265 = arith.constant 0 : i32
      %dma_start3A_266 = arith.constant 0 : i32
      %dma_start3A_267 = tpu.memref_slice %arg10[%dma_start3A_265, %dma_start3A_266] : memref<10240x64xf32, #tpu.memory_space<vmem_shared>> -> memref<10240x64xf32, #tpu.memory_space<vmem_shared>>
      tpu.enqueue_indirect_dma source(%dma_start3A_261 : memref<128x64xf32, #tpu.memory_space<vmem>>) target(%dma_start3A_267 : memref<10240x64xf32, #tpu.memory_space<vmem_shared>>) offsets(%dma_start3A_264 : memref<128xi32, #tpu.memory_space<vmem>>) semaphore(%arg21 : memref<!tpu.dma_semaphore, #tpu.memory_space<semaphore_mem>>) {add = true}
      %ge3A_268 = arith.constant 4 : i32
      %ge3A_269 = arith.cmpi sge, %add3A_235, %ge3A_268 : i32
      %convert_element_type3A_270 = arith.extui %ge3A_269 : i1 to i32
      %cond3A_271 = arith.constant 0 : i32
      %cond3A_272 = arith.cmpi ne, %convert_element_type3A_270, %cond3A_271 : i32
      scf.if %cond3A_272 {
        %sub3A = arith.constant 4 : i32
        %sub3A_520 = arith.subi %add3A_235, %sub3A : i32
        %mul3A_521 = arith.constant 1 : i32
        %mul3A_522 = arith.muli %sub3A_520, %mul3A_521 : i32
        %add3A_523 = arith.constant 0 : i32
        %add3A_524 = arith.addi %mul3A_522, %add3A_523 : i32
        %dma_wait3A_525 = arith.constant 6 : i32
        %dma_wait3A_526 = arith.constant 0 : i32
        %dma_wait3A_527 = arith.constant 0 : i32
        %dma_wait3A_528 = arith.constant 0 : i32
        %dma_wait3A_529 = tpu.memref_slice %arg9[%dma_wait3A_525, %dma_wait3A_526, %dma_wait3A_527, %dma_wait3A_528] : memref<8x1x128x64xf32, #tpu.memory_space<vmem>> -> memref<1x1x128x64xf32, #tpu.memory_space<vmem>>
        %dma_wait3A_530 = tpu.memref_squeeze %dma_wait3A_529 : memref<1x1x128x64xf32, #tpu.memory_space<vmem>> -> memref<128x64xf32, #tpu.memory_space<vmem>>
        %dma_wait3A_531 = arith.constant 0 : i32
        %dma_wait3A_532 = tpu.memref_slice %arg8[%add3A_524, %dma_wait3A_531] : memref<80x128xi32, #tpu.memory_space<vmem>> -> memref<1x128xi32, #tpu.memory_space<vmem>>
        %dma_wait3A_533 = tpu.memref_squeeze %dma_wait3A_532 : memref<1x128xi32, #tpu.memory_space<vmem>> -> memref<128xi32, #tpu.memory_space<vmem>>
        %dma_wait3A_534 = arith.constant 0 : i32
        %dma_wait3A_535 = arith.constant 0 : i32
        %dma_wait3A_536 = tpu.memref_slice %arg10[%dma_wait3A_534, %dma_wait3A_535] : memref<10240x64xf32, #tpu.memory_space<vmem_shared>> -> memref<10240x64xf32, #tpu.memory_space<vmem_shared>>
        tpu.wait_indirect_dma semaphore(%arg25 : memref<!tpu.dma_semaphore, #tpu.memory_space<semaphore_mem>>) src(%dma_wait3A_530 : memref<128x64xf32, #tpu.memory_space<vmem>>) dst(%dma_wait3A_536 : memref<10240x64xf32, #tpu.memory_space<vmem_shared>>)
      } else {
      }
      %add3A_273 = arith.constant 4 : i32
      %add3A_274 = arith.addi %add3A_235, %add3A_273 : i32
      %lt3A_275 = arith.constant 80 : i32
      %lt3A_276 = arith.cmpi slt, %add3A_274, %lt3A_275 : i32
      %convert_element_type3A_277 = arith.extui %lt3A_276 : i1 to i32
      %cond3A_278 = arith.constant 0 : i32
      %cond3A_279 = arith.cmpi ne, %convert_element_type3A_277, %cond3A_278 : i32
      scf.if %cond3A_279 {
        %add3A_520 = arith.constant 4 : i32
        %add3A_521 = arith.addi %add3A_235, %add3A_520 : i32
        %mul3A_522 = arith.constant 1 : i32
        %mul3A_523 = arith.muli %add3A_521, %mul3A_522 : i32
        %add3A_524 = arith.constant 0 : i32
        %add3A_525 = arith.addi %mul3A_523, %add3A_524 : i32
        %dma_start3A_526 = arith.constant 6 : i32
        %dma_start3A_527 = arith.constant 0 : i32
        %dma_start3A_528 = arith.constant 0 : i32
        %dma_start3A_529 = arith.constant 0 : i32
        %dma_start3A_530 = tpu.memref_slice %arg9[%dma_start3A_526, %dma_start3A_527, %dma_start3A_528, %dma_start3A_529] : memref<8x1x128x64xf32, #tpu.memory_space<vmem>> -> memref<1x1x128x64xf32, #tpu.memory_space<vmem>>
        %dma_start3A_531 = tpu.memref_squeeze %dma_start3A_530 : memref<1x1x128x64xf32, #tpu.memory_space<vmem>> -> memref<128x64xf32, #tpu.memory_space<vmem>>
        %dma_start3A_532 = arith.constant 0 : i32
        %dma_start3A_533 = tpu.memref_slice %arg7[%add3A_525, %dma_start3A_532] : memref<80x128xi32, #tpu.memory_space<vmem>> -> memref<1x128xi32, #tpu.memory_space<vmem>>
        %dma_start3A_534 = tpu.memref_squeeze %dma_start3A_533 : memref<1x128xi32, #tpu.memory_space<vmem>> -> memref<128xi32, #tpu.memory_space<vmem>>
        %dma_start3A_535 = arith.constant 0 : i32
        %dma_start3A_536 = arith.constant 0 : i32
        %dma_start3A_537 = tpu.memref_slice %arg2[%dma_start3A_535, %dma_start3A_536] : memref<10240x64xf32, #tpu.memory_space<hbm>> -> memref<10240x64xf32, #tpu.memory_space<hbm>>
        tpu.enqueue_indirect_dma source(%dma_start3A_537 : memref<10240x64xf32, #tpu.memory_space<hbm>>) target(%dma_start3A_531 : memref<128x64xf32, #tpu.memory_space<vmem>>) offsets(%dma_start3A_534 : memref<128xi32, #tpu.memory_space<vmem>>) semaphore(%arg17 : memref<!tpu.dma_semaphore, #tpu.memory_space<semaphore_mem>>)
      } else {
      }
      %mul3A_280 = arith.constant 8 : i32
      %mul3A_281 = arith.muli %scan3A_136, %mul3A_280 : i32
      %add3A_282 = arith.constant 3 : i32
      %add3A_283 = arith.addi %mul3A_281, %add3A_282 : i32
      %mul3A_284 = arith.constant 1 : i32
      %mul3A_285 = arith.muli %add3A_283, %mul3A_284 : i32
      %add3A_286 = arith.constant 0 : i32
      %add3A_287 = arith.addi %mul3A_285, %add3A_286 : i32
      %dma_wait3A_288 = arith.constant 3 : i32
      %dma_wait3A_289 = arith.constant 0 : i32
      %dma_wait3A_290 = arith.constant 0 : i32
      %dma_wait3A_291 = arith.constant 0 : i32
      %dma_wait3A_292 = tpu.memref_slice %arg9[%dma_wait3A_288, %dma_wait3A_289, %dma_wait3A_290, %dma_wait3A_291] : memref<8x1x128x64xf32, #tpu.memory_space<vmem>> -> memref<1x1x128x64xf32, #tpu.memory_space<vmem>>
      %dma_wait3A_293 = tpu.memref_squeeze %dma_wait3A_292 : memref<1x1x128x64xf32, #tpu.memory_space<vmem>> -> memref<128x64xf32, #tpu.memory_space<vmem>>
      %dma_wait3A_294 = arith.constant 0 : i32
      %dma_wait3A_295 = tpu.memref_slice %arg7[%add3A_287, %dma_wait3A_294] : memref<80x128xi32, #tpu.memory_space<vmem>> -> memref<1x128xi32, #tpu.memory_space<vmem>>
      %dma_wait3A_296 = tpu.memref_squeeze %dma_wait3A_295 : memref<1x128xi32, #tpu.memory_space<vmem>> -> memref<128xi32, #tpu.memory_space<vmem>>
      %dma_wait3A_297 = arith.constant 0 : i32
      %dma_wait3A_298 = arith.constant 0 : i32
      %dma_wait3A_299 = tpu.memref_slice %arg2[%dma_wait3A_297, %dma_wait3A_298] : memref<10240x64xf32, #tpu.memory_space<hbm>> -> memref<10240x64xf32, #tpu.memory_space<hbm>>
      tpu.wait_indirect_dma semaphore(%arg14 : memref<!tpu.dma_semaphore, #tpu.memory_space<semaphore_mem>>) src(%dma_wait3A_299 : memref<10240x64xf32, #tpu.memory_space<hbm>>) dst(%dma_wait3A_293 : memref<128x64xf32, #tpu.memory_space<vmem>>)
      %mul3A_300 = arith.constant 1 : i32
      %mul3A_301 = arith.muli %add3A_283, %mul3A_300 : i32
      %add3A_302 = arith.constant 0 : i32
      %add3A_303 = arith.addi %mul3A_301, %add3A_302 : i32
      %dma_start3A_304 = arith.constant 3 : i32
      %dma_start3A_305 = arith.constant 0 : i32
      %dma_start3A_306 = arith.constant 0 : i32
      %dma_start3A_307 = arith.constant 0 : i32
      %dma_start3A_308 = tpu.memref_slice %arg9[%dma_start3A_304, %dma_start3A_305, %dma_start3A_306, %dma_start3A_307] : memref<8x1x128x64xf32, #tpu.memory_space<vmem>> -> memref<1x1x128x64xf32, #tpu.memory_space<vmem>>
      %dma_start3A_309 = tpu.memref_squeeze %dma_start3A_308 : memref<1x1x128x64xf32, #tpu.memory_space<vmem>> -> memref<128x64xf32, #tpu.memory_space<vmem>>
      %dma_start3A_310 = arith.constant 0 : i32
      %dma_start3A_311 = tpu.memref_slice %arg8[%add3A_303, %dma_start3A_310] : memref<80x128xi32, #tpu.memory_space<vmem>> -> memref<1x128xi32, #tpu.memory_space<vmem>>
      %dma_start3A_312 = tpu.memref_squeeze %dma_start3A_311 : memref<1x128xi32, #tpu.memory_space<vmem>> -> memref<128xi32, #tpu.memory_space<vmem>>
      %dma_start3A_313 = arith.constant 0 : i32
      %dma_start3A_314 = arith.constant 0 : i32
      %dma_start3A_315 = tpu.memref_slice %arg10[%dma_start3A_313, %dma_start3A_314] : memref<10240x64xf32, #tpu.memory_space<vmem_shared>> -> memref<10240x64xf32, #tpu.memory_space<vmem_shared>>
      tpu.enqueue_indirect_dma source(%dma_start3A_309 : memref<128x64xf32, #tpu.memory_space<vmem>>) target(%dma_start3A_315 : memref<10240x64xf32, #tpu.memory_space<vmem_shared>>) offsets(%dma_start3A_312 : memref<128xi32, #tpu.memory_space<vmem>>) semaphore(%arg22 : memref<!tpu.dma_semaphore, #tpu.memory_space<semaphore_mem>>) {add = true}
      %ge3A_316 = arith.constant 4 : i32
      %ge3A_317 = arith.cmpi sge, %add3A_283, %ge3A_316 : i32
      %convert_element_type3A_318 = arith.extui %ge3A_317 : i1 to i32
      %cond3A_319 = arith.constant 0 : i32
      %cond3A_320 = arith.cmpi ne, %convert_element_type3A_318, %cond3A_319 : i32
      scf.if %cond3A_320 {
        %sub3A = arith.constant 4 : i32
        %sub3A_520 = arith.subi %add3A_283, %sub3A : i32
        %mul3A_521 = arith.constant 1 : i32
        %mul3A_522 = arith.muli %sub3A_520, %mul3A_521 : i32
        %add3A_523 = arith.constant 0 : i32
        %add3A_524 = arith.addi %mul3A_522, %add3A_523 : i32
        %dma_wait3A_525 = arith.constant 7 : i32
        %dma_wait3A_526 = arith.constant 0 : i32
        %dma_wait3A_527 = arith.constant 0 : i32
        %dma_wait3A_528 = arith.constant 0 : i32
        %dma_wait3A_529 = tpu.memref_slice %arg9[%dma_wait3A_525, %dma_wait3A_526, %dma_wait3A_527, %dma_wait3A_528] : memref<8x1x128x64xf32, #tpu.memory_space<vmem>> -> memref<1x1x128x64xf32, #tpu.memory_space<vmem>>
        %dma_wait3A_530 = tpu.memref_squeeze %dma_wait3A_529 : memref<1x1x128x64xf32, #tpu.memory_space<vmem>> -> memref<128x64xf32, #tpu.memory_space<vmem>>
        %dma_wait3A_531 = arith.constant 0 : i32
        %dma_wait3A_532 = tpu.memref_slice %arg8[%add3A_524, %dma_wait3A_531] : memref<80x128xi32, #tpu.memory_space<vmem>> -> memref<1x128xi32, #tpu.memory_space<vmem>>
        %dma_wait3A_533 = tpu.memref_squeeze %dma_wait3A_532 : memref<1x128xi32, #tpu.memory_space<vmem>> -> memref<128xi32, #tpu.memory_space<vmem>>
        %dma_wait3A_534 = arith.constant 0 : i32
        %dma_wait3A_535 = arith.constant 0 : i32
        %dma_wait3A_536 = tpu.memref_slice %arg10[%dma_wait3A_534, %dma_wait3A_535] : memref<10240x64xf32, #tpu.memory_space<vmem_shared>> -> memref<10240x64xf32, #tpu.memory_space<vmem_shared>>
        tpu.wait_indirect_dma semaphore(%arg26 : memref<!tpu.dma_semaphore, #tpu.memory_space<semaphore_mem>>) src(%dma_wait3A_530 : memref<128x64xf32, #tpu.memory_space<vmem>>) dst(%dma_wait3A_536 : memref<10240x64xf32, #tpu.memory_space<vmem_shared>>)
      } else {
      }
      %add3A_321 = arith.constant 4 : i32
      %add3A_322 = arith.addi %add3A_283, %add3A_321 : i32
      %lt3A_323 = arith.constant 80 : i32
      %lt3A_324 = arith.cmpi slt, %add3A_322, %lt3A_323 : i32
      %convert_element_type3A_325 = arith.extui %lt3A_324 : i1 to i32
      %cond3A_326 = arith.constant 0 : i32
      %cond3A_327 = arith.cmpi ne, %convert_element_type3A_325, %cond3A_326 : i32
      scf.if %cond3A_327 {
        %add3A_520 = arith.constant 4 : i32
        %add3A_521 = arith.addi %add3A_283, %add3A_520 : i32
        %mul3A_522 = arith.constant 1 : i32
        %mul3A_523 = arith.muli %add3A_521, %mul3A_522 : i32
        %add3A_524 = arith.constant 0 : i32
        %add3A_525 = arith.addi %mul3A_523, %add3A_524 : i32
        %dma_start3A_526 = arith.constant 7 : i32
        %dma_start3A_527 = arith.constant 0 : i32
        %dma_start3A_528 = arith.constant 0 : i32
        %dma_start3A_529 = arith.constant 0 : i32
        %dma_start3A_530 = tpu.memref_slice %arg9[%dma_start3A_526, %dma_start3A_527, %dma_start3A_528, %dma_start3A_529] : memref<8x1x128x64xf32, #tpu.memory_space<vmem>> -> memref<1x1x128x64xf32, #tpu.memory_space<vmem>>
        %dma_start3A_531 = tpu.memref_squeeze %dma_start3A_530 : memref<1x1x128x64xf32, #tpu.memory_space<vmem>> -> memref<128x64xf32, #tpu.memory_space<vmem>>
        %dma_start3A_532 = arith.constant 0 : i32
        %dma_start3A_533 = tpu.memref_slice %arg7[%add3A_525, %dma_start3A_532] : memref<80x128xi32, #tpu.memory_space<vmem>> -> memref<1x128xi32, #tpu.memory_space<vmem>>
        %dma_start3A_534 = tpu.memref_squeeze %dma_start3A_533 : memref<1x128xi32, #tpu.memory_space<vmem>> -> memref<128xi32, #tpu.memory_space<vmem>>
        %dma_start3A_535 = arith.constant 0 : i32
        %dma_start3A_536 = arith.constant 0 : i32
        %dma_start3A_537 = tpu.memref_slice %arg2[%dma_start3A_535, %dma_start3A_536] : memref<10240x64xf32, #tpu.memory_space<hbm>> -> memref<10240x64xf32, #tpu.memory_space<hbm>>
        tpu.enqueue_indirect_dma source(%dma_start3A_537 : memref<10240x64xf32, #tpu.memory_space<hbm>>) target(%dma_start3A_531 : memref<128x64xf32, #tpu.memory_space<vmem>>) offsets(%dma_start3A_534 : memref<128xi32, #tpu.memory_space<vmem>>) semaphore(%arg18 : memref<!tpu.dma_semaphore, #tpu.memory_space<semaphore_mem>>)
      } else {
      }
      %mul3A_328 = arith.constant 8 : i32
      %mul3A_329 = arith.muli %scan3A_136, %mul3A_328 : i32
      %add3A_330 = arith.constant 4 : i32
      %add3A_331 = arith.addi %mul3A_329, %add3A_330 : i32
      %mul3A_332 = arith.constant 1 : i32
      %mul3A_333 = arith.muli %add3A_331, %mul3A_332 : i32
      %add3A_334 = arith.constant 0 : i32
      %add3A_335 = arith.addi %mul3A_333, %add3A_334 : i32
      %dma_wait3A_336 = arith.constant 4 : i32
      %dma_wait3A_337 = arith.constant 0 : i32
      %dma_wait3A_338 = arith.constant 0 : i32
      %dma_wait3A_339 = arith.constant 0 : i32
      %dma_wait3A_340 = tpu.memref_slice %arg9[%dma_wait3A_336, %dma_wait3A_337, %dma_wait3A_338, %dma_wait3A_339] : memref<8x1x128x64xf32, #tpu.memory_space<vmem>> -> memref<1x1x128x64xf32, #tpu.memory_space<vmem>>
      %dma_wait3A_341 = tpu.memref_squeeze %dma_wait3A_340 : memref<1x1x128x64xf32, #tpu.memory_space<vmem>> -> memref<128x64xf32, #tpu.memory_space<vmem>>
      %dma_wait3A_342 = arith.constant 0 : i32
      %dma_wait3A_343 = tpu.memref_slice %arg7[%add3A_335, %dma_wait3A_342] : memref<80x128xi32, #tpu.memory_space<vmem>> -> memref<1x128xi32, #tpu.memory_space<vmem>>
      %dma_wait3A_344 = tpu.memref_squeeze %dma_wait3A_343 : memref<1x128xi32, #tpu.memory_space<vmem>> -> memref<128xi32, #tpu.memory_space<vmem>>
      %dma_wait3A_345 = arith.constant 0 : i32
      %dma_wait3A_346 = arith.constant 0 : i32
      %dma_wait3A_347 = tpu.memref_slice %arg2[%dma_wait3A_345, %dma_wait3A_346] : memref<10240x64xf32, #tpu.memory_space<hbm>> -> memref<10240x64xf32, #tpu.memory_space<hbm>>
      tpu.wait_indirect_dma semaphore(%arg15 : memref<!tpu.dma_semaphore, #tpu.memory_space<semaphore_mem>>) src(%dma_wait3A_347 : memref<10240x64xf32, #tpu.memory_space<hbm>>) dst(%dma_wait3A_341 : memref<128x64xf32, #tpu.memory_space<vmem>>)
      %mul3A_348 = arith.constant 1 : i32
      %mul3A_349 = arith.muli %add3A_331, %mul3A_348 : i32
      %add3A_350 = arith.constant 0 : i32
      %add3A_351 = arith.addi %mul3A_349, %add3A_350 : i32
      %dma_start3A_352 = arith.constant 4 : i32
      %dma_start3A_353 = arith.constant 0 : i32
      %dma_start3A_354 = arith.constant 0 : i32
      %dma_start3A_355 = arith.constant 0 : i32
      %dma_start3A_356 = tpu.memref_slice %arg9[%dma_start3A_352, %dma_start3A_353, %dma_start3A_354, %dma_start3A_355] : memref<8x1x128x64xf32, #tpu.memory_space<vmem>> -> memref<1x1x128x64xf32, #tpu.memory_space<vmem>>
      %dma_start3A_357 = tpu.memref_squeeze %dma_start3A_356 : memref<1x1x128x64xf32, #tpu.memory_space<vmem>> -> memref<128x64xf32, #tpu.memory_space<vmem>>
      %dma_start3A_358 = arith.constant 0 : i32
      %dma_start3A_359 = tpu.memref_slice %arg8[%add3A_351, %dma_start3A_358] : memref<80x128xi32, #tpu.memory_space<vmem>> -> memref<1x128xi32, #tpu.memory_space<vmem>>
      %dma_start3A_360 = tpu.memref_squeeze %dma_start3A_359 : memref<1x128xi32, #tpu.memory_space<vmem>> -> memref<128xi32, #tpu.memory_space<vmem>>
      %dma_start3A_361 = arith.constant 0 : i32
      %dma_start3A_362 = arith.constant 0 : i32
      %dma_start3A_363 = tpu.memref_slice %arg10[%dma_start3A_361, %dma_start3A_362] : memref<10240x64xf32, #tpu.memory_space<vmem_shared>> -> memref<10240x64xf32, #tpu.memory_space<vmem_shared>>
      tpu.enqueue_indirect_dma source(%dma_start3A_357 : memref<128x64xf32, #tpu.memory_space<vmem>>) target(%dma_start3A_363 : memref<10240x64xf32, #tpu.memory_space<vmem_shared>>) offsets(%dma_start3A_360 : memref<128xi32, #tpu.memory_space<vmem>>) semaphore(%arg23 : memref<!tpu.dma_semaphore, #tpu.memory_space<semaphore_mem>>) {add = true}
      %ge3A_364 = arith.constant 4 : i32
      %ge3A_365 = arith.cmpi sge, %add3A_331, %ge3A_364 : i32
      %convert_element_type3A_366 = arith.extui %ge3A_365 : i1 to i32
      %cond3A_367 = arith.constant 0 : i32
      %cond3A_368 = arith.cmpi ne, %convert_element_type3A_366, %cond3A_367 : i32
      scf.if %cond3A_368 {
        %sub3A = arith.constant 4 : i32
        %sub3A_520 = arith.subi %add3A_331, %sub3A : i32
        %mul3A_521 = arith.constant 1 : i32
        %mul3A_522 = arith.muli %sub3A_520, %mul3A_521 : i32
        %add3A_523 = arith.constant 0 : i32
        %add3A_524 = arith.addi %mul3A_522, %add3A_523 : i32
        %dma_wait3A_525 = arith.constant 0 : i32
        %dma_wait3A_526 = arith.constant 0 : i32
        %dma_wait3A_527 = arith.constant 0 : i32
        %dma_wait3A_528 = arith.constant 0 : i32
        %dma_wait3A_529 = tpu.memref_slice %arg9[%dma_wait3A_525, %dma_wait3A_526, %dma_wait3A_527, %dma_wait3A_528] : memref<8x1x128x64xf32, #tpu.memory_space<vmem>> -> memref<1x1x128x64xf32, #tpu.memory_space<vmem>>
        %dma_wait3A_530 = tpu.memref_squeeze %dma_wait3A_529 : memref<1x1x128x64xf32, #tpu.memory_space<vmem>> -> memref<128x64xf32, #tpu.memory_space<vmem>>
        %dma_wait3A_531 = arith.constant 0 : i32
        %dma_wait3A_532 = tpu.memref_slice %arg8[%add3A_524, %dma_wait3A_531] : memref<80x128xi32, #tpu.memory_space<vmem>> -> memref<1x128xi32, #tpu.memory_space<vmem>>
        %dma_wait3A_533 = tpu.memref_squeeze %dma_wait3A_532 : memref<1x128xi32, #tpu.memory_space<vmem>> -> memref<128xi32, #tpu.memory_space<vmem>>
        %dma_wait3A_534 = arith.constant 0 : i32
        %dma_wait3A_535 = arith.constant 0 : i32
        %dma_wait3A_536 = tpu.memref_slice %arg10[%dma_wait3A_534, %dma_wait3A_535] : memref<10240x64xf32, #tpu.memory_space<vmem_shared>> -> memref<10240x64xf32, #tpu.memory_space<vmem_shared>>
        tpu.wait_indirect_dma semaphore(%arg19 : memref<!tpu.dma_semaphore, #tpu.memory_space<semaphore_mem>>) src(%dma_wait3A_530 : memref<128x64xf32, #tpu.memory_space<vmem>>) dst(%dma_wait3A_536 : memref<10240x64xf32, #tpu.memory_space<vmem_shared>>)
      } else {
      }
      %add3A_369 = arith.constant 4 : i32
      %add3A_370 = arith.addi %add3A_331, %add3A_369 : i32
      %lt3A_371 = arith.constant 80 : i32
      %lt3A_372 = arith.cmpi slt, %add3A_370, %lt3A_371 : i32
      %convert_element_type3A_373 = arith.extui %lt3A_372 : i1 to i32
      %cond3A_374 = arith.constant 0 : i32
      %cond3A_375 = arith.cmpi ne, %convert_element_type3A_373, %cond3A_374 : i32
      scf.if %cond3A_375 {
        %add3A_520 = arith.constant 4 : i32
        %add3A_521 = arith.addi %add3A_331, %add3A_520 : i32
        %mul3A_522 = arith.constant 1 : i32
        %mul3A_523 = arith.muli %add3A_521, %mul3A_522 : i32
        %add3A_524 = arith.constant 0 : i32
        %add3A_525 = arith.addi %mul3A_523, %add3A_524 : i32
        %dma_start3A_526 = arith.constant 0 : i32
        %dma_start3A_527 = arith.constant 0 : i32
        %dma_start3A_528 = arith.constant 0 : i32
        %dma_start3A_529 = arith.constant 0 : i32
        %dma_start3A_530 = tpu.memref_slice %arg9[%dma_start3A_526, %dma_start3A_527, %dma_start3A_528, %dma_start3A_529] : memref<8x1x128x64xf32, #tpu.memory_space<vmem>> -> memref<1x1x128x64xf32, #tpu.memory_space<vmem>>
        %dma_start3A_531 = tpu.memref_squeeze %dma_start3A_530 : memref<1x1x128x64xf32, #tpu.memory_space<vmem>> -> memref<128x64xf32, #tpu.memory_space<vmem>>
        %dma_start3A_532 = arith.constant 0 : i32
        %dma_start3A_533 = tpu.memref_slice %arg7[%add3A_525, %dma_start3A_532] : memref<80x128xi32, #tpu.memory_space<vmem>> -> memref<1x128xi32, #tpu.memory_space<vmem>>
        %dma_start3A_534 = tpu.memref_squeeze %dma_start3A_533 : memref<1x128xi32, #tpu.memory_space<vmem>> -> memref<128xi32, #tpu.memory_space<vmem>>
        %dma_start3A_535 = arith.constant 0 : i32
        %dma_start3A_536 = arith.constant 0 : i32
        %dma_start3A_537 = tpu.memref_slice %arg2[%dma_start3A_535, %dma_start3A_536] : memref<10240x64xf32, #tpu.memory_space<hbm>> -> memref<10240x64xf32, #tpu.memory_space<hbm>>
        tpu.enqueue_indirect_dma source(%dma_start3A_537 : memref<10240x64xf32, #tpu.memory_space<hbm>>) target(%dma_start3A_531 : memref<128x64xf32, #tpu.memory_space<vmem>>) offsets(%dma_start3A_534 : memref<128xi32, #tpu.memory_space<vmem>>) semaphore(%arg11 : memref<!tpu.dma_semaphore, #tpu.memory_space<semaphore_mem>>)
      } else {
      }
      %mul3A_376 = arith.constant 8 : i32
      %mul3A_377 = arith.muli %scan3A_136, %mul3A_376 : i32
      %add3A_378 = arith.constant 5 : i32
      %add3A_379 = arith.addi %mul3A_377, %add3A_378 : i32
      %mul3A_380 = arith.constant 1 : i32
      %mul3A_381 = arith.muli %add3A_379, %mul3A_380 : i32
      %add3A_382 = arith.constant 0 : i32
      %add3A_383 = arith.addi %mul3A_381, %add3A_382 : i32
      %dma_wait3A_384 = arith.constant 5 : i32
      %dma_wait3A_385 = arith.constant 0 : i32
      %dma_wait3A_386 = arith.constant 0 : i32
      %dma_wait3A_387 = arith.constant 0 : i32
      %dma_wait3A_388 = tpu.memref_slice %arg9[%dma_wait3A_384, %dma_wait3A_385, %dma_wait3A_386, %dma_wait3A_387] : memref<8x1x128x64xf32, #tpu.memory_space<vmem>> -> memref<1x1x128x64xf32, #tpu.memory_space<vmem>>
      %dma_wait3A_389 = tpu.memref_squeeze %dma_wait3A_388 : memref<1x1x128x64xf32, #tpu.memory_space<vmem>> -> memref<128x64xf32, #tpu.memory_space<vmem>>
      %dma_wait3A_390 = arith.constant 0 : i32
      %dma_wait3A_391 = tpu.memref_slice %arg7[%add3A_383, %dma_wait3A_390] : memref<80x128xi32, #tpu.memory_space<vmem>> -> memref<1x128xi32, #tpu.memory_space<vmem>>
      %dma_wait3A_392 = tpu.memref_squeeze %dma_wait3A_391 : memref<1x128xi32, #tpu.memory_space<vmem>> -> memref<128xi32, #tpu.memory_space<vmem>>
      %dma_wait3A_393 = arith.constant 0 : i32
      %dma_wait3A_394 = arith.constant 0 : i32
      %dma_wait3A_395 = tpu.memref_slice %arg2[%dma_wait3A_393, %dma_wait3A_394] : memref<10240x64xf32, #tpu.memory_space<hbm>> -> memref<10240x64xf32, #tpu.memory_space<hbm>>
      tpu.wait_indirect_dma semaphore(%arg16 : memref<!tpu.dma_semaphore, #tpu.memory_space<semaphore_mem>>) src(%dma_wait3A_395 : memref<10240x64xf32, #tpu.memory_space<hbm>>) dst(%dma_wait3A_389 : memref<128x64xf32, #tpu.memory_space<vmem>>)
      %mul3A_396 = arith.constant 1 : i32
      %mul3A_397 = arith.muli %add3A_379, %mul3A_396 : i32
      %add3A_398 = arith.constant 0 : i32
      %add3A_399 = arith.addi %mul3A_397, %add3A_398 : i32
      %dma_start3A_400 = arith.constant 5 : i32
      %dma_start3A_401 = arith.constant 0 : i32
      %dma_start3A_402 = arith.constant 0 : i32
      %dma_start3A_403 = arith.constant 0 : i32
      %dma_start3A_404 = tpu.memref_slice %arg9[%dma_start3A_400, %dma_start3A_401, %dma_start3A_402, %dma_start3A_403] : memref<8x1x128x64xf32, #tpu.memory_space<vmem>> -> memref<1x1x128x64xf32, #tpu.memory_space<vmem>>
      %dma_start3A_405 = tpu.memref_squeeze %dma_start3A_404 : memref<1x1x128x64xf32, #tpu.memory_space<vmem>> -> memref<128x64xf32, #tpu.memory_space<vmem>>
      %dma_start3A_406 = arith.constant 0 : i32
      %dma_start3A_407 = tpu.memref_slice %arg8[%add3A_399, %dma_start3A_406] : memref<80x128xi32, #tpu.memory_space<vmem>> -> memref<1x128xi32, #tpu.memory_space<vmem>>
      %dma_start3A_408 = tpu.memref_squeeze %dma_start3A_407 : memref<1x128xi32, #tpu.memory_space<vmem>> -> memref<128xi32, #tpu.memory_space<vmem>>
      %dma_start3A_409 = arith.constant 0 : i32
      %dma_start3A_410 = arith.constant 0 : i32
      %dma_start3A_411 = tpu.memref_slice %arg10[%dma_start3A_409, %dma_start3A_410] : memref<10240x64xf32, #tpu.memory_space<vmem_shared>> -> memref<10240x64xf32, #tpu.memory_space<vmem_shared>>
      tpu.enqueue_indirect_dma source(%dma_start3A_405 : memref<128x64xf32, #tpu.memory_space<vmem>>) target(%dma_start3A_411 : memref<10240x64xf32, #tpu.memory_space<vmem_shared>>) offsets(%dma_start3A_408 : memref<128xi32, #tpu.memory_space<vmem>>) semaphore(%arg24 : memref<!tpu.dma_semaphore, #tpu.memory_space<semaphore_mem>>) {add = true}
      %ge3A_412 = arith.constant 4 : i32
      %ge3A_413 = arith.cmpi sge, %add3A_379, %ge3A_412 : i32
      %convert_element_type3A_414 = arith.extui %ge3A_413 : i1 to i32
      %cond3A_415 = arith.constant 0 : i32
      %cond3A_416 = arith.cmpi ne, %convert_element_type3A_414, %cond3A_415 : i32
      scf.if %cond3A_416 {
        %sub3A = arith.constant 4 : i32
        %sub3A_520 = arith.subi %add3A_379, %sub3A : i32
        %mul3A_521 = arith.constant 1 : i32
        %mul3A_522 = arith.muli %sub3A_520, %mul3A_521 : i32
        %add3A_523 = arith.constant 0 : i32
        %add3A_524 = arith.addi %mul3A_522, %add3A_523 : i32
        %dma_wait3A_525 = arith.constant 1 : i32
        %dma_wait3A_526 = arith.constant 0 : i32
        %dma_wait3A_527 = arith.constant 0 : i32
        %dma_wait3A_528 = arith.constant 0 : i32
        %dma_wait3A_529 = tpu.memref_slice %arg9[%dma_wait3A_525, %dma_wait3A_526, %dma_wait3A_527, %dma_wait3A_528] : memref<8x1x128x64xf32, #tpu.memory_space<vmem>> -> memref<1x1x128x64xf32, #tpu.memory_space<vmem>>
        %dma_wait3A_530 = tpu.memref_squeeze %dma_wait3A_529 : memref<1x1x128x64xf32, #tpu.memory_space<vmem>> -> memref<128x64xf32, #tpu.memory_space<vmem>>
        %dma_wait3A_531 = arith.constant 0 : i32
        %dma_wait3A_532 = tpu.memref_slice %arg8[%add3A_524, %dma_wait3A_531] : memref<80x128xi32, #tpu.memory_space<vmem>> -> memref<1x128xi32, #tpu.memory_space<vmem>>
        %dma_wait3A_533 = tpu.memref_squeeze %dma_wait3A_532 : memref<1x128xi32, #tpu.memory_space<vmem>> -> memref<128xi32, #tpu.memory_space<vmem>>
        %dma_wait3A_534 = arith.constant 0 : i32
        %dma_wait3A_535 = arith.constant 0 : i32
        %dma_wait3A_536 = tpu.memref_slice %arg10[%dma_wait3A_534, %dma_wait3A_535] : memref<10240x64xf32, #tpu.memory_space<vmem_shared>> -> memref<10240x64xf32, #tpu.memory_space<vmem_shared>>
        tpu.wait_indirect_dma semaphore(%arg20 : memref<!tpu.dma_semaphore, #tpu.memory_space<semaphore_mem>>) src(%dma_wait3A_530 : memref<128x64xf32, #tpu.memory_space<vmem>>) dst(%dma_wait3A_536 : memref<10240x64xf32, #tpu.memory_space<vmem_shared>>)
      } else {
      }
      %add3A_417 = arith.constant 4 : i32
      %add3A_418 = arith.addi %add3A_379, %add3A_417 : i32
      %lt3A_419 = arith.constant 80 : i32
      %lt3A_420 = arith.cmpi slt, %add3A_418, %lt3A_419 : i32
      %convert_element_type3A_421 = arith.extui %lt3A_420 : i1 to i32
      %cond3A_422 = arith.constant 0 : i32
      %cond3A_423 = arith.cmpi ne, %convert_element_type3A_421, %cond3A_422 : i32
      scf.if %cond3A_423 {
        %add3A_520 = arith.constant 4 : i32
        %add3A_521 = arith.addi %add3A_379, %add3A_520 : i32
        %mul3A_522 = arith.constant 1 : i32
        %mul3A_523 = arith.muli %add3A_521, %mul3A_522 : i32
        %add3A_524 = arith.constant 0 : i32
        %add3A_525 = arith.addi %mul3A_523, %add3A_524 : i32
        %dma_start3A_526 = arith.constant 1 : i32
        %dma_start3A_527 = arith.constant 0 : i32
        %dma_start3A_528 = arith.constant 0 : i32
        %dma_start3A_529 = arith.constant 0 : i32
        %dma_start3A_530 = tpu.memref_slice %arg9[%dma_start3A_526, %dma_start3A_527, %dma_start3A_528, %dma_start3A_529] : memref<8x1x128x64xf32, #tpu.memory_space<vmem>> -> memref<1x1x128x64xf32, #tpu.memory_space<vmem>>
        %dma_start3A_531 = tpu.memref_squeeze %dma_start3A_530 : memref<1x1x128x64xf32, #tpu.memory_space<vmem>> -> memref<128x64xf32, #tpu.memory_space<vmem>>
        %dma_start3A_532 = arith.constant 0 : i32
        %dma_start3A_533 = tpu.memref_slice %arg7[%add3A_525, %dma_start3A_532] : memref<80x128xi32, #tpu.memory_space<vmem>> -> memref<1x128xi32, #tpu.memory_space<vmem>>
        %dma_start3A_534 = tpu.memref_squeeze %dma_start3A_533 : memref<1x128xi32, #tpu.memory_space<vmem>> -> memref<128xi32, #tpu.memory_space<vmem>>
        %dma_start3A_535 = arith.constant 0 : i32
        %dma_start3A_536 = arith.constant 0 : i32
        %dma_start3A_537 = tpu.memref_slice %arg2[%dma_start3A_535, %dma_start3A_536] : memref<10240x64xf32, #tpu.memory_space<hbm>> -> memref<10240x64xf32, #tpu.memory_space<hbm>>
        tpu.enqueue_indirect_dma source(%dma_start3A_537 : memref<10240x64xf32, #tpu.memory_space<hbm>>) target(%dma_start3A_531 : memref<128x64xf32, #tpu.memory_space<vmem>>) offsets(%dma_start3A_534 : memref<128xi32, #tpu.memory_space<vmem>>) semaphore(%arg12 : memref<!tpu.dma_semaphore, #tpu.memory_space<semaphore_mem>>)
      } else {
      }
      %mul3A_424 = arith.constant 8 : i32
      %mul3A_425 = arith.muli %scan3A_136, %mul3A_424 : i32
      %add3A_426 = arith.constant 6 : i32
      %add3A_427 = arith.addi %mul3A_425, %add3A_426 : i32
      %mul3A_428 = arith.constant 1 : i32
      %mul3A_429 = arith.muli %add3A_427, %mul3A_428 : i32
      %add3A_430 = arith.constant 0 : i32
      %add3A_431 = arith.addi %mul3A_429, %add3A_430 : i32
      %dma_wait3A_432 = arith.constant 6 : i32
      %dma_wait3A_433 = arith.constant 0 : i32
      %dma_wait3A_434 = arith.constant 0 : i32
      %dma_wait3A_435 = arith.constant 0 : i32
      %dma_wait3A_436 = tpu.memref_slice %arg9[%dma_wait3A_432, %dma_wait3A_433, %dma_wait3A_434, %dma_wait3A_435] : memref<8x1x128x64xf32, #tpu.memory_space<vmem>> -> memref<1x1x128x64xf32, #tpu.memory_space<vmem>>
      %dma_wait3A_437 = tpu.memref_squeeze %dma_wait3A_436 : memref<1x1x128x64xf32, #tpu.memory_space<vmem>> -> memref<128x64xf32, #tpu.memory_space<vmem>>
      %dma_wait3A_438 = arith.constant 0 : i32
      %dma_wait3A_439 = tpu.memref_slice %arg7[%add3A_431, %dma_wait3A_438] : memref<80x128xi32, #tpu.memory_space<vmem>> -> memref<1x128xi32, #tpu.memory_space<vmem>>
      %dma_wait3A_440 = tpu.memref_squeeze %dma_wait3A_439 : memref<1x128xi32, #tpu.memory_space<vmem>> -> memref<128xi32, #tpu.memory_space<vmem>>
      %dma_wait3A_441 = arith.constant 0 : i32
      %dma_wait3A_442 = arith.constant 0 : i32
      %dma_wait3A_443 = tpu.memref_slice %arg2[%dma_wait3A_441, %dma_wait3A_442] : memref<10240x64xf32, #tpu.memory_space<hbm>> -> memref<10240x64xf32, #tpu.memory_space<hbm>>
      tpu.wait_indirect_dma semaphore(%arg17 : memref<!tpu.dma_semaphore, #tpu.memory_space<semaphore_mem>>) src(%dma_wait3A_443 : memref<10240x64xf32, #tpu.memory_space<hbm>>) dst(%dma_wait3A_437 : memref<128x64xf32, #tpu.memory_space<vmem>>)
      %mul3A_444 = arith.constant 1 : i32
      %mul3A_445 = arith.muli %add3A_427, %mul3A_444 : i32
      %add3A_446 = arith.constant 0 : i32
      %add3A_447 = arith.addi %mul3A_445, %add3A_446 : i32
      %dma_start3A_448 = arith.constant 6 : i32
      %dma_start3A_449 = arith.constant 0 : i32
      %dma_start3A_450 = arith.constant 0 : i32
      %dma_start3A_451 = arith.constant 0 : i32
      %dma_start3A_452 = tpu.memref_slice %arg9[%dma_start3A_448, %dma_start3A_449, %dma_start3A_450, %dma_start3A_451] : memref<8x1x128x64xf32, #tpu.memory_space<vmem>> -> memref<1x1x128x64xf32, #tpu.memory_space<vmem>>
      %dma_start3A_453 = tpu.memref_squeeze %dma_start3A_452 : memref<1x1x128x64xf32, #tpu.memory_space<vmem>> -> memref<128x64xf32, #tpu.memory_space<vmem>>
      %dma_start3A_454 = arith.constant 0 : i32
      %dma_start3A_455 = tpu.memref_slice %arg8[%add3A_447, %dma_start3A_454] : memref<80x128xi32, #tpu.memory_space<vmem>> -> memref<1x128xi32, #tpu.memory_space<vmem>>
      %dma_start3A_456 = tpu.memref_squeeze %dma_start3A_455 : memref<1x128xi32, #tpu.memory_space<vmem>> -> memref<128xi32, #tpu.memory_space<vmem>>
      %dma_start3A_457 = arith.constant 0 : i32
      %dma_start3A_458 = arith.constant 0 : i32
      %dma_start3A_459 = tpu.memref_slice %arg10[%dma_start3A_457, %dma_start3A_458] : memref<10240x64xf32, #tpu.memory_space<vmem_shared>> -> memref<10240x64xf32, #tpu.memory_space<vmem_shared>>
      tpu.enqueue_indirect_dma source(%dma_start3A_453 : memref<128x64xf32, #tpu.memory_space<vmem>>) target(%dma_start3A_459 : memref<10240x64xf32, #tpu.memory_space<vmem_shared>>) offsets(%dma_start3A_456 : memref<128xi32, #tpu.memory_space<vmem>>) semaphore(%arg25 : memref<!tpu.dma_semaphore, #tpu.memory_space<semaphore_mem>>) {add = true}
      %ge3A_460 = arith.constant 4 : i32
      %ge3A_461 = arith.cmpi sge, %add3A_427, %ge3A_460 : i32
      %convert_element_type3A_462 = arith.extui %ge3A_461 : i1 to i32
      %cond3A_463 = arith.constant 0 : i32
      %cond3A_464 = arith.cmpi ne, %convert_element_type3A_462, %cond3A_463 : i32
      scf.if %cond3A_464 {
        %sub3A = arith.constant 4 : i32
        %sub3A_520 = arith.subi %add3A_427, %sub3A : i32
        %mul3A_521 = arith.constant 1 : i32
        %mul3A_522 = arith.muli %sub3A_520, %mul3A_521 : i32
        %add3A_523 = arith.constant 0 : i32
        %add3A_524 = arith.addi %mul3A_522, %add3A_523 : i32
        %dma_wait3A_525 = arith.constant 2 : i32
        %dma_wait3A_526 = arith.constant 0 : i32
        %dma_wait3A_527 = arith.constant 0 : i32
        %dma_wait3A_528 = arith.constant 0 : i32
        %dma_wait3A_529 = tpu.memref_slice %arg9[%dma_wait3A_525, %dma_wait3A_526, %dma_wait3A_527, %dma_wait3A_528] : memref<8x1x128x64xf32, #tpu.memory_space<vmem>> -> memref<1x1x128x64xf32, #tpu.memory_space<vmem>>
        %dma_wait3A_530 = tpu.memref_squeeze %dma_wait3A_529 : memref<1x1x128x64xf32, #tpu.memory_space<vmem>> -> memref<128x64xf32, #tpu.memory_space<vmem>>
        %dma_wait3A_531 = arith.constant 0 : i32
        %dma_wait3A_532 = tpu.memref_slice %arg8[%add3A_524, %dma_wait3A_531] : memref<80x128xi32, #tpu.memory_space<vmem>> -> memref<1x128xi32, #tpu.memory_space<vmem>>
        %dma_wait3A_533 = tpu.memref_squeeze %dma_wait3A_532 : memref<1x128xi32, #tpu.memory_space<vmem>> -> memref<128xi32, #tpu.memory_space<vmem>>
        %dma_wait3A_534 = arith.constant 0 : i32
        %dma_wait3A_535 = arith.constant 0 : i32
        %dma_wait3A_536 = tpu.memref_slice %arg10[%dma_wait3A_534, %dma_wait3A_535] : memref<10240x64xf32, #tpu.memory_space<vmem_shared>> -> memref<10240x64xf32, #tpu.memory_space<vmem_shared>>
        tpu.wait_indirect_dma semaphore(%arg21 : memref<!tpu.dma_semaphore, #tpu.memory_space<semaphore_mem>>) src(%dma_wait3A_530 : memref<128x64xf32, #tpu.memory_space<vmem>>) dst(%dma_wait3A_536 : memref<10240x64xf32, #tpu.memory_space<vmem_shared>>)
      } else {
      }
      %add3A_465 = arith.constant 4 : i32
      %add3A_466 = arith.addi %add3A_427, %add3A_465 : i32
      %lt3A_467 = arith.constant 80 : i32
      %lt3A_468 = arith.cmpi slt, %add3A_466, %lt3A_467 : i32
      %convert_element_type3A_469 = arith.extui %lt3A_468 : i1 to i32
      %cond3A_470 = arith.constant 0 : i32
      %cond3A_471 = arith.cmpi ne, %convert_element_type3A_469, %cond3A_470 : i32
      scf.if %cond3A_471 {
        %add3A_520 = arith.constant 4 : i32
        %add3A_521 = arith.addi %add3A_427, %add3A_520 : i32
        %mul3A_522 = arith.constant 1 : i32
        %mul3A_523 = arith.muli %add3A_521, %mul3A_522 : i32
        %add3A_524 = arith.constant 0 : i32
        %add3A_525 = arith.addi %mul3A_523, %add3A_524 : i32
        %dma_start3A_526 = arith.constant 2 : i32
        %dma_start3A_527 = arith.constant 0 : i32
        %dma_start3A_528 = arith.constant 0 : i32
        %dma_start3A_529 = arith.constant 0 : i32
        %dma_start3A_530 = tpu.memref_slice %arg9[%dma_start3A_526, %dma_start3A_527, %dma_start3A_528, %dma_start3A_529] : memref<8x1x128x64xf32, #tpu.memory_space<vmem>> -> memref<1x1x128x64xf32, #tpu.memory_space<vmem>>
        %dma_start3A_531 = tpu.memref_squeeze %dma_start3A_530 : memref<1x1x128x64xf32, #tpu.memory_space<vmem>> -> memref<128x64xf32, #tpu.memory_space<vmem>>
        %dma_start3A_532 = arith.constant 0 : i32
        %dma_start3A_533 = tpu.memref_slice %arg7[%add3A_525, %dma_start3A_532] : memref<80x128xi32, #tpu.memory_space<vmem>> -> memref<1x128xi32, #tpu.memory_space<vmem>>
        %dma_start3A_534 = tpu.memref_squeeze %dma_start3A_533 : memref<1x128xi32, #tpu.memory_space<vmem>> -> memref<128xi32, #tpu.memory_space<vmem>>
        %dma_start3A_535 = arith.constant 0 : i32
        %dma_start3A_536 = arith.constant 0 : i32
        %dma_start3A_537 = tpu.memref_slice %arg2[%dma_start3A_535, %dma_start3A_536] : memref<10240x64xf32, #tpu.memory_space<hbm>> -> memref<10240x64xf32, #tpu.memory_space<hbm>>
        tpu.enqueue_indirect_dma source(%dma_start3A_537 : memref<10240x64xf32, #tpu.memory_space<hbm>>) target(%dma_start3A_531 : memref<128x64xf32, #tpu.memory_space<vmem>>) offsets(%dma_start3A_534 : memref<128xi32, #tpu.memory_space<vmem>>) semaphore(%arg13 : memref<!tpu.dma_semaphore, #tpu.memory_space<semaphore_mem>>)
      } else {
      }
      %mul3A_472 = arith.constant 8 : i32
      %mul3A_473 = arith.muli %scan3A_136, %mul3A_472 : i32
      %add3A_474 = arith.constant 7 : i32
      %add3A_475 = arith.addi %mul3A_473, %add3A_474 : i32
      %mul3A_476 = arith.constant 1 : i32
      %mul3A_477 = arith.muli %add3A_475, %mul3A_476 : i32
      %add3A_478 = arith.constant 0 : i32
      %add3A_479 = arith.addi %mul3A_477, %add3A_478 : i32
      %dma_wait3A_480 = arith.constant 7 : i32
      %dma_wait3A_481 = arith.constant 0 : i32
      %dma_wait3A_482 = arith.constant 0 : i32
      %dma_wait3A_483 = arith.constant 0 : i32
      %dma_wait3A_484 = tpu.memref_slice %arg9[%dma_wait3A_480, %dma_wait3A_481, %dma_wait3A_482, %dma_wait3A_483] : memref<8x1x128x64xf32, #tpu.memory_space<vmem>> -> memref<1x1x128x64xf32, #tpu.memory_space<vmem>>
      %dma_wait3A_485 = tpu.memref_squeeze %dma_wait3A_484 : memref<1x1x128x64xf32, #tpu.memory_space<vmem>> -> memref<128x64xf32, #tpu.memory_space<vmem>>
      %dma_wait3A_486 = arith.constant 0 : i32
      %dma_wait3A_487 = tpu.memref_slice %arg7[%add3A_479, %dma_wait3A_486] : memref<80x128xi32, #tpu.memory_space<vmem>> -> memref<1x128xi32, #tpu.memory_space<vmem>>
      %dma_wait3A_488 = tpu.memref_squeeze %dma_wait3A_487 : memref<1x128xi32, #tpu.memory_space<vmem>> -> memref<128xi32, #tpu.memory_space<vmem>>
      %dma_wait3A_489 = arith.constant 0 : i32
      %dma_wait3A_490 = arith.constant 0 : i32
      %dma_wait3A_491 = tpu.memref_slice %arg2[%dma_wait3A_489, %dma_wait3A_490] : memref<10240x64xf32, #tpu.memory_space<hbm>> -> memref<10240x64xf32, #tpu.memory_space<hbm>>
      tpu.wait_indirect_dma semaphore(%arg18 : memref<!tpu.dma_semaphore, #tpu.memory_space<semaphore_mem>>) src(%dma_wait3A_491 : memref<10240x64xf32, #tpu.memory_space<hbm>>) dst(%dma_wait3A_485 : memref<128x64xf32, #tpu.memory_space<vmem>>)
      %mul3A_492 = arith.constant 1 : i32
      %mul3A_493 = arith.muli %add3A_475, %mul3A_492 : i32
      %add3A_494 = arith.constant 0 : i32
      %add3A_495 = arith.addi %mul3A_493, %add3A_494 : i32
      %dma_start3A_496 = arith.constant 7 : i32
      %dma_start3A_497 = arith.constant 0 : i32
      %dma_start3A_498 = arith.constant 0 : i32
      %dma_start3A_499 = arith.constant 0 : i32
      %dma_start3A_500 = tpu.memref_slice %arg9[%dma_start3A_496, %dma_start3A_497, %dma_start3A_498, %dma_start3A_499] : memref<8x1x128x64xf32, #tpu.memory_space<vmem>> -> memref<1x1x128x64xf32, #tpu.memory_space<vmem>>
      %dma_start3A_501 = tpu.memref_squeeze %dma_start3A_500 : memref<1x1x128x64xf32, #tpu.memory_space<vmem>> -> memref<128x64xf32, #tpu.memory_space<vmem>>
      %dma_start3A_502 = arith.constant 0 : i32
      %dma_start3A_503 = tpu.memref_slice %arg8[%add3A_495, %dma_start3A_502] : memref<80x128xi32, #tpu.memory_space<vmem>> -> memref<1x128xi32, #tpu.memory_space<vmem>>
      %dma_start3A_504 = tpu.memref_squeeze %dma_start3A_503 : memref<1x128xi32, #tpu.memory_space<vmem>> -> memref<128xi32, #tpu.memory_space<vmem>>
      %dma_start3A_505 = arith.constant 0 : i32
      %dma_start3A_506 = arith.constant 0 : i32
      %dma_start3A_507 = tpu.memref_slice %arg10[%dma_start3A_505, %dma_start3A_506] : memref<10240x64xf32, #tpu.memory_space<vmem_shared>> -> memref<10240x64xf32, #tpu.memory_space<vmem_shared>>
      tpu.enqueue_indirect_dma source(%dma_start3A_501 : memref<128x64xf32, #tpu.memory_space<vmem>>) target(%dma_start3A_507 : memref<10240x64xf32, #tpu.memory_space<vmem_shared>>) offsets(%dma_start3A_504 : memref<128xi32, #tpu.memory_space<vmem>>) semaphore(%arg26 : memref<!tpu.dma_semaphore, #tpu.memory_space<semaphore_mem>>) {add = true}
      %ge3A_508 = arith.constant 4 : i32
      %ge3A_509 = arith.cmpi sge, %add3A_475, %ge3A_508 : i32
      %convert_element_type3A_510 = arith.extui %ge3A_509 : i1 to i32
      %cond3A_511 = arith.constant 0 : i32
      %cond3A_512 = arith.cmpi ne, %convert_element_type3A_510, %cond3A_511 : i32
      scf.if %cond3A_512 {
        %sub3A = arith.constant 4 : i32
        %sub3A_520 = arith.subi %add3A_475, %sub3A : i32
        %mul3A_521 = arith.constant 1 : i32
        %mul3A_522 = arith.muli %sub3A_520, %mul3A_521 : i32
        %add3A_523 = arith.constant 0 : i32
        %add3A_524 = arith.addi %mul3A_522, %add3A_523 : i32
        %dma_wait3A_525 = arith.constant 3 : i32
        %dma_wait3A_526 = arith.constant 0 : i32
        %dma_wait3A_527 = arith.constant 0 : i32
        %dma_wait3A_528 = arith.constant 0 : i32
        %dma_wait3A_529 = tpu.memref_slice %arg9[%dma_wait3A_525, %dma_wait3A_526, %dma_wait3A_527, %dma_wait3A_528] : memref<8x1x128x64xf32, #tpu.memory_space<vmem>> -> memref<1x1x128x64xf32, #tpu.memory_space<vmem>>
        %dma_wait3A_530 = tpu.memref_squeeze %dma_wait3A_529 : memref<1x1x128x64xf32, #tpu.memory_space<vmem>> -> memref<128x64xf32, #tpu.memory_space<vmem>>
        %dma_wait3A_531 = arith.constant 0 : i32
        %dma_wait3A_532 = tpu.memref_slice %arg8[%add3A_524, %dma_wait3A_531] : memref<80x128xi32, #tpu.memory_space<vmem>> -> memref<1x128xi32, #tpu.memory_space<vmem>>
        %dma_wait3A_533 = tpu.memref_squeeze %dma_wait3A_532 : memref<1x128xi32, #tpu.memory_space<vmem>> -> memref<128xi32, #tpu.memory_space<vmem>>
        %dma_wait3A_534 = arith.constant 0 : i32
        %dma_wait3A_535 = arith.constant 0 : i32
        %dma_wait3A_536 = tpu.memref_slice %arg10[%dma_wait3A_534, %dma_wait3A_535] : memref<10240x64xf32, #tpu.memory_space<vmem_shared>> -> memref<10240x64xf32, #tpu.memory_space<vmem_shared>>
        tpu.wait_indirect_dma semaphore(%arg22 : memref<!tpu.dma_semaphore, #tpu.memory_space<semaphore_mem>>) src(%dma_wait3A_530 : memref<128x64xf32, #tpu.memory_space<vmem>>) dst(%dma_wait3A_536 : memref<10240x64xf32, #tpu.memory_space<vmem_shared>>)
      } else {
      }
      %add3A_513 = arith.constant 4 : i32
      %add3A_514 = arith.addi %add3A_475, %add3A_513 : i32
      %lt3A_515 = arith.constant 80 : i32
      %lt3A_516 = arith.cmpi slt, %add3A_514, %lt3A_515 : i32
      %convert_element_type3A_517 = arith.extui %lt3A_516 : i1 to i32
      %cond3A_518 = arith.constant 0 : i32
      %cond3A_519 = arith.cmpi ne, %convert_element_type3A_517, %cond3A_518 : i32
      scf.if %cond3A_519 {
        %add3A_520 = arith.constant 4 : i32
        %add3A_521 = arith.addi %add3A_475, %add3A_520 : i32
        %mul3A_522 = arith.constant 1 : i32
        %mul3A_523 = arith.muli %add3A_521, %mul3A_522 : i32
        %add3A_524 = arith.constant 0 : i32
        %add3A_525 = arith.addi %mul3A_523, %add3A_524 : i32
        %dma_start3A_526 = arith.constant 3 : i32
        %dma_start3A_527 = arith.constant 0 : i32
        %dma_start3A_528 = arith.constant 0 : i32
        %dma_start3A_529 = arith.constant 0 : i32
        %dma_start3A_530 = tpu.memref_slice %arg9[%dma_start3A_526, %dma_start3A_527, %dma_start3A_528, %dma_start3A_529] : memref<8x1x128x64xf32, #tpu.memory_space<vmem>> -> memref<1x1x128x64xf32, #tpu.memory_space<vmem>>
        %dma_start3A_531 = tpu.memref_squeeze %dma_start3A_530 : memref<1x1x128x64xf32, #tpu.memory_space<vmem>> -> memref<128x64xf32, #tpu.memory_space<vmem>>
        %dma_start3A_532 = arith.constant 0 : i32
        %dma_start3A_533 = tpu.memref_slice %arg7[%add3A_525, %dma_start3A_532] : memref<80x128xi32, #tpu.memory_space<vmem>> -> memref<1x128xi32, #tpu.memory_space<vmem>>
        %dma_start3A_534 = tpu.memref_squeeze %dma_start3A_533 : memref<1x128xi32, #tpu.memory_space<vmem>> -> memref<128xi32, #tpu.memory_space<vmem>>
        %dma_start3A_535 = arith.constant 0 : i32
        %dma_start3A_536 = arith.constant 0 : i32
        %dma_start3A_537 = tpu.memref_slice %arg2[%dma_start3A_535, %dma_start3A_536] : memref<10240x64xf32, #tpu.memory_space<hbm>> -> memref<10240x64xf32, #tpu.memory_space<hbm>>
        tpu.enqueue_indirect_dma source(%dma_start3A_537 : memref<10240x64xf32, #tpu.memory_space<hbm>>) target(%dma_start3A_531 : memref<128x64xf32, #tpu.memory_space<vmem>>) offsets(%dma_start3A_534 : memref<128xi32, #tpu.memory_space<vmem>>) semaphore(%arg14 : memref<!tpu.dma_semaphore, #tpu.memory_space<semaphore_mem>>)
      } else {
      }
    }
    %scan3A_79 = arith.constant 10 : i32
    %dma_wait3A = arith.constant 4 : i32
    %dma_wait3A_80 = arith.constant 0 : i32
    %dma_wait3A_81 = arith.constant 76 : i32
    %dma_wait3A_82 = arith.constant 0 : i32
    %dma_wait3A_83 = arith.constant 0 : i32
    %dma_wait3A_84 = tpu.memref_slice %arg9[%dma_wait3A, %dma_wait3A_80, %dma_wait3A_82, %dma_wait3A_83] : memref<8x1x128x64xf32, #tpu.memory_space<vmem>> -> memref<1x1x128x64xf32, #tpu.memory_space<vmem>>
    %dma_wait3A_85 = tpu.memref_squeeze %dma_wait3A_84 : memref<1x1x128x64xf32, #tpu.memory_space<vmem>> -> memref<128x64xf32, #tpu.memory_space<vmem>>
    %dma_wait3A_86 = arith.constant 0 : i32
    %dma_wait3A_87 = tpu.memref_slice %arg8[%dma_wait3A_81, %dma_wait3A_86] : memref<80x128xi32, #tpu.memory_space<vmem>> -> memref<1x128xi32, #tpu.memory_space<vmem>>
    %dma_wait3A_88 = tpu.memref_squeeze %dma_wait3A_87 : memref<1x128xi32, #tpu.memory_space<vmem>> -> memref<128xi32, #tpu.memory_space<vmem>>
    %dma_wait3A_89 = arith.constant 0 : i32
    %dma_wait3A_90 = arith.constant 0 : i32
    %dma_wait3A_91 = tpu.memref_slice %arg10[%dma_wait3A_89, %dma_wait3A_90] : memref<10240x64xf32, #tpu.memory_space<vmem_shared>> -> memref<10240x64xf32, #tpu.memory_space<vmem_shared>>
    tpu.wait_indirect_dma semaphore(%arg23 : memref<!tpu.dma_semaphore, #tpu.memory_space<semaphore_mem>>) src(%dma_wait3A_85 : memref<128x64xf32, #tpu.memory_space<vmem>>) dst(%dma_wait3A_91 : memref<10240x64xf32, #tpu.memory_space<vmem_shared>>)
    %dma_wait3A_92 = arith.constant 5 : i32
    %dma_wait3A_93 = arith.constant 0 : i32
    %dma_wait3A_94 = arith.constant 77 : i32
    %dma_wait3A_95 = arith.constant 0 : i32
    %dma_wait3A_96 = arith.constant 0 : i32
    %dma_wait3A_97 = tpu.memref_slice %arg9[%dma_wait3A_92, %dma_wait3A_93, %dma_wait3A_95, %dma_wait3A_96] : memref<8x1x128x64xf32, #tpu.memory_space<vmem>> -> memref<1x1x128x64xf32, #tpu.memory_space<vmem>>
    %dma_wait3A_98 = tpu.memref_squeeze %dma_wait3A_97 : memref<1x1x128x64xf32, #tpu.memory_space<vmem>> -> memref<128x64xf32, #tpu.memory_space<vmem>>
    %dma_wait3A_99 = arith.constant 0 : i32
    %dma_wait3A_100 = tpu.memref_slice %arg8[%dma_wait3A_94, %dma_wait3A_99] : memref<80x128xi32, #tpu.memory_space<vmem>> -> memref<1x128xi32, #tpu.memory_space<vmem>>
    %dma_wait3A_101 = tpu.memref_squeeze %dma_wait3A_100 : memref<1x128xi32, #tpu.memory_space<vmem>> -> memref<128xi32, #tpu.memory_space<vmem>>
    %dma_wait3A_102 = arith.constant 0 : i32
    %dma_wait3A_103 = arith.constant 0 : i32
    %dma_wait3A_104 = tpu.memref_slice %arg10[%dma_wait3A_102, %dma_wait3A_103] : memref<10240x64xf32, #tpu.memory_space<vmem_shared>> -> memref<10240x64xf32, #tpu.memory_space<vmem_shared>>
    tpu.wait_indirect_dma semaphore(%arg24 : memref<!tpu.dma_semaphore, #tpu.memory_space<semaphore_mem>>) src(%dma_wait3A_98 : memref<128x64xf32, #tpu.memory_space<vmem>>) dst(%dma_wait3A_104 : memref<10240x64xf32, #tpu.memory_space<vmem_shared>>)
    %dma_wait3A_105 = arith.constant 6 : i32
    %dma_wait3A_106 = arith.constant 0 : i32
    %dma_wait3A_107 = arith.constant 78 : i32
    %dma_wait3A_108 = arith.constant 0 : i32
    %dma_wait3A_109 = arith.constant 0 : i32
    %dma_wait3A_110 = tpu.memref_slice %arg9[%dma_wait3A_105, %dma_wait3A_106, %dma_wait3A_108, %dma_wait3A_109] : memref<8x1x128x64xf32, #tpu.memory_space<vmem>> -> memref<1x1x128x64xf32, #tpu.memory_space<vmem>>
    %dma_wait3A_111 = tpu.memref_squeeze %dma_wait3A_110 : memref<1x1x128x64xf32, #tpu.memory_space<vmem>> -> memref<128x64xf32, #tpu.memory_space<vmem>>
    %dma_wait3A_112 = arith.constant 0 : i32
    %dma_wait3A_113 = tpu.memref_slice %arg8[%dma_wait3A_107, %dma_wait3A_112] : memref<80x128xi32, #tpu.memory_space<vmem>> -> memref<1x128xi32, #tpu.memory_space<vmem>>
    %dma_wait3A_114 = tpu.memref_squeeze %dma_wait3A_113 : memref<1x128xi32, #tpu.memory_space<vmem>> -> memref<128xi32, #tpu.memory_space<vmem>>
    %dma_wait3A_115 = arith.constant 0 : i32
    %dma_wait3A_116 = arith.constant 0 : i32
    %dma_wait3A_117 = tpu.memref_slice %arg10[%dma_wait3A_115, %dma_wait3A_116] : memref<10240x64xf32, #tpu.memory_space<vmem_shared>> -> memref<10240x64xf32, #tpu.memory_space<vmem_shared>>
    tpu.wait_indirect_dma semaphore(%arg25 : memref<!tpu.dma_semaphore, #tpu.memory_space<semaphore_mem>>) src(%dma_wait3A_111 : memref<128x64xf32, #tpu.memory_space<vmem>>) dst(%dma_wait3A_117 : memref<10240x64xf32, #tpu.memory_space<vmem_shared>>)
    %dma_wait3A_118 = arith.constant 7 : i32
    %dma_wait3A_119 = arith.constant 0 : i32
    %dma_wait3A_120 = arith.constant 79 : i32
    %dma_wait3A_121 = arith.constant 0 : i32
    %dma_wait3A_122 = arith.constant 0 : i32
    %dma_wait3A_123 = tpu.memref_slice %arg9[%dma_wait3A_118, %dma_wait3A_119, %dma_wait3A_121, %dma_wait3A_122] : memref<8x1x128x64xf32, #tpu.memory_space<vmem>> -> memref<1x1x128x64xf32, #tpu.memory_space<vmem>>
    %dma_wait3A_124 = tpu.memref_squeeze %dma_wait3A_123 : memref<1x1x128x64xf32, #tpu.memory_space<vmem>> -> memref<128x64xf32, #tpu.memory_space<vmem>>
    %dma_wait3A_125 = arith.constant 0 : i32
    %dma_wait3A_126 = tpu.memref_slice %arg8[%dma_wait3A_120, %dma_wait3A_125] : memref<80x128xi32, #tpu.memory_space<vmem>> -> memref<1x128xi32, #tpu.memory_space<vmem>>
    %dma_wait3A_127 = tpu.memref_squeeze %dma_wait3A_126 : memref<1x128xi32, #tpu.memory_space<vmem>> -> memref<128xi32, #tpu.memory_space<vmem>>
    %dma_wait3A_128 = arith.constant 0 : i32
    %dma_wait3A_129 = arith.constant 0 : i32
    %dma_wait3A_130 = tpu.memref_slice %arg10[%dma_wait3A_128, %dma_wait3A_129] : memref<10240x64xf32, #tpu.memory_space<vmem_shared>> -> memref<10240x64xf32, #tpu.memory_space<vmem_shared>>
    tpu.wait_indirect_dma semaphore(%arg26 : memref<!tpu.dma_semaphore, #tpu.memory_space<semaphore_mem>>) src(%dma_wait3A_124 : memref<128x64xf32, #tpu.memory_space<vmem>>) dst(%dma_wait3A_130 : memref<10240x64xf32, #tpu.memory_space<vmem_shared>>)
    %barrier3A_131 = arith.constant 0 : index
    tpu.barrier barrier_id(%barrier3A_131)
    %mul3A_132 = arith.constant 640 : i32
    %mul3A_133 = arith.muli %arg1, %mul3A_132 : i32
    %mul3A_134 = arith.constant 640 : i32
    %mul3A_135 = arith.muli %arg1, %mul3A_134 : i32
    "tpu.region"() ({
      %run_scoped3A = tpu.sem_alloc : memref<!tpu.dma_semaphore, #tpu.memory_space<semaphore_mem>>
      %dma_start3A_136 = arith.constant 0 : i32
      %dma_start3A_137 = tpu.memref_slice %arg6[%arg0, %mul3A_135, %dma_start3A_136] : memref<2x10240x64xf32, #tpu.memory_space<hbm>> -> memref<1x640x64xf32, #tpu.memory_space<hbm>>
      %dma_start3A_138 = tpu.memref_squeeze %dma_start3A_137 : memref<1x640x64xf32, #tpu.memory_space<hbm>> -> memref<640x64xf32, #tpu.memory_space<hbm>>
      %dma_start3A_139 = arith.constant 0 : i32
      %dma_start3A_140 = tpu.memref_slice %arg10[%mul3A_133, %dma_start3A_139] : memref<10240x64xf32, #tpu.memory_space<vmem_shared>> -> memref<640x64xf32, #tpu.memory_space<vmem_shared>>
      tpu.enqueue_dma source(%dma_start3A_140 : memref<640x64xf32, #tpu.memory_space<vmem_shared>>) target(%dma_start3A_138 : memref<640x64xf32, #tpu.memory_space<hbm>>) target_semaphore(%run_scoped3A : memref<!tpu.dma_semaphore, #tpu.memory_space<semaphore_mem>>)
      %dma_wait3A_141 = arith.constant 0 : i32
      %dma_wait3A_142 = tpu.memref_slice %arg6[%arg0, %mul3A_135, %dma_wait3A_141] : memref<2x10240x64xf32, #tpu.memory_space<hbm>> -> memref<1x640x64xf32, #tpu.memory_space<hbm>>
      %dma_wait3A_143 = tpu.memref_squeeze %dma_wait3A_142 : memref<1x640x64xf32, #tpu.memory_space<hbm>> -> memref<640x64xf32, #tpu.memory_space<hbm>>
      %dma_wait3A_144 = arith.constant 0 : i32
      %dma_wait3A_145 = tpu.memref_slice %arg10[%mul3A_133, %dma_wait3A_144] : memref<10240x64xf32, #tpu.memory_space<vmem_shared>> -> memref<640x64xf32, #tpu.memory_space<vmem_shared>>
      tpu.wait_dma2 semaphore(%run_scoped3A : memref<!tpu.dma_semaphore, #tpu.memory_space<semaphore_mem>>) src(%dma_wait3A_145 : memref<640x64xf32, #tpu.memory_space<vmem_shared>>) dst(%dma_wait3A_143 : memref<640x64xf32, #tpu.memory_space<hbm>>)
      tpu.yield
    }) : () -> ()
    return
  }
}

#map = affine_map<(d0, d1) -> (0, 0)>
#map1 = affine_map<(d0, d1) -> (0, 0, 0)>
module attributes {stable_mosaic.version = 14 : i64} {
  func.func @agg_kernel(%arg0: i32, %arg1: i32, %arg2: memref<10240x64xf32, #tpu.memory_space<hbm>>, %arg3: memref<2x2500x128xi32, #tpu.memory_space<hbm>>, %arg4: memref<60x128xi32, #tpu.memory_space<hbm>>, %arg5: memref<60x128xi32, #tpu.memory_space<hbm>>, %arg6: memref<2x10240x64xf32, #tpu.memory_space<hbm>>, %arg7: memref<80x128xi32, #tpu.memory_space<vmem>>, %arg8: memref<80x128xi32, #tpu.memory_space<vmem>>, %arg9: memref<8x1x128x64xf32, #tpu.memory_space<vmem>>, %arg10: memref<10240x64xf32, #tpu.memory_space<vmem_shared>>, %arg11: memref<!tpu.dma_semaphore, #tpu.memory_space<semaphore_mem>>, %arg12: memref<!tpu.dma_semaphore, #tpu.memory_space<semaphore_mem>>, %arg13: memref<!tpu.dma_semaphore, #tpu.memory_space<semaphore_mem>>, %arg14: memref<!tpu.dma_semaphore, #tpu.memory_space<semaphore_mem>>, %arg15: memref<!tpu.dma_semaphore, #tpu.memory_space<semaphore_mem>>, %arg16: memref<!tpu.dma_semaphore, #tpu.memory_space<semaphore_mem>>, %arg17: memref<!tpu.dma_semaphore, #tpu.memory_space<semaphore_mem>>, %arg18: memref<!tpu.dma_semaphore, #tpu.memory_space<semaphore_mem>>, %arg19: memref<!tpu.dma_semaphore, #tpu.memory_space<semaphore_mem>>, %arg20: memref<!tpu.dma_semaphore, #tpu.memory_space<semaphore_mem>>, %arg21: memref<!tpu.dma_semaphore, #tpu.memory_space<semaphore_mem>>, %arg22: memref<!tpu.dma_semaphore, #tpu.memory_space<semaphore_mem>>, %arg23: memref<!tpu.dma_semaphore, #tpu.memory_space<semaphore_mem>>, %arg24: memref<!tpu.dma_semaphore, #tpu.memory_space<semaphore_mem>>, %arg25: memref<!tpu.dma_semaphore, #tpu.memory_space<semaphore_mem>>, %arg26: memref<!tpu.dma_semaphore, #tpu.memory_space<semaphore_mem>>) attributes {dimension_semantics = [#tpu.dimension_semantics<core_parallel>, #tpu.dimension_semantics<subcore_parallel>], iteration_bounds = array<i64: 2, 16>, scalar_prefetch = 0 : i64, scratch_operands = 20 : i64, tpu.core_type = #tpu.core_type<sc_vector_subcore>, window_params = [{transform_indices = #map}, {transform_indices = #map1}, {transform_indices = #map}, {transform_indices = #map}, {transform_indices = #map1}]} {
    %mul3A = arith.constant 2 : i32
    %mul3A_0 = arith.muli %arg1, %mul3A : i32
    %add3A = arith.addi %mul3A_0, %arg0 : i32
    %lt3A = arith.constant 31 : i32
    %lt3A_1 = arith.cmpi slt, %add3A, %lt3A : i32
    %convert_element_type3A = arith.extui %lt3A_1 : i1 to i32
    %cond3A = arith.constant 0 : i32
    %cond3A_2 = arith.constant 0 : i32
    %cond3A_3 = arith.cmpi ne, %convert_element_type3A, %cond3A_2 : i32
    scf.if %cond3A_3 {
      %mul3A_136 = arith.constant 80 : i32
      %mul3A_137 = arith.muli %add3A, %mul3A_136 : i32
      "tpu.region"() ({
        %run_scoped3A = tpu.sem_alloc : memref<!tpu.dma_semaphore, #tpu.memory_space<semaphore_mem>>
        %dma_start3A_138 = arith.constant 0 : i32
        %dma_start3A_139 = arith.constant 0 : i32
        %dma_start3A_140 = tpu.memref_slice %arg3[%cond3A, %dma_start3A_138, %dma_start3A_139] : memref<2x2500x128xi32, #tpu.memory_space<hbm>> -> memref<1x2500x128xi32, #tpu.memory_space<hbm>>
        %dma_start3A_141 = tpu.memref_squeeze %dma_start3A_140 : memref<1x2500x128xi32, #tpu.memory_space<hbm>> -> memref<2500x128xi32, #tpu.memory_space<hbm>>
        %dma_start3A_142 = arith.constant 0 : i32
        %dma_start3A_143 = tpu.memref_slice %dma_start3A_141[%mul3A_137, %dma_start3A_142] : memref<2500x128xi32, #tpu.memory_space<hbm>> -> memref<80x128xi32, #tpu.memory_space<hbm>>
        %dma_start3A_144 = arith.constant 0 : i32
        %dma_start3A_145 = arith.constant 0 : i32
        %dma_start3A_146 = tpu.memref_slice %arg3[%cond3A, %dma_start3A_144, %dma_start3A_145] : memref<2x2500x128xi32, #tpu.memory_space<hbm>> -> memref<1x2500x128xi32, #tpu.memory_space<hbm>>
        %dma_start3A_147 = tpu.memref_squeeze %dma_start3A_146 : memref<1x2500x128xi32, #tpu.memory_space<hbm>> -> memref<2500x128xi32, #tpu.memory_space<hbm>>
        %dma_start3A_148 = arith.constant 0 : i32
        %dma_start3A_149 = tpu.memref_slice %dma_start3A_147[%mul3A_137, %dma_start3A_148] : memref<2500x128xi32, #tpu.memory_space<hbm>> -> memref<80x128xi32, #tpu.memory_space<hbm>>
        tpu.enqueue_dma source(%dma_start3A_149 : memref<80x128xi32, #tpu.memory_space<hbm>>) target(%arg7 : memref<80x128xi32, #tpu.memory_space<vmem>>) target_semaphore(%run_scoped3A : memref<!tpu.dma_semaphore, #tpu.memory_space<semaphore_mem>>)
        %dma_wait3A_150 = arith.constant 0 : i32
        %dma_wait3A_151 = arith.constant 0 : i32
        %dma_wait3A_152 = tpu.memref_slice %arg3[%cond3A, %dma_wait3A_150, %dma_wait3A_151] : memref<2x2500x128xi32, #tpu.memory_space<hbm>> -> memref<1x2500x128xi32, #tpu.memory_space<hbm>>
        %dma_wait3A_153 = tpu.memref_squeeze %dma_wait3A_152 : memref<1x2500x128xi32, #tpu.memory_space<hbm>> -> memref<2500x128xi32, #tpu.memory_space<hbm>>
        %dma_wait3A_154 = arith.constant 0 : i32
        %dma_wait3A_155 = tpu.memref_slice %dma_wait3A_153[%mul3A_137, %dma_wait3A_154] : memref<2500x128xi32, #tpu.memory_space<hbm>> -> memref<80x128xi32, #tpu.memory_space<hbm>>
        %dma_wait3A_156 = arith.constant 0 : i32
        %dma_wait3A_157 = arith.constant 0 : i32
        %dma_wait3A_158 = tpu.memref_slice %arg3[%cond3A, %dma_wait3A_156, %dma_wait3A_157] : memref<2x2500x128xi32, #tpu.memory_space<hbm>> -> memref<1x2500x128xi32, #tpu.memory_space<hbm>>
        %dma_wait3A_159 = tpu.memref_squeeze %dma_wait3A_158 : memref<1x2500x128xi32, #tpu.memory_space<hbm>> -> memref<2500x128xi32, #tpu.memory_space<hbm>>
        %dma_wait3A_160 = arith.constant 0 : i32
        %dma_wait3A_161 = tpu.memref_slice %dma_wait3A_159[%mul3A_137, %dma_wait3A_160] : memref<2500x128xi32, #tpu.memory_space<hbm>> -> memref<80x128xi32, #tpu.memory_space<hbm>>
        tpu.wait_dma2 semaphore(%run_scoped3A : memref<!tpu.dma_semaphore, #tpu.memory_space<semaphore_mem>>) src(%dma_wait3A_161 : memref<80x128xi32, #tpu.memory_space<hbm>>) dst(%arg7 : memref<80x128xi32, #tpu.memory_space<vmem>>)
        tpu.yield
      }) : () -> ()
    } else {
    }
    %eq3A = arith.constant 31 : i32
    %eq3A_4 = arith.cmpi eq, %add3A, %eq3A : i32
    %convert_element_type3A_5 = arith.extui %eq3A_4 : i1 to i32
    %cond3A_6 = arith.constant 0 : i32
    %cond3A_7 = arith.constant 0 : i32
    %cond3A_8 = arith.cmpi ne, %convert_element_type3A_5, %cond3A_7 : i32
    scf.if %cond3A_8 {
      "tpu.region"() ({
        %run_scoped3A = tpu.sem_alloc : memref<!tpu.dma_semaphore, #tpu.memory_space<semaphore_mem>>
        %dma_start3A_136 = arith.constant 0 : i32
        %dma_start3A_137 = arith.constant 0 : i32
        %dma_start3A_138 = tpu.memref_slice %arg7[%dma_start3A_136, %dma_start3A_137] : memref<80x128xi32, #tpu.memory_space<vmem>> -> memref<20x128xi32, #tpu.memory_space<vmem>>
        %dma_start3A_139 = arith.constant 0 : i32
        %dma_start3A_140 = arith.constant 0 : i32
        %dma_start3A_141 = tpu.memref_slice %arg3[%cond3A_6, %dma_start3A_139, %dma_start3A_140] : memref<2x2500x128xi32, #tpu.memory_space<hbm>> -> memref<1x2500x128xi32, #tpu.memory_space<hbm>>
        %dma_start3A_142 = tpu.memref_squeeze %dma_start3A_141 : memref<1x2500x128xi32, #tpu.memory_space<hbm>> -> memref<2500x128xi32, #tpu.memory_space<hbm>>
        %dma_start3A_143 = arith.constant 2480 : i32
        %dma_start3A_144 = arith.constant 0 : i32
        %dma_start3A_145 = tpu.memref_slice %dma_start3A_142[%dma_start3A_143, %dma_start3A_144] : memref<2500x128xi32, #tpu.memory_space<hbm>> -> memref<20x128xi32, #tpu.memory_space<hbm>>
        %dma_start3A_146 = arith.constant 0 : i32
        %dma_start3A_147 = arith.constant 0 : i32
        %dma_start3A_148 = tpu.memref_slice %arg7[%dma_start3A_146, %dma_start3A_147] : memref<80x128xi32, #tpu.memory_space<vmem>> -> memref<20x128xi32, #tpu.memory_space<vmem>>
        %dma_start3A_149 = arith.constant 0 : i32
        %dma_start3A_150 = arith.constant 0 : i32
        %dma_start3A_151 = tpu.memref_slice %arg3[%cond3A_6, %dma_start3A_149, %dma_start3A_150] : memref<2x2500x128xi32, #tpu.memory_space<hbm>> -> memref<1x2500x128xi32, #tpu.memory_space<hbm>>
        %dma_start3A_152 = tpu.memref_squeeze %dma_start3A_151 : memref<1x2500x128xi32, #tpu.memory_space<hbm>> -> memref<2500x128xi32, #tpu.memory_space<hbm>>
        %dma_start3A_153 = arith.constant 2480 : i32
        %dma_start3A_154 = arith.constant 0 : i32
        %dma_start3A_155 = tpu.memref_slice %dma_start3A_152[%dma_start3A_153, %dma_start3A_154] : memref<2500x128xi32, #tpu.memory_space<hbm>> -> memref<20x128xi32, #tpu.memory_space<hbm>>
        tpu.enqueue_dma source(%dma_start3A_155 : memref<20x128xi32, #tpu.memory_space<hbm>>) target(%dma_start3A_148 : memref<20x128xi32, #tpu.memory_space<vmem>>) target_semaphore(%run_scoped3A : memref<!tpu.dma_semaphore, #tpu.memory_space<semaphore_mem>>)
        %dma_wait3A_156 = arith.constant 0 : i32
        %dma_wait3A_157 = arith.constant 0 : i32
        %dma_wait3A_158 = tpu.memref_slice %arg7[%dma_wait3A_156, %dma_wait3A_157] : memref<80x128xi32, #tpu.memory_space<vmem>> -> memref<20x128xi32, #tpu.memory_space<vmem>>
        %dma_wait3A_159 = arith.constant 0 : i32
        %dma_wait3A_160 = arith.constant 0 : i32
        %dma_wait3A_161 = tpu.memref_slice %arg3[%cond3A_6, %dma_wait3A_159, %dma_wait3A_160] : memref<2x2500x128xi32, #tpu.memory_space<hbm>> -> memref<1x2500x128xi32, #tpu.memory_space<hbm>>
        %dma_wait3A_162 = tpu.memref_squeeze %dma_wait3A_161 : memref<1x2500x128xi32, #tpu.memory_space<hbm>> -> memref<2500x128xi32, #tpu.memory_space<hbm>>
        %dma_wait3A_163 = arith.constant 2480 : i32
        %dma_wait3A_164 = arith.constant 0 : i32
        %dma_wait3A_165 = tpu.memref_slice %dma_wait3A_162[%dma_wait3A_163, %dma_wait3A_164] : memref<2500x128xi32, #tpu.memory_space<hbm>> -> memref<20x128xi32, #tpu.memory_space<hbm>>
        %dma_wait3A_166 = arith.constant 0 : i32
        %dma_wait3A_167 = arith.constant 0 : i32
        %dma_wait3A_168 = tpu.memref_slice %arg7[%dma_wait3A_166, %dma_wait3A_167] : memref<80x128xi32, #tpu.memory_space<vmem>> -> memref<20x128xi32, #tpu.memory_space<vmem>>
        %dma_wait3A_169 = arith.constant 0 : i32
        %dma_wait3A_170 = arith.constant 0 : i32
        %dma_wait3A_171 = tpu.memref_slice %arg3[%cond3A_6, %dma_wait3A_169, %dma_wait3A_170] : memref<2x2500x128xi32, #tpu.memory_space<hbm>> -> memref<1x2500x128xi32, #tpu.memory_space<hbm>>
        %dma_wait3A_172 = tpu.memref_squeeze %dma_wait3A_171 : memref<1x2500x128xi32, #tpu.memory_space<hbm>> -> memref<2500x128xi32, #tpu.memory_space<hbm>>
        %dma_wait3A_173 = arith.constant 2480 : i32
        %dma_wait3A_174 = arith.constant 0 : i32
        %dma_wait3A_175 = tpu.memref_slice %dma_wait3A_172[%dma_wait3A_173, %dma_wait3A_174] : memref<2500x128xi32, #tpu.memory_space<hbm>> -> memref<20x128xi32, #tpu.memory_space<hbm>>
        tpu.wait_dma2 semaphore(%run_scoped3A : memref<!tpu.dma_semaphore, #tpu.memory_space<semaphore_mem>>) src(%dma_wait3A_175 : memref<20x128xi32, #tpu.memory_space<hbm>>) dst(%dma_wait3A_168 : memref<20x128xi32, #tpu.memory_space<vmem>>)
        tpu.yield
      }) : () -> ()
      "tpu.region"() ({
        %run_scoped3A = tpu.sem_alloc : memref<!tpu.dma_semaphore, #tpu.memory_space<semaphore_mem>>
        %dma_start3A_136 = arith.constant 20 : i32
        %dma_start3A_137 = arith.constant 0 : i32
        %dma_start3A_138 = tpu.memref_slice %arg7[%dma_start3A_136, %dma_start3A_137] : memref<80x128xi32, #tpu.memory_space<vmem>> -> memref<60x128xi32, #tpu.memory_space<vmem>>
        %dma_start3A_139 = arith.constant 20 : i32
        %dma_start3A_140 = arith.constant 0 : i32
        %dma_start3A_141 = tpu.memref_slice %arg7[%dma_start3A_139, %dma_start3A_140] : memref<80x128xi32, #tpu.memory_space<vmem>> -> memref<60x128xi32, #tpu.memory_space<vmem>>
        tpu.enqueue_dma source(%arg4 : memref<60x128xi32, #tpu.memory_space<hbm>>) target(%dma_start3A_141 : memref<60x128xi32, #tpu.memory_space<vmem>>) target_semaphore(%run_scoped3A : memref<!tpu.dma_semaphore, #tpu.memory_space<semaphore_mem>>)
        %dma_wait3A_142 = arith.constant 20 : i32
        %dma_wait3A_143 = arith.constant 0 : i32
        %dma_wait3A_144 = tpu.memref_slice %arg7[%dma_wait3A_142, %dma_wait3A_143] : memref<80x128xi32, #tpu.memory_space<vmem>> -> memref<60x128xi32, #tpu.memory_space<vmem>>
        %dma_wait3A_145 = arith.constant 20 : i32
        %dma_wait3A_146 = arith.constant 0 : i32
        %dma_wait3A_147 = tpu.memref_slice %arg7[%dma_wait3A_145, %dma_wait3A_146] : memref<80x128xi32, #tpu.memory_space<vmem>> -> memref<60x128xi32, #tpu.memory_space<vmem>>
        tpu.wait_dma2 semaphore(%run_scoped3A : memref<!tpu.dma_semaphore, #tpu.memory_space<semaphore_mem>>) src(%arg4 : memref<60x128xi32, #tpu.memory_space<hbm>>) dst(%dma_wait3A_147 : memref<60x128xi32, #tpu.memory_space<vmem>>)
        tpu.yield
      }) : () -> ()
    } else {
    }
    %lt3A_9 = arith.constant 31 : i32
    %lt3A_10 = arith.cmpi slt, %add3A, %lt3A_9 : i32
    %convert_element_type3A_11 = arith.extui %lt3A_10 : i1 to i32
    %cond3A_12 = arith.constant 1 : i32
    %cond3A_13 = arith.constant 0 : i32
    %cond3A_14 = arith.cmpi ne, %convert_element_type3A_11, %cond3A_13 : i32
    scf.if %cond3A_14 {
      %mul3A_136 = arith.constant 80 : i32
      %mul3A_137 = arith.muli %add3A, %mul3A_136 : i32
      "tpu.region"() ({
        %run_scoped3A = tpu.sem_alloc : memref<!tpu.dma_semaphore, #tpu.memory_space<semaphore_mem>>
        %dma_start3A_138 = arith.constant 0 : i32
        %dma_start3A_139 = arith.constant 0 : i32
        %dma_start3A_140 = tpu.memref_slice %arg3[%cond3A_12, %dma_start3A_138, %dma_start3A_139] : memref<2x2500x128xi32, #tpu.memory_space<hbm>> -> memref<1x2500x128xi32, #tpu.memory_space<hbm>>
        %dma_start3A_141 = tpu.memref_squeeze %dma_start3A_140 : memref<1x2500x128xi32, #tpu.memory_space<hbm>> -> memref<2500x128xi32, #tpu.memory_space<hbm>>
        %dma_start3A_142 = arith.constant 0 : i32
        %dma_start3A_143 = tpu.memref_slice %dma_start3A_141[%mul3A_137, %dma_start3A_142] : memref<2500x128xi32, #tpu.memory_space<hbm>> -> memref<80x128xi32, #tpu.memory_space<hbm>>
        %dma_start3A_144 = arith.constant 0 : i32
        %dma_start3A_145 = arith.constant 0 : i32
        %dma_start3A_146 = tpu.memref_slice %arg3[%cond3A_12, %dma_start3A_144, %dma_start3A_145] : memref<2x2500x128xi32, #tpu.memory_space<hbm>> -> memref<1x2500x128xi32, #tpu.memory_space<hbm>>
        %dma_start3A_147 = tpu.memref_squeeze %dma_start3A_146 : memref<1x2500x128xi32, #tpu.memory_space<hbm>> -> memref<2500x128xi32, #tpu.memory_space<hbm>>
        %dma_start3A_148 = arith.constant 0 : i32
        %dma_start3A_149 = tpu.memref_slice %dma_start3A_147[%mul3A_137, %dma_start3A_148] : memref<2500x128xi32, #tpu.memory_space<hbm>> -> memref<80x128xi32, #tpu.memory_space<hbm>>
        tpu.enqueue_dma source(%dma_start3A_149 : memref<80x128xi32, #tpu.memory_space<hbm>>) target(%arg8 : memref<80x128xi32, #tpu.memory_space<vmem>>) target_semaphore(%run_scoped3A : memref<!tpu.dma_semaphore, #tpu.memory_space<semaphore_mem>>)
        %dma_wait3A_150 = arith.constant 0 : i32
        %dma_wait3A_151 = arith.constant 0 : i32
        %dma_wait3A_152 = tpu.memref_slice %arg3[%cond3A_12, %dma_wait3A_150, %dma_wait3A_151] : memref<2x2500x128xi32, #tpu.memory_space<hbm>> -> memref<1x2500x128xi32, #tpu.memory_space<hbm>>
        %dma_wait3A_153 = tpu.memref_squeeze %dma_wait3A_152 : memref<1x2500x128xi32, #tpu.memory_space<hbm>> -> memref<2500x128xi32, #tpu.memory_space<hbm>>
        %dma_wait3A_154 = arith.constant 0 : i32
        %dma_wait3A_155 = tpu.memref_slice %dma_wait3A_153[%mul3A_137, %dma_wait3A_154] : memref<2500x128xi32, #tpu.memory_space<hbm>> -> memref<80x128xi32, #tpu.memory_space<hbm>>
        %dma_wait3A_156 = arith.constant 0 : i32
        %dma_wait3A_157 = arith.constant 0 : i32
        %dma_wait3A_158 = tpu.memref_slice %arg3[%cond3A_12, %dma_wait3A_156, %dma_wait3A_157] : memref<2x2500x128xi32, #tpu.memory_space<hbm>> -> memref<1x2500x128xi32, #tpu.memory_space<hbm>>
        %dma_wait3A_159 = tpu.memref_squeeze %dma_wait3A_158 : memref<1x2500x128xi32, #tpu.memory_space<hbm>> -> memref<2500x128xi32, #tpu.memory_space<hbm>>
        %dma_wait3A_160 = arith.constant 0 : i32
        %dma_wait3A_161 = tpu.memref_slice %dma_wait3A_159[%mul3A_137, %dma_wait3A_160] : memref<2500x128xi32, #tpu.memory_space<hbm>> -> memref<80x128xi32, #tpu.memory_space<hbm>>
        tpu.wait_dma2 semaphore(%run_scoped3A : memref<!tpu.dma_semaphore, #tpu.memory_space<semaphore_mem>>) src(%dma_wait3A_161 : memref<80x128xi32, #tpu.memory_space<hbm>>) dst(%arg8 : memref<80x128xi32, #tpu.memory_space<vmem>>)
        tpu.yield
      }) : () -> ()
    } else {
    }
    %eq3A_15 = arith.constant 31 : i32
    %eq3A_16 = arith.cmpi eq, %add3A, %eq3A_15 : i32
    %convert_element_type3A_17 = arith.extui %eq3A_16 : i1 to i32
    %cond3A_18 = arith.constant 1 : i32
    %cond3A_19 = arith.constant 0 : i32
    %cond3A_20 = arith.cmpi ne, %convert_element_type3A_17, %cond3A_19 : i32
    scf.if %cond3A_20 {
      "tpu.region"() ({
        %run_scoped3A = tpu.sem_alloc : memref<!tpu.dma_semaphore, #tpu.memory_space<semaphore_mem>>
        %dma_start3A_136 = arith.constant 0 : i32
        %dma_start3A_137 = arith.constant 0 : i32
        %dma_start3A_138 = tpu.memref_slice %arg8[%dma_start3A_136, %dma_start3A_137] : memref<80x128xi32, #tpu.memory_space<vmem>> -> memref<20x128xi32, #tpu.memory_space<vmem>>
        %dma_start3A_139 = arith.constant 0 : i32
        %dma_start3A_140 = arith.constant 0 : i32
        %dma_start3A_141 = tpu.memref_slice %arg3[%cond3A_18, %dma_start3A_139, %dma_start3A_140] : memref<2x2500x128xi32, #tpu.memory_space<hbm>> -> memref<1x2500x128xi32, #tpu.memory_space<hbm>>
        %dma_start3A_142 = tpu.memref_squeeze %dma_start3A_141 : memref<1x2500x128xi32, #tpu.memory_space<hbm>> -> memref<2500x128xi32, #tpu.memory_space<hbm>>
        %dma_start3A_143 = arith.constant 2480 : i32
        %dma_start3A_144 = arith.constant 0 : i32
        %dma_start3A_145 = tpu.memref_slice %dma_start3A_142[%dma_start3A_143, %dma_start3A_144] : memref<2500x128xi32, #tpu.memory_space<hbm>> -> memref<20x128xi32, #tpu.memory_space<hbm>>
        %dma_start3A_146 = arith.constant 0 : i32
        %dma_start3A_147 = arith.constant 0 : i32
        %dma_start3A_148 = tpu.memref_slice %arg8[%dma_start3A_146, %dma_start3A_147] : memref<80x128xi32, #tpu.memory_space<vmem>> -> memref<20x128xi32, #tpu.memory_space<vmem>>
        %dma_start3A_149 = arith.constant 0 : i32
        %dma_start3A_150 = arith.constant 0 : i32
        %dma_start3A_151 = tpu.memref_slice %arg3[%cond3A_18, %dma_start3A_149, %dma_start3A_150] : memref<2x2500x128xi32, #tpu.memory_space<hbm>> -> memref<1x2500x128xi32, #tpu.memory_space<hbm>>
        %dma_start3A_152 = tpu.memref_squeeze %dma_start3A_151 : memref<1x2500x128xi32, #tpu.memory_space<hbm>> -> memref<2500x128xi32, #tpu.memory_space<hbm>>
        %dma_start3A_153 = arith.constant 2480 : i32
        %dma_start3A_154 = arith.constant 0 : i32
        %dma_start3A_155 = tpu.memref_slice %dma_start3A_152[%dma_start3A_153, %dma_start3A_154] : memref<2500x128xi32, #tpu.memory_space<hbm>> -> memref<20x128xi32, #tpu.memory_space<hbm>>
        tpu.enqueue_dma source(%dma_start3A_155 : memref<20x128xi32, #tpu.memory_space<hbm>>) target(%dma_start3A_148 : memref<20x128xi32, #tpu.memory_space<vmem>>) target_semaphore(%run_scoped3A : memref<!tpu.dma_semaphore, #tpu.memory_space<semaphore_mem>>)
        %dma_wait3A_156 = arith.constant 0 : i32
        %dma_wait3A_157 = arith.constant 0 : i32
        %dma_wait3A_158 = tpu.memref_slice %arg8[%dma_wait3A_156, %dma_wait3A_157] : memref<80x128xi32, #tpu.memory_space<vmem>> -> memref<20x128xi32, #tpu.memory_space<vmem>>
        %dma_wait3A_159 = arith.constant 0 : i32
        %dma_wait3A_160 = arith.constant 0 : i32
        %dma_wait3A_161 = tpu.memref_slice %arg3[%cond3A_18, %dma_wait3A_159, %dma_wait3A_160] : memref<2x2500x128xi32, #tpu.memory_space<hbm>> -> memref<1x2500x128xi32, #tpu.memory_space<hbm>>
        %dma_wait3A_162 = tpu.memref_squeeze %dma_wait3A_161 : memref<1x2500x128xi32, #tpu.memory_space<hbm>> -> memref<2500x128xi32, #tpu.memory_space<hbm>>
        %dma_wait3A_163 = arith.constant 2480 : i32
        %dma_wait3A_164 = arith.constant 0 : i32
        %dma_wait3A_165 = tpu.memref_slice %dma_wait3A_162[%dma_wait3A_163, %dma_wait3A_164] : memref<2500x128xi32, #tpu.memory_space<hbm>> -> memref<20x128xi32, #tpu.memory_space<hbm>>
        %dma_wait3A_166 = arith.constant 0 : i32
        %dma_wait3A_167 = arith.constant 0 : i32
        %dma_wait3A_168 = tpu.memref_slice %arg8[%dma_wait3A_166, %dma_wait3A_167] : memref<80x128xi32, #tpu.memory_space<vmem>> -> memref<20x128xi32, #tpu.memory_space<vmem>>
        %dma_wait3A_169 = arith.constant 0 : i32
        %dma_wait3A_170 = arith.constant 0 : i32
        %dma_wait3A_171 = tpu.memref_slice %arg3[%cond3A_18, %dma_wait3A_169, %dma_wait3A_170] : memref<2x2500x128xi32, #tpu.memory_space<hbm>> -> memref<1x2500x128xi32, #tpu.memory_space<hbm>>
        %dma_wait3A_172 = tpu.memref_squeeze %dma_wait3A_171 : memref<1x2500x128xi32, #tpu.memory_space<hbm>> -> memref<2500x128xi32, #tpu.memory_space<hbm>>
        %dma_wait3A_173 = arith.constant 2480 : i32
        %dma_wait3A_174 = arith.constant 0 : i32
        %dma_wait3A_175 = tpu.memref_slice %dma_wait3A_172[%dma_wait3A_173, %dma_wait3A_174] : memref<2500x128xi32, #tpu.memory_space<hbm>> -> memref<20x128xi32, #tpu.memory_space<hbm>>
        tpu.wait_dma2 semaphore(%run_scoped3A : memref<!tpu.dma_semaphore, #tpu.memory_space<semaphore_mem>>) src(%dma_wait3A_175 : memref<20x128xi32, #tpu.memory_space<hbm>>) dst(%dma_wait3A_168 : memref<20x128xi32, #tpu.memory_space<vmem>>)
        tpu.yield
      }) : () -> ()
      "tpu.region"() ({
        %run_scoped3A = tpu.sem_alloc : memref<!tpu.dma_semaphore, #tpu.memory_space<semaphore_mem>>
        %dma_start3A_136 = arith.constant 20 : i32
        %dma_start3A_137 = arith.constant 0 : i32
        %dma_start3A_138 = tpu.memref_slice %arg8[%dma_start3A_136, %dma_start3A_137] : memref<80x128xi32, #tpu.memory_space<vmem>> -> memref<60x128xi32, #tpu.memory_space<vmem>>
        %dma_start3A_139 = arith.constant 20 : i32
        %dma_start3A_140 = arith.constant 0 : i32
        %dma_start3A_141 = tpu.memref_slice %arg8[%dma_start3A_139, %dma_start3A_140] : memref<80x128xi32, #tpu.memory_space<vmem>> -> memref<60x128xi32, #tpu.memory_space<vmem>>
        tpu.enqueue_dma source(%arg5 : memref<60x128xi32, #tpu.memory_space<hbm>>) target(%dma_start3A_141 : memref<60x128xi32, #tpu.memory_space<vmem>>) target_semaphore(%run_scoped3A : memref<!tpu.dma_semaphore, #tpu.memory_space<semaphore_mem>>)
        %dma_wait3A_142 = arith.constant 20 : i32
        %dma_wait3A_143 = arith.constant 0 : i32
        %dma_wait3A_144 = tpu.memref_slice %arg8[%dma_wait3A_142, %dma_wait3A_143] : memref<80x128xi32, #tpu.memory_space<vmem>> -> memref<60x128xi32, #tpu.memory_space<vmem>>
        %dma_wait3A_145 = arith.constant 20 : i32
        %dma_wait3A_146 = arith.constant 0 : i32
        %dma_wait3A_147 = tpu.memref_slice %arg8[%dma_wait3A_145, %dma_wait3A_146] : memref<80x128xi32, #tpu.memory_space<vmem>> -> memref<60x128xi32, #tpu.memory_space<vmem>>
        tpu.wait_dma2 semaphore(%run_scoped3A : memref<!tpu.dma_semaphore, #tpu.memory_space<semaphore_mem>>) src(%arg5 : memref<60x128xi32, #tpu.memory_space<hbm>>) dst(%dma_wait3A_147 : memref<60x128xi32, #tpu.memory_space<vmem>>)
        tpu.yield
      }) : () -> ()
    } else {
    }
    %dma_start3A = arith.constant 0 : i32
    %dma_start3A_21 = arith.constant 0 : i32
    %dma_start3A_22 = arith.constant 0 : i32
    %dma_start3A_23 = arith.constant 0 : i32
    %dma_start3A_24 = arith.constant 0 : i32
    %dma_start3A_25 = tpu.memref_slice %arg9[%dma_start3A_21, %dma_start3A_22, %dma_start3A_23, %dma_start3A_24] : memref<8x1x128x64xf32, #tpu.memory_space<vmem>> -> memref<1x1x128x64xf32, #tpu.memory_space<vmem>>
    %dma_start3A_26 = tpu.memref_squeeze %dma_start3A_25 : memref<1x1x128x64xf32, #tpu.memory_space<vmem>> -> memref<128x64xf32, #tpu.memory_space<vmem>>
    %dma_start3A_27 = arith.constant 0 : i32
    %dma_start3A_28 = tpu.memref_slice %arg7[%dma_start3A, %dma_start3A_27] : memref<80x128xi32, #tpu.memory_space<vmem>> -> memref<1x128xi32, #tpu.memory_space<vmem>>
    %dma_start3A_29 = tpu.memref_squeeze %dma_start3A_28 : memref<1x128xi32, #tpu.memory_space<vmem>> -> memref<128xi32, #tpu.memory_space<vmem>>
    %dma_start3A_30 = arith.constant 0 : i32
    %dma_start3A_31 = arith.constant 0 : i32
    %dma_start3A_32 = tpu.memref_slice %arg2[%dma_start3A_30, %dma_start3A_31] : memref<10240x64xf32, #tpu.memory_space<hbm>> -> memref<10240x64xf32, #tpu.memory_space<hbm>>
    tpu.enqueue_indirect_dma source(%dma_start3A_32 : memref<10240x64xf32, #tpu.memory_space<hbm>>) target(%dma_start3A_26 : memref<128x64xf32, #tpu.memory_space<vmem>>) offsets(%dma_start3A_29 : memref<128xi32, #tpu.memory_space<vmem>>) semaphore(%arg11 : memref<!tpu.dma_semaphore, #tpu.memory_space<semaphore_mem>>)
    %dma_start3A_33 = arith.constant 1 : i32
    %dma_start3A_34 = arith.constant 1 : i32
    %dma_start3A_35 = arith.constant 0 : i32
    %dma_start3A_36 = arith.constant 0 : i32
    %dma_start3A_37 = arith.constant 0 : i32
    %dma_start3A_38 = tpu.memref_slice %arg9[%dma_start3A_34, %dma_start3A_35, %dma_start3A_36, %dma_start3A_37] : memref<8x1x128x64xf32, #tpu.memory_space<vmem>> -> memref<1x1x128x64xf32, #tpu.memory_space<vmem>>
    %dma_start3A_39 = tpu.memref_squeeze %dma_start3A_38 : memref<1x1x128x64xf32, #tpu.memory_space<vmem>> -> memref<128x64xf32, #tpu.memory_space<vmem>>
    %dma_start3A_40 = arith.constant 0 : i32
    %dma_start3A_41 = tpu.memref_slice %arg7[%dma_start3A_33, %dma_start3A_40] : memref<80x128xi32, #tpu.memory_space<vmem>> -> memref<1x128xi32, #tpu.memory_space<vmem>>
    %dma_start3A_42 = tpu.memref_squeeze %dma_start3A_41 : memref<1x128xi32, #tpu.memory_space<vmem>> -> memref<128xi32, #tpu.memory_space<vmem>>
    %dma_start3A_43 = arith.constant 0 : i32
    %dma_start3A_44 = arith.constant 0 : i32
    %dma_start3A_45 = tpu.memref_slice %arg2[%dma_start3A_43, %dma_start3A_44] : memref<10240x64xf32, #tpu.memory_space<hbm>> -> memref<10240x64xf32, #tpu.memory_space<hbm>>
    tpu.enqueue_indirect_dma source(%dma_start3A_45 : memref<10240x64xf32, #tpu.memory_space<hbm>>) target(%dma_start3A_39 : memref<128x64xf32, #tpu.memory_space<vmem>>) offsets(%dma_start3A_42 : memref<128xi32, #tpu.memory_space<vmem>>) semaphore(%arg12 : memref<!tpu.dma_semaphore, #tpu.memory_space<semaphore_mem>>)
    %dma_start3A_46 = arith.constant 2 : i32
    %dma_start3A_47 = arith.constant 2 : i32
    %dma_start3A_48 = arith.constant 0 : i32
    %dma_start3A_49 = arith.constant 0 : i32
    %dma_start3A_50 = arith.constant 0 : i32
    %dma_start3A_51 = tpu.memref_slice %arg9[%dma_start3A_47, %dma_start3A_48, %dma_start3A_49, %dma_start3A_50] : memref<8x1x128x64xf32, #tpu.memory_space<vmem>> -> memref<1x1x128x64xf32, #tpu.memory_space<vmem>>
    %dma_start3A_52 = tpu.memref_squeeze %dma_start3A_51 : memref<1x1x128x64xf32, #tpu.memory_space<vmem>> -> memref<128x64xf32, #tpu.memory_space<vmem>>
    %dma_start3A_53 = arith.constant 0 : i32
    %dma_start3A_54 = tpu.memref_slice %arg7[%dma_start3A_46, %dma_start3A_53] : memref<80x128xi32, #tpu.memory_space<vmem>> -> memref<1x128xi32, #tpu.memory_space<vmem>>
    %dma_start3A_55 = tpu.memref_squeeze %dma_start3A_54 : memref<1x128xi32, #tpu.memory_space<vmem>> -> memref<128xi32, #tpu.memory_space<vmem>>
    %dma_start3A_56 = arith.constant 0 : i32
    %dma_start3A_57 = arith.constant 0 : i32
    %dma_start3A_58 = tpu.memref_slice %arg2[%dma_start3A_56, %dma_start3A_57] : memref<10240x64xf32, #tpu.memory_space<hbm>> -> memref<10240x64xf32, #tpu.memory_space<hbm>>
    tpu.enqueue_indirect_dma source(%dma_start3A_58 : memref<10240x64xf32, #tpu.memory_space<hbm>>) target(%dma_start3A_52 : memref<128x64xf32, #tpu.memory_space<vmem>>) offsets(%dma_start3A_55 : memref<128xi32, #tpu.memory_space<vmem>>) semaphore(%arg13 : memref<!tpu.dma_semaphore, #tpu.memory_space<semaphore_mem>>)
    %dma_start3A_59 = arith.constant 3 : i32
    %dma_start3A_60 = arith.constant 3 : i32
    %dma_start3A_61 = arith.constant 0 : i32
    %dma_start3A_62 = arith.constant 0 : i32
    %dma_start3A_63 = arith.constant 0 : i32
    %dma_start3A_64 = tpu.memref_slice %arg9[%dma_start3A_60, %dma_start3A_61, %dma_start3A_62, %dma_start3A_63] : memref<8x1x128x64xf32, #tpu.memory_space<vmem>> -> memref<1x1x128x64xf32, #tpu.memory_space<vmem>>
    %dma_start3A_65 = tpu.memref_squeeze %dma_start3A_64 : memref<1x1x128x64xf32, #tpu.memory_space<vmem>> -> memref<128x64xf32, #tpu.memory_space<vmem>>
    %dma_start3A_66 = arith.constant 0 : i32
    %dma_start3A_67 = tpu.memref_slice %arg7[%dma_start3A_59, %dma_start3A_66] : memref<80x128xi32, #tpu.memory_space<vmem>> -> memref<1x128xi32, #tpu.memory_space<vmem>>
    %dma_start3A_68 = tpu.memref_squeeze %dma_start3A_67 : memref<1x128xi32, #tpu.memory_space<vmem>> -> memref<128xi32, #tpu.memory_space<vmem>>
    %dma_start3A_69 = arith.constant 0 : i32
    %dma_start3A_70 = arith.constant 0 : i32
    %dma_start3A_71 = tpu.memref_slice %arg2[%dma_start3A_69, %dma_start3A_70] : memref<10240x64xf32, #tpu.memory_space<hbm>> -> memref<10240x64xf32, #tpu.memory_space<hbm>>
    tpu.enqueue_indirect_dma source(%dma_start3A_71 : memref<10240x64xf32, #tpu.memory_space<hbm>>) target(%dma_start3A_65 : memref<128x64xf32, #tpu.memory_space<vmem>>) offsets(%dma_start3A_68 : memref<128xi32, #tpu.memory_space<vmem>>) semaphore(%arg14 : memref<!tpu.dma_semaphore, #tpu.memory_space<semaphore_mem>>)
    %mul3A_72 = arith.constant 640 : i32
    %mul3A_73 = arith.muli %arg1, %mul3A_72 : i32
    %mul3A_74 = arith.constant 640 : i32
    %mul3A_75 = arith.muli %arg1, %mul3A_74 : i32
    "tpu.region"() ({
      %run_scoped3A = tpu.sem_alloc : memref<!tpu.dma_semaphore, #tpu.memory_space<semaphore_mem>>
      %dma_start3A_136 = arith.constant 0 : i32
      %dma_start3A_137 = tpu.memref_slice %arg10[%mul3A_75, %dma_start3A_136] : memref<10240x64xf32, #tpu.memory_space<vmem_shared>> -> memref<640x64xf32, #tpu.memory_space<vmem_shared>>
      %dma_start3A_138 = arith.constant 0 : i32
      %dma_start3A_139 = tpu.memref_slice %arg2[%mul3A_73, %dma_start3A_138] : memref<10240x64xf32, #tpu.memory_space<hbm>> -> memref<640x64xf32, #tpu.memory_space<hbm>>
      tpu.enqueue_dma source(%dma_start3A_139 : memref<640x64xf32, #tpu.memory_space<hbm>>) target(%dma_start3A_137 : memref<640x64xf32, #tpu.memory_space<vmem_shared>>) target_semaphore(%run_scoped3A : memref<!tpu.dma_semaphore, #tpu.memory_space<semaphore_mem>>)
      %dma_wait3A_140 = arith.constant 0 : i32
      %dma_wait3A_141 = tpu.memref_slice %arg10[%mul3A_75, %dma_wait3A_140] : memref<10240x64xf32, #tpu.memory_space<vmem_shared>> -> memref<640x64xf32, #tpu.memory_space<vmem_shared>>
      %dma_wait3A_142 = arith.constant 0 : i32
      %dma_wait3A_143 = tpu.memref_slice %arg2[%mul3A_73, %dma_wait3A_142] : memref<10240x64xf32, #tpu.memory_space<hbm>> -> memref<640x64xf32, #tpu.memory_space<hbm>>
      tpu.wait_dma2 semaphore(%run_scoped3A : memref<!tpu.dma_semaphore, #tpu.memory_space<semaphore_mem>>) src(%dma_wait3A_143 : memref<640x64xf32, #tpu.memory_space<hbm>>) dst(%dma_wait3A_141 : memref<640x64xf32, #tpu.memory_space<vmem_shared>>)
      tpu.yield
    }) : () -> ()
    %barrier3A = arith.constant 0 : index
    tpu.barrier barrier_id(%barrier3A)
    %scan3A = arith.constant 0 : i32
    %scan3A_76 = arith.constant 10 : i32
    %scan3A_77 = arith.addi %scan3A, %scan3A_76 : i32
    %scan3A_78 = arith.constant 1 : i32
    scf.for %scan3A_136 = %scan3A to %scan3A_77 step %scan3A_78  : i32 {
      %mul3A_137 = arith.constant 8 : i32
      %mul3A_138 = arith.muli %scan3A_136, %mul3A_137 : i32
      %add3A_139 = arith.constant 0 : i32
      %add3A_140 = arith.addi %mul3A_138, %add3A_139 : i32
      %mul3A_141 = arith.constant 1 : i32
      %mul3A_142 = arith.muli %add3A_140, %mul3A_141 : i32
      %add3A_143 = arith.constant 0 : i32
      %add3A_144 = arith.addi %mul3A_142, %add3A_143 : i32
      %dma_wait3A_145 = arith.constant 0 : i32
      %dma_wait3A_146 = arith.constant 0 : i32
      %dma_wait3A_147 = arith.constant 0 : i32
      %dma_wait3A_148 = arith.constant 0 : i32
      %dma_wait3A_149 = tpu.memref_slice %arg9[%dma_wait3A_145, %dma_wait3A_146, %dma_wait3A_147, %dma_wait3A_148] : memref<8x1x128x64xf32, #tpu.memory_space<vmem>> -> memref<1x1x128x64xf32, #tpu.memory_space<vmem>>
      %dma_wait3A_150 = tpu.memref_squeeze %dma_wait3A_149 : memref<1x1x128x64xf32, #tpu.memory_space<vmem>> -> memref<128x64xf32, #tpu.memory_space<vmem>>
      %dma_wait3A_151 = arith.constant 0 : i32
      %dma_wait3A_152 = tpu.memref_slice %arg7[%add3A_144, %dma_wait3A_151] : memref<80x128xi32, #tpu.memory_space<vmem>> -> memref<1x128xi32, #tpu.memory_space<vmem>>
      %dma_wait3A_153 = tpu.memref_squeeze %dma_wait3A_152 : memref<1x128xi32, #tpu.memory_space<vmem>> -> memref<128xi32, #tpu.memory_space<vmem>>
      %dma_wait3A_154 = arith.constant 0 : i32
      %dma_wait3A_155 = arith.constant 0 : i32
      %dma_wait3A_156 = tpu.memref_slice %arg2[%dma_wait3A_154, %dma_wait3A_155] : memref<10240x64xf32, #tpu.memory_space<hbm>> -> memref<10240x64xf32, #tpu.memory_space<hbm>>
      tpu.wait_indirect_dma semaphore(%arg11 : memref<!tpu.dma_semaphore, #tpu.memory_space<semaphore_mem>>) src(%dma_wait3A_156 : memref<10240x64xf32, #tpu.memory_space<hbm>>) dst(%dma_wait3A_150 : memref<128x64xf32, #tpu.memory_space<vmem>>)
      %mul3A_157 = arith.constant 1 : i32
      %mul3A_158 = arith.muli %add3A_140, %mul3A_157 : i32
      %add3A_159 = arith.constant 0 : i32
      %add3A_160 = arith.addi %mul3A_158, %add3A_159 : i32
      %dma_start3A_161 = arith.constant 0 : i32
      %dma_start3A_162 = arith.constant 0 : i32
      %dma_start3A_163 = arith.constant 0 : i32
      %dma_start3A_164 = arith.constant 0 : i32
      %dma_start3A_165 = tpu.memref_slice %arg9[%dma_start3A_161, %dma_start3A_162, %dma_start3A_163, %dma_start3A_164] : memref<8x1x128x64xf32, #tpu.memory_space<vmem>> -> memref<1x1x128x64xf32, #tpu.memory_space<vmem>>
      %dma_start3A_166 = tpu.memref_squeeze %dma_start3A_165 : memref<1x1x128x64xf32, #tpu.memory_space<vmem>> -> memref<128x64xf32, #tpu.memory_space<vmem>>
      %dma_start3A_167 = arith.constant 0 : i32
      %dma_start3A_168 = tpu.memref_slice %arg8[%add3A_160, %dma_start3A_167] : memref<80x128xi32, #tpu.memory_space<vmem>> -> memref<1x128xi32, #tpu.memory_space<vmem>>
      %dma_start3A_169 = tpu.memref_squeeze %dma_start3A_168 : memref<1x128xi32, #tpu.memory_space<vmem>> -> memref<128xi32, #tpu.memory_space<vmem>>
      %dma_start3A_170 = arith.constant 0 : i32
      %dma_start3A_171 = arith.constant 0 : i32
      %dma_start3A_172 = tpu.memref_slice %arg10[%dma_start3A_170, %dma_start3A_171] : memref<10240x64xf32, #tpu.memory_space<vmem_shared>> -> memref<10240x64xf32, #tpu.memory_space<vmem_shared>>
      tpu.enqueue_indirect_dma source(%dma_start3A_166 : memref<128x64xf32, #tpu.memory_space<vmem>>) target(%dma_start3A_172 : memref<10240x64xf32, #tpu.memory_space<vmem_shared>>) offsets(%dma_start3A_169 : memref<128xi32, #tpu.memory_space<vmem>>) semaphore(%arg19 : memref<!tpu.dma_semaphore, #tpu.memory_space<semaphore_mem>>) {add = true}
      %ge3A = arith.constant 4 : i32
      %ge3A_173 = arith.cmpi sge, %add3A_140, %ge3A : i32
      %convert_element_type3A_174 = arith.extui %ge3A_173 : i1 to i32
      %cond3A_175 = arith.constant 0 : i32
      %cond3A_176 = arith.cmpi ne, %convert_element_type3A_174, %cond3A_175 : i32
      scf.if %cond3A_176 {
        %sub3A = arith.constant 4 : i32
        %sub3A_520 = arith.subi %add3A_140, %sub3A : i32
        %mul3A_521 = arith.constant 1 : i32
        %mul3A_522 = arith.muli %sub3A_520, %mul3A_521 : i32
        %add3A_523 = arith.constant 0 : i32
        %add3A_524 = arith.addi %mul3A_522, %add3A_523 : i32
        %dma_wait3A_525 = arith.constant 4 : i32
        %dma_wait3A_526 = arith.constant 0 : i32
        %dma_wait3A_527 = arith.constant 0 : i32
        %dma_wait3A_528 = arith.constant 0 : i32
        %dma_wait3A_529 = tpu.memref_slice %arg9[%dma_wait3A_525, %dma_wait3A_526, %dma_wait3A_527, %dma_wait3A_528] : memref<8x1x128x64xf32, #tpu.memory_space<vmem>> -> memref<1x1x128x64xf32, #tpu.memory_space<vmem>>
        %dma_wait3A_530 = tpu.memref_squeeze %dma_wait3A_529 : memref<1x1x128x64xf32, #tpu.memory_space<vmem>> -> memref<128x64xf32, #tpu.memory_space<vmem>>
        %dma_wait3A_531 = arith.constant 0 : i32
        %dma_wait3A_532 = tpu.memref_slice %arg8[%add3A_524, %dma_wait3A_531] : memref<80x128xi32, #tpu.memory_space<vmem>> -> memref<1x128xi32, #tpu.memory_space<vmem>>
        %dma_wait3A_533 = tpu.memref_squeeze %dma_wait3A_532 : memref<1x128xi32, #tpu.memory_space<vmem>> -> memref<128xi32, #tpu.memory_space<vmem>>
        %dma_wait3A_534 = arith.constant 0 : i32
        %dma_wait3A_535 = arith.constant 0 : i32
        %dma_wait3A_536 = tpu.memref_slice %arg10[%dma_wait3A_534, %dma_wait3A_535] : memref<10240x64xf32, #tpu.memory_space<vmem_shared>> -> memref<10240x64xf32, #tpu.memory_space<vmem_shared>>
        tpu.wait_indirect_dma semaphore(%arg23 : memref<!tpu.dma_semaphore, #tpu.memory_space<semaphore_mem>>) src(%dma_wait3A_530 : memref<128x64xf32, #tpu.memory_space<vmem>>) dst(%dma_wait3A_536 : memref<10240x64xf32, #tpu.memory_space<vmem_shared>>)
      } else {
      }
      %add3A_177 = arith.constant 4 : i32
      %add3A_178 = arith.addi %add3A_140, %add3A_177 : i32
      %lt3A_179 = arith.constant 80 : i32
      %lt3A_180 = arith.cmpi slt, %add3A_178, %lt3A_179 : i32
      %convert_element_type3A_181 = arith.extui %lt3A_180 : i1 to i32
      %cond3A_182 = arith.constant 0 : i32
      %cond3A_183 = arith.cmpi ne, %convert_element_type3A_181, %cond3A_182 : i32
      scf.if %cond3A_183 {
        %add3A_520 = arith.constant 4 : i32
        %add3A_521 = arith.addi %add3A_140, %add3A_520 : i32
        %mul3A_522 = arith.constant 1 : i32
        %mul3A_523 = arith.muli %add3A_521, %mul3A_522 : i32
        %add3A_524 = arith.constant 0 : i32
        %add3A_525 = arith.addi %mul3A_523, %add3A_524 : i32
        %dma_start3A_526 = arith.constant 4 : i32
        %dma_start3A_527 = arith.constant 0 : i32
        %dma_start3A_528 = arith.constant 0 : i32
        %dma_start3A_529 = arith.constant 0 : i32
        %dma_start3A_530 = tpu.memref_slice %arg9[%dma_start3A_526, %dma_start3A_527, %dma_start3A_528, %dma_start3A_529] : memref<8x1x128x64xf32, #tpu.memory_space<vmem>> -> memref<1x1x128x64xf32, #tpu.memory_space<vmem>>
        %dma_start3A_531 = tpu.memref_squeeze %dma_start3A_530 : memref<1x1x128x64xf32, #tpu.memory_space<vmem>> -> memref<128x64xf32, #tpu.memory_space<vmem>>
        %dma_start3A_532 = arith.constant 0 : i32
        %dma_start3A_533 = tpu.memref_slice %arg7[%add3A_525, %dma_start3A_532] : memref<80x128xi32, #tpu.memory_space<vmem>> -> memref<1x128xi32, #tpu.memory_space<vmem>>
        %dma_start3A_534 = tpu.memref_squeeze %dma_start3A_533 : memref<1x128xi32, #tpu.memory_space<vmem>> -> memref<128xi32, #tpu.memory_space<vmem>>
        %dma_start3A_535 = arith.constant 0 : i32
        %dma_start3A_536 = arith.constant 0 : i32
        %dma_start3A_537 = tpu.memref_slice %arg2[%dma_start3A_535, %dma_start3A_536] : memref<10240x64xf32, #tpu.memory_space<hbm>> -> memref<10240x64xf32, #tpu.memory_space<hbm>>
        tpu.enqueue_indirect_dma source(%dma_start3A_537 : memref<10240x64xf32, #tpu.memory_space<hbm>>) target(%dma_start3A_531 : memref<128x64xf32, #tpu.memory_space<vmem>>) offsets(%dma_start3A_534 : memref<128xi32, #tpu.memory_space<vmem>>) semaphore(%arg15 : memref<!tpu.dma_semaphore, #tpu.memory_space<semaphore_mem>>)
      } else {
      }
      %mul3A_184 = arith.constant 8 : i32
      %mul3A_185 = arith.muli %scan3A_136, %mul3A_184 : i32
      %add3A_186 = arith.constant 1 : i32
      %add3A_187 = arith.addi %mul3A_185, %add3A_186 : i32
      %mul3A_188 = arith.constant 1 : i32
      %mul3A_189 = arith.muli %add3A_187, %mul3A_188 : i32
      %add3A_190 = arith.constant 0 : i32
      %add3A_191 = arith.addi %mul3A_189, %add3A_190 : i32
      %dma_wait3A_192 = arith.constant 1 : i32
      %dma_wait3A_193 = arith.constant 0 : i32
      %dma_wait3A_194 = arith.constant 0 : i32
      %dma_wait3A_195 = arith.constant 0 : i32
      %dma_wait3A_196 = tpu.memref_slice %arg9[%dma_wait3A_192, %dma_wait3A_193, %dma_wait3A_194, %dma_wait3A_195] : memref<8x1x128x64xf32, #tpu.memory_space<vmem>> -> memref<1x1x128x64xf32, #tpu.memory_space<vmem>>
      %dma_wait3A_197 = tpu.memref_squeeze %dma_wait3A_196 : memref<1x1x128x64xf32, #tpu.memory_space<vmem>> -> memref<128x64xf32, #tpu.memory_space<vmem>>
      %dma_wait3A_198 = arith.constant 0 : i32
      %dma_wait3A_199 = tpu.memref_slice %arg7[%add3A_191, %dma_wait3A_198] : memref<80x128xi32, #tpu.memory_space<vmem>> -> memref<1x128xi32, #tpu.memory_space<vmem>>
      %dma_wait3A_200 = tpu.memref_squeeze %dma_wait3A_199 : memref<1x128xi32, #tpu.memory_space<vmem>> -> memref<128xi32, #tpu.memory_space<vmem>>
      %dma_wait3A_201 = arith.constant 0 : i32
      %dma_wait3A_202 = arith.constant 0 : i32
      %dma_wait3A_203 = tpu.memref_slice %arg2[%dma_wait3A_201, %dma_wait3A_202] : memref<10240x64xf32, #tpu.memory_space<hbm>> -> memref<10240x64xf32, #tpu.memory_space<hbm>>
      tpu.wait_indirect_dma semaphore(%arg12 : memref<!tpu.dma_semaphore, #tpu.memory_space<semaphore_mem>>) src(%dma_wait3A_203 : memref<10240x64xf32, #tpu.memory_space<hbm>>) dst(%dma_wait3A_197 : memref<128x64xf32, #tpu.memory_space<vmem>>)
      %mul3A_204 = arith.constant 1 : i32
      %mul3A_205 = arith.muli %add3A_187, %mul3A_204 : i32
      %add3A_206 = arith.constant 0 : i32
      %add3A_207 = arith.addi %mul3A_205, %add3A_206 : i32
      %dma_start3A_208 = arith.constant 1 : i32
      %dma_start3A_209 = arith.constant 0 : i32
      %dma_start3A_210 = arith.constant 0 : i32
      %dma_start3A_211 = arith.constant 0 : i32
      %dma_start3A_212 = tpu.memref_slice %arg9[%dma_start3A_208, %dma_start3A_209, %dma_start3A_210, %dma_start3A_211] : memref<8x1x128x64xf32, #tpu.memory_space<vmem>> -> memref<1x1x128x64xf32, #tpu.memory_space<vmem>>
      %dma_start3A_213 = tpu.memref_squeeze %dma_start3A_212 : memref<1x1x128x64xf32, #tpu.memory_space<vmem>> -> memref<128x64xf32, #tpu.memory_space<vmem>>
      %dma_start3A_214 = arith.constant 0 : i32
      %dma_start3A_215 = tpu.memref_slice %arg8[%add3A_207, %dma_start3A_214] : memref<80x128xi32, #tpu.memory_space<vmem>> -> memref<1x128xi32, #tpu.memory_space<vmem>>
      %dma_start3A_216 = tpu.memref_squeeze %dma_start3A_215 : memref<1x128xi32, #tpu.memory_space<vmem>> -> memref<128xi32, #tpu.memory_space<vmem>>
      %dma_start3A_217 = arith.constant 0 : i32
      %dma_start3A_218 = arith.constant 0 : i32
      %dma_start3A_219 = tpu.memref_slice %arg10[%dma_start3A_217, %dma_start3A_218] : memref<10240x64xf32, #tpu.memory_space<vmem_shared>> -> memref<10240x64xf32, #tpu.memory_space<vmem_shared>>
      tpu.enqueue_indirect_dma source(%dma_start3A_213 : memref<128x64xf32, #tpu.memory_space<vmem>>) target(%dma_start3A_219 : memref<10240x64xf32, #tpu.memory_space<vmem_shared>>) offsets(%dma_start3A_216 : memref<128xi32, #tpu.memory_space<vmem>>) semaphore(%arg20 : memref<!tpu.dma_semaphore, #tpu.memory_space<semaphore_mem>>) {add = true}
      %ge3A_220 = arith.constant 4 : i32
      %ge3A_221 = arith.cmpi sge, %add3A_187, %ge3A_220 : i32
      %convert_element_type3A_222 = arith.extui %ge3A_221 : i1 to i32
      %cond3A_223 = arith.constant 0 : i32
      %cond3A_224 = arith.cmpi ne, %convert_element_type3A_222, %cond3A_223 : i32
      scf.if %cond3A_224 {
        %sub3A = arith.constant 4 : i32
        %sub3A_520 = arith.subi %add3A_187, %sub3A : i32
        %mul3A_521 = arith.constant 1 : i32
        %mul3A_522 = arith.muli %sub3A_520, %mul3A_521 : i32
        %add3A_523 = arith.constant 0 : i32
        %add3A_524 = arith.addi %mul3A_522, %add3A_523 : i32
        %dma_wait3A_525 = arith.constant 5 : i32
        %dma_wait3A_526 = arith.constant 0 : i32
        %dma_wait3A_527 = arith.constant 0 : i32
        %dma_wait3A_528 = arith.constant 0 : i32
        %dma_wait3A_529 = tpu.memref_slice %arg9[%dma_wait3A_525, %dma_wait3A_526, %dma_wait3A_527, %dma_wait3A_528] : memref<8x1x128x64xf32, #tpu.memory_space<vmem>> -> memref<1x1x128x64xf32, #tpu.memory_space<vmem>>
        %dma_wait3A_530 = tpu.memref_squeeze %dma_wait3A_529 : memref<1x1x128x64xf32, #tpu.memory_space<vmem>> -> memref<128x64xf32, #tpu.memory_space<vmem>>
        %dma_wait3A_531 = arith.constant 0 : i32
        %dma_wait3A_532 = tpu.memref_slice %arg8[%add3A_524, %dma_wait3A_531] : memref<80x128xi32, #tpu.memory_space<vmem>> -> memref<1x128xi32, #tpu.memory_space<vmem>>
        %dma_wait3A_533 = tpu.memref_squeeze %dma_wait3A_532 : memref<1x128xi32, #tpu.memory_space<vmem>> -> memref<128xi32, #tpu.memory_space<vmem>>
        %dma_wait3A_534 = arith.constant 0 : i32
        %dma_wait3A_535 = arith.constant 0 : i32
        %dma_wait3A_536 = tpu.memref_slice %arg10[%dma_wait3A_534, %dma_wait3A_535] : memref<10240x64xf32, #tpu.memory_space<vmem_shared>> -> memref<10240x64xf32, #tpu.memory_space<vmem_shared>>
        tpu.wait_indirect_dma semaphore(%arg24 : memref<!tpu.dma_semaphore, #tpu.memory_space<semaphore_mem>>) src(%dma_wait3A_530 : memref<128x64xf32, #tpu.memory_space<vmem>>) dst(%dma_wait3A_536 : memref<10240x64xf32, #tpu.memory_space<vmem_shared>>)
      } else {
      }
      %add3A_225 = arith.constant 4 : i32
      %add3A_226 = arith.addi %add3A_187, %add3A_225 : i32
      %lt3A_227 = arith.constant 80 : i32
      %lt3A_228 = arith.cmpi slt, %add3A_226, %lt3A_227 : i32
      %convert_element_type3A_229 = arith.extui %lt3A_228 : i1 to i32
      %cond3A_230 = arith.constant 0 : i32
      %cond3A_231 = arith.cmpi ne, %convert_element_type3A_229, %cond3A_230 : i32
      scf.if %cond3A_231 {
        %add3A_520 = arith.constant 4 : i32
        %add3A_521 = arith.addi %add3A_187, %add3A_520 : i32
        %mul3A_522 = arith.constant 1 : i32
        %mul3A_523 = arith.muli %add3A_521, %mul3A_522 : i32
        %add3A_524 = arith.constant 0 : i32
        %add3A_525 = arith.addi %mul3A_523, %add3A_524 : i32
        %dma_start3A_526 = arith.constant 5 : i32
        %dma_start3A_527 = arith.constant 0 : i32
        %dma_start3A_528 = arith.constant 0 : i32
        %dma_start3A_529 = arith.constant 0 : i32
        %dma_start3A_530 = tpu.memref_slice %arg9[%dma_start3A_526, %dma_start3A_527, %dma_start3A_528, %dma_start3A_529] : memref<8x1x128x64xf32, #tpu.memory_space<vmem>> -> memref<1x1x128x64xf32, #tpu.memory_space<vmem>>
        %dma_start3A_531 = tpu.memref_squeeze %dma_start3A_530 : memref<1x1x128x64xf32, #tpu.memory_space<vmem>> -> memref<128x64xf32, #tpu.memory_space<vmem>>
        %dma_start3A_532 = arith.constant 0 : i32
        %dma_start3A_533 = tpu.memref_slice %arg7[%add3A_525, %dma_start3A_532] : memref<80x128xi32, #tpu.memory_space<vmem>> -> memref<1x128xi32, #tpu.memory_space<vmem>>
        %dma_start3A_534 = tpu.memref_squeeze %dma_start3A_533 : memref<1x128xi32, #tpu.memory_space<vmem>> -> memref<128xi32, #tpu.memory_space<vmem>>
        %dma_start3A_535 = arith.constant 0 : i32
        %dma_start3A_536 = arith.constant 0 : i32
        %dma_start3A_537 = tpu.memref_slice %arg2[%dma_start3A_535, %dma_start3A_536] : memref<10240x64xf32, #tpu.memory_space<hbm>> -> memref<10240x64xf32, #tpu.memory_space<hbm>>
        tpu.enqueue_indirect_dma source(%dma_start3A_537 : memref<10240x64xf32, #tpu.memory_space<hbm>>) target(%dma_start3A_531 : memref<128x64xf32, #tpu.memory_space<vmem>>) offsets(%dma_start3A_534 : memref<128xi32, #tpu.memory_space<vmem>>) semaphore(%arg16 : memref<!tpu.dma_semaphore, #tpu.memory_space<semaphore_mem>>)
      } else {
      }
      %mul3A_232 = arith.constant 8 : i32
      %mul3A_233 = arith.muli %scan3A_136, %mul3A_232 : i32
      %add3A_234 = arith.constant 2 : i32
      %add3A_235 = arith.addi %mul3A_233, %add3A_234 : i32
      %mul3A_236 = arith.constant 1 : i32
      %mul3A_237 = arith.muli %add3A_235, %mul3A_236 : i32
      %add3A_238 = arith.constant 0 : i32
      %add3A_239 = arith.addi %mul3A_237, %add3A_238 : i32
      %dma_wait3A_240 = arith.constant 2 : i32
      %dma_wait3A_241 = arith.constant 0 : i32
      %dma_wait3A_242 = arith.constant 0 : i32
      %dma_wait3A_243 = arith.constant 0 : i32
      %dma_wait3A_244 = tpu.memref_slice %arg9[%dma_wait3A_240, %dma_wait3A_241, %dma_wait3A_242, %dma_wait3A_243] : memref<8x1x128x64xf32, #tpu.memory_space<vmem>> -> memref<1x1x128x64xf32, #tpu.memory_space<vmem>>
      %dma_wait3A_245 = tpu.memref_squeeze %dma_wait3A_244 : memref<1x1x128x64xf32, #tpu.memory_space<vmem>> -> memref<128x64xf32, #tpu.memory_space<vmem>>
      %dma_wait3A_246 = arith.constant 0 : i32
      %dma_wait3A_247 = tpu.memref_slice %arg7[%add3A_239, %dma_wait3A_246] : memref<80x128xi32, #tpu.memory_space<vmem>> -> memref<1x128xi32, #tpu.memory_space<vmem>>
      %dma_wait3A_248 = tpu.memref_squeeze %dma_wait3A_247 : memref<1x128xi32, #tpu.memory_space<vmem>> -> memref<128xi32, #tpu.memory_space<vmem>>
      %dma_wait3A_249 = arith.constant 0 : i32
      %dma_wait3A_250 = arith.constant 0 : i32
      %dma_wait3A_251 = tpu.memref_slice %arg2[%dma_wait3A_249, %dma_wait3A_250] : memref<10240x64xf32, #tpu.memory_space<hbm>> -> memref<10240x64xf32, #tpu.memory_space<hbm>>
      tpu.wait_indirect_dma semaphore(%arg13 : memref<!tpu.dma_semaphore, #tpu.memory_space<semaphore_mem>>) src(%dma_wait3A_251 : memref<10240x64xf32, #tpu.memory_space<hbm>>) dst(%dma_wait3A_245 : memref<128x64xf32, #tpu.memory_space<vmem>>)
      %mul3A_252 = arith.constant 1 : i32
      %mul3A_253 = arith.muli %add3A_235, %mul3A_252 : i32
      %add3A_254 = arith.constant 0 : i32
      %add3A_255 = arith.addi %mul3A_253, %add3A_254 : i32
      %dma_start3A_256 = arith.constant 2 : i32
      %dma_start3A_257 = arith.constant 0 : i32
      %dma_start3A_258 = arith.constant 0 : i32
      %dma_start3A_259 = arith.constant 0 : i32
      %dma_start3A_260 = tpu.memref_slice %arg9[%dma_start3A_256, %dma_start3A_257, %dma_start3A_258, %dma_start3A_259] : memref<8x1x128x64xf32, #tpu.memory_space<vmem>> -> memref<1x1x128x64xf32, #tpu.memory_space<vmem>>
      %dma_start3A_261 = tpu.memref_squeeze %dma_start3A_260 : memref<1x1x128x64xf32, #tpu.memory_space<vmem>> -> memref<128x64xf32, #tpu.memory_space<vmem>>
      %dma_start3A_262 = arith.constant 0 : i32
      %dma_start3A_263 = tpu.memref_slice %arg8[%add3A_255, %dma_start3A_262] : memref<80x128xi32, #tpu.memory_space<vmem>> -> memref<1x128xi32, #tpu.memory_space<vmem>>
      %dma_start3A_264 = tpu.memref_squeeze %dma_start3A_263 : memref<1x128xi32, #tpu.memory_space<vmem>> -> memref<128xi32, #tpu.memory_space<vmem>>
      %dma_start3A_265 = arith.constant 0 : i32
      %dma_start3A_266 = arith.constant 0 : i32
      %dma_start3A_267 = tpu.memref_slice %arg10[%dma_start3A_265, %dma_start3A_266] : memref<10240x64xf32, #tpu.memory_space<vmem_shared>> -> memref<10240x64xf32, #tpu.memory_space<vmem_shared>>
      tpu.enqueue_indirect_dma source(%dma_start3A_261 : memref<128x64xf32, #tpu.memory_space<vmem>>) target(%dma_start3A_267 : memref<10240x64xf32, #tpu.memory_space<vmem_shared>>) offsets(%dma_start3A_264 : memref<128xi32, #tpu.memory_space<vmem>>) semaphore(%arg21 : memref<!tpu.dma_semaphore, #tpu.memory_space<semaphore_mem>>) {add = true}
      %ge3A_268 = arith.constant 4 : i32
      %ge3A_269 = arith.cmpi sge, %add3A_235, %ge3A_268 : i32
      %convert_element_type3A_270 = arith.extui %ge3A_269 : i1 to i32
      %cond3A_271 = arith.constant 0 : i32
      %cond3A_272 = arith.cmpi ne, %convert_element_type3A_270, %cond3A_271 : i32
      scf.if %cond3A_272 {
        %sub3A = arith.constant 4 : i32
        %sub3A_520 = arith.subi %add3A_235, %sub3A : i32
        %mul3A_521 = arith.constant 1 : i32
        %mul3A_522 = arith.muli %sub3A_520, %mul3A_521 : i32
        %add3A_523 = arith.constant 0 : i32
        %add3A_524 = arith.addi %mul3A_522, %add3A_523 : i32
        %dma_wait3A_525 = arith.constant 6 : i32
        %dma_wait3A_526 = arith.constant 0 : i32
        %dma_wait3A_527 = arith.constant 0 : i32
        %dma_wait3A_528 = arith.constant 0 : i32
        %dma_wait3A_529 = tpu.memref_slice %arg9[%dma_wait3A_525, %dma_wait3A_526, %dma_wait3A_527, %dma_wait3A_528] : memref<8x1x128x64xf32, #tpu.memory_space<vmem>> -> memref<1x1x128x64xf32, #tpu.memory_space<vmem>>
        %dma_wait3A_530 = tpu.memref_squeeze %dma_wait3A_529 : memref<1x1x128x64xf32, #tpu.memory_space<vmem>> -> memref<128x64xf32, #tpu.memory_space<vmem>>
        %dma_wait3A_531 = arith.constant 0 : i32
        %dma_wait3A_532 = tpu.memref_slice %arg8[%add3A_524, %dma_wait3A_531] : memref<80x128xi32, #tpu.memory_space<vmem>> -> memref<1x128xi32, #tpu.memory_space<vmem>>
        %dma_wait3A_533 = tpu.memref_squeeze %dma_wait3A_532 : memref<1x128xi32, #tpu.memory_space<vmem>> -> memref<128xi32, #tpu.memory_space<vmem>>
        %dma_wait3A_534 = arith.constant 0 : i32
        %dma_wait3A_535 = arith.constant 0 : i32
        %dma_wait3A_536 = tpu.memref_slice %arg10[%dma_wait3A_534, %dma_wait3A_535] : memref<10240x64xf32, #tpu.memory_space<vmem_shared>> -> memref<10240x64xf32, #tpu.memory_space<vmem_shared>>
        tpu.wait_indirect_dma semaphore(%arg25 : memref<!tpu.dma_semaphore, #tpu.memory_space<semaphore_mem>>) src(%dma_wait3A_530 : memref<128x64xf32, #tpu.memory_space<vmem>>) dst(%dma_wait3A_536 : memref<10240x64xf32, #tpu.memory_space<vmem_shared>>)
      } else {
      }
      %add3A_273 = arith.constant 4 : i32
      %add3A_274 = arith.addi %add3A_235, %add3A_273 : i32
      %lt3A_275 = arith.constant 80 : i32
      %lt3A_276 = arith.cmpi slt, %add3A_274, %lt3A_275 : i32
      %convert_element_type3A_277 = arith.extui %lt3A_276 : i1 to i32
      %cond3A_278 = arith.constant 0 : i32
      %cond3A_279 = arith.cmpi ne, %convert_element_type3A_277, %cond3A_278 : i32
      scf.if %cond3A_279 {
        %add3A_520 = arith.constant 4 : i32
        %add3A_521 = arith.addi %add3A_235, %add3A_520 : i32
        %mul3A_522 = arith.constant 1 : i32
        %mul3A_523 = arith.muli %add3A_521, %mul3A_522 : i32
        %add3A_524 = arith.constant 0 : i32
        %add3A_525 = arith.addi %mul3A_523, %add3A_524 : i32
        %dma_start3A_526 = arith.constant 6 : i32
        %dma_start3A_527 = arith.constant 0 : i32
        %dma_start3A_528 = arith.constant 0 : i32
        %dma_start3A_529 = arith.constant 0 : i32
        %dma_start3A_530 = tpu.memref_slice %arg9[%dma_start3A_526, %dma_start3A_527, %dma_start3A_528, %dma_start3A_529] : memref<8x1x128x64xf32, #tpu.memory_space<vmem>> -> memref<1x1x128x64xf32, #tpu.memory_space<vmem>>
        %dma_start3A_531 = tpu.memref_squeeze %dma_start3A_530 : memref<1x1x128x64xf32, #tpu.memory_space<vmem>> -> memref<128x64xf32, #tpu.memory_space<vmem>>
        %dma_start3A_532 = arith.constant 0 : i32
        %dma_start3A_533 = tpu.memref_slice %arg7[%add3A_525, %dma_start3A_532] : memref<80x128xi32, #tpu.memory_space<vmem>> -> memref<1x128xi32, #tpu.memory_space<vmem>>
        %dma_start3A_534 = tpu.memref_squeeze %dma_start3A_533 : memref<1x128xi32, #tpu.memory_space<vmem>> -> memref<128xi32, #tpu.memory_space<vmem>>
        %dma_start3A_535 = arith.constant 0 : i32
        %dma_start3A_536 = arith.constant 0 : i32
        %dma_start3A_537 = tpu.memref_slice %arg2[%dma_start3A_535, %dma_start3A_536] : memref<10240x64xf32, #tpu.memory_space<hbm>> -> memref<10240x64xf32, #tpu.memory_space<hbm>>
        tpu.enqueue_indirect_dma source(%dma_start3A_537 : memref<10240x64xf32, #tpu.memory_space<hbm>>) target(%dma_start3A_531 : memref<128x64xf32, #tpu.memory_space<vmem>>) offsets(%dma_start3A_534 : memref<128xi32, #tpu.memory_space<vmem>>) semaphore(%arg17 : memref<!tpu.dma_semaphore, #tpu.memory_space<semaphore_mem>>)
      } else {
      }
      %mul3A_280 = arith.constant 8 : i32
      %mul3A_281 = arith.muli %scan3A_136, %mul3A_280 : i32
      %add3A_282 = arith.constant 3 : i32
      %add3A_283 = arith.addi %mul3A_281, %add3A_282 : i32
      %mul3A_284 = arith.constant 1 : i32
      %mul3A_285 = arith.muli %add3A_283, %mul3A_284 : i32
      %add3A_286 = arith.constant 0 : i32
      %add3A_287 = arith.addi %mul3A_285, %add3A_286 : i32
      %dma_wait3A_288 = arith.constant 3 : i32
      %dma_wait3A_289 = arith.constant 0 : i32
      %dma_wait3A_290 = arith.constant 0 : i32
      %dma_wait3A_291 = arith.constant 0 : i32
      %dma_wait3A_292 = tpu.memref_slice %arg9[%dma_wait3A_288, %dma_wait3A_289, %dma_wait3A_290, %dma_wait3A_291] : memref<8x1x128x64xf32, #tpu.memory_space<vmem>> -> memref<1x1x128x64xf32, #tpu.memory_space<vmem>>
      %dma_wait3A_293 = tpu.memref_squeeze %dma_wait3A_292 : memref<1x1x128x64xf32, #tpu.memory_space<vmem>> -> memref<128x64xf32, #tpu.memory_space<vmem>>
      %dma_wait3A_294 = arith.constant 0 : i32
      %dma_wait3A_295 = tpu.memref_slice %arg7[%add3A_287, %dma_wait3A_294] : memref<80x128xi32, #tpu.memory_space<vmem>> -> memref<1x128xi32, #tpu.memory_space<vmem>>
      %dma_wait3A_296 = tpu.memref_squeeze %dma_wait3A_295 : memref<1x128xi32, #tpu.memory_space<vmem>> -> memref<128xi32, #tpu.memory_space<vmem>>
      %dma_wait3A_297 = arith.constant 0 : i32
      %dma_wait3A_298 = arith.constant 0 : i32
      %dma_wait3A_299 = tpu.memref_slice %arg2[%dma_wait3A_297, %dma_wait3A_298] : memref<10240x64xf32, #tpu.memory_space<hbm>> -> memref<10240x64xf32, #tpu.memory_space<hbm>>
      tpu.wait_indirect_dma semaphore(%arg14 : memref<!tpu.dma_semaphore, #tpu.memory_space<semaphore_mem>>) src(%dma_wait3A_299 : memref<10240x64xf32, #tpu.memory_space<hbm>>) dst(%dma_wait3A_293 : memref<128x64xf32, #tpu.memory_space<vmem>>)
      %mul3A_300 = arith.constant 1 : i32
      %mul3A_301 = arith.muli %add3A_283, %mul3A_300 : i32
      %add3A_302 = arith.constant 0 : i32
      %add3A_303 = arith.addi %mul3A_301, %add3A_302 : i32
      %dma_start3A_304 = arith.constant 3 : i32
      %dma_start3A_305 = arith.constant 0 : i32
      %dma_start3A_306 = arith.constant 0 : i32
      %dma_start3A_307 = arith.constant 0 : i32
      %dma_start3A_308 = tpu.memref_slice %arg9[%dma_start3A_304, %dma_start3A_305, %dma_start3A_306, %dma_start3A_307] : memref<8x1x128x64xf32, #tpu.memory_space<vmem>> -> memref<1x1x128x64xf32, #tpu.memory_space<vmem>>
      %dma_start3A_309 = tpu.memref_squeeze %dma_start3A_308 : memref<1x1x128x64xf32, #tpu.memory_space<vmem>> -> memref<128x64xf32, #tpu.memory_space<vmem>>
      %dma_start3A_310 = arith.constant 0 : i32
      %dma_start3A_311 = tpu.memref_slice %arg8[%add3A_303, %dma_start3A_310] : memref<80x128xi32, #tpu.memory_space<vmem>> -> memref<1x128xi32, #tpu.memory_space<vmem>>
      %dma_start3A_312 = tpu.memref_squeeze %dma_start3A_311 : memref<1x128xi32, #tpu.memory_space<vmem>> -> memref<128xi32, #tpu.memory_space<vmem>>
      %dma_start3A_313 = arith.constant 0 : i32
      %dma_start3A_314 = arith.constant 0 : i32
      %dma_start3A_315 = tpu.memref_slice %arg10[%dma_start3A_313, %dma_start3A_314] : memref<10240x64xf32, #tpu.memory_space<vmem_shared>> -> memref<10240x64xf32, #tpu.memory_space<vmem_shared>>
      tpu.enqueue_indirect_dma source(%dma_start3A_309 : memref<128x64xf32, #tpu.memory_space<vmem>>) target(%dma_start3A_315 : memref<10240x64xf32, #tpu.memory_space<vmem_shared>>) offsets(%dma_start3A_312 : memref<128xi32, #tpu.memory_space<vmem>>) semaphore(%arg22 : memref<!tpu.dma_semaphore, #tpu.memory_space<semaphore_mem>>) {add = true}
      %ge3A_316 = arith.constant 4 : i32
      %ge3A_317 = arith.cmpi sge, %add3A_283, %ge3A_316 : i32
      %convert_element_type3A_318 = arith.extui %ge3A_317 : i1 to i32
      %cond3A_319 = arith.constant 0 : i32
      %cond3A_320 = arith.cmpi ne, %convert_element_type3A_318, %cond3A_319 : i32
      scf.if %cond3A_320 {
        %sub3A = arith.constant 4 : i32
        %sub3A_520 = arith.subi %add3A_283, %sub3A : i32
        %mul3A_521 = arith.constant 1 : i32
        %mul3A_522 = arith.muli %sub3A_520, %mul3A_521 : i32
        %add3A_523 = arith.constant 0 : i32
        %add3A_524 = arith.addi %mul3A_522, %add3A_523 : i32
        %dma_wait3A_525 = arith.constant 7 : i32
        %dma_wait3A_526 = arith.constant 0 : i32
        %dma_wait3A_527 = arith.constant 0 : i32
        %dma_wait3A_528 = arith.constant 0 : i32
        %dma_wait3A_529 = tpu.memref_slice %arg9[%dma_wait3A_525, %dma_wait3A_526, %dma_wait3A_527, %dma_wait3A_528] : memref<8x1x128x64xf32, #tpu.memory_space<vmem>> -> memref<1x1x128x64xf32, #tpu.memory_space<vmem>>
        %dma_wait3A_530 = tpu.memref_squeeze %dma_wait3A_529 : memref<1x1x128x64xf32, #tpu.memory_space<vmem>> -> memref<128x64xf32, #tpu.memory_space<vmem>>
        %dma_wait3A_531 = arith.constant 0 : i32
        %dma_wait3A_532 = tpu.memref_slice %arg8[%add3A_524, %dma_wait3A_531] : memref<80x128xi32, #tpu.memory_space<vmem>> -> memref<1x128xi32, #tpu.memory_space<vmem>>
        %dma_wait3A_533 = tpu.memref_squeeze %dma_wait3A_532 : memref<1x128xi32, #tpu.memory_space<vmem>> -> memref<128xi32, #tpu.memory_space<vmem>>
        %dma_wait3A_534 = arith.constant 0 : i32
        %dma_wait3A_535 = arith.constant 0 : i32
        %dma_wait3A_536 = tpu.memref_slice %arg10[%dma_wait3A_534, %dma_wait3A_535] : memref<10240x64xf32, #tpu.memory_space<vmem_shared>> -> memref<10240x64xf32, #tpu.memory_space<vmem_shared>>
        tpu.wait_indirect_dma semaphore(%arg26 : memref<!tpu.dma_semaphore, #tpu.memory_space<semaphore_mem>>) src(%dma_wait3A_530 : memref<128x64xf32, #tpu.memory_space<vmem>>) dst(%dma_wait3A_536 : memref<10240x64xf32, #tpu.memory_space<vmem_shared>>)
      } else {
      }
      %add3A_321 = arith.constant 4 : i32
      %add3A_322 = arith.addi %add3A_283, %add3A_321 : i32
      %lt3A_323 = arith.constant 80 : i32
      %lt3A_324 = arith.cmpi slt, %add3A_322, %lt3A_323 : i32
      %convert_element_type3A_325 = arith.extui %lt3A_324 : i1 to i32
      %cond3A_326 = arith.constant 0 : i32
      %cond3A_327 = arith.cmpi ne, %convert_element_type3A_325, %cond3A_326 : i32
      scf.if %cond3A_327 {
        %add3A_520 = arith.constant 4 : i32
        %add3A_521 = arith.addi %add3A_283, %add3A_520 : i32
        %mul3A_522 = arith.constant 1 : i32
        %mul3A_523 = arith.muli %add3A_521, %mul3A_522 : i32
        %add3A_524 = arith.constant 0 : i32
        %add3A_525 = arith.addi %mul3A_523, %add3A_524 : i32
        %dma_start3A_526 = arith.constant 7 : i32
        %dma_start3A_527 = arith.constant 0 : i32
        %dma_start3A_528 = arith.constant 0 : i32
        %dma_start3A_529 = arith.constant 0 : i32
        %dma_start3A_530 = tpu.memref_slice %arg9[%dma_start3A_526, %dma_start3A_527, %dma_start3A_528, %dma_start3A_529] : memref<8x1x128x64xf32, #tpu.memory_space<vmem>> -> memref<1x1x128x64xf32, #tpu.memory_space<vmem>>
        %dma_start3A_531 = tpu.memref_squeeze %dma_start3A_530 : memref<1x1x128x64xf32, #tpu.memory_space<vmem>> -> memref<128x64xf32, #tpu.memory_space<vmem>>
        %dma_start3A_532 = arith.constant 0 : i32
        %dma_start3A_533 = tpu.memref_slice %arg7[%add3A_525, %dma_start3A_532] : memref<80x128xi32, #tpu.memory_space<vmem>> -> memref<1x128xi32, #tpu.memory_space<vmem>>
        %dma_start3A_534 = tpu.memref_squeeze %dma_start3A_533 : memref<1x128xi32, #tpu.memory_space<vmem>> -> memref<128xi32, #tpu.memory_space<vmem>>
        %dma_start3A_535 = arith.constant 0 : i32
        %dma_start3A_536 = arith.constant 0 : i32
        %dma_start3A_537 = tpu.memref_slice %arg2[%dma_start3A_535, %dma_start3A_536] : memref<10240x64xf32, #tpu.memory_space<hbm>> -> memref<10240x64xf32, #tpu.memory_space<hbm>>
        tpu.enqueue_indirect_dma source(%dma_start3A_537 : memref<10240x64xf32, #tpu.memory_space<hbm>>) target(%dma_start3A_531 : memref<128x64xf32, #tpu.memory_space<vmem>>) offsets(%dma_start3A_534 : memref<128xi32, #tpu.memory_space<vmem>>) semaphore(%arg18 : memref<!tpu.dma_semaphore, #tpu.memory_space<semaphore_mem>>)
      } else {
      }
      %mul3A_328 = arith.constant 8 : i32
      %mul3A_329 = arith.muli %scan3A_136, %mul3A_328 : i32
      %add3A_330 = arith.constant 4 : i32
      %add3A_331 = arith.addi %mul3A_329, %add3A_330 : i32
      %mul3A_332 = arith.constant 1 : i32
      %mul3A_333 = arith.muli %add3A_331, %mul3A_332 : i32
      %add3A_334 = arith.constant 0 : i32
      %add3A_335 = arith.addi %mul3A_333, %add3A_334 : i32
      %dma_wait3A_336 = arith.constant 4 : i32
      %dma_wait3A_337 = arith.constant 0 : i32
      %dma_wait3A_338 = arith.constant 0 : i32
      %dma_wait3A_339 = arith.constant 0 : i32
      %dma_wait3A_340 = tpu.memref_slice %arg9[%dma_wait3A_336, %dma_wait3A_337, %dma_wait3A_338, %dma_wait3A_339] : memref<8x1x128x64xf32, #tpu.memory_space<vmem>> -> memref<1x1x128x64xf32, #tpu.memory_space<vmem>>
      %dma_wait3A_341 = tpu.memref_squeeze %dma_wait3A_340 : memref<1x1x128x64xf32, #tpu.memory_space<vmem>> -> memref<128x64xf32, #tpu.memory_space<vmem>>
      %dma_wait3A_342 = arith.constant 0 : i32
      %dma_wait3A_343 = tpu.memref_slice %arg7[%add3A_335, %dma_wait3A_342] : memref<80x128xi32, #tpu.memory_space<vmem>> -> memref<1x128xi32, #tpu.memory_space<vmem>>
      %dma_wait3A_344 = tpu.memref_squeeze %dma_wait3A_343 : memref<1x128xi32, #tpu.memory_space<vmem>> -> memref<128xi32, #tpu.memory_space<vmem>>
      %dma_wait3A_345 = arith.constant 0 : i32
      %dma_wait3A_346 = arith.constant 0 : i32
      %dma_wait3A_347 = tpu.memref_slice %arg2[%dma_wait3A_345, %dma_wait3A_346] : memref<10240x64xf32, #tpu.memory_space<hbm>> -> memref<10240x64xf32, #tpu.memory_space<hbm>>
      tpu.wait_indirect_dma semaphore(%arg15 : memref<!tpu.dma_semaphore, #tpu.memory_space<semaphore_mem>>) src(%dma_wait3A_347 : memref<10240x64xf32, #tpu.memory_space<hbm>>) dst(%dma_wait3A_341 : memref<128x64xf32, #tpu.memory_space<vmem>>)
      %mul3A_348 = arith.constant 1 : i32
      %mul3A_349 = arith.muli %add3A_331, %mul3A_348 : i32
      %add3A_350 = arith.constant 0 : i32
      %add3A_351 = arith.addi %mul3A_349, %add3A_350 : i32
      %dma_start3A_352 = arith.constant 4 : i32
      %dma_start3A_353 = arith.constant 0 : i32
      %dma_start3A_354 = arith.constant 0 : i32
      %dma_start3A_355 = arith.constant 0 : i32
      %dma_start3A_356 = tpu.memref_slice %arg9[%dma_start3A_352, %dma_start3A_353, %dma_start3A_354, %dma_start3A_355] : memref<8x1x128x64xf32, #tpu.memory_space<vmem>> -> memref<1x1x128x64xf32, #tpu.memory_space<vmem>>
      %dma_start3A_357 = tpu.memref_squeeze %dma_start3A_356 : memref<1x1x128x64xf32, #tpu.memory_space<vmem>> -> memref<128x64xf32, #tpu.memory_space<vmem>>
      %dma_start3A_358 = arith.constant 0 : i32
      %dma_start3A_359 = tpu.memref_slice %arg8[%add3A_351, %dma_start3A_358] : memref<80x128xi32, #tpu.memory_space<vmem>> -> memref<1x128xi32, #tpu.memory_space<vmem>>
      %dma_start3A_360 = tpu.memref_squeeze %dma_start3A_359 : memref<1x128xi32, #tpu.memory_space<vmem>> -> memref<128xi32, #tpu.memory_space<vmem>>
      %dma_start3A_361 = arith.constant 0 : i32
      %dma_start3A_362 = arith.constant 0 : i32
      %dma_start3A_363 = tpu.memref_slice %arg10[%dma_start3A_361, %dma_start3A_362] : memref<10240x64xf32, #tpu.memory_space<vmem_shared>> -> memref<10240x64xf32, #tpu.memory_space<vmem_shared>>
      tpu.enqueue_indirect_dma source(%dma_start3A_357 : memref<128x64xf32, #tpu.memory_space<vmem>>) target(%dma_start3A_363 : memref<10240x64xf32, #tpu.memory_space<vmem_shared>>) offsets(%dma_start3A_360 : memref<128xi32, #tpu.memory_space<vmem>>) semaphore(%arg23 : memref<!tpu.dma_semaphore, #tpu.memory_space<semaphore_mem>>) {add = true}
      %ge3A_364 = arith.constant 4 : i32
      %ge3A_365 = arith.cmpi sge, %add3A_331, %ge3A_364 : i32
      %convert_element_type3A_366 = arith.extui %ge3A_365 : i1 to i32
      %cond3A_367 = arith.constant 0 : i32
      %cond3A_368 = arith.cmpi ne, %convert_element_type3A_366, %cond3A_367 : i32
      scf.if %cond3A_368 {
        %sub3A = arith.constant 4 : i32
        %sub3A_520 = arith.subi %add3A_331, %sub3A : i32
        %mul3A_521 = arith.constant 1 : i32
        %mul3A_522 = arith.muli %sub3A_520, %mul3A_521 : i32
        %add3A_523 = arith.constant 0 : i32
        %add3A_524 = arith.addi %mul3A_522, %add3A_523 : i32
        %dma_wait3A_525 = arith.constant 0 : i32
        %dma_wait3A_526 = arith.constant 0 : i32
        %dma_wait3A_527 = arith.constant 0 : i32
        %dma_wait3A_528 = arith.constant 0 : i32
        %dma_wait3A_529 = tpu.memref_slice %arg9[%dma_wait3A_525, %dma_wait3A_526, %dma_wait3A_527, %dma_wait3A_528] : memref<8x1x128x64xf32, #tpu.memory_space<vmem>> -> memref<1x1x128x64xf32, #tpu.memory_space<vmem>>
        %dma_wait3A_530 = tpu.memref_squeeze %dma_wait3A_529 : memref<1x1x128x64xf32, #tpu.memory_space<vmem>> -> memref<128x64xf32, #tpu.memory_space<vmem>>
        %dma_wait3A_531 = arith.constant 0 : i32
        %dma_wait3A_532 = tpu.memref_slice %arg8[%add3A_524, %dma_wait3A_531] : memref<80x128xi32, #tpu.memory_space<vmem>> -> memref<1x128xi32, #tpu.memory_space<vmem>>
        %dma_wait3A_533 = tpu.memref_squeeze %dma_wait3A_532 : memref<1x128xi32, #tpu.memory_space<vmem>> -> memref<128xi32, #tpu.memory_space<vmem>>
        %dma_wait3A_534 = arith.constant 0 : i32
        %dma_wait3A_535 = arith.constant 0 : i32
        %dma_wait3A_536 = tpu.memref_slice %arg10[%dma_wait3A_534, %dma_wait3A_535] : memref<10240x64xf32, #tpu.memory_space<vmem_shared>> -> memref<10240x64xf32, #tpu.memory_space<vmem_shared>>
        tpu.wait_indirect_dma semaphore(%arg19 : memref<!tpu.dma_semaphore, #tpu.memory_space<semaphore_mem>>) src(%dma_wait3A_530 : memref<128x64xf32, #tpu.memory_space<vmem>>) dst(%dma_wait3A_536 : memref<10240x64xf32, #tpu.memory_space<vmem_shared>>)
      } else {
      }
      %add3A_369 = arith.constant 4 : i32
      %add3A_370 = arith.addi %add3A_331, %add3A_369 : i32
      %lt3A_371 = arith.constant 80 : i32
      %lt3A_372 = arith.cmpi slt, %add3A_370, %lt3A_371 : i32
      %convert_element_type3A_373 = arith.extui %lt3A_372 : i1 to i32
      %cond3A_374 = arith.constant 0 : i32
      %cond3A_375 = arith.cmpi ne, %convert_element_type3A_373, %cond3A_374 : i32
      scf.if %cond3A_375 {
        %add3A_520 = arith.constant 4 : i32
        %add3A_521 = arith.addi %add3A_331, %add3A_520 : i32
        %mul3A_522 = arith.constant 1 : i32
        %mul3A_523 = arith.muli %add3A_521, %mul3A_522 : i32
        %add3A_524 = arith.constant 0 : i32
        %add3A_525 = arith.addi %mul3A_523, %add3A_524 : i32
        %dma_start3A_526 = arith.constant 0 : i32
        %dma_start3A_527 = arith.constant 0 : i32
        %dma_start3A_528 = arith.constant 0 : i32
        %dma_start3A_529 = arith.constant 0 : i32
        %dma_start3A_530 = tpu.memref_slice %arg9[%dma_start3A_526, %dma_start3A_527, %dma_start3A_528, %dma_start3A_529] : memref<8x1x128x64xf32, #tpu.memory_space<vmem>> -> memref<1x1x128x64xf32, #tpu.memory_space<vmem>>
        %dma_start3A_531 = tpu.memref_squeeze %dma_start3A_530 : memref<1x1x128x64xf32, #tpu.memory_space<vmem>> -> memref<128x64xf32, #tpu.memory_space<vmem>>
        %dma_start3A_532 = arith.constant 0 : i32
        %dma_start3A_533 = tpu.memref_slice %arg7[%add3A_525, %dma_start3A_532] : memref<80x128xi32, #tpu.memory_space<vmem>> -> memref<1x128xi32, #tpu.memory_space<vmem>>
        %dma_start3A_534 = tpu.memref_squeeze %dma_start3A_533 : memref<1x128xi32, #tpu.memory_space<vmem>> -> memref<128xi32, #tpu.memory_space<vmem>>
        %dma_start3A_535 = arith.constant 0 : i32
        %dma_start3A_536 = arith.constant 0 : i32
        %dma_start3A_537 = tpu.memref_slice %arg2[%dma_start3A_535, %dma_start3A_536] : memref<10240x64xf32, #tpu.memory_space<hbm>> -> memref<10240x64xf32, #tpu.memory_space<hbm>>
        tpu.enqueue_indirect_dma source(%dma_start3A_537 : memref<10240x64xf32, #tpu.memory_space<hbm>>) target(%dma_start3A_531 : memref<128x64xf32, #tpu.memory_space<vmem>>) offsets(%dma_start3A_534 : memref<128xi32, #tpu.memory_space<vmem>>) semaphore(%arg11 : memref<!tpu.dma_semaphore, #tpu.memory_space<semaphore_mem>>)
      } else {
      }
      %mul3A_376 = arith.constant 8 : i32
      %mul3A_377 = arith.muli %scan3A_136, %mul3A_376 : i32
      %add3A_378 = arith.constant 5 : i32
      %add3A_379 = arith.addi %mul3A_377, %add3A_378 : i32
      %mul3A_380 = arith.constant 1 : i32
      %mul3A_381 = arith.muli %add3A_379, %mul3A_380 : i32
      %add3A_382 = arith.constant 0 : i32
      %add3A_383 = arith.addi %mul3A_381, %add3A_382 : i32
      %dma_wait3A_384 = arith.constant 5 : i32
      %dma_wait3A_385 = arith.constant 0 : i32
      %dma_wait3A_386 = arith.constant 0 : i32
      %dma_wait3A_387 = arith.constant 0 : i32
      %dma_wait3A_388 = tpu.memref_slice %arg9[%dma_wait3A_384, %dma_wait3A_385, %dma_wait3A_386, %dma_wait3A_387] : memref<8x1x128x64xf32, #tpu.memory_space<vmem>> -> memref<1x1x128x64xf32, #tpu.memory_space<vmem>>
      %dma_wait3A_389 = tpu.memref_squeeze %dma_wait3A_388 : memref<1x1x128x64xf32, #tpu.memory_space<vmem>> -> memref<128x64xf32, #tpu.memory_space<vmem>>
      %dma_wait3A_390 = arith.constant 0 : i32
      %dma_wait3A_391 = tpu.memref_slice %arg7[%add3A_383, %dma_wait3A_390] : memref<80x128xi32, #tpu.memory_space<vmem>> -> memref<1x128xi32, #tpu.memory_space<vmem>>
      %dma_wait3A_392 = tpu.memref_squeeze %dma_wait3A_391 : memref<1x128xi32, #tpu.memory_space<vmem>> -> memref<128xi32, #tpu.memory_space<vmem>>
      %dma_wait3A_393 = arith.constant 0 : i32
      %dma_wait3A_394 = arith.constant 0 : i32
      %dma_wait3A_395 = tpu.memref_slice %arg2[%dma_wait3A_393, %dma_wait3A_394] : memref<10240x64xf32, #tpu.memory_space<hbm>> -> memref<10240x64xf32, #tpu.memory_space<hbm>>
      tpu.wait_indirect_dma semaphore(%arg16 : memref<!tpu.dma_semaphore, #tpu.memory_space<semaphore_mem>>) src(%dma_wait3A_395 : memref<10240x64xf32, #tpu.memory_space<hbm>>) dst(%dma_wait3A_389 : memref<128x64xf32, #tpu.memory_space<vmem>>)
      %mul3A_396 = arith.constant 1 : i32
      %mul3A_397 = arith.muli %add3A_379, %mul3A_396 : i32
      %add3A_398 = arith.constant 0 : i32
      %add3A_399 = arith.addi %mul3A_397, %add3A_398 : i32
      %dma_start3A_400 = arith.constant 5 : i32
      %dma_start3A_401 = arith.constant 0 : i32
      %dma_start3A_402 = arith.constant 0 : i32
      %dma_start3A_403 = arith.constant 0 : i32
      %dma_start3A_404 = tpu.memref_slice %arg9[%dma_start3A_400, %dma_start3A_401, %dma_start3A_402, %dma_start3A_403] : memref<8x1x128x64xf32, #tpu.memory_space<vmem>> -> memref<1x1x128x64xf32, #tpu.memory_space<vmem>>
      %dma_start3A_405 = tpu.memref_squeeze %dma_start3A_404 : memref<1x1x128x64xf32, #tpu.memory_space<vmem>> -> memref<128x64xf32, #tpu.memory_space<vmem>>
      %dma_start3A_406 = arith.constant 0 : i32
      %dma_start3A_407 = tpu.memref_slice %arg8[%add3A_399, %dma_start3A_406] : memref<80x128xi32, #tpu.memory_space<vmem>> -> memref<1x128xi32, #tpu.memory_space<vmem>>
      %dma_start3A_408 = tpu.memref_squeeze %dma_start3A_407 : memref<1x128xi32, #tpu.memory_space<vmem>> -> memref<128xi32, #tpu.memory_space<vmem>>
      %dma_start3A_409 = arith.constant 0 : i32
      %dma_start3A_410 = arith.constant 0 : i32
      %dma_start3A_411 = tpu.memref_slice %arg10[%dma_start3A_409, %dma_start3A_410] : memref<10240x64xf32, #tpu.memory_space<vmem_shared>> -> memref<10240x64xf32, #tpu.memory_space<vmem_shared>>
      tpu.enqueue_indirect_dma source(%dma_start3A_405 : memref<128x64xf32, #tpu.memory_space<vmem>>) target(%dma_start3A_411 : memref<10240x64xf32, #tpu.memory_space<vmem_shared>>) offsets(%dma_start3A_408 : memref<128xi32, #tpu.memory_space<vmem>>) semaphore(%arg24 : memref<!tpu.dma_semaphore, #tpu.memory_space<semaphore_mem>>) {add = true}
      %ge3A_412 = arith.constant 4 : i32
      %ge3A_413 = arith.cmpi sge, %add3A_379, %ge3A_412 : i32
      %convert_element_type3A_414 = arith.extui %ge3A_413 : i1 to i32
      %cond3A_415 = arith.constant 0 : i32
      %cond3A_416 = arith.cmpi ne, %convert_element_type3A_414, %cond3A_415 : i32
      scf.if %cond3A_416 {
        %sub3A = arith.constant 4 : i32
        %sub3A_520 = arith.subi %add3A_379, %sub3A : i32
        %mul3A_521 = arith.constant 1 : i32
        %mul3A_522 = arith.muli %sub3A_520, %mul3A_521 : i32
        %add3A_523 = arith.constant 0 : i32
        %add3A_524 = arith.addi %mul3A_522, %add3A_523 : i32
        %dma_wait3A_525 = arith.constant 1 : i32
        %dma_wait3A_526 = arith.constant 0 : i32
        %dma_wait3A_527 = arith.constant 0 : i32
        %dma_wait3A_528 = arith.constant 0 : i32
        %dma_wait3A_529 = tpu.memref_slice %arg9[%dma_wait3A_525, %dma_wait3A_526, %dma_wait3A_527, %dma_wait3A_528] : memref<8x1x128x64xf32, #tpu.memory_space<vmem>> -> memref<1x1x128x64xf32, #tpu.memory_space<vmem>>
        %dma_wait3A_530 = tpu.memref_squeeze %dma_wait3A_529 : memref<1x1x128x64xf32, #tpu.memory_space<vmem>> -> memref<128x64xf32, #tpu.memory_space<vmem>>
        %dma_wait3A_531 = arith.constant 0 : i32
        %dma_wait3A_532 = tpu.memref_slice %arg8[%add3A_524, %dma_wait3A_531] : memref<80x128xi32, #tpu.memory_space<vmem>> -> memref<1x128xi32, #tpu.memory_space<vmem>>
        %dma_wait3A_533 = tpu.memref_squeeze %dma_wait3A_532 : memref<1x128xi32, #tpu.memory_space<vmem>> -> memref<128xi32, #tpu.memory_space<vmem>>
        %dma_wait3A_534 = arith.constant 0 : i32
        %dma_wait3A_535 = arith.constant 0 : i32
        %dma_wait3A_536 = tpu.memref_slice %arg10[%dma_wait3A_534, %dma_wait3A_535] : memref<10240x64xf32, #tpu.memory_space<vmem_shared>> -> memref<10240x64xf32, #tpu.memory_space<vmem_shared>>
        tpu.wait_indirect_dma semaphore(%arg20 : memref<!tpu.dma_semaphore, #tpu.memory_space<semaphore_mem>>) src(%dma_wait3A_530 : memref<128x64xf32, #tpu.memory_space<vmem>>) dst(%dma_wait3A_536 : memref<10240x64xf32, #tpu.memory_space<vmem_shared>>)
      } else {
      }
      %add3A_417 = arith.constant 4 : i32
      %add3A_418 = arith.addi %add3A_379, %add3A_417 : i32
      %lt3A_419 = arith.constant 80 : i32
      %lt3A_420 = arith.cmpi slt, %add3A_418, %lt3A_419 : i32
      %convert_element_type3A_421 = arith.extui %lt3A_420 : i1 to i32
      %cond3A_422 = arith.constant 0 : i32
      %cond3A_423 = arith.cmpi ne, %convert_element_type3A_421, %cond3A_422 : i32
      scf.if %cond3A_423 {
        %add3A_520 = arith.constant 4 : i32
        %add3A_521 = arith.addi %add3A_379, %add3A_520 : i32
        %mul3A_522 = arith.constant 1 : i32
        %mul3A_523 = arith.muli %add3A_521, %mul3A_522 : i32
        %add3A_524 = arith.constant 0 : i32
        %add3A_525 = arith.addi %mul3A_523, %add3A_524 : i32
        %dma_start3A_526 = arith.constant 1 : i32
        %dma_start3A_527 = arith.constant 0 : i32
        %dma_start3A_528 = arith.constant 0 : i32
        %dma_start3A_529 = arith.constant 0 : i32
        %dma_start3A_530 = tpu.memref_slice %arg9[%dma_start3A_526, %dma_start3A_527, %dma_start3A_528, %dma_start3A_529] : memref<8x1x128x64xf32, #tpu.memory_space<vmem>> -> memref<1x1x128x64xf32, #tpu.memory_space<vmem>>
        %dma_start3A_531 = tpu.memref_squeeze %dma_start3A_530 : memref<1x1x128x64xf32, #tpu.memory_space<vmem>> -> memref<128x64xf32, #tpu.memory_space<vmem>>
        %dma_start3A_532 = arith.constant 0 : i32
        %dma_start3A_533 = tpu.memref_slice %arg7[%add3A_525, %dma_start3A_532] : memref<80x128xi32, #tpu.memory_space<vmem>> -> memref<1x128xi32, #tpu.memory_space<vmem>>
        %dma_start3A_534 = tpu.memref_squeeze %dma_start3A_533 : memref<1x128xi32, #tpu.memory_space<vmem>> -> memref<128xi32, #tpu.memory_space<vmem>>
        %dma_start3A_535 = arith.constant 0 : i32
        %dma_start3A_536 = arith.constant 0 : i32
        %dma_start3A_537 = tpu.memref_slice %arg2[%dma_start3A_535, %dma_start3A_536] : memref<10240x64xf32, #tpu.memory_space<hbm>> -> memref<10240x64xf32, #tpu.memory_space<hbm>>
        tpu.enqueue_indirect_dma source(%dma_start3A_537 : memref<10240x64xf32, #tpu.memory_space<hbm>>) target(%dma_start3A_531 : memref<128x64xf32, #tpu.memory_space<vmem>>) offsets(%dma_start3A_534 : memref<128xi32, #tpu.memory_space<vmem>>) semaphore(%arg12 : memref<!tpu.dma_semaphore, #tpu.memory_space<semaphore_mem>>)
      } else {
      }
      %mul3A_424 = arith.constant 8 : i32
      %mul3A_425 = arith.muli %scan3A_136, %mul3A_424 : i32
      %add3A_426 = arith.constant 6 : i32
      %add3A_427 = arith.addi %mul3A_425, %add3A_426 : i32
      %mul3A_428 = arith.constant 1 : i32
      %mul3A_429 = arith.muli %add3A_427, %mul3A_428 : i32
      %add3A_430 = arith.constant 0 : i32
      %add3A_431 = arith.addi %mul3A_429, %add3A_430 : i32
      %dma_wait3A_432 = arith.constant 6 : i32
      %dma_wait3A_433 = arith.constant 0 : i32
      %dma_wait3A_434 = arith.constant 0 : i32
      %dma_wait3A_435 = arith.constant 0 : i32
      %dma_wait3A_436 = tpu.memref_slice %arg9[%dma_wait3A_432, %dma_wait3A_433, %dma_wait3A_434, %dma_wait3A_435] : memref<8x1x128x64xf32, #tpu.memory_space<vmem>> -> memref<1x1x128x64xf32, #tpu.memory_space<vmem>>
      %dma_wait3A_437 = tpu.memref_squeeze %dma_wait3A_436 : memref<1x1x128x64xf32, #tpu.memory_space<vmem>> -> memref<128x64xf32, #tpu.memory_space<vmem>>
      %dma_wait3A_438 = arith.constant 0 : i32
      %dma_wait3A_439 = tpu.memref_slice %arg7[%add3A_431, %dma_wait3A_438] : memref<80x128xi32, #tpu.memory_space<vmem>> -> memref<1x128xi32, #tpu.memory_space<vmem>>
      %dma_wait3A_440 = tpu.memref_squeeze %dma_wait3A_439 : memref<1x128xi32, #tpu.memory_space<vmem>> -> memref<128xi32, #tpu.memory_space<vmem>>
      %dma_wait3A_441 = arith.constant 0 : i32
      %dma_wait3A_442 = arith.constant 0 : i32
      %dma_wait3A_443 = tpu.memref_slice %arg2[%dma_wait3A_441, %dma_wait3A_442] : memref<10240x64xf32, #tpu.memory_space<hbm>> -> memref<10240x64xf32, #tpu.memory_space<hbm>>
      tpu.wait_indirect_dma semaphore(%arg17 : memref<!tpu.dma_semaphore, #tpu.memory_space<semaphore_mem>>) src(%dma_wait3A_443 : memref<10240x64xf32, #tpu.memory_space<hbm>>) dst(%dma_wait3A_437 : memref<128x64xf32, #tpu.memory_space<vmem>>)
      %mul3A_444 = arith.constant 1 : i32
      %mul3A_445 = arith.muli %add3A_427, %mul3A_444 : i32
      %add3A_446 = arith.constant 0 : i32
      %add3A_447 = arith.addi %mul3A_445, %add3A_446 : i32
      %dma_start3A_448 = arith.constant 6 : i32
      %dma_start3A_449 = arith.constant 0 : i32
      %dma_start3A_450 = arith.constant 0 : i32
      %dma_start3A_451 = arith.constant 0 : i32
      %dma_start3A_452 = tpu.memref_slice %arg9[%dma_start3A_448, %dma_start3A_449, %dma_start3A_450, %dma_start3A_451] : memref<8x1x128x64xf32, #tpu.memory_space<vmem>> -> memref<1x1x128x64xf32, #tpu.memory_space<vmem>>
      %dma_start3A_453 = tpu.memref_squeeze %dma_start3A_452 : memref<1x1x128x64xf32, #tpu.memory_space<vmem>> -> memref<128x64xf32, #tpu.memory_space<vmem>>
      %dma_start3A_454 = arith.constant 0 : i32
      %dma_start3A_455 = tpu.memref_slice %arg8[%add3A_447, %dma_start3A_454] : memref<80x128xi32, #tpu.memory_space<vmem>> -> memref<1x128xi32, #tpu.memory_space<vmem>>
      %dma_start3A_456 = tpu.memref_squeeze %dma_start3A_455 : memref<1x128xi32, #tpu.memory_space<vmem>> -> memref<128xi32, #tpu.memory_space<vmem>>
      %dma_start3A_457 = arith.constant 0 : i32
      %dma_start3A_458 = arith.constant 0 : i32
      %dma_start3A_459 = tpu.memref_slice %arg10[%dma_start3A_457, %dma_start3A_458] : memref<10240x64xf32, #tpu.memory_space<vmem_shared>> -> memref<10240x64xf32, #tpu.memory_space<vmem_shared>>
      tpu.enqueue_indirect_dma source(%dma_start3A_453 : memref<128x64xf32, #tpu.memory_space<vmem>>) target(%dma_start3A_459 : memref<10240x64xf32, #tpu.memory_space<vmem_shared>>) offsets(%dma_start3A_456 : memref<128xi32, #tpu.memory_space<vmem>>) semaphore(%arg25 : memref<!tpu.dma_semaphore, #tpu.memory_space<semaphore_mem>>) {add = true}
      %ge3A_460 = arith.constant 4 : i32
      %ge3A_461 = arith.cmpi sge, %add3A_427, %ge3A_460 : i32
      %convert_element_type3A_462 = arith.extui %ge3A_461 : i1 to i32
      %cond3A_463 = arith.constant 0 : i32
      %cond3A_464 = arith.cmpi ne, %convert_element_type3A_462, %cond3A_463 : i32
      scf.if %cond3A_464 {
        %sub3A = arith.constant 4 : i32
        %sub3A_520 = arith.subi %add3A_427, %sub3A : i32
        %mul3A_521 = arith.constant 1 : i32
        %mul3A_522 = arith.muli %sub3A_520, %mul3A_521 : i32
        %add3A_523 = arith.constant 0 : i32
        %add3A_524 = arith.addi %mul3A_522, %add3A_523 : i32
        %dma_wait3A_525 = arith.constant 2 : i32
        %dma_wait3A_526 = arith.constant 0 : i32
        %dma_wait3A_527 = arith.constant 0 : i32
        %dma_wait3A_528 = arith.constant 0 : i32
        %dma_wait3A_529 = tpu.memref_slice %arg9[%dma_wait3A_525, %dma_wait3A_526, %dma_wait3A_527, %dma_wait3A_528] : memref<8x1x128x64xf32, #tpu.memory_space<vmem>> -> memref<1x1x128x64xf32, #tpu.memory_space<vmem>>
        %dma_wait3A_530 = tpu.memref_squeeze %dma_wait3A_529 : memref<1x1x128x64xf32, #tpu.memory_space<vmem>> -> memref<128x64xf32, #tpu.memory_space<vmem>>
        %dma_wait3A_531 = arith.constant 0 : i32
        %dma_wait3A_532 = tpu.memref_slice %arg8[%add3A_524, %dma_wait3A_531] : memref<80x128xi32, #tpu.memory_space<vmem>> -> memref<1x128xi32, #tpu.memory_space<vmem>>
        %dma_wait3A_533 = tpu.memref_squeeze %dma_wait3A_532 : memref<1x128xi32, #tpu.memory_space<vmem>> -> memref<128xi32, #tpu.memory_space<vmem>>
        %dma_wait3A_534 = arith.constant 0 : i32
        %dma_wait3A_535 = arith.constant 0 : i32
        %dma_wait3A_536 = tpu.memref_slice %arg10[%dma_wait3A_534, %dma_wait3A_535] : memref<10240x64xf32, #tpu.memory_space<vmem_shared>> -> memref<10240x64xf32, #tpu.memory_space<vmem_shared>>
        tpu.wait_indirect_dma semaphore(%arg21 : memref<!tpu.dma_semaphore, #tpu.memory_space<semaphore_mem>>) src(%dma_wait3A_530 : memref<128x64xf32, #tpu.memory_space<vmem>>) dst(%dma_wait3A_536 : memref<10240x64xf32, #tpu.memory_space<vmem_shared>>)
      } else {
      }
      %add3A_465 = arith.constant 4 : i32
      %add3A_466 = arith.addi %add3A_427, %add3A_465 : i32
      %lt3A_467 = arith.constant 80 : i32
      %lt3A_468 = arith.cmpi slt, %add3A_466, %lt3A_467 : i32
      %convert_element_type3A_469 = arith.extui %lt3A_468 : i1 to i32
      %cond3A_470 = arith.constant 0 : i32
      %cond3A_471 = arith.cmpi ne, %convert_element_type3A_469, %cond3A_470 : i32
      scf.if %cond3A_471 {
        %add3A_520 = arith.constant 4 : i32
        %add3A_521 = arith.addi %add3A_427, %add3A_520 : i32
        %mul3A_522 = arith.constant 1 : i32
        %mul3A_523 = arith.muli %add3A_521, %mul3A_522 : i32
        %add3A_524 = arith.constant 0 : i32
        %add3A_525 = arith.addi %mul3A_523, %add3A_524 : i32
        %dma_start3A_526 = arith.constant 2 : i32
        %dma_start3A_527 = arith.constant 0 : i32
        %dma_start3A_528 = arith.constant 0 : i32
        %dma_start3A_529 = arith.constant 0 : i32
        %dma_start3A_530 = tpu.memref_slice %arg9[%dma_start3A_526, %dma_start3A_527, %dma_start3A_528, %dma_start3A_529] : memref<8x1x128x64xf32, #tpu.memory_space<vmem>> -> memref<1x1x128x64xf32, #tpu.memory_space<vmem>>
        %dma_start3A_531 = tpu.memref_squeeze %dma_start3A_530 : memref<1x1x128x64xf32, #tpu.memory_space<vmem>> -> memref<128x64xf32, #tpu.memory_space<vmem>>
        %dma_start3A_532 = arith.constant 0 : i32
        %dma_start3A_533 = tpu.memref_slice %arg7[%add3A_525, %dma_start3A_532] : memref<80x128xi32, #tpu.memory_space<vmem>> -> memref<1x128xi32, #tpu.memory_space<vmem>>
        %dma_start3A_534 = tpu.memref_squeeze %dma_start3A_533 : memref<1x128xi32, #tpu.memory_space<vmem>> -> memref<128xi32, #tpu.memory_space<vmem>>
        %dma_start3A_535 = arith.constant 0 : i32
        %dma_start3A_536 = arith.constant 0 : i32
        %dma_start3A_537 = tpu.memref_slice %arg2[%dma_start3A_535, %dma_start3A_536] : memref<10240x64xf32, #tpu.memory_space<hbm>> -> memref<10240x64xf32, #tpu.memory_space<hbm>>
        tpu.enqueue_indirect_dma source(%dma_start3A_537 : memref<10240x64xf32, #tpu.memory_space<hbm>>) target(%dma_start3A_531 : memref<128x64xf32, #tpu.memory_space<vmem>>) offsets(%dma_start3A_534 : memref<128xi32, #tpu.memory_space<vmem>>) semaphore(%arg13 : memref<!tpu.dma_semaphore, #tpu.memory_space<semaphore_mem>>)
      } else {
      }
      %mul3A_472 = arith.constant 8 : i32
      %mul3A_473 = arith.muli %scan3A_136, %mul3A_472 : i32
      %add3A_474 = arith.constant 7 : i32
      %add3A_475 = arith.addi %mul3A_473, %add3A_474 : i32
      %mul3A_476 = arith.constant 1 : i32
      %mul3A_477 = arith.muli %add3A_475, %mul3A_476 : i32
      %add3A_478 = arith.constant 0 : i32
      %add3A_479 = arith.addi %mul3A_477, %add3A_478 : i32
      %dma_wait3A_480 = arith.constant 7 : i32
      %dma_wait3A_481 = arith.constant 0 : i32
      %dma_wait3A_482 = arith.constant 0 : i32
      %dma_wait3A_483 = arith.constant 0 : i32
      %dma_wait3A_484 = tpu.memref_slice %arg9[%dma_wait3A_480, %dma_wait3A_481, %dma_wait3A_482, %dma_wait3A_483] : memref<8x1x128x64xf32, #tpu.memory_space<vmem>> -> memref<1x1x128x64xf32, #tpu.memory_space<vmem>>
      %dma_wait3A_485 = tpu.memref_squeeze %dma_wait3A_484 : memref<1x1x128x64xf32, #tpu.memory_space<vmem>> -> memref<128x64xf32, #tpu.memory_space<vmem>>
      %dma_wait3A_486 = arith.constant 0 : i32
      %dma_wait3A_487 = tpu.memref_slice %arg7[%add3A_479, %dma_wait3A_486] : memref<80x128xi32, #tpu.memory_space<vmem>> -> memref<1x128xi32, #tpu.memory_space<vmem>>
      %dma_wait3A_488 = tpu.memref_squeeze %dma_wait3A_487 : memref<1x128xi32, #tpu.memory_space<vmem>> -> memref<128xi32, #tpu.memory_space<vmem>>
      %dma_wait3A_489 = arith.constant 0 : i32
      %dma_wait3A_490 = arith.constant 0 : i32
      %dma_wait3A_491 = tpu.memref_slice %arg2[%dma_wait3A_489, %dma_wait3A_490] : memref<10240x64xf32, #tpu.memory_space<hbm>> -> memref<10240x64xf32, #tpu.memory_space<hbm>>
      tpu.wait_indirect_dma semaphore(%arg18 : memref<!tpu.dma_semaphore, #tpu.memory_space<semaphore_mem>>) src(%dma_wait3A_491 : memref<10240x64xf32, #tpu.memory_space<hbm>>) dst(%dma_wait3A_485 : memref<128x64xf32, #tpu.memory_space<vmem>>)
      %mul3A_492 = arith.constant 1 : i32
      %mul3A_493 = arith.muli %add3A_475, %mul3A_492 : i32
      %add3A_494 = arith.constant 0 : i32
      %add3A_495 = arith.addi %mul3A_493, %add3A_494 : i32
      %dma_start3A_496 = arith.constant 7 : i32
      %dma_start3A_497 = arith.constant 0 : i32
      %dma_start3A_498 = arith.constant 0 : i32
      %dma_start3A_499 = arith.constant 0 : i32
      %dma_start3A_500 = tpu.memref_slice %arg9[%dma_start3A_496, %dma_start3A_497, %dma_start3A_498, %dma_start3A_499] : memref<8x1x128x64xf32, #tpu.memory_space<vmem>> -> memref<1x1x128x64xf32, #tpu.memory_space<vmem>>
      %dma_start3A_501 = tpu.memref_squeeze %dma_start3A_500 : memref<1x1x128x64xf32, #tpu.memory_space<vmem>> -> memref<128x64xf32, #tpu.memory_space<vmem>>
      %dma_start3A_502 = arith.constant 0 : i32
      %dma_start3A_503 = tpu.memref_slice %arg8[%add3A_495, %dma_start3A_502] : memref<80x128xi32, #tpu.memory_space<vmem>> -> memref<1x128xi32, #tpu.memory_space<vmem>>
      %dma_start3A_504 = tpu.memref_squeeze %dma_start3A_503 : memref<1x128xi32, #tpu.memory_space<vmem>> -> memref<128xi32, #tpu.memory_space<vmem>>
      %dma_start3A_505 = arith.constant 0 : i32
      %dma_start3A_506 = arith.constant 0 : i32
      %dma_start3A_507 = tpu.memref_slice %arg10[%dma_start3A_505, %dma_start3A_506] : memref<10240x64xf32, #tpu.memory_space<vmem_shared>> -> memref<10240x64xf32, #tpu.memory_space<vmem_shared>>
      tpu.enqueue_indirect_dma source(%dma_start3A_501 : memref<128x64xf32, #tpu.memory_space<vmem>>) target(%dma_start3A_507 : memref<10240x64xf32, #tpu.memory_space<vmem_shared>>) offsets(%dma_start3A_504 : memref<128xi32, #tpu.memory_space<vmem>>) semaphore(%arg26 : memref<!tpu.dma_semaphore, #tpu.memory_space<semaphore_mem>>) {add = true}
      %ge3A_508 = arith.constant 4 : i32
      %ge3A_509 = arith.cmpi sge, %add3A_475, %ge3A_508 : i32
      %convert_element_type3A_510 = arith.extui %ge3A_509 : i1 to i32
      %cond3A_511 = arith.constant 0 : i32
      %cond3A_512 = arith.cmpi ne, %convert_element_type3A_510, %cond3A_511 : i32
      scf.if %cond3A_512 {
        %sub3A = arith.constant 4 : i32
        %sub3A_520 = arith.subi %add3A_475, %sub3A : i32
        %mul3A_521 = arith.constant 1 : i32
        %mul3A_522 = arith.muli %sub3A_520, %mul3A_521 : i32
        %add3A_523 = arith.constant 0 : i32
        %add3A_524 = arith.addi %mul3A_522, %add3A_523 : i32
        %dma_wait3A_525 = arith.constant 3 : i32
        %dma_wait3A_526 = arith.constant 0 : i32
        %dma_wait3A_527 = arith.constant 0 : i32
        %dma_wait3A_528 = arith.constant 0 : i32
        %dma_wait3A_529 = tpu.memref_slice %arg9[%dma_wait3A_525, %dma_wait3A_526, %dma_wait3A_527, %dma_wait3A_528] : memref<8x1x128x64xf32, #tpu.memory_space<vmem>> -> memref<1x1x128x64xf32, #tpu.memory_space<vmem>>
        %dma_wait3A_530 = tpu.memref_squeeze %dma_wait3A_529 : memref<1x1x128x64xf32, #tpu.memory_space<vmem>> -> memref<128x64xf32, #tpu.memory_space<vmem>>
        %dma_wait3A_531 = arith.constant 0 : i32
        %dma_wait3A_532 = tpu.memref_slice %arg8[%add3A_524, %dma_wait3A_531] : memref<80x128xi32, #tpu.memory_space<vmem>> -> memref<1x128xi32, #tpu.memory_space<vmem>>
        %dma_wait3A_533 = tpu.memref_squeeze %dma_wait3A_532 : memref<1x128xi32, #tpu.memory_space<vmem>> -> memref<128xi32, #tpu.memory_space<vmem>>
        %dma_wait3A_534 = arith.constant 0 : i32
        %dma_wait3A_535 = arith.constant 0 : i32
        %dma_wait3A_536 = tpu.memref_slice %arg10[%dma_wait3A_534, %dma_wait3A_535] : memref<10240x64xf32, #tpu.memory_space<vmem_shared>> -> memref<10240x64xf32, #tpu.memory_space<vmem_shared>>
        tpu.wait_indirect_dma semaphore(%arg22 : memref<!tpu.dma_semaphore, #tpu.memory_space<semaphore_mem>>) src(%dma_wait3A_530 : memref<128x64xf32, #tpu.memory_space<vmem>>) dst(%dma_wait3A_536 : memref<10240x64xf32, #tpu.memory_space<vmem_shared>>)
      } else {
      }
      %add3A_513 = arith.constant 4 : i32
      %add3A_514 = arith.addi %add3A_475, %add3A_513 : i32
      %lt3A_515 = arith.constant 80 : i32
      %lt3A_516 = arith.cmpi slt, %add3A_514, %lt3A_515 : i32
      %convert_element_type3A_517 = arith.extui %lt3A_516 : i1 to i32
      %cond3A_518 = arith.constant 0 : i32
      %cond3A_519 = arith.cmpi ne, %convert_element_type3A_517, %cond3A_518 : i32
      scf.if %cond3A_519 {
        %add3A_520 = arith.constant 4 : i32
        %add3A_521 = arith.addi %add3A_475, %add3A_520 : i32
        %mul3A_522 = arith.constant 1 : i32
        %mul3A_523 = arith.muli %add3A_521, %mul3A_522 : i32
        %add3A_524 = arith.constant 0 : i32
        %add3A_525 = arith.addi %mul3A_523, %add3A_524 : i32
        %dma_start3A_526 = arith.constant 3 : i32
        %dma_start3A_527 = arith.constant 0 : i32
        %dma_start3A_528 = arith.constant 0 : i32
        %dma_start3A_529 = arith.constant 0 : i32
        %dma_start3A_530 = tpu.memref_slice %arg9[%dma_start3A_526, %dma_start3A_527, %dma_start3A_528, %dma_start3A_529] : memref<8x1x128x64xf32, #tpu.memory_space<vmem>> -> memref<1x1x128x64xf32, #tpu.memory_space<vmem>>
        %dma_start3A_531 = tpu.memref_squeeze %dma_start3A_530 : memref<1x1x128x64xf32, #tpu.memory_space<vmem>> -> memref<128x64xf32, #tpu.memory_space<vmem>>
        %dma_start3A_532 = arith.constant 0 : i32
        %dma_start3A_533 = tpu.memref_slice %arg7[%add3A_525, %dma_start3A_532] : memref<80x128xi32, #tpu.memory_space<vmem>> -> memref<1x128xi32, #tpu.memory_space<vmem>>
        %dma_start3A_534 = tpu.memref_squeeze %dma_start3A_533 : memref<1x128xi32, #tpu.memory_space<vmem>> -> memref<128xi32, #tpu.memory_space<vmem>>
        %dma_start3A_535 = arith.constant 0 : i32
        %dma_start3A_536 = arith.constant 0 : i32
        %dma_start3A_537 = tpu.memref_slice %arg2[%dma_start3A_535, %dma_start3A_536] : memref<10240x64xf32, #tpu.memory_space<hbm>> -> memref<10240x64xf32, #tpu.memory_space<hbm>>
        tpu.enqueue_indirect_dma source(%dma_start3A_537 : memref<10240x64xf32, #tpu.memory_space<hbm>>) target(%dma_start3A_531 : memref<128x64xf32, #tpu.memory_space<vmem>>) offsets(%dma_start3A_534 : memref<128xi32, #tpu.memory_space<vmem>>) semaphore(%arg14 : memref<!tpu.dma_semaphore, #tpu.memory_space<semaphore_mem>>)
      } else {
      }
    }
    %scan3A_79 = arith.constant 10 : i32
    %dma_wait3A = arith.constant 4 : i32
    %dma_wait3A_80 = arith.constant 0 : i32
    %dma_wait3A_81 = arith.constant 76 : i32
    %dma_wait3A_82 = arith.constant 0 : i32
    %dma_wait3A_83 = arith.constant 0 : i32
    %dma_wait3A_84 = tpu.memref_slice %arg9[%dma_wait3A, %dma_wait3A_80, %dma_wait3A_82, %dma_wait3A_83] : memref<8x1x128x64xf32, #tpu.memory_space<vmem>> -> memref<1x1x128x64xf32, #tpu.memory_space<vmem>>
    %dma_wait3A_85 = tpu.memref_squeeze %dma_wait3A_84 : memref<1x1x128x64xf32, #tpu.memory_space<vmem>> -> memref<128x64xf32, #tpu.memory_space<vmem>>
    %dma_wait3A_86 = arith.constant 0 : i32
    %dma_wait3A_87 = tpu.memref_slice %arg8[%dma_wait3A_81, %dma_wait3A_86] : memref<80x128xi32, #tpu.memory_space<vmem>> -> memref<1x128xi32, #tpu.memory_space<vmem>>
    %dma_wait3A_88 = tpu.memref_squeeze %dma_wait3A_87 : memref<1x128xi32, #tpu.memory_space<vmem>> -> memref<128xi32, #tpu.memory_space<vmem>>
    %dma_wait3A_89 = arith.constant 0 : i32
    %dma_wait3A_90 = arith.constant 0 : i32
    %dma_wait3A_91 = tpu.memref_slice %arg10[%dma_wait3A_89, %dma_wait3A_90] : memref<10240x64xf32, #tpu.memory_space<vmem_shared>> -> memref<10240x64xf32, #tpu.memory_space<vmem_shared>>
    tpu.wait_indirect_dma semaphore(%arg23 : memref<!tpu.dma_semaphore, #tpu.memory_space<semaphore_mem>>) src(%dma_wait3A_85 : memref<128x64xf32, #tpu.memory_space<vmem>>) dst(%dma_wait3A_91 : memref<10240x64xf32, #tpu.memory_space<vmem_shared>>)
    %dma_wait3A_92 = arith.constant 5 : i32
    %dma_wait3A_93 = arith.constant 0 : i32
    %dma_wait3A_94 = arith.constant 77 : i32
    %dma_wait3A_95 = arith.constant 0 : i32
    %dma_wait3A_96 = arith.constant 0 : i32
    %dma_wait3A_97 = tpu.memref_slice %arg9[%dma_wait3A_92, %dma_wait3A_93, %dma_wait3A_95, %dma_wait3A_96] : memref<8x1x128x64xf32, #tpu.memory_space<vmem>> -> memref<1x1x128x64xf32, #tpu.memory_space<vmem>>
    %dma_wait3A_98 = tpu.memref_squeeze %dma_wait3A_97 : memref<1x1x128x64xf32, #tpu.memory_space<vmem>> -> memref<128x64xf32, #tpu.memory_space<vmem>>
    %dma_wait3A_99 = arith.constant 0 : i32
    %dma_wait3A_100 = tpu.memref_slice %arg8[%dma_wait3A_94, %dma_wait3A_99] : memref<80x128xi32, #tpu.memory_space<vmem>> -> memref<1x128xi32, #tpu.memory_space<vmem>>
    %dma_wait3A_101 = tpu.memref_squeeze %dma_wait3A_100 : memref<1x128xi32, #tpu.memory_space<vmem>> -> memref<128xi32, #tpu.memory_space<vmem>>
    %dma_wait3A_102 = arith.constant 0 : i32
    %dma_wait3A_103 = arith.constant 0 : i32
    %dma_wait3A_104 = tpu.memref_slice %arg10[%dma_wait3A_102, %dma_wait3A_103] : memref<10240x64xf32, #tpu.memory_space<vmem_shared>> -> memref<10240x64xf32, #tpu.memory_space<vmem_shared>>
    tpu.wait_indirect_dma semaphore(%arg24 : memref<!tpu.dma_semaphore, #tpu.memory_space<semaphore_mem>>) src(%dma_wait3A_98 : memref<128x64xf32, #tpu.memory_space<vmem>>) dst(%dma_wait3A_104 : memref<10240x64xf32, #tpu.memory_space<vmem_shared>>)
    %dma_wait3A_105 = arith.constant 6 : i32
    %dma_wait3A_106 = arith.constant 0 : i32
    %dma_wait3A_107 = arith.constant 78 : i32
    %dma_wait3A_108 = arith.constant 0 : i32
    %dma_wait3A_109 = arith.constant 0 : i32
    %dma_wait3A_110 = tpu.memref_slice %arg9[%dma_wait3A_105, %dma_wait3A_106, %dma_wait3A_108, %dma_wait3A_109] : memref<8x1x128x64xf32, #tpu.memory_space<vmem>> -> memref<1x1x128x64xf32, #tpu.memory_space<vmem>>
    %dma_wait3A_111 = tpu.memref_squeeze %dma_wait3A_110 : memref<1x1x128x64xf32, #tpu.memory_space<vmem>> -> memref<128x64xf32, #tpu.memory_space<vmem>>
    %dma_wait3A_112 = arith.constant 0 : i32
    %dma_wait3A_113 = tpu.memref_slice %arg8[%dma_wait3A_107, %dma_wait3A_112] : memref<80x128xi32, #tpu.memory_space<vmem>> -> memref<1x128xi32, #tpu.memory_space<vmem>>
    %dma_wait3A_114 = tpu.memref_squeeze %dma_wait3A_113 : memref<1x128xi32, #tpu.memory_space<vmem>> -> memref<128xi32, #tpu.memory_space<vmem>>
    %dma_wait3A_115 = arith.constant 0 : i32
    %dma_wait3A_116 = arith.constant 0 : i32
    %dma_wait3A_117 = tpu.memref_slice %arg10[%dma_wait3A_115, %dma_wait3A_116] : memref<10240x64xf32, #tpu.memory_space<vmem_shared>> -> memref<10240x64xf32, #tpu.memory_space<vmem_shared>>
    tpu.wait_indirect_dma semaphore(%arg25 : memref<!tpu.dma_semaphore, #tpu.memory_space<semaphore_mem>>) src(%dma_wait3A_111 : memref<128x64xf32, #tpu.memory_space<vmem>>) dst(%dma_wait3A_117 : memref<10240x64xf32, #tpu.memory_space<vmem_shared>>)
    %dma_wait3A_118 = arith.constant 7 : i32
    %dma_wait3A_119 = arith.constant 0 : i32
    %dma_wait3A_120 = arith.constant 79 : i32
    %dma_wait3A_121 = arith.constant 0 : i32
    %dma_wait3A_122 = arith.constant 0 : i32
    %dma_wait3A_123 = tpu.memref_slice %arg9[%dma_wait3A_118, %dma_wait3A_119, %dma_wait3A_121, %dma_wait3A_122] : memref<8x1x128x64xf32, #tpu.memory_space<vmem>> -> memref<1x1x128x64xf32, #tpu.memory_space<vmem>>
    %dma_wait3A_124 = tpu.memref_squeeze %dma_wait3A_123 : memref<1x1x128x64xf32, #tpu.memory_space<vmem>> -> memref<128x64xf32, #tpu.memory_space<vmem>>
    %dma_wait3A_125 = arith.constant 0 : i32
    %dma_wait3A_126 = tpu.memref_slice %arg8[%dma_wait3A_120, %dma_wait3A_125] : memref<80x128xi32, #tpu.memory_space<vmem>> -> memref<1x128xi32, #tpu.memory_space<vmem>>
    %dma_wait3A_127 = tpu.memref_squeeze %dma_wait3A_126 : memref<1x128xi32, #tpu.memory_space<vmem>> -> memref<128xi32, #tpu.memory_space<vmem>>
    %dma_wait3A_128 = arith.constant 0 : i32
    %dma_wait3A_129 = arith.constant 0 : i32
    %dma_wait3A_130 = tpu.memref_slice %arg10[%dma_wait3A_128, %dma_wait3A_129] : memref<10240x64xf32, #tpu.memory_space<vmem_shared>> -> memref<10240x64xf32, #tpu.memory_space<vmem_shared>>
    tpu.wait_indirect_dma semaphore(%arg26 : memref<!tpu.dma_semaphore, #tpu.memory_space<semaphore_mem>>) src(%dma_wait3A_124 : memref<128x64xf32, #tpu.memory_space<vmem>>) dst(%dma_wait3A_130 : memref<10240x64xf32, #tpu.memory_space<vmem_shared>>)
    %barrier3A_131 = arith.constant 0 : index
    tpu.barrier barrier_id(%barrier3A_131)
    %mul3A_132 = arith.constant 640 : i32
    %mul3A_133 = arith.muli %arg1, %mul3A_132 : i32
    %mul3A_134 = arith.constant 640 : i32
    %mul3A_135 = arith.muli %arg1, %mul3A_134 : i32
    "tpu.region"() ({
      %run_scoped3A = tpu.sem_alloc : memref<!tpu.dma_semaphore, #tpu.memory_space<semaphore_mem>>
      %dma_start3A_136 = arith.constant 0 : i32
      %dma_start3A_137 = tpu.memref_slice %arg6[%arg0, %mul3A_135, %dma_start3A_136] : memref<2x10240x64xf32, #tpu.memory_space<hbm>> -> memref<1x640x64xf32, #tpu.memory_space<hbm>>
      %dma_start3A_138 = tpu.memref_squeeze %dma_start3A_137 : memref<1x640x64xf32, #tpu.memory_space<hbm>> -> memref<640x64xf32, #tpu.memory_space<hbm>>
      %dma_start3A_139 = arith.constant 0 : i32
      %dma_start3A_140 = tpu.memref_slice %arg10[%mul3A_133, %dma_start3A_139] : memref<10240x64xf32, #tpu.memory_space<vmem_shared>> -> memref<640x64xf32, #tpu.memory_space<vmem_shared>>
      tpu.enqueue_dma source(%dma_start3A_140 : memref<640x64xf32, #tpu.memory_space<vmem_shared>>) target(%dma_start3A_138 : memref<640x64xf32, #tpu.memory_space<hbm>>) target_semaphore(%run_scoped3A : memref<!tpu.dma_semaphore, #tpu.memory_space<semaphore_mem>>)
      %dma_wait3A_141 = arith.constant 0 : i32
      %dma_wait3A_142 = tpu.memref_slice %arg6[%arg0, %mul3A_135, %dma_wait3A_141] : memref<2x10240x64xf32, #tpu.memory_space<hbm>> -> memref<1x640x64xf32, #tpu.memory_space<hbm>>
      %dma_wait3A_143 = tpu.memref_squeeze %dma_wait3A_142 : memref<1x640x64xf32, #tpu.memory_space<hbm>> -> memref<640x64xf32, #tpu.memory_space<hbm>>
      %dma_wait3A_144 = arith.constant 0 : i32
      %dma_wait3A_145 = tpu.memref_slice %arg10[%mul3A_133, %dma_wait3A_144] : memref<10240x64xf32, #tpu.memory_space<vmem_shared>> -> memref<640x64xf32, #tpu.memory_space<vmem_shared>>
      tpu.wait_dma2 semaphore(%run_scoped3A : memref<!tpu.dma_semaphore, #tpu.memory_space<semaphore_mem>>) src(%dma_wait3A_145 : memref<640x64xf32, #tpu.memory_space<vmem_shared>>) dst(%dma_wait3A_143 : memref<640x64xf32, #tpu.memory_space<hbm>>)
      tpu.yield
    }) : () -> ()
    return
  }
}

module attributes {stable_mosaic.version = 14 : i64} {
  func.func @body(%arg0: i32, %arg1: memref<1024x256xf32, #tpu.memory_space<vmem>>, %arg2: memref<1024x128xf32, #tpu.memory_space<vmem>>, %arg3: memref<256x128xf32, #tpu.memory_space<vmem>>, %arg4: memref<1024x128xf32, #tpu.memory_space<vmem>>) attributes {dimension_semantics = [#tpu.dimension_semantics<arbitrary>], iteration_bounds = array<i64: 5>, scalar_prefetch = 0 : i64, scratch_operands = 0 : i64, tpu.core_type = #tpu.core_type<tc>, window_params = [{transform_indices = @transform_0, window_bounds = array<i64: 1024, 256>}, {transform_indices = @transform_1, window_bounds = array<i64: 1024, 128>}, {pipeline_mode = #tpu.pipeline_mode<synchronous>, transform_indices = @transform_2, window_bounds = array<i64: 256, 128>}, {transform_indices = @transform_3, window_bounds = array<i64: 1024, 128>}]} {
    %get3A = arith.constant 0 : index
    %get3A_0 = arith.constant 0 : index
    %get3A_1 = vector.load %arg2[%get3A, %get3A_0] : memref<1024x128xf32, #tpu.memory_space<vmem>>, vector<1024x128xf32>
    %get3A_2 = arith.constant 0 : index
    %get3A_3 = arith.constant 0 : index
    %get3A_4 = vector.load %arg1[%get3A_2, %get3A_3] : memref<1024x256xf32, #tpu.memory_space<vmem>>, vector<1024x256xf32>
    %get3A_5 = arith.constant 0 : index
    %get3A_6 = arith.constant 0 : index
    %get3A_7 = vector.load %arg3[%get3A_5, %get3A_6] : memref<256x128xf32, #tpu.memory_space<vmem>>, vector<256x128xf32>
    %dot_general3A = arith.constant dense<0.000000e+00> : vector<1024x128xf32>
    %dot_general3A_8 = tpu.matmul %get3A_4, %get3A_7, %dot_general3A {dimension_numbers = #tpu.dot_dimension_numbers<[1], [0], [0], [1], [0, 0, 1, 1], [], []>, transpose_lhs_hint = false} : vector<1024x256xf32>, vector<256x128xf32>, vector<1024x128xf32> -> vector<1024x128xf32>
    %mul3A = arith.mulf %get3A_1, %dot_general3A_8 : vector<1024x128xf32>
    %swap3A = arith.constant 0 : index
    %swap3A_9 = arith.constant 0 : index
    %swap3A_10 = vector.load %arg4[%swap3A, %swap3A_9] : memref<1024x128xf32, #tpu.memory_space<vmem>>, vector<1024x128xf32>
    tpu.vector_store %arg4[%swap3A, %swap3A_9], %mul3A {strides = array<i32>} : memref<1024x128xf32, #tpu.memory_space<vmem>>, vector<1024x128xf32>,
    return
  }
  func.func @transform_0(%arg0: i32) -> (i32, i32) {
    %c0_i32 = arith.constant 0 : i32
    %c0_i32_0 = arith.constant 0 : i32
    return %arg0, %c0_i32 : i32, i32
  }
  func.func @transform_1(%arg0: i32) -> (i32, i32) {
    %c0_i32 = arith.constant 0 : i32
    %c0_i32_0 = arith.constant 0 : i32
    return %arg0, %c0_i32 : i32, i32
  }
  func.func @transform_2(%arg0: i32) -> (i32, i32) {
    %c0_i32 = arith.constant 0 : i32
    %c0_i32_0 = arith.constant 0 : i32
    %c0_i32_1 = arith.constant 0 : i32
    return %c0_i32, %c0_i32_0 : i32, i32
  }
  func.func @transform_3(%arg0: i32) -> (i32, i32) {
    %c0_i32 = arith.constant 0 : i32
    %c0_i32_0 = arith.constant 0 : i32
    return %arg0, %c0_i32 : i32, i32
  }
}

module attributes {stable_mosaic.version = 14 : i64} {
  func.func @body(%arg0: i32, %arg1: memref<2x1024x128xf32, #tpu.memory_space<vmem>>, %arg2: memref<1024x128xf32, #tpu.memory_space<vmem>>, %arg3: memref<1024x128xf32, #tpu.memory_space<vmem>>, %arg4: memref<1024x128xf32, #tpu.memory_space<vmem>>, %arg5: memref<128x128xf32, #tpu.memory_space<vmem>>, %arg6: memref<1x128xf32, #tpu.memory_space<vmem>>, %arg7: memref<1024x128xf32, #tpu.memory_space<vmem>>) attributes {dimension_semantics = [#tpu.dimension_semantics<arbitrary>], iteration_bounds = array<i64: 5>, scalar_prefetch = 0 : i64, scratch_operands = 0 : i64, tpu.core_type = #tpu.core_type<tc>, window_params = [{transform_indices = @transform_0, window_bounds = array<i64: 2, 1024, 128>}, {transform_indices = @transform_1, window_bounds = array<i64: 1024, 128>}, {transform_indices = @transform_2, window_bounds = array<i64: 1024, 128>}, {transform_indices = @transform_3, window_bounds = array<i64: 1024, 128>}, {pipeline_mode = #tpu.pipeline_mode<synchronous>, transform_indices = @transform_4, window_bounds = array<i64: 128, 128>}, {pipeline_mode = #tpu.pipeline_mode<synchronous>, transform_indices = @transform_5, window_bounds = array<i64: 1, 128>}, {transform_indices = @transform_6, window_bounds = array<i64: 1024, 128>}]} {
    %get3A = arith.constant 0 : index
    %get3A_0 = arith.constant 0 : index
    %get3A_1 = arith.constant 0 : index
    %get3A_2 = vector.load %arg1[%get3A, %get3A_0, %get3A_1] : memref<2x1024x128xf32, #tpu.memory_space<vmem>>, vector<1x1024x128xf32>
    %get3A_3 = vector.shape_cast %get3A_2 : vector<1x1024x128xf32> to vector<1024x128xf32>
    %get3A_4 = arith.constant 1 : index
    %get3A_5 = arith.constant 0 : index
    %get3A_6 = arith.constant 0 : index
    %get3A_7 = vector.load %arg1[%get3A_4, %get3A_5, %get3A_6] : memref<2x1024x128xf32, #tpu.memory_space<vmem>>, vector<1x1024x128xf32>
    %get3A_8 = vector.shape_cast %get3A_7 : vector<1x1024x128xf32> to vector<1024x128xf32>
    %add3A = arith.addf %get3A_3, %get3A_8 : vector<1024x128xf32>
    %get3A_9 = arith.constant 0 : index
    %get3A_10 = arith.constant 0 : index
    %get3A_11 = vector.load %arg2[%get3A_9, %get3A_10] : memref<1024x128xf32, #tpu.memory_space<vmem>>, vector<1024x128xf32>
    %sub3A = arith.subf %add3A, %get3A_11 : vector<1024x128xf32>
    %get3A_12 = arith.constant 0 : index
    %get3A_13 = arith.constant 0 : index
    %get3A_14 = vector.load %arg4[%get3A_12, %get3A_13] : memref<1024x128xf32, #tpu.memory_space<vmem>>, vector<1024x128xf32>
    %mul3A = arith.mulf %sub3A, %get3A_14 : vector<1024x128xf32>
    %get3A_15 = arith.constant 0 : index
    %get3A_16 = arith.constant 0 : index
    %get3A_17 = vector.load %arg6[%get3A_15, %get3A_16] : memref<1x128xf32, #tpu.memory_space<vmem>>, vector<1x128xf32>
    %add3A_18 = vector.broadcast %get3A_17 : vector<1x128xf32> to vector<1024x128xf32>
    %add3A_19 = arith.addf %mul3A, %add3A_18 : vector<1024x128xf32>
    %max3A = arith.constant 0.000000e+00 : f32
    %max3A_20 = vector.broadcast %max3A : f32 to vector<1024x128xf32>
    %max3A_21 = arith.maximumf %add3A_19, %max3A_20 : vector<1024x128xf32>
    %get3A_22 = arith.constant 0 : index
    %get3A_23 = arith.constant 0 : index
    %get3A_24 = vector.load %arg3[%get3A_22, %get3A_23] : memref<1024x128xf32, #tpu.memory_space<vmem>>, vector<1024x128xf32>
    %get3A_25 = arith.constant 0 : index
    %get3A_26 = arith.constant 0 : index
    %get3A_27 = vector.load %arg5[%get3A_25, %get3A_26] : memref<128x128xf32, #tpu.memory_space<vmem>>, vector<128x128xf32>
    %dot_general3A = arith.constant dense<0.000000e+00> : vector<1024x128xf32>
    %dot_general3A_28 = tpu.matmul %max3A_21, %get3A_27, %dot_general3A {dimension_numbers = #tpu.dot_dimension_numbers<[1], [0], [0], [1], [0, 0, 1, 1], [], []>, transpose_lhs_hint = false} : vector<1024x128xf32>, vector<128x128xf32>, vector<1024x128xf32> -> vector<1024x128xf32>
    %mul3A_29 = arith.mulf %get3A_24, %dot_general3A_28 : vector<1024x128xf32>
    %swap3A = arith.constant 0 : index
    %swap3A_30 = arith.constant 0 : index
    %swap3A_31 = vector.load %arg7[%swap3A, %swap3A_30] : memref<1024x128xf32, #tpu.memory_space<vmem>>, vector<1024x128xf32>
    tpu.vector_store %arg7[%swap3A, %swap3A_30], %mul3A_29 {strides = array<i32>} : memref<1024x128xf32, #tpu.memory_space<vmem>>, vector<1024x128xf32>,
    return
  }
  func.func @transform_0(%arg0: i32) -> (i32, i32, i32) {
    %c0_i32 = arith.constant 0 : i32
    %c0_i32_0 = arith.constant 0 : i32
    %c0_i32_1 = arith.constant 0 : i32
    return %c0_i32, %arg0, %c0_i32_0 : i32, i32, i32
  }
  func.func @transform_1(%arg0: i32) -> (i32, i32) {
    %c0_i32 = arith.constant 0 : i32
    %c0_i32_0 = arith.constant 0 : i32
    return %arg0, %c0_i32 : i32, i32
  }
  func.func @transform_2(%arg0: i32) -> (i32, i32) {
    %c0_i32 = arith.constant 0 : i32
    %c0_i32_0 = arith.constant 0 : i32
    return %arg0, %c0_i32 : i32, i32
  }
  func.func @transform_3(%arg0: i32) -> (i32, i32) {
    %c0_i32 = arith.constant 0 : i32
    %c0_i32_0 = arith.constant 0 : i32
    return %arg0, %c0_i32 : i32, i32
  }
  func.func @transform_4(%arg0: i32) -> (i32, i32) {
    %c0_i32 = arith.constant 0 : i32
    %c0_i32_0 = arith.constant 0 : i32
    %c0_i32_1 = arith.constant 0 : i32
    return %c0_i32, %c0_i32_0 : i32, i32
  }
  func.func @transform_5(%arg0: i32) -> (i32, i32) {
    %c0_i32 = arith.constant 0 : i32
    %c0_i32_0 = arith.constant 0 : i32
    %c0_i32_1 = arith.constant 0 : i32
    return %c0_i32, %c0_i32_0 : i32, i32
  }
  func.func @transform_6(%arg0: i32) -> (i32, i32) {
    %c0_i32 = arith.constant 0 : i32
    %c0_i32_0 = arith.constant 0 : i32
    return %arg0, %c0_i32 : i32, i32
  }
}

module attributes {stable_mosaic.version = 14 : i64} {
  func.func @body(%arg0: i32, %arg1: memref<2x1000x128xf32, #tpu.memory_space<vmem>>, %arg2: memref<1000x128xf32, #tpu.memory_space<vmem>>, %arg3: memref<1000x128xf32, #tpu.memory_space<vmem>>, %arg4: memref<1x128xf32, #tpu.memory_space<vmem>>, %arg5: memref<128x32xf32, #tpu.memory_space<vmem>>, %arg6: memref<1x32xf32, #tpu.memory_space<vmem>>, %arg7: memref<1000x32xf32, #tpu.memory_space<vmem>>) attributes {dimension_semantics = [#tpu.dimension_semantics<arbitrary>], iteration_bounds = array<i64: 5>, scalar_prefetch = 0 : i64, scratch_operands = 0 : i64, tpu.core_type = #tpu.core_type<tc>, window_params = [{transform_indices = @transform_0, window_bounds = array<i64: 2, 1000, 128>}, {transform_indices = @transform_1, window_bounds = array<i64: 1000, 128>}, {transform_indices = @transform_2, window_bounds = array<i64: 1000, 128>}, {pipeline_mode = #tpu.pipeline_mode<synchronous>, transform_indices = @transform_3, window_bounds = array<i64: 1, 128>}, {pipeline_mode = #tpu.pipeline_mode<synchronous>, transform_indices = @transform_4, window_bounds = array<i64: 128, 32>}, {pipeline_mode = #tpu.pipeline_mode<synchronous>, transform_indices = @transform_5, window_bounds = array<i64: 1, 32>}, {transform_indices = @transform_6, window_bounds = array<i64: 1000, 32>}]} {
    %get3A = arith.constant 0 : index
    %get3A_0 = arith.constant 0 : index
    %get3A_1 = arith.constant 0 : index
    %get3A_2 = vector.load %arg1[%get3A, %get3A_0, %get3A_1] : memref<2x1000x128xf32, #tpu.memory_space<vmem>>, vector<1x1000x128xf32>
    %get3A_3 = vector.shape_cast %get3A_2 : vector<1x1000x128xf32> to vector<1000x128xf32>
    %get3A_4 = arith.constant 1 : index
    %get3A_5 = arith.constant 0 : index
    %get3A_6 = arith.constant 0 : index
    %get3A_7 = vector.load %arg1[%get3A_4, %get3A_5, %get3A_6] : memref<2x1000x128xf32, #tpu.memory_space<vmem>>, vector<1x1000x128xf32>
    %get3A_8 = vector.shape_cast %get3A_7 : vector<1x1000x128xf32> to vector<1000x128xf32>
    %add3A = arith.addf %get3A_3, %get3A_8 : vector<1000x128xf32>
    %get3A_9 = arith.constant 0 : index
    %get3A_10 = arith.constant 0 : index
    %get3A_11 = vector.load %arg2[%get3A_9, %get3A_10] : memref<1000x128xf32, #tpu.memory_space<vmem>>, vector<1000x128xf32>
    %sub3A = arith.subf %add3A, %get3A_11 : vector<1000x128xf32>
    %get3A_12 = arith.constant 0 : index
    %get3A_13 = arith.constant 0 : index
    %get3A_14 = vector.load %arg3[%get3A_12, %get3A_13] : memref<1000x128xf32, #tpu.memory_space<vmem>>, vector<1000x128xf32>
    %mul3A = arith.mulf %sub3A, %get3A_14 : vector<1000x128xf32>
    %get3A_15 = arith.constant 0 : index
    %get3A_16 = arith.constant 0 : index
    %get3A_17 = vector.load %arg4[%get3A_15, %get3A_16] : memref<1x128xf32, #tpu.memory_space<vmem>>, vector<1x128xf32>
    %add3A_18 = vector.broadcast %get3A_17 : vector<1x128xf32> to vector<1000x128xf32>
    %add3A_19 = arith.addf %mul3A, %add3A_18 : vector<1000x128xf32>
    %max3A = arith.constant 0.000000e+00 : f32
    %max3A_20 = vector.broadcast %max3A : f32 to vector<1000x128xf32>
    %max3A_21 = arith.maximumf %add3A_19, %max3A_20 : vector<1000x128xf32>
    %get3A_22 = arith.constant 0 : index
    %get3A_23 = arith.constant 0 : index
    %get3A_24 = vector.load %arg5[%get3A_22, %get3A_23] : memref<128x32xf32, #tpu.memory_space<vmem>>, vector<128x32xf32>
    %dot_general3A = arith.constant dense<0.000000e+00> : vector<1000x32xf32>
    %dot_general3A_25 = tpu.matmul %max3A_21, %get3A_24, %dot_general3A {dimension_numbers = #tpu.dot_dimension_numbers<[1], [0], [0], [1], [0, 0, 1, 1], [], []>, transpose_lhs_hint = false} : vector<1000x128xf32>, vector<128x32xf32>, vector<1000x32xf32> -> vector<1000x32xf32>
    %get3A_26 = arith.constant 0 : index
    %get3A_27 = arith.constant 0 : index
    %get3A_28 = vector.load %arg6[%get3A_26, %get3A_27] : memref<1x32xf32, #tpu.memory_space<vmem>>, vector<1x32xf32>
    %add3A_29 = vector.broadcast %get3A_28 : vector<1x32xf32> to vector<1000x32xf32>
    %add3A_30 = arith.addf %dot_general3A_25, %add3A_29 : vector<1000x32xf32>
    %swap3A = arith.constant 0 : index
    %swap3A_31 = arith.constant 0 : index
    %swap3A_32 = vector.load %arg7[%swap3A, %swap3A_31] : memref<1000x32xf32, #tpu.memory_space<vmem>>, vector<1000x32xf32>
    tpu.vector_store %arg7[%swap3A, %swap3A_31], %add3A_30 {strides = array<i32>} : memref<1000x32xf32, #tpu.memory_space<vmem>>, vector<1000x32xf32>,
    return
  }
  func.func @transform_0(%arg0: i32) -> (i32, i32, i32) {
    %c0_i32 = arith.constant 0 : i32
    %c0_i32_0 = arith.constant 0 : i32
    %c0_i32_1 = arith.constant 0 : i32
    return %c0_i32, %arg0, %c0_i32_0 : i32, i32, i32
  }
  func.func @transform_1(%arg0: i32) -> (i32, i32) {
    %c0_i32 = arith.constant 0 : i32
    %c0_i32_0 = arith.constant 0 : i32
    return %arg0, %c0_i32 : i32, i32
  }
  func.func @transform_2(%arg0: i32) -> (i32, i32) {
    %c0_i32 = arith.constant 0 : i32
    %c0_i32_0 = arith.constant 0 : i32
    return %arg0, %c0_i32 : i32, i32
  }
  func.func @transform_3(%arg0: i32) -> (i32, i32) {
    %c0_i32 = arith.constant 0 : i32
    %c0_i32_0 = arith.constant 0 : i32
    %c0_i32_1 = arith.constant 0 : i32
    return %c0_i32, %c0_i32_0 : i32, i32
  }
  func.func @transform_4(%arg0: i32) -> (i32, i32) {
    %c0_i32 = arith.constant 0 : i32
    %c0_i32_0 = arith.constant 0 : i32
    %c0_i32_1 = arith.constant 0 : i32
    return %c0_i32, %c0_i32_0 : i32, i32
  }
  func.func @transform_5(%arg0: i32) -> (i32, i32) {
    %c0_i32 = arith.constant 0 : i32
    %c0_i32_0 = arith.constant 0 : i32
    %c0_i32_1 = arith.constant 0 : i32
    return %c0_i32, %c0_i32_0 : i32, i32
  }
  func.func @transform_6(%arg0: i32) -> (i32, i32) {
    %c0_i32 = arith.constant 0 : i32
    %c0_i32_0 = arith.constant 0 : i32
    return %arg0, %c0_i32 : i32, i32
  }
}

</mosaic_0001>

<sc_bundles>
// kernel: kernel.11.cloned.1.call-start
scs
__scs_entry_jumppad:
0x0: {  	(pc) =	sbr.rel $0x88, $3  }
0x1: {  	(tag) =	ssettag $0x0;
	lr =	simm.s32 $0x1  }
0x2: {  	[smem:$0x3F99] =	sst lr;
	_ =	strace $0xD0000000  }
0x3: {  	_ = 	snop  }
0x4: {  	_ = 	snop  }
0x5: {  	_ = 	snop  }
0x6: {  	_ = 	snop  }
0x7: {  	_ = 	snop  }
__scs_overlays_trampoline_lowered:
0x8: {  	[smem:$0x3FA8] =	sst s0  }
0x9: {  	[smem:$0x3FA9] =	sst s1  }
0xa: {  	[smem:$0x3FAA] =	sst s2  }
0xb: {  	[smem:$0x3FAB] =	sst s3  }
0xc: {  	[smem:$0x3FAC] =	sst s4  }
0xd: {  	[smem:$0x3FAD] =	sst s5  }
0xe: {  	[smem:$0x3FAE] =	sst s6  }
0xf: {  	[smem:$0x3FAF] =	sst s7  }
0x10: {  	[smem:$0x3FB0] =	sst s8  }
0x11: {  	[smem:$0x3FB1] =	sst s9;
	s0 =	simm.s32 @!p0 $0x0  }
0x12: {  	s1 =	sld [smem:$0x3F97];
	s0 =	simm.s32 @p0 $0x1  }
0x13: {  	[smem:$0x3FB2] =	sst s0;
	s0 =	simm.s32 @!p1 $0x0  }
0x14: {  	s2 =	sld [smem:$0x3F96];
	s0 =	simm.s32 @p1 $0x1  }
0x15: {  	[smem:$0x3FB3] =	sst s0;
	s0 =	simm.s32 @!p2 $0x0  }
0x16: {  	s3 =	sld [smem:$0x3FDB];
	s0 =	simm.s32 @p2 $0x1  }
0x17: {  	s4 =	simm.s32 $0x1BF5;
	[smem:$0x3FB5] =	sst s0  }
0x18: {  	s0 =	sld [smem:$0x3F98];
	_ =	swait.ge [sflag:s4], $0x0  }
0x19: {  	s7 =	sld [smem:$0x3F99]  }
0x1a: {  	s8 =	sadd.s32 $0xFFFFE003, lr  }
0x1b: {  	s9 =	sadd.s32 $0xFFFFFEF7, lr;
	s5 =	simm.s32 $0xFFFFFFFF;
	p2 =	slt.u32 s8, $0xFFFFF086  }
0x1c: {  	p1 =	slt.u32 s9, $0xF7A;
	s5 =	simm.s32 @!p2 $0x0  }
0x1d: {  	s5 =	simm.s32 @p1 $0x1;
	p0 =	seq.s32 s7, s2  }
0x1e: {  	s7 =	smul.u32 @!p0 $0xF7A, s2;
	p2 =	seq.s32 @!p0 s5, $0x0  }
0x1f: {  	s9 =	smul.u32 $0xF7A, s1;
	s8 =	simm.s32 @!p0 $0x1BF5;
	p2 =	por !p2, p0  }
0x20: {  	[sflag:s8] =	ssyncset.s32 @!p0 $0xFFFFF086;
	s6 =	sadd.s32 @!p0 s3, s7;
	s7 =	simm.s32 @!p0 $0x108  }
0x21: {  	s3 =	sadd.s32 s3, s9;
	s6 =	sadd.s32 @!p0 $0x88, s6;
	s7 =	simm.s32 @p2 $0x1082  }
0x22: {  	[simem:s7], [sflag:s8] =	dma.local @!p0 [hbm:s6], $0xF7A  }
0x23: {  	s9 =	sor.u32 $0xD0000000, s2;
	s6 =	simm.s32 $0x108;
	_ =	swait.ge @!p0 [sflag:s8], $0x0  }
0x24: {  	s3 =	sadd.s32 $0x88, s3;
	s6 =	simm.s32 @!p1 $0x1082;
	[sflag:s4] =	ssyncset.s32 $0xFFFFF086  }
0x25: {  	[simem:s6], [sflag:s4] =	dma.local [hbm:s3], $0xF7A  }
0x26: {  	[smem:$0x3F99] =	sst s1;
	(tag) =	ssettag s2;
	_ =	strace s9  }
0x27: {  	s1 =	sld [smem:$0x3FA9]  }
0x28: {  	s2 =	sld [smem:$0x3FAA]  }
0x29: {  	s4 =	sld [smem:$0x3FAC]  }
0x2a: {  	p0 =	seq.s32 s5, $0x0;
	s5 =	sld [smem:$0x3FAD]  }
0x2b: {  	s6 =	sld [smem:$0x3FAE]  }
0x2c: {  	s7 =	sld [smem:$0x3FAF]  }
0x2d: {  	s3 =	simm.s32 $0x108;
	s8 =	sld [smem:$0x3FB0]  }
0x2e: {  	s3 =	simm.s32 @!p0 $0x1082;
	s9 =	sld [smem:$0x3FB1]  }
0x2f: {  	lr =	sadd.s32 s0, s3;
	s0 =	sld [smem:$0x3FA8]  }
0x30: {  	s3 =	sld [smem:$0x3FAB]  }
0x31: {  	[smem:$0x3FB4] =	sst s10  }
0x32: {  	s10 =	sld [smem:$0x3FB2];
	_ =	sdelay $0x3  }
0x33: {  	p0 =	seq.s32 s10, $0x1;
	s10 =	sld [smem:$0x3FB4];
	_ =	sdelay $0x3  }
0x34: {  	[smem:$0x3FB4] =	sst s10  }
0x35: {  	s10 =	sld [smem:$0x3FB3];
	_ =	sdelay $0x3  }
0x36: {  	p1 =	seq.s32 s10, $0x1;
	s10 =	sld [smem:$0x3FB4];
	_ =	sdelay $0x3  }
0x37: {  	[smem:$0x3FB4] =	sst s10  }
0x38: {  	s10 =	sld [smem:$0x3FB5]  }
0x39: {  	_ = 	snop;
	(pc) =	sbr.ind lr, $3  }
0x3a: {  	_ = 	snop  }
0x3b: {  	_ = 	snop  }
0x3c: {  	p2 =	seq.s32 s10, $0x1;
	s10 =	sld [smem:$0x3FB4]  }
0x3d: {  	_ =	shalt  }
0x3e: {  	_ =	shalt  }
0x3f: {  	_ =	shalt  }
0x40: {  	_ =	shalt  }
0x41: {  	_ =	shalt  }
0x42: {  	_ =	shalt  }
0x43: {  	_ =	shalt  }
0x44: {  	_ =	shalt  }
0x45: {  	_ =	shalt  }
0x46: {  	_ =	shalt  }
0x47: {  	_ =	shalt  }
0x48: {  	_ =	shalt  }
0x49: {  	_ =	shalt  }
0x4a: {  	_ =	shalt  }
0x4b: {  	_ =	shalt  }
0x4c: {  	_ =	shalt  }
0x4d: {  	_ =	shalt  }
0x4e: {  	_ =	shalt  }
0x4f: {  	_ =	shalt  }
0x50: {  	_ =	shalt  }
0x51: {  	_ =	shalt  }
0x52: {  	_ =	shalt  }
0x53: {  	_ =	shalt  }
0x54: {  	_ =	shalt  }
0x55: {  	_ =	shalt  }
0x56: {  	_ =	shalt  }
0x57: {  	_ =	shalt  }
0x58: {  	_ =	shalt  }
0x59: {  	_ =	shalt  }
0x5a: {  	_ =	shalt  }
0x5b: {  	_ =	shalt  }
0x5c: {  	_ =	shalt  }
0x5d: {  	_ =	shalt  }
0x5e: {  	_ =	shalt  }
0x5f: {  	_ =	shalt  }
0x60: {  	_ =	shalt  }
0x61: {  	_ =	shalt  }
0x62: {  	_ =	shalt  }
0x63: {  	_ =	shalt  }
0x64: {  	_ =	shalt  }
0x65: {  	_ =	shalt  }
0x66: {  	_ =	shalt  }
0x67: {  	_ =	shalt  }
0x68: {  	_ =	shalt  }
0x69: {  	_ =	shalt  }
0x6a: {  	_ =	shalt  }
0x6b: {  	_ =	shalt  }
0x6c: {  	_ =	shalt  }
0x6d: {  	_ =	shalt  }
0x6e: {  	_ =	shalt  }
0x6f: {  	_ =	shalt  }
0x70: {  	_ =	shalt  }
0x71: {  	_ =	shalt  }
0x72: {  	_ =	shalt  }
0x73: {  	_ =	shalt  }
0x74: {  	_ =	shalt  }
0x75: {  	_ =	shalt  }
0x76: {  	_ =	shalt  }
0x77: {  	_ =	shalt  }
0x78: {  	_ =	shalt  }
0x79: {  	_ =	shalt  }
0x7a: {  	_ =	shalt  }
0x7b: {  	_ =	shalt  }
0x7c: {  	_ =	shalt  }
0x7d: {  	_ =	shalt  }
0x7e: {  	_ =	shalt  }
0x7f: {  	_ =	shalt  }
0x80: {  	_ =	shalt  }
0x81: {  	_ =	shalt  }
0x82: {  	_ =	shalt  }
0x83: {  	_ =	shalt  }
0x84: {  	_ =	shalt  }
0x85: {  	_ =	shalt  }
0x86: {  	_ =	shalt  }
0x87: {  	_ =	shalt  }
.Lfunc_end0:
.L_simem_size_0:
called_computation.1_lowered:
.L_overlay_start_0:
0x88: {  	s2 =	sld [smem:$0x3FD9]  }
0x89: {  	s3 =	sld [smem:$0x3FFE];
	_ =	sdelay $0x1  }
0x8a: {  	s1 =	srdreg.scid  }
0x8b: {  	s0 =	sand.u32 $0x1, s1  }
0x8c: {  	s16 =	sshll.u32 s0, $0xA;
	s2 =	sadd.s32 s3, s2  }
0x8d: {  	s2 =	sadd.s32 s2, s16  }
0x8e: {  	[smem:$0x3FC0] =	sst s2  }
0x8f: {  	_ = 	snop  }
0x90: {  	(tm) =	ssettm $0x1  }
0x91: {  	s17 =	sld [smem:$0x3FFB];
	_ =	sdelay $0x3  }
0x92: {  	_ =	strace s17  }
0x93: {  	s2 =	sld [smem:$0x3FFC];
	_ =	sdelay $0x3  }
0x94: {  	_ =	strace s2  }
0x95: {  	s2 =	sld [smem:$0x3FFD];
	_ =	sdelay $0x3  }
0x96: {  	_ =	strace s2  }
0x97: {  	_ =	strace $0x8FFFFFFF  }
0x98: {  	s18 =	sld [smem:$0x3FDB];
	_ =	sdelay $0x1  }
0x99: {  	s19 =	simm.s32 $_scs_section_size  }
0x9a: {  	s4 =	simm.s32 $_size__tile_overlayer_lowered;
	s5 =	simm.s32 $_tile_overlayer_lowered  }
0x9b: {  	s22 =	simm.s32 $0x1BFF;
	s21 =	sshll.u32 s5, $0x1;
	s2 =	sadd.s32 s19, s18  }
0x9c: {  	s6 =	simm.s32 $0x0;
	s20 =	sshll.u32 s4, $0x1;
	s4 =	sadd.s32 s21, s2  }
0x9d: {  	[timem:s6], [sflag:s22] =	dma.local [hbm:s4], s20  }
0x9e: {  	_ =	swait.ge [sflag:s22], s20  }
0x9f: {  	s3 =	ssub.s32 $0x0, s20;
	[sflag:s22] =	ssyncset.done $0x0  }
0xa0: {  	[sflag:s22] =	ssyncadd.s32 s3;
	_ =	sdelay $0x1  }
0xa1: {  	s23 =	simm.s32 $0x1B8B  }
0xa2: {  	_ =	swait.ge [sflag:s23], $0x1  }
0xa3: {  	[sflag:s23] =	ssyncset.done $0x0  }
0xa4: {  	s25 =	simm.s32 $0x1B8E;
	s24 =	sld [smem:$0x3FFE];
	[sflag:s23] =	ssyncadd.s32 $0xFFFFFFFF  }
0xa5: {  	s26 =	simm.s32 $execute0_lowered;
	[smem:$0x3FD2] =	sst s25  }
0xa6: {  	s4 =	sshll.u32 s26, $0x1;
	_ =	strace $0x80000049;
	[dreg:$0x1] =	wrdreg $0xFFFFFFFF  }
0xa7: {  	s28 =	simm.s32 $_size_execute0_lowered;
	s2 =	sadd.s32 s2, s4;
	[dreg:$0x0] =	wrdreg $0x0  }
0xa8: {  	s4 =	sshll.u32 s28, $0x1;
	[dreg:$0x2] =	wrdreg s2  }
0xa9: {  	[dreg:$0x3] =	wrdreg s4  }
0xaa: {  	[dreg:$0x4] =	wrdreg $0xC0  }
0xab: {  	_ =	task [dreg:s6], $0x5FFFF  }
0xac: {  	[dreg:$0x1] =	wrdreg $0xFFFFFFFF  }
0xad: {  	[dreg:$0x0] =	wrdreg $0x60  }
0xae: {  	[dreg:$0x2] =	wrdreg s24  }
0xaf: {  	[dreg:$0x3] =	wrdreg $0x150000  }
0xb0: {  	[dreg:$0x4] =	wrdreg $0x9  }
0xb1: {  	_ =	task.clear_ibuf [dreg:s6], $0x5FFFF;
	_ =	strace $0x90000049  }
0xb2: {  	s29 =	simm.s32 $0x9;
	_ =	strace $0x8000004B  }
0xb3: {  	_ =	swait.ge [sflag:s29], $0x1  }
0xb4: {  	[sflag:s29] =	ssyncadd.s32 $0xFFFFFFFF  }
0xb5: {  	_ =	strace $0x9000004B  }
0xb6: {  	_ =	sfence  }
0xb7: {  	s30 =	sld [smem:$0x0];
	_ =	sdelay $0x2  }
0xb8: {  	s31 =	sshll.u32 s1, $0xD;
	s1 =	sshrl.u32 s1, $0x2  }
0xb9: {  	s3 =	sand.u32 $0x4000, s31;
	s1 =	sadd.s32 s1, s30  }
0xba: {  	s0 =	sor.u32 s3, s0;
	s1 =	sshll.u32 s1, $0x11  }
0xbb: {  	s0 =	sor.u32 s1, s0  }
0xbc: {  	s0 =	sadd.s32 $0x8F2B, s0  }
0xbd: {  	[sflag:s0] =	ssyncadd.remote.s32 $0x1  }
0xbe: {  	_ =	sfence.sel $0xFFFF  }
0xbf: {  	[dreg:$0x0] =	wrdreg $0xFFFFFFFF;
	(pc) =	sbr.abs _section_cstart, $3  }
0xc0: {  	[dreg:$0x1] =	wrdreg $0xFFFFFFFF  }
0xc1: {  	_ =	task.clear_ibuf [dreg:s6], $0x2FFFF;
	_ =	strace $0x9FFFFFFF  }
0xc2: {  	(tm) =	ssettm $0x7FFFFFFF  }
0xc3: {  	_ =	shalt  }
tec
execute0_lowered:
.L_overlay_start_1:
0x0: {  	(tag) =	ssettag $0x1  }
0x1: {  	s0 =	srdreg.scid;
	s3 =	rddreg [dreg:$0x0]  }
0x2: {  	s10 =	stileid.u32;
	s2 =	rddreg [dreg:$0x1];
	s4 =	simm.s32 $0x0  }
0x3: {  	s14 =	simm.s32 $0x80;
	s15 =	simm.s32 $0x5000;
	s16 =	simm.s32 $0x7000  }
0x4: {  	s18 =	simm.s32 $0x9000;
	s20 =	simm.s32 $0xB000;
	s28 =	simm.s32 $0xF000  }
0x5: {  	s29 =	simm.s32 $0x3;
	s30 =	simm.s32 $0x11000;
	s31 =	simm.s32 $0x4  }
0x6: {  	s17 =	simm.s32 $0x7;
	s19 =	simm.s32 $0xB;
	s11 =	simm.s32 $0x0  }
0x7: {  	s0 =	sand.u32 $0x1, s0;
	s1 =	sshll.u32 s10, $0x1;
	s6 =	smul.u32 $0xA000, s10  }
0x8: {  	[smem:$0x7FF] =	sst s4;
	s4 =	sadd.s32 $0x17200, s3;
	s9 =	sadd.s32 $0x16E00, s3  }
0x9: {  	s22 =	sadd.s32 $0x2A00, s3;
	s26 =	sshll.u32 s10, $0x6;
	s1 =	sor.u32 s0, s1  }
0xa: {  	s7 =	smul.u32 $0xA0000, s0;
	_ =	strace $0x8000004A;
	[dreg:$0x3] =	wrdreg s9  }
0xb: {  	s0 =	ssub.s32 $0x2, s0;
	[dreg:$0x4] =	wrdreg s22;
	s21 =	sor.u32 $0x1C11, s26  }
0xc: {  	s26 =	simm.s32 $0x2;
	s5 =	smul.u32 $0x500, s1;
	s23 =	sshrl.u32 s0, $0x1  }
0xd: {  	s24 =	sadd.s32 s6, s2;
	p0 =	seq.s32 s1, $0x1F;
	s1 =	simm.s32 $0x13000  }
0xe: {  	s7 =	sadd.s32 s6, s7;
	s0 =	ssub.s32 s0, s23;
	s6 =	sshrl.u32 s6, $0x3  }
0xf: {  	s22 =	sshrl.u32 s24, $0x3;
	s23 =	simm.s32 $0x11;
	s6 =	sadd.s32 s4, s6  }
0x10: {  	s8 =	sadd.s32 s5, s3;
	s0 =	smax.u32 s0, $0x1;
	[dreg:$0x7] =	wrdreg s6  }
0x11: {  	s7 =	sshrl.u32 s7, $0x3;
	s8 =	sadd.s32 $0x2E00, s8;
	[dreg:$0x9] =	wrdreg s0  }
0x12: {  	s24 =	simm.s32 $0x1;
	s7 =	sadd.s32 s7, s3;
	[dreg:$0x5] =	wrdreg s8  }
.Ltmp0:
0x13: {  	s8 =	sadd.s32 $0xCA40, s3;
	s3 =	sadd.s32 $0xC900, s3;
	(pc) =	sbr.rel .LBB2_1-.Ltmp0, $4  }
0x14: {  	s6 =	simm.s32 $0xC;
	s25 =	sadd.s32 $0x2B200, s7;
	[dreg:$0x6] =	wrdreg s3  }
0x15: {  	[dreg:$0x8] =	wrdreg s25;
	s0 =	sadd.s32 @p0 $0x9B00, s8;
	s25 =	simm.s32 $0xD000  }
0x16: {  	s3 =	simm.s32 $0x9;
	[dreg:$0xa] =	wrdreg s0;
	s0 =	sadd.s32 @!p0 s5, s8  }
0x17: {  	s5 =	simm.s32 $0x8;
	[dreg:$0xb] =	wrdreg s0;
	s0 =	simm.s32 $0x5  }
.LBB2_4:
0x18: {  	_ =	swait.ge [sflag:s5], $0x2000  }
0x19: {  	[sflag:s5] =	ssyncset.done $0x0  }
0x1a: {  	[sflag:s5] =	ssyncadd.s32 $0xFFFFE000  }
0x1b: {  	[spmem:s2] =	stream.indirect.scatter.add.f32 [tilespmem:s1], [sflag:$0x10], $0x40, s7, s14, $0xb8;
	[tilespmem:$0x1F000] =	vst v63  }
0x1c: {  	_ =	swait.ge [sflag:s6], $0x2000  }
0x1d: {  	[sflag:s6] =	ssyncset.done $0x0  }
0x1e: {  	s13 =	simm.s32 $0xD;
	[sflag:s6] =	ssyncadd.s32 $0xFFFFE000  }
0x1f: {  	_ =	swait.ge [sflag:s13], $0x2000  }
0x20: {  	[sflag:s13] =	ssyncset.done $0x0  }
0x21: {  	s8 =	simm.s32 $0xE;
	[sflag:s13] =	ssyncadd.s32 $0xFFFFE000  }
0x22: {  	_ =	swait.ge [sflag:s8], $0x2000  }
0x23: {  	[sflag:s8] =	ssyncset.done $0x0  }
0x24: {  	s9 =	simm.s32 $0xF;
	[sflag:s8] =	ssyncadd.s32 $0xFFFFE000  }
0x25: {  	_ =	swait.ge [sflag:s9], $0x2000  }
0x26: {  	[sflag:s9] =	ssyncset.done $0x0  }
0x27: {  	s10 =	simm.s32 $0x10;
	[sflag:s9] =	ssyncadd.s32 $0xFFFFE000  }
0x28: {  	_ =	swait.ge [sflag:s10], $0x2000  }
0x29: {  	[sflag:s10] =	ssyncset.done $0x0  }
0x2a: {  	[sflag:s10] =	ssyncadd.s32 $0xFFFFE000  }
0x2b: {  	[bflag:$0x0] =	sbarrier.arrive $0xFFFF  }
0x2c: {  	s12 =	rddreg [dreg:$0x8]  }
0x2d: {  	[hbm:s12], [sflag:s21] =	dma.local [spmem:s22], $0x1400  }
0x2e: {  	_ =	swait.ge [sflag:s23], $0x1400  }
0x2f: {  	s11 =	sadd.s32 $0x1, s11;
	s13 =	rddreg [dreg:$0x9]  }
0x30: {  	p1 =	sne.s32 s11, s13  }
.Ltmp1:
0x31: {  	_ = 	snop;
	(pc) =	sbr.rel @!p1 .LBB2_5-.Ltmp1, $3  }
0x32: {  	_ =	sdelay $0x1  }
0x33: {  	[sflag:s23] =	ssyncset.done $0x0  }
0x34: {  	[sflag:s23] =	ssyncadd.s32 $0xFFFFEC00  }
.LBB2_1:
0x35: {  	s7 =	simm.s32 @p0 $0x0;
	s8 =	rddreg [dreg:$0x6];
	s12 =	simm.s32 @p0 $0x11  }
0x36: {  	[tilespmem:s7], [sflag:$0x11] =	stream.linear.gather @p0 [hbm4b:s8+s7], $0xA00, $0x38;
	[tilespmem:$0x1F000] =	vst v63  }
0x37: {  	_ =	swait.ge @p0 [sflag:s12], $0xA00  }
0x38: {  	[sflag:s12] =	ssyncset.done @p0 $0x0  }
0x39: {  	s13 =	simm.s32 @p0 $0xA00;
	s8 =	rddreg [dreg:$0x3];
	[sflag:s12] =	ssyncadd.s32 @p0 $0xFFFFF600  }
0x3a: {  	[tilespmem:s13], [sflag:$0x11] =	stream.linear.gather @p0 [hbm4b:s8+s7], $0x1E00, $0x38;
	[tilespmem:$0x1F000] =	vst v63  }
0x3b: {  	_ =	swait.ge @p0 [sflag:s12], $0x1E00  }
0x3c: {  	[sflag:s12] =	ssyncset.done @p0 $0x0  }
0x3d: {  	s13 =	simm.s32 @p0 $0x2800;
	s8 =	rddreg [dreg:$0xa];
	[sflag:s12] =	ssyncadd.s32 @p0 $0xFFFFE200  }
0x3e: {  	[tilespmem:s13], [sflag:$0x11] =	stream.linear.gather @p0 [hbm4b:s8+s7], $0xA00, $0x38;
	[tilespmem:$0x1F000] =	vst v63  }
0x3f: {  	_ =	swait.ge @p0 [sflag:s12], $0xA00  }
0x40: {  	[sflag:s12] =	ssyncset.done @p0 $0x0  }
0x41: {  	s13 =	simm.s32 @p0 $0x3200;
	s8 =	rddreg [dreg:$0x4];
	[sflag:s12] =	ssyncadd.s32 @p0 $0xFFFFF600  }
0x42: {  	[tilespmem:s13], [sflag:$0x11] =	stream.linear.gather @p0 [hbm4b:s8+s7], $0x1E00, $0x38;
	[tilespmem:$0x1F000] =	vst v63  }
0x43: {  	_ =	swait.ge @p0 [sflag:s12], $0x1E00  }
0x44: {  	s7 =	simm.s32 @!p0 $0x0;
	[sflag:s12] =	ssyncset.done @p0 $0x0  }
0x45: {  	s8 =	rddreg [dreg:$0x5];
	[sflag:s12] =	ssyncadd.s32 @p0 $0xFFFFE200;
	s12 =	simm.s32 @!p0 $0x11  }
0x46: {  	[tilespmem:s7], [sflag:$0x11] =	stream.linear.gather @!p0 [hbm4b:s8+s7], $0x2800, $0x38;
	[tilespmem:$0x1F000] =	vst v63  }
0x47: {  	_ =	swait.ge @!p0 [sflag:s12], $0x2800  }
0x48: {  	[sflag:s12] =	ssyncset.done @!p0 $0x0  }
0x49: {  	s13 =	simm.s32 @!p0 $0x2800;
	s8 =	rddreg [dreg:$0xb];
	[sflag:s12] =	ssyncadd.s32 @!p0 $0xFFFFD800  }
0x4a: {  	[tilespmem:s13], [sflag:$0x11] =	stream.linear.gather @!p0 [hbm4b:s8+s7], $0x2800, $0x38;
	[tilespmem:$0x1F000] =	vst v63  }
0x4b: {  	_ =	swait.ge @!p0 [sflag:s12], $0x2800  }
0x4c: {  	[sflag:s12] =	ssyncset.done @!p0 $0x0  }
0x4d: {  	s9 =	simm.s32 $0x0;
	[sflag:s12] =	ssyncadd.s32 @!p0 $0xFFFFD800  }
0x4e: {  	[tilespmem:s15], [sflag:$0x1] =	stream.indirect.gather [hbm4b:s4+s14], $0x40, s9, s14, $0xb8;
	[tilespmem:$0x1F000] =	vst v63  }
0x4f: {  	_ = 	snop  }
0x50: {  	[tilespmem:s16], [sflag:$0x2] =	stream.indirect.gather [hbm4b:s4+s14], $0x40, s14, s14, $0xb8;
	[tilespmem:$0x1F000] =	vst v63  }
0x51: {  	s10 =	simm.s32 $0x100  }
0x52: {  	[tilespmem:s18], [sflag:$0x3] =	stream.indirect.gather [hbm4b:s4+s14], $0x40, s10, s14, $0xb8;
	[tilespmem:$0x1F000] =	vst v63  }
0x53: {  	s13 =	rddreg [dreg:$0x7];
	s12 =	simm.s32 $0x180  }
0x54: {  	[tilespmem:s20], [sflag:$0x4] =	stream.indirect.gather [hbm4b:s4+s14], $0x40, s12, s14, $0xb8;
	[tilespmem:$0x1F000] =	vst v63  }
0x55: {  	[spmem:s22], [sflag:s21] =	dma.local [hbm:s13], $0x1400  }
0x56: {  	_ =	swait.ge [sflag:s23], $0x1400  }
0x57: {  	[sflag:s23] =	ssyncset.done $0x0  }
0x58: {  	[sflag:s23] =	ssyncadd.s32 $0xFFFFEC00  }
0x59: {  	s12 =	simm.s32 $0x0;
	[bflag:$0x0] =	sbarrier.arrive $0xFFFF  }
.LBB2_2:
0x5a: {  	_ =	swait.ge [sflag:s24], $0x2000  }
0x5b: {  	s13 =	sshra.s32 s12, $0x2;
	[sflag:s24] =	ssyncset.done $0x0  }
0x5c: {  	p1 =	seq.s32 s12, $0x0;
	s7 =	sadd.s32 $0x2800, s13;
	[sflag:s24] =	ssyncadd.s32 $0xFFFFE000  }
0x5d: {  	[spmem:s2] =	stream.indirect.scatter.add.f32 [tilespmem:s15], [sflag:$0x9], $0x40, s7, s14, $0xb8;
	[tilespmem:$0x1F000] =	vst v63  }
0x5e: {  	s7 =	simm.s32 @!p1 $0xD  }
0x5f: {  	_ =	swait.ge @!p1 [sflag:s7], $0x2000  }
0x60: {  	[sflag:s7] =	ssyncset.done @!p1 $0x0  }
0x61: {  	s8 =	sadd.s32 $0x200, s13;
	[sflag:s7] =	ssyncadd.s32 @!p1 $0xFFFFE000  }
0x62: {  	[tilespmem:s25], [sflag:$0x5] =	stream.indirect.gather [hbm4b:s4+s14], $0x40, s8, s14, $0xb8;
	[tilespmem:$0x1F000] =	vst v63  }
0x63: {  	_ =	swait.ge [sflag:s26], $0x2000  }
0x64: {  	[sflag:s26] =	ssyncset.done $0x0  }
0x65: {  	s9 =	sadd.s32 $0x2880, s13;
	s7 =	simm.s32 @!p1 $0xE;
	[sflag:s26] =	ssyncadd.s32 $0xFFFFE000  }
0x66: {  	[spmem:s2] =	stream.indirect.scatter.add.f32 [tilespmem:s16], [sflag:$0xA], $0x40, s9, s14, $0xb8;
	[tilespmem:$0x1F000] =	vst v63  }
0x67: {  	_ =	swait.ge @!p1 [sflag:s7], $0x2000  }
0x68: {  	[sflag:s7] =	ssyncset.done @!p1 $0x0  }
0x69: {  	s10 =	sadd.s32 $0x280, s13;
	[sflag:s7] =	ssyncadd.s32 @!p1 $0xFFFFE000  }
0x6a: {  	[tilespmem:s28], [sflag:$0x6] =	stream.indirect.gather [hbm4b:s4+s14], $0x40, s10, s14, $0xb8;
	[tilespmem:$0x1F000] =	vst v63  }
0x6b: {  	_ =	swait.ge [sflag:s29], $0x2000  }
0x6c: {  	[sflag:s29] =	ssyncset.done $0x0  }
0x6d: {  	s8 =	sadd.s32 $0x2900, s13;
	s7 =	simm.s32 @!p1 $0xF;
	[sflag:s29] =	ssyncadd.s32 $0xFFFFE000  }
0x6e: {  	[spmem:s2] =	stream.indirect.scatter.add.f32 [tilespmem:s18], [sflag:$0xB], $0x40, s8, s14, $0xb8;
	[tilespmem:$0x1F000] =	vst v63  }
0x6f: {  	_ =	swait.ge @!p1 [sflag:s7], $0x2000  }
0x70: {  	[sflag:s7] =	ssyncset.done @!p1 $0x0  }
0x71: {  	s9 =	sadd.s32 $0x300, s13;
	[sflag:s7] =	ssyncadd.s32 @!p1 $0xFFFFE000  }
0x72: {  	[tilespmem:s30], [sflag:$0x7] =	stream.indirect.gather [hbm4b:s4+s14], $0x40, s9, s14, $0xb8;
	[tilespmem:$0x1F000] =	vst v63  }
0x73: {  	_ =	swait.ge [sflag:s31], $0x2000  }
0x74: {  	[sflag:s31] =	ssyncset.done $0x0  }
0x75: {  	s10 =	sadd.s32 $0x2980, s13;
	s7 =	simm.s32 @!p1 $0x10;
	[sflag:s31] =	ssyncadd.s32 $0xFFFFE000  }
0x76: {  	[spmem:s2] =	stream.indirect.scatter.add.f32 [tilespmem:s20], [sflag:$0xC], $0x40, s10, s14, $0xb8;
	[tilespmem:$0x1F000] =	vst v63  }
0x77: {  	_ =	swait.ge @!p1 [sflag:s7], $0x2000  }
0x78: {  	[sflag:s7] =	ssyncset.done @!p1 $0x0  }
0x79: {  	s8 =	sadd.s32 $0x380, s13;
	[sflag:s7] =	ssyncadd.s32 @!p1 $0xFFFFE000  }
0x7a: {  	[tilespmem:s1], [sflag:$0x8] =	stream.indirect.gather [hbm4b:s4+s14], $0x40, s8, s14, $0xb8;
	[tilespmem:$0x1F000] =	vst v63  }
0x7b: {  	_ =	swait.ge [sflag:s0], $0x2000  }
0x7c: {  	[sflag:s0] =	ssyncset.done $0x0  }
0x7d: {  	s9 =	sadd.s32 $0x2A00, s13;
	[sflag:s0] =	ssyncadd.s32 $0xFFFFE000  }
0x7e: {  	[spmem:s2] =	stream.indirect.scatter.add.f32 [tilespmem:s25], [sflag:$0xD], $0x40, s9, s14, $0xb8;
	[tilespmem:$0x1F000] =	vst v63  }
0x7f: {  	_ =	swait.ge [sflag:s3], $0x2000  }
0x80: {  	p1 =	seq.s32 s12, $0x9000;
	[sflag:s3] =	ssyncset.done $0x0  }
0x81: {  	s7 =	simm.s32 @p1 $0x6;
	[sflag:s3] =	ssyncadd.s32 $0xFFFFE000  }
0x82: {  	_ =	swait.ge @p1 [sflag:s7], $0x2000  }
0x83: {  	[sflag:s7] =	ssyncset.done @p1 $0x0  }
0x84: {  	[sflag:s7] =	ssyncadd.s32 @p1 $0xFFFFE000;
	s7 =	sshra.s32 @p1 s12, $0x2  }
0x85: {  	s8 =	simm.s32 @p1 $0x80;
	s9 =	simm.s32 @p1 $0xF000;
	s7 =	sadd.s32 @p1 $0x2A80, s7  }
0x86: {  	[spmem:s2] =	stream.indirect.scatter.add.f32 @p1 [tilespmem:s9], [sflag:$0xE], $0x40, s7, s8, $0xb8;
	[tilespmem:$0x1F000] =	vst v63  }
0x87: {  	s7 =	simm.s32 @p1 $0xA  }
0x88: {  	_ =	swait.ge @p1 [sflag:s7], $0x2000  }
0x89: {  	[sflag:s7] =	ssyncset.done @p1 $0x0  }
0x8a: {  	[sflag:s7] =	ssyncadd.s32 @p1 $0xFFFFE000;
	s7 =	sshra.s32 @!p1 s12, $0x2  }
0x8b: {  	s10 =	simm.s32 @!p1 $0x5000;
	s9 =	simm.s32 @!p1 $0x80;
	s8 =	sadd.s32 @!p1 $0x400, s7  }
0x8c: {  	[tilespmem:s10], [sflag:$0x1] =	stream.indirect.gather @!p1 [hbm4b:s4+s9], $0x40, s8, s9, $0xb8;
	[tilespmem:$0x1F000] =	vst v63  }
0x8d: {  	s8 =	simm.s32 @!p1 $0x6  }
0x8e: {  	_ =	swait.ge @!p1 [sflag:s8], $0x2000  }
0x8f: {  	[sflag:s8] =	ssyncset.done @!p1 $0x0  }
0x90: {  	s10 =	simm.s32 @!p1 $0xF000;
	[sflag:s8] =	ssyncadd.s32 @!p1 $0xFFFFE000;
	s8 =	sadd.s32 @!p1 $0x2A80, s7  }
0x91: {  	[spmem:s2] =	stream.indirect.scatter.add.f32 @!p1 [tilespmem:s10], [sflag:$0xE], $0x40, s8, s9, $0xb8;
	[tilespmem:$0x1F000] =	vst v63  }
0x92: {  	s8 =	simm.s32 @!p1 $0xA  }
0x93: {  	_ =	swait.ge @!p1 [sflag:s8], $0x2000  }
0x94: {  	[sflag:s8] =	ssyncset.done @!p1 $0x0  }
0x95: {  	s7 =	sadd.s32 @!p1 $0x480, s7;
	[sflag:s8] =	ssyncadd.s32 @!p1 $0xFFFFE000;
	s8 =	simm.s32 @!p1 $0x7000  }
0x96: {  	[tilespmem:s8], [sflag:$0x2] =	stream.indirect.gather @!p1 [hbm4b:s4+s9], $0x40, s7, s9, $0xb8;
	[tilespmem:$0x1F000] =	vst v63  }
0x97: {  	_ =	swait.ge [sflag:s17], $0x2000  }
0x98: {  	[sflag:s17] =	ssyncset.done $0x0  }
.Ltmp2:
0x99: {  	s10 =	sadd.s32 $0x2B00, s13;
	[sflag:s17] =	ssyncadd.s32 $0xFFFFE000;
	(pc) =	sbr.rel @p1 .LBB2_4-.Ltmp2, $4  }
0x9a: {  	[spmem:s2] =	stream.indirect.scatter.add.f32 [tilespmem:s30], [sflag:$0xF], $0x40, s10, s14, $0xb8;
	[tilespmem:$0x1F000] =	vst v63  }
0x9b: {  	_ =	swait.ge [sflag:s19], $0x2000  }
0x9c: {  	[sflag:s19] =	ssyncset.done $0x0  }
0x9d: {  	s7 =	sadd.s32 $0x2B80, s13;
	[sflag:s19] =	ssyncadd.s32 $0xFFFFE000  }
0x9e: {  	s8 =	sadd.s32 $0x500, s13  }
0x9f: {  	[tilespmem:s18], [sflag:$0x3] =	stream.indirect.gather [hbm4b:s4+s14], $0x40, s8, s14, $0xb8;
	[tilespmem:$0x1F000] =	vst v63  }
0xa0: {  	_ =	swait.ge [sflag:s5], $0x2000  }
0xa1: {  	[sflag:s5] =	ssyncset.done $0x0  }
0xa2: {  	[sflag:s5] =	ssyncadd.s32 $0xFFFFE000  }
0xa3: {  	[spmem:s2] =	stream.indirect.scatter.add.f32 [tilespmem:s1], [sflag:$0x10], $0x40, s7, s14, $0xb8;
	[tilespmem:$0x1F000] =	vst v63  }
.Ltmp3:
0xa4: {  	_ = 	snop;
	(pc) =	sbr.rel .LBB2_2-.Ltmp3, $4  }
0xa5: {  	_ =	swait.ge [sflag:s6], $0x2000  }
0xa6: {  	[sflag:s6] =	ssyncset.done $0x0  }
0xa7: {  	s13 =	sadd.s32 $0x580, s13;
	s12 =	sadd.s32 $0x1000, s12;
	[sflag:s6] =	ssyncadd.s32 $0xFFFFE000  }
0xa8: {  	[tilespmem:s20], [sflag:$0x4] =	stream.indirect.gather [hbm4b:s4+s14], $0x40, s13, s14, $0xb8;
	[tilespmem:$0x1F000] =	vst v63  }
.LBB2_5:
0xa9: {  	_ =	sfence.sel $0x180000  }
0xaa: {  	[bflag:$0x0] =	sbarrier.arrive $0xFFFF  }
0xab: {  	_ =	strace $0x9000004A  }
0xac: {  	s0 =	stileid.u32;
	[bflag:$0x2] =	sbarrier.arrive $0xFFFF  }
0xad: {  	p0 =	sne.s32 s0, $0x0;
	s0 =	rddreg [dreg:$0x2]  }
0xae: {  	s0 =	sadd.s32 @!p0 $0x100000, s0  }
0xaf: {  	[sflag:s0] =	ssyncadd.tile.s32 @!p0 $0x1;
	_ =	shalt  }
.Lfunc_end2:
_tile_overlayer_lowered:
.L_overlay_start_2:
0xb0: {  	(tag) =	ssettag $0x2  }
0xb1: {  	s0 =	rddreg [dreg:$0x0];
	s2 =	stileid.u32  }
0xb2: {  	s1 =	rddreg [dreg:$0x1];
	p0 =	sne.s32 s2, $0x0  }
0xb3: {  	s3 =	rddreg [dreg:$0x2];
	[bflag:$0x3] =	sbarrier.arrive $0xFFFF;
	s2 =	simm.s32 @!p0 $0x1C11  }
0xb4: {  	[timem:s3], [sflag:s2] =	dma.local @!p0 [hbm:s0], s1  }
0xb5: {  	s0 =	simm.s32 @!p0 $0x11  }
0xb6: {  	_ =	swait.ge @!p0 [sflag:s0], s1  }
0xb7: {  	s1 =	ssub.s32 @!p0 $0x0, s1;
	[sflag:s0] =	ssyncset.done @!p0 $0x0  }
0xb8: {  	[sflag:s0] =	ssyncadd.s32 @!p0 s1  }
0xb9: {  	[bflag:$0x3] =	sbarrier.arrive $0xFFFF  }
0xba: {  	_ =	shalt  }

// kernel: kernel.14.cloned.1.call-start
scs
__scs_entry_jumppad:
0x0: {  	(pc) =	sbr.rel $0x88, $3  }
0x1: {  	(tag) =	ssettag $0x0;
	lr =	simm.s32 $0x1  }
0x2: {  	[smem:$0x3F99] =	sst lr;
	_ =	strace $0xD0000000  }
0x3: {  	_ = 	snop  }
0x4: {  	_ = 	snop  }
0x5: {  	_ = 	snop  }
0x6: {  	_ = 	snop  }
0x7: {  	_ = 	snop  }
__scs_overlays_trampoline_lowered:
0x8: {  	[smem:$0x3FA8] =	sst s0  }
0x9: {  	[smem:$0x3FA9] =	sst s1  }
0xa: {  	[smem:$0x3FAA] =	sst s2  }
0xb: {  	[smem:$0x3FAB] =	sst s3  }
0xc: {  	[smem:$0x3FAC] =	sst s4  }
0xd: {  	[smem:$0x3FAD] =	sst s5  }
0xe: {  	[smem:$0x3FAE] =	sst s6  }
0xf: {  	[smem:$0x3FAF] =	sst s7  }
0x10: {  	[smem:$0x3FB0] =	sst s8  }
0x11: {  	[smem:$0x3FB1] =	sst s9;
	s0 =	simm.s32 @!p0 $0x0  }
0x12: {  	s1 =	sld [smem:$0x3F97];
	s0 =	simm.s32 @p0 $0x1  }
0x13: {  	[smem:$0x3FB2] =	sst s0;
	s0 =	simm.s32 @!p1 $0x0  }
0x14: {  	s2 =	sld [smem:$0x3F96];
	s0 =	simm.s32 @p1 $0x1  }
0x15: {  	[smem:$0x3FB3] =	sst s0;
	s0 =	simm.s32 @!p2 $0x0  }
0x16: {  	s3 =	sld [smem:$0x3FDB];
	s0 =	simm.s32 @p2 $0x1  }
0x17: {  	s4 =	simm.s32 $0x1BF5;
	[smem:$0x3FB5] =	sst s0  }
0x18: {  	s0 =	sld [smem:$0x3F98];
	_ =	swait.ge [sflag:s4], $0x0  }
0x19: {  	s7 =	sld [smem:$0x3F99]  }
0x1a: {  	s8 =	sadd.s32 $0xFFFFE003, lr  }
0x1b: {  	s9 =	sadd.s32 $0xFFFFFEF7, lr;
	s5 =	simm.s32 $0xFFFFFFFF;
	p2 =	slt.u32 s8, $0xFFFFF086  }
0x1c: {  	p1 =	slt.u32 s9, $0xF7A;
	s5 =	simm.s32 @!p2 $0x0  }
0x1d: {  	s5 =	simm.s32 @p1 $0x1;
	p0 =	seq.s32 s7, s2  }
0x1e: {  	s7 =	smul.u32 @!p0 $0xF7A, s2;
	p2 =	seq.s32 @!p0 s5, $0x0  }
0x1f: {  	s9 =	smul.u32 $0xF7A, s1;
	s8 =	simm.s32 @!p0 $0x1BF5;
	p2 =	por !p2, p0  }
0x20: {  	[sflag:s8] =	ssyncset.s32 @!p0 $0xFFFFF086;
	s6 =	sadd.s32 @!p0 s3, s7;
	s7 =	simm.s32 @!p0 $0x108  }
0x21: {  	s3 =	sadd.s32 s3, s9;
	s6 =	sadd.s32 @!p0 $0x88, s6;
	s7 =	simm.s32 @p2 $0x1082  }
0x22: {  	[simem:s7], [sflag:s8] =	dma.local @!p0 [hbm:s6], $0xF7A  }
0x23: {  	s9 =	sor.u32 $0xD0000000, s2;
	s6 =	simm.s32 $0x108;
	_ =	swait.ge @!p0 [sflag:s8], $0x0  }
0x24: {  	s3 =	sadd.s32 $0x88, s3;
	s6 =	simm.s32 @!p1 $0x1082;
	[sflag:s4] =	ssyncset.s32 $0xFFFFF086  }
0x25: {  	[simem:s6], [sflag:s4] =	dma.local [hbm:s3], $0xF7A  }
0x26: {  	[smem:$0x3F99] =	sst s1;
	(tag) =	ssettag s2;
	_ =	strace s9  }
0x27: {  	s1 =	sld [smem:$0x3FA9]  }
0x28: {  	s2 =	sld [smem:$0x3FAA]  }
0x29: {  	s4 =	sld [smem:$0x3FAC]  }
0x2a: {  	p0 =	seq.s32 s5, $0x0;
	s5 =	sld [smem:$0x3FAD]  }
0x2b: {  	s6 =	sld [smem:$0x3FAE]  }
0x2c: {  	s7 =	sld [smem:$0x3FAF]  }
0x2d: {  	s3 =	simm.s32 $0x108;
	s8 =	sld [smem:$0x3FB0]  }
0x2e: {  	s3 =	simm.s32 @!p0 $0x1082;
	s9 =	sld [smem:$0x3FB1]  }
0x2f: {  	lr =	sadd.s32 s0, s3;
	s0 =	sld [smem:$0x3FA8]  }
0x30: {  	s3 =	sld [smem:$0x3FAB]  }
0x31: {  	[smem:$0x3FB4] =	sst s10  }
0x32: {  	s10 =	sld [smem:$0x3FB2];
	_ =	sdelay $0x3  }
0x33: {  	p0 =	seq.s32 s10, $0x1;
	s10 =	sld [smem:$0x3FB4];
	_ =	sdelay $0x3  }
0x34: {  	[smem:$0x3FB4] =	sst s10  }
0x35: {  	s10 =	sld [smem:$0x3FB3];
	_ =	sdelay $0x3  }
0x36: {  	p1 =	seq.s32 s10, $0x1;
	s10 =	sld [smem:$0x3FB4];
	_ =	sdelay $0x3  }
0x37: {  	[smem:$0x3FB4] =	sst s10  }
0x38: {  	s10 =	sld [smem:$0x3FB5]  }
0x39: {  	_ = 	snop;
	(pc) =	sbr.ind lr, $3  }
0x3a: {  	_ = 	snop  }
0x3b: {  	_ = 	snop  }
0x3c: {  	p2 =	seq.s32 s10, $0x1;
	s10 =	sld [smem:$0x3FB4]  }
0x3d: {  	_ =	shalt  }
0x3e: {  	_ =	shalt  }
0x3f: {  	_ =	shalt  }
0x40: {  	_ =	shalt  }
0x41: {  	_ =	shalt  }
0x42: {  	_ =	shalt  }
0x43: {  	_ =	shalt  }
0x44: {  	_ =	shalt  }
0x45: {  	_ =	shalt  }
0x46: {  	_ =	shalt  }
0x47: {  	_ =	shalt  }
0x48: {  	_ =	shalt  }
0x49: {  	_ =	shalt  }
0x4a: {  	_ =	shalt  }
0x4b: {  	_ =	shalt  }
0x4c: {  	_ =	shalt  }
0x4d: {  	_ =	shalt  }
0x4e: {  	_ =	shalt  }
0x4f: {  	_ =	shalt  }
0x50: {  	_ =	shalt  }
0x51: {  	_ =	shalt  }
0x52: {  	_ =	shalt  }
0x53: {  	_ =	shalt  }
0x54: {  	_ =	shalt  }
0x55: {  	_ =	shalt  }
0x56: {  	_ =	shalt  }
0x57: {  	_ =	shalt  }
0x58: {  	_ =	shalt  }
0x59: {  	_ =	shalt  }
0x5a: {  	_ =	shalt  }
0x5b: {  	_ =	shalt  }
0x5c: {  	_ =	shalt  }
0x5d: {  	_ =	shalt  }
0x5e: {  	_ =	shalt  }
0x5f: {  	_ =	shalt  }
0x60: {  	_ =	shalt  }
0x61: {  	_ =	shalt  }
0x62: {  	_ =	shalt  }
0x63: {  	_ =	shalt  }
0x64: {  	_ =	shalt  }
0x65: {  	_ =	shalt  }
0x66: {  	_ =	shalt  }
0x67: {  	_ =	shalt  }
0x68: {  	_ =	shalt  }
0x69: {  	_ =	shalt  }
0x6a: {  	_ =	shalt  }
0x6b: {  	_ =	shalt  }
0x6c: {  	_ =	shalt  }
0x6d: {  	_ =	shalt  }
0x6e: {  	_ =	shalt  }
0x6f: {  	_ =	shalt  }
0x70: {  	_ =	shalt  }
0x71: {  	_ =	shalt  }
0x72: {  	_ =	shalt  }
0x73: {  	_ =	shalt  }
0x74: {  	_ =	shalt  }
0x75: {  	_ =	shalt  }
0x76: {  	_ =	shalt  }
0x77: {  	_ =	shalt  }
0x78: {  	_ =	shalt  }
0x79: {  	_ =	shalt  }
0x7a: {  	_ =	shalt  }
0x7b: {  	_ =	shalt  }
0x7c: {  	_ =	shalt  }
0x7d: {  	_ =	shalt  }
0x7e: {  	_ =	shalt  }
0x7f: {  	_ =	shalt  }
0x80: {  	_ =	shalt  }
0x81: {  	_ =	shalt  }
0x82: {  	_ =	shalt  }
0x83: {  	_ =	shalt  }
0x84: {  	_ =	shalt  }
0x85: {  	_ =	shalt  }
0x86: {  	_ =	shalt  }
0x87: {  	_ =	shalt  }
.Lfunc_end0:
.L_simem_size_0:
called_computation.2_lowered:
.L_overlay_start_0:
0x88: {  	s2 =	sld [smem:$0x3FD9]  }
0x89: {  	s3 =	sld [smem:$0x3FFE];
	_ =	sdelay $0x1  }
0x8a: {  	s1 =	srdreg.scid  }
0x8b: {  	s0 =	sand.u32 $0x1, s1  }
0x8c: {  	s16 =	sshll.u32 s0, $0xA;
	s2 =	sadd.s32 s3, s2  }
0x8d: {  	s2 =	sadd.s32 s2, s16  }
0x8e: {  	[smem:$0x3FC0] =	sst s2  }
0x8f: {  	_ = 	snop  }
0x90: {  	(tm) =	ssettm $0x1  }
0x91: {  	s17 =	sld [smem:$0x3FFB];
	_ =	sdelay $0x3  }
0x92: {  	_ =	strace s17  }
0x93: {  	s2 =	sld [smem:$0x3FFC];
	_ =	sdelay $0x3  }
0x94: {  	_ =	strace s2  }
0x95: {  	s2 =	sld [smem:$0x3FFD];
	_ =	sdelay $0x3  }
0x96: {  	_ =	strace s2  }
0x97: {  	_ =	strace $0x8FFFFFFF  }
0x98: {  	s18 =	sld [smem:$0x3FDB];
	_ =	sdelay $0x1  }
0x99: {  	s19 =	simm.s32 $_scs_section_size  }
0x9a: {  	s4 =	simm.s32 $_size__tile_overlayer_lowered;
	s5 =	simm.s32 $_tile_overlayer_lowered  }
0x9b: {  	s22 =	simm.s32 $0x1BFF;
	s21 =	sshll.u32 s5, $0x1;
	s2 =	sadd.s32 s19, s18  }
0x9c: {  	s6 =	simm.s32 $0x0;
	s20 =	sshll.u32 s4, $0x1;
	s4 =	sadd.s32 s21, s2  }
0x9d: {  	[timem:s6], [sflag:s22] =	dma.local [hbm:s4], s20  }
0x9e: {  	_ =	swait.ge [sflag:s22], s20  }
0x9f: {  	s3 =	ssub.s32 $0x0, s20;
	[sflag:s22] =	ssyncset.done $0x0  }
0xa0: {  	[sflag:s22] =	ssyncadd.s32 s3;
	_ =	sdelay $0x1  }
0xa1: {  	s23 =	simm.s32 $0x1B8B  }
0xa2: {  	_ =	swait.ge [sflag:s23], $0x1  }
0xa3: {  	[sflag:s23] =	ssyncset.done $0x0  }
0xa4: {  	s25 =	simm.s32 $0x1B8E;
	s24 =	sld [smem:$0x3FFE];
	[sflag:s23] =	ssyncadd.s32 $0xFFFFFFFF  }
0xa5: {  	s26 =	simm.s32 $execute0_lowered;
	[smem:$0x3FD2] =	sst s25  }
0xa6: {  	s4 =	sshll.u32 s26, $0x1;
	_ =	strace $0x8000004C;
	[dreg:$0x1] =	wrdreg $0xFFFFFFFF  }
0xa7: {  	s28 =	simm.s32 $_size_execute0_lowered;
	s2 =	sadd.s32 s2, s4;
	[dreg:$0x0] =	wrdreg $0x0  }
0xa8: {  	s4 =	sshll.u32 s28, $0x1;
	[dreg:$0x2] =	wrdreg s2  }
0xa9: {  	[dreg:$0x3] =	wrdreg s4  }
0xaa: {  	[dreg:$0x4] =	wrdreg $0xC0  }
0xab: {  	_ =	task [dreg:s6], $0x5FFFF  }
0xac: {  	[dreg:$0x1] =	wrdreg $0xFFFFFFFF  }
0xad: {  	[dreg:$0x0] =	wrdreg $0x60  }
0xae: {  	[dreg:$0x2] =	wrdreg s24  }
0xaf: {  	[dreg:$0x3] =	wrdreg $0x150000  }
0xb0: {  	[dreg:$0x4] =	wrdreg $0x9  }
0xb1: {  	_ =	task.clear_ibuf [dreg:s6], $0x5FFFF;
	_ =	strace $0x9000004C  }
0xb2: {  	s29 =	simm.s32 $0x9;
	_ =	strace $0x8000004E  }
0xb3: {  	_ =	swait.ge [sflag:s29], $0x1  }
0xb4: {  	[sflag:s29] =	ssyncadd.s32 $0xFFFFFFFF  }
0xb5: {  	_ =	strace $0x9000004E  }
0xb6: {  	_ =	sfence  }
0xb7: {  	s30 =	sld [smem:$0x0];
	_ =	sdelay $0x2  }
0xb8: {  	s31 =	sshll.u32 s1, $0xD;
	s1 =	sshrl.u32 s1, $0x2  }
0xb9: {  	s3 =	sand.u32 $0x4000, s31;
	s1 =	sadd.s32 s1, s30  }
0xba: {  	s0 =	sor.u32 s3, s0;
	s1 =	sshll.u32 s1, $0x11  }
0xbb: {  	s0 =	sor.u32 s1, s0  }
0xbc: {  	s0 =	sadd.s32 $0x8F2B, s0  }
0xbd: {  	[sflag:s0] =	ssyncadd.remote.s32 $0x1  }
0xbe: {  	_ =	sfence.sel $0xFFFF  }
0xbf: {  	[dreg:$0x0] =	wrdreg $0xFFFFFFFF;
	(pc) =	sbr.abs _section_cstart, $3  }
0xc0: {  	[dreg:$0x1] =	wrdreg $0xFFFFFFFF  }
0xc1: {  	_ =	task.clear_ibuf [dreg:s6], $0x2FFFF;
	_ =	strace $0x9FFFFFFF  }
0xc2: {  	(tm) =	ssettm $0x7FFFFFFF  }
0xc3: {  	_ =	shalt  }
tec
execute0_lowered:
.L_overlay_start_1:
0x0: {  	(tag) =	ssettag $0x1  }
0x1: {  	s0 =	srdreg.scid;
	s3 =	rddreg [dreg:$0x0]  }
0x2: {  	s10 =	stileid.u32;
	s2 =	rddreg [dreg:$0x1];
	s4 =	simm.s32 $0x0  }
0x3: {  	s14 =	simm.s32 $0x80;
	s15 =	simm.s32 $0x5000;
	s16 =	simm.s32 $0x7000  }
0x4: {  	s18 =	simm.s32 $0x9000;
	s20 =	simm.s32 $0xB000;
	s28 =	simm.s32 $0xF000  }
0x5: {  	s29 =	simm.s32 $0x3;
	s30 =	simm.s32 $0x11000;
	s31 =	simm.s32 $0x4  }
0x6: {  	s17 =	simm.s32 $0x7;
	s19 =	simm.s32 $0xB;
	s11 =	simm.s32 $0x0  }
0x7: {  	s0 =	sand.u32 $0x1, s0;
	s1 =	sshll.u32 s10, $0x1;
	s6 =	smul.u32 $0xA000, s10  }
0x8: {  	[smem:$0x7FF] =	sst s4;
	s4 =	sadd.s32 $0x17200, s3;
	s9 =	sadd.s32 $0x16E00, s3  }
0x9: {  	s22 =	sadd.s32 $0x2A00, s3;
	s26 =	sshll.u32 s10, $0x6;
	s1 =	sor.u32 s0, s1  }
0xa: {  	s7 =	smul.u32 $0xA0000, s0;
	_ =	strace $0x8000004D;
	[dreg:$0x3] =	wrdreg s9  }
0xb: {  	s0 =	ssub.s32 $0x2, s0;
	[dreg:$0x4] =	wrdreg s22;
	s21 =	sor.u32 $0x1C11, s26  }
0xc: {  	s26 =	simm.s32 $0x2;
	s5 =	smul.u32 $0x500, s1;
	s23 =	sshrl.u32 s0, $0x1  }
0xd: {  	s24 =	sadd.s32 s6, s2;
	p0 =	seq.s32 s1, $0x1F;
	s1 =	simm.s32 $0x13000  }
0xe: {  	s7 =	sadd.s32 s6, s7;
	s0 =	ssub.s32 s0, s23;
	s6 =	sshrl.u32 s6, $0x3  }
0xf: {  	s22 =	sshrl.u32 s24, $0x3;
	s23 =	simm.s32 $0x11;
	s6 =	sadd.s32 s4, s6  }
0x10: {  	s8 =	sadd.s32 s5, s3;
	s0 =	smax.u32 s0, $0x1;
	[dreg:$0x7] =	wrdreg s6  }
0x11: {  	s7 =	sshrl.u32 s7, $0x3;
	s8 =	sadd.s32 $0x2E00, s8;
	[dreg:$0x9] =	wrdreg s0  }
0x12: {  	s24 =	simm.s32 $0x1;
	s7 =	sadd.s32 s7, s3;
	[dreg:$0x5] =	wrdreg s8  }
.Ltmp0:
0x13: {  	s8 =	sadd.s32 $0xCA40, s3;
	s3 =	sadd.s32 $0xC900, s3;
	(pc) =	sbr.rel .LBB2_1-.Ltmp0, $4  }
0x14: {  	s6 =	simm.s32 $0xC;
	s25 =	sadd.s32 $0x2B200, s7;
	[dreg:$0x6] =	wrdreg s3  }
0x15: {  	[dreg:$0x8] =	wrdreg s25;
	s0 =	sadd.s32 @p0 $0x9B00, s8;
	s25 =	simm.s32 $0xD000  }
0x16: {  	s3 =	simm.s32 $0x9;
	[dreg:$0xa] =	wrdreg s0;
	s0 =	sadd.s32 @!p0 s5, s8  }
0x17: {  	s5 =	simm.s32 $0x8;
	[dreg:$0xb] =	wrdreg s0;
	s0 =	simm.s32 $0x5  }
.LBB2_4:
0x18: {  	_ =	swait.ge [sflag:s5], $0x2000  }
0x19: {  	[sflag:s5] =	ssyncset.done $0x0  }
0x1a: {  	[sflag:s5] =	ssyncadd.s32 $0xFFFFE000  }
0x1b: {  	[spmem:s2] =	stream.indirect.scatter.add.f32 [tilespmem:s1], [sflag:$0x10], $0x40, s7, s14, $0xb8;
	[tilespmem:$0x1F000] =	vst v63  }
0x1c: {  	_ =	swait.ge [sflag:s6], $0x2000  }
0x1d: {  	[sflag:s6] =	ssyncset.done $0x0  }
0x1e: {  	s13 =	simm.s32 $0xD;
	[sflag:s6] =	ssyncadd.s32 $0xFFFFE000  }
0x1f: {  	_ =	swait.ge [sflag:s13], $0x2000  }
0x20: {  	[sflag:s13] =	ssyncset.done $0x0  }
0x21: {  	s8 =	simm.s32 $0xE;
	[sflag:s13] =	ssyncadd.s32 $0xFFFFE000  }
0x22: {  	_ =	swait.ge [sflag:s8], $0x2000  }
0x23: {  	[sflag:s8] =	ssyncset.done $0x0  }
0x24: {  	s9 =	simm.s32 $0xF;
	[sflag:s8] =	ssyncadd.s32 $0xFFFFE000  }
0x25: {  	_ =	swait.ge [sflag:s9], $0x2000  }
0x26: {  	[sflag:s9] =	ssyncset.done $0x0  }
0x27: {  	s10 =	simm.s32 $0x10;
	[sflag:s9] =	ssyncadd.s32 $0xFFFFE000  }
0x28: {  	_ =	swait.ge [sflag:s10], $0x2000  }
0x29: {  	[sflag:s10] =	ssyncset.done $0x0  }
0x2a: {  	[sflag:s10] =	ssyncadd.s32 $0xFFFFE000  }
0x2b: {  	[bflag:$0x0] =	sbarrier.arrive $0xFFFF  }
0x2c: {  	s12 =	rddreg [dreg:$0x8]  }
0x2d: {  	[hbm:s12], [sflag:s21] =	dma.local [spmem:s22], $0x1400  }
0x2e: {  	_ =	swait.ge [sflag:s23], $0x1400  }
0x2f: {  	s11 =	sadd.s32 $0x1, s11;
	s13 =	rddreg [dreg:$0x9]  }
0x30: {  	p1 =	sne.s32 s11, s13  }
.Ltmp1:
0x31: {  	_ = 	snop;
	(pc) =	sbr.rel @!p1 .LBB2_5-.Ltmp1, $3  }
0x32: {  	_ =	sdelay $0x1  }
0x33: {  	[sflag:s23] =	ssyncset.done $0x0  }
0x34: {  	[sflag:s23] =	ssyncadd.s32 $0xFFFFEC00  }
.LBB2_1:
0x35: {  	s7 =	simm.s32 @p0 $0x0;
	s8 =	rddreg [dreg:$0x6];
	s12 =	simm.s32 @p0 $0x11  }
0x36: {  	[tilespmem:s7], [sflag:$0x11] =	stream.linear.gather @p0 [hbm4b:s8+s7], $0xA00, $0x38;
	[tilespmem:$0x1F000] =	vst v63  }
0x37: {  	_ =	swait.ge @p0 [sflag:s12], $0xA00  }
0x38: {  	[sflag:s12] =	ssyncset.done @p0 $0x0  }
0x39: {  	s13 =	simm.s32 @p0 $0xA00;
	s8 =	rddreg [dreg:$0x3];
	[sflag:s12] =	ssyncadd.s32 @p0 $0xFFFFF600  }
0x3a: {  	[tilespmem:s13], [sflag:$0x11] =	stream.linear.gather @p0 [hbm4b:s8+s7], $0x1E00, $0x38;
	[tilespmem:$0x1F000] =	vst v63  }
0x3b: {  	_ =	swait.ge @p0 [sflag:s12], $0x1E00  }
0x3c: {  	[sflag:s12] =	ssyncset.done @p0 $0x0  }
0x3d: {  	s13 =	simm.s32 @p0 $0x2800;
	s8 =	rddreg [dreg:$0xa];
	[sflag:s12] =	ssyncadd.s32 @p0 $0xFFFFE200  }
0x3e: {  	[tilespmem:s13], [sflag:$0x11] =	stream.linear.gather @p0 [hbm4b:s8+s7], $0xA00, $0x38;
	[tilespmem:$0x1F000] =	vst v63  }
0x3f: {  	_ =	swait.ge @p0 [sflag:s12], $0xA00  }
0x40: {  	[sflag:s12] =	ssyncset.done @p0 $0x0  }
0x41: {  	s13 =	simm.s32 @p0 $0x3200;
	s8 =	rddreg [dreg:$0x4];
	[sflag:s12] =	ssyncadd.s32 @p0 $0xFFFFF600  }
0x42: {  	[tilespmem:s13], [sflag:$0x11] =	stream.linear.gather @p0 [hbm4b:s8+s7], $0x1E00, $0x38;
	[tilespmem:$0x1F000] =	vst v63  }
0x43: {  	_ =	swait.ge @p0 [sflag:s12], $0x1E00  }
0x44: {  	s7 =	simm.s32 @!p0 $0x0;
	[sflag:s12] =	ssyncset.done @p0 $0x0  }
0x45: {  	s8 =	rddreg [dreg:$0x5];
	[sflag:s12] =	ssyncadd.s32 @p0 $0xFFFFE200;
	s12 =	simm.s32 @!p0 $0x11  }
0x46: {  	[tilespmem:s7], [sflag:$0x11] =	stream.linear.gather @!p0 [hbm4b:s8+s7], $0x2800, $0x38;
	[tilespmem:$0x1F000] =	vst v63  }
0x47: {  	_ =	swait.ge @!p0 [sflag:s12], $0x2800  }
0x48: {  	[sflag:s12] =	ssyncset.done @!p0 $0x0  }
0x49: {  	s13 =	simm.s32 @!p0 $0x2800;
	s8 =	rddreg [dreg:$0xb];
	[sflag:s12] =	ssyncadd.s32 @!p0 $0xFFFFD800  }
0x4a: {  	[tilespmem:s13], [sflag:$0x11] =	stream.linear.gather @!p0 [hbm4b:s8+s7], $0x2800, $0x38;
	[tilespmem:$0x1F000] =	vst v63  }
0x4b: {  	_ =	swait.ge @!p0 [sflag:s12], $0x2800  }
0x4c: {  	[sflag:s12] =	ssyncset.done @!p0 $0x0  }
0x4d: {  	s9 =	simm.s32 $0x0;
	[sflag:s12] =	ssyncadd.s32 @!p0 $0xFFFFD800  }
0x4e: {  	[tilespmem:s15], [sflag:$0x1] =	stream.indirect.gather [hbm4b:s4+s14], $0x40, s9, s14, $0xb8;
	[tilespmem:$0x1F000] =	vst v63  }
0x4f: {  	_ = 	snop  }
0x50: {  	[tilespmem:s16], [sflag:$0x2] =	stream.indirect.gather [hbm4b:s4+s14], $0x40, s14, s14, $0xb8;
	[tilespmem:$0x1F000] =	vst v63  }
0x51: {  	s10 =	simm.s32 $0x100  }
0x52: {  	[tilespmem:s18], [sflag:$0x3] =	stream.indirect.gather [hbm4b:s4+s14], $0x40, s10, s14, $0xb8;
	[tilespmem:$0x1F000] =	vst v63  }
0x53: {  	s13 =	rddreg [dreg:$0x7];
	s12 =	simm.s32 $0x180  }
0x54: {  	[tilespmem:s20], [sflag:$0x4] =	stream.indirect.gather [hbm4b:s4+s14], $0x40, s12, s14, $0xb8;
	[tilespmem:$0x1F000] =	vst v63  }
0x55: {  	[spmem:s22], [sflag:s21] =	dma.local [hbm:s13], $0x1400  }
0x56: {  	_ =	swait.ge [sflag:s23], $0x1400  }
0x57: {  	[sflag:s23] =	ssyncset.done $0x0  }
0x58: {  	[sflag:s23] =	ssyncadd.s32 $0xFFFFEC00  }
0x59: {  	s12 =	simm.s32 $0x0;
	[bflag:$0x0] =	sbarrier.arrive $0xFFFF  }
.LBB2_2:
0x5a: {  	_ =	swait.ge [sflag:s24], $0x2000  }
0x5b: {  	s13 =	sshra.s32 s12, $0x2;
	[sflag:s24] =	ssyncset.done $0x0  }
0x5c: {  	p1 =	seq.s32 s12, $0x0;
	s7 =	sadd.s32 $0x2800, s13;
	[sflag:s24] =	ssyncadd.s32 $0xFFFFE000  }
0x5d: {  	[spmem:s2] =	stream.indirect.scatter.add.f32 [tilespmem:s15], [sflag:$0x9], $0x40, s7, s14, $0xb8;
	[tilespmem:$0x1F000] =	vst v63  }
0x5e: {  	s7 =	simm.s32 @!p1 $0xD  }
0x5f: {  	_ =	swait.ge @!p1 [sflag:s7], $0x2000  }
0x60: {  	[sflag:s7] =	ssyncset.done @!p1 $0x0  }
0x61: {  	s8 =	sadd.s32 $0x200, s13;
	[sflag:s7] =	ssyncadd.s32 @!p1 $0xFFFFE000  }
0x62: {  	[tilespmem:s25], [sflag:$0x5] =	stream.indirect.gather [hbm4b:s4+s14], $0x40, s8, s14, $0xb8;
	[tilespmem:$0x1F000] =	vst v63  }
0x63: {  	_ =	swait.ge [sflag:s26], $0x2000  }
0x64: {  	[sflag:s26] =	ssyncset.done $0x0  }
0x65: {  	s9 =	sadd.s32 $0x2880, s13;
	s7 =	simm.s32 @!p1 $0xE;
	[sflag:s26] =	ssyncadd.s32 $0xFFFFE000  }
0x66: {  	[spmem:s2] =	stream.indirect.scatter.add.f32 [tilespmem:s16], [sflag:$0xA], $0x40, s9, s14, $0xb8;
	[tilespmem:$0x1F000] =	vst v63  }
0x67: {  	_ =	swait.ge @!p1 [sflag:s7], $0x2000  }
0x68: {  	[sflag:s7] =	ssyncset.done @!p1 $0x0  }
0x69: {  	s10 =	sadd.s32 $0x280, s13;
	[sflag:s7] =	ssyncadd.s32 @!p1 $0xFFFFE000  }
0x6a: {  	[tilespmem:s28], [sflag:$0x6] =	stream.indirect.gather [hbm4b:s4+s14], $0x40, s10, s14, $0xb8;
	[tilespmem:$0x1F000] =	vst v63  }
0x6b: {  	_ =	swait.ge [sflag:s29], $0x2000  }
0x6c: {  	[sflag:s29] =	ssyncset.done $0x0  }
0x6d: {  	s8 =	sadd.s32 $0x2900, s13;
	s7 =	simm.s32 @!p1 $0xF;
	[sflag:s29] =	ssyncadd.s32 $0xFFFFE000  }
0x6e: {  	[spmem:s2] =	stream.indirect.scatter.add.f32 [tilespmem:s18], [sflag:$0xB], $0x40, s8, s14, $0xb8;
	[tilespmem:$0x1F000] =	vst v63  }
0x6f: {  	_ =	swait.ge @!p1 [sflag:s7], $0x2000  }
0x70: {  	[sflag:s7] =	ssyncset.done @!p1 $0x0  }
0x71: {  	s9 =	sadd.s32 $0x300, s13;
	[sflag:s7] =	ssyncadd.s32 @!p1 $0xFFFFE000  }
0x72: {  	[tilespmem:s30], [sflag:$0x7] =	stream.indirect.gather [hbm4b:s4+s14], $0x40, s9, s14, $0xb8;
	[tilespmem:$0x1F000] =	vst v63  }
0x73: {  	_ =	swait.ge [sflag:s31], $0x2000  }
0x74: {  	[sflag:s31] =	ssyncset.done $0x0  }
0x75: {  	s10 =	sadd.s32 $0x2980, s13;
	s7 =	simm.s32 @!p1 $0x10;
	[sflag:s31] =	ssyncadd.s32 $0xFFFFE000  }
0x76: {  	[spmem:s2] =	stream.indirect.scatter.add.f32 [tilespmem:s20], [sflag:$0xC], $0x40, s10, s14, $0xb8;
	[tilespmem:$0x1F000] =	vst v63  }
0x77: {  	_ =	swait.ge @!p1 [sflag:s7], $0x2000  }
0x78: {  	[sflag:s7] =	ssyncset.done @!p1 $0x0  }
0x79: {  	s8 =	sadd.s32 $0x380, s13;
	[sflag:s7] =	ssyncadd.s32 @!p1 $0xFFFFE000  }
0x7a: {  	[tilespmem:s1], [sflag:$0x8] =	stream.indirect.gather [hbm4b:s4+s14], $0x40, s8, s14, $0xb8;
	[tilespmem:$0x1F000] =	vst v63  }
0x7b: {  	_ =	swait.ge [sflag:s0], $0x2000  }
0x7c: {  	[sflag:s0] =	ssyncset.done $0x0  }
0x7d: {  	s9 =	sadd.s32 $0x2A00, s13;
	[sflag:s0] =	ssyncadd.s32 $0xFFFFE000  }
0x7e: {  	[spmem:s2] =	stream.indirect.scatter.add.f32 [tilespmem:s25], [sflag:$0xD], $0x40, s9, s14, $0xb8;
	[tilespmem:$0x1F000] =	vst v63  }
0x7f: {  	_ =	swait.ge [sflag:s3], $0x2000  }
0x80: {  	p1 =	seq.s32 s12, $0x9000;
	[sflag:s3] =	ssyncset.done $0x0  }
0x81: {  	s7 =	simm.s32 @p1 $0x6;
	[sflag:s3] =	ssyncadd.s32 $0xFFFFE000  }
0x82: {  	_ =	swait.ge @p1 [sflag:s7], $0x2000  }
0x83: {  	[sflag:s7] =	ssyncset.done @p1 $0x0  }
0x84: {  	[sflag:s7] =	ssyncadd.s32 @p1 $0xFFFFE000;
	s7 =	sshra.s32 @p1 s12, $0x2  }
0x85: {  	s8 =	simm.s32 @p1 $0x80;
	s9 =	simm.s32 @p1 $0xF000;
	s7 =	sadd.s32 @p1 $0x2A80, s7  }
0x86: {  	[spmem:s2] =	stream.indirect.scatter.add.f32 @p1 [tilespmem:s9], [sflag:$0xE], $0x40, s7, s8, $0xb8;
	[tilespmem:$0x1F000] =	vst v63  }
0x87: {  	s7 =	simm.s32 @p1 $0xA  }
0x88: {  	_ =	swait.ge @p1 [sflag:s7], $0x2000  }
0x89: {  	[sflag:s7] =	ssyncset.done @p1 $0x0  }
0x8a: {  	[sflag:s7] =	ssyncadd.s32 @p1 $0xFFFFE000;
	s7 =	sshra.s32 @!p1 s12, $0x2  }
0x8b: {  	s10 =	simm.s32 @!p1 $0x5000;
	s9 =	simm.s32 @!p1 $0x80;
	s8 =	sadd.s32 @!p1 $0x400, s7  }
0x8c: {  	[tilespmem:s10], [sflag:$0x1] =	stream.indirect.gather @!p1 [hbm4b:s4+s9], $0x40, s8, s9, $0xb8;
	[tilespmem:$0x1F000] =	vst v63  }
0x8d: {  	s8 =	simm.s32 @!p1 $0x6  }
0x8e: {  	_ =	swait.ge @!p1 [sflag:s8], $0x2000  }
0x8f: {  	[sflag:s8] =	ssyncset.done @!p1 $0x0  }
0x90: {  	s10 =	simm.s32 @!p1 $0xF000;
	[sflag:s8] =	ssyncadd.s32 @!p1 $0xFFFFE000;
	s8 =	sadd.s32 @!p1 $0x2A80, s7  }
0x91: {  	[spmem:s2] =	stream.indirect.scatter.add.f32 @!p1 [tilespmem:s10], [sflag:$0xE], $0x40, s8, s9, $0xb8;
	[tilespmem:$0x1F000] =	vst v63  }
0x92: {  	s8 =	simm.s32 @!p1 $0xA  }
0x93: {  	_ =	swait.ge @!p1 [sflag:s8], $0x2000  }
0x94: {  	[sflag:s8] =	ssyncset.done @!p1 $0x0  }
0x95: {  	s7 =	sadd.s32 @!p1 $0x480, s7;
	[sflag:s8] =	ssyncadd.s32 @!p1 $0xFFFFE000;
	s8 =	simm.s32 @!p1 $0x7000  }
0x96: {  	[tilespmem:s8], [sflag:$0x2] =	stream.indirect.gather @!p1 [hbm4b:s4+s9], $0x40, s7, s9, $0xb8;
	[tilespmem:$0x1F000] =	vst v63  }
0x97: {  	_ =	swait.ge [sflag:s17], $0x2000  }
0x98: {  	[sflag:s17] =	ssyncset.done $0x0  }
.Ltmp2:
0x99: {  	s10 =	sadd.s32 $0x2B00, s13;
	[sflag:s17] =	ssyncadd.s32 $0xFFFFE000;
	(pc) =	sbr.rel @p1 .LBB2_4-.Ltmp2, $4  }
0x9a: {  	[spmem:s2] =	stream.indirect.scatter.add.f32 [tilespmem:s30], [sflag:$0xF], $0x40, s10, s14, $0xb8;
	[tilespmem:$0x1F000] =	vst v63  }
0x9b: {  	_ =	swait.ge [sflag:s19], $0x2000  }
0x9c: {  	[sflag:s19] =	ssyncset.done $0x0  }
0x9d: {  	s7 =	sadd.s32 $0x2B80, s13;
	[sflag:s19] =	ssyncadd.s32 $0xFFFFE000  }
0x9e: {  	s8 =	sadd.s32 $0x500, s13  }
0x9f: {  	[tilespmem:s18], [sflag:$0x3] =	stream.indirect.gather [hbm4b:s4+s14], $0x40, s8, s14, $0xb8;
	[tilespmem:$0x1F000] =	vst v63  }
0xa0: {  	_ =	swait.ge [sflag:s5], $0x2000  }
0xa1: {  	[sflag:s5] =	ssyncset.done $0x0  }
0xa2: {  	[sflag:s5] =	ssyncadd.s32 $0xFFFFE000  }
0xa3: {  	[spmem:s2] =	stream.indirect.scatter.add.f32 [tilespmem:s1], [sflag:$0x10], $0x40, s7, s14, $0xb8;
	[tilespmem:$0x1F000] =	vst v63  }
.Ltmp3:
0xa4: {  	_ = 	snop;
	(pc) =	sbr.rel .LBB2_2-.Ltmp3, $4  }
0xa5: {  	_ =	swait.ge [sflag:s6], $0x2000  }
0xa6: {  	[sflag:s6] =	ssyncset.done $0x0  }
0xa7: {  	s13 =	sadd.s32 $0x580, s13;
	s12 =	sadd.s32 $0x1000, s12;
	[sflag:s6] =	ssyncadd.s32 $0xFFFFE000  }
0xa8: {  	[tilespmem:s20], [sflag:$0x4] =	stream.indirect.gather [hbm4b:s4+s14], $0x40, s13, s14, $0xb8;
	[tilespmem:$0x1F000] =	vst v63  }
.LBB2_5:
0xa9: {  	_ =	sfence.sel $0x180000  }
0xaa: {  	[bflag:$0x0] =	sbarrier.arrive $0xFFFF  }
0xab: {  	_ =	strace $0x9000004D  }
0xac: {  	s0 =	stileid.u32;
	[bflag:$0x2] =	sbarrier.arrive $0xFFFF  }
0xad: {  	p0 =	sne.s32 s0, $0x0;
	s0 =	rddreg [dreg:$0x2]  }
0xae: {  	s0 =	sadd.s32 @!p0 $0x100000, s0  }
0xaf: {  	[sflag:s0] =	ssyncadd.tile.s32 @!p0 $0x1;
	_ =	shalt  }
.Lfunc_end2:
_tile_overlayer_lowered:
.L_overlay_start_2:
0xb0: {  	(tag) =	ssettag $0x2  }
0xb1: {  	s0 =	rddreg [dreg:$0x0];
	s2 =	stileid.u32  }
0xb2: {  	s1 =	rddreg [dreg:$0x1];
	p0 =	sne.s32 s2, $0x0  }
0xb3: {  	s3 =	rddreg [dreg:$0x2];
	[bflag:$0x3] =	sbarrier.arrive $0xFFFF;
	s2 =	simm.s32 @!p0 $0x1C11  }
0xb4: {  	[timem:s3], [sflag:s2] =	dma.local @!p0 [hbm:s0], s1  }
0xb5: {  	s0 =	simm.s32 @!p0 $0x11  }
0xb6: {  	_ =	swait.ge @!p0 [sflag:s0], s1  }
0xb7: {  	s1 =	ssub.s32 @!p0 $0x0, s1;
	[sflag:s0] =	ssyncset.done @!p0 $0x0  }
0xb8: {  	[sflag:s0] =	ssyncadd.s32 @!p0 s1  }
0xb9: {  	[bflag:$0x3] =	sbarrier.arrive $0xFFFF  }
0xba: {  	_ =	shalt  }

// kernel: kernel.8.cloned.1.call-start
scs
__scs_entry_jumppad:
0x0: {  	(pc) =	sbr.rel $0x88, $3  }
0x1: {  	(tag) =	ssettag $0x0;
	lr =	simm.s32 $0x1  }
0x2: {  	[smem:$0x3F99] =	sst lr;
	_ =	strace $0xD0000000  }
0x3: {  	_ = 	snop  }
0x4: {  	_ = 	snop  }
0x5: {  	_ = 	snop  }
0x6: {  	_ = 	snop  }
0x7: {  	_ = 	snop  }
__scs_overlays_trampoline_lowered:
0x8: {  	[smem:$0x3FA8] =	sst s0  }
0x9: {  	[smem:$0x3FA9] =	sst s1  }
0xa: {  	[smem:$0x3FAA] =	sst s2  }
0xb: {  	[smem:$0x3FAB] =	sst s3  }
0xc: {  	[smem:$0x3FAC] =	sst s4  }
0xd: {  	[smem:$0x3FAD] =	sst s5  }
0xe: {  	[smem:$0x3FAE] =	sst s6  }
0xf: {  	[smem:$0x3FAF] =	sst s7  }
0x10: {  	[smem:$0x3FB0] =	sst s8  }
0x11: {  	[smem:$0x3FB1] =	sst s9;
	s0 =	simm.s32 @!p0 $0x0  }
0x12: {  	s1 =	sld [smem:$0x3F97];
	s0 =	simm.s32 @p0 $0x1  }
0x13: {  	[smem:$0x3FB2] =	sst s0;
	s0 =	simm.s32 @!p1 $0x0  }
0x14: {  	s2 =	sld [smem:$0x3F96];
	s0 =	simm.s32 @p1 $0x1  }
0x15: {  	[smem:$0x3FB3] =	sst s0;
	s0 =	simm.s32 @!p2 $0x0  }
0x16: {  	s3 =	sld [smem:$0x3FDB];
	s0 =	simm.s32 @p2 $0x1  }
0x17: {  	s4 =	simm.s32 $0x1BF5;
	[smem:$0x3FB5] =	sst s0  }
0x18: {  	s0 =	sld [smem:$0x3F98];
	_ =	swait.ge [sflag:s4], $0x0  }
0x19: {  	s7 =	sld [smem:$0x3F99]  }
0x1a: {  	s8 =	sadd.s32 $0xFFFFE003, lr  }
0x1b: {  	s9 =	sadd.s32 $0xFFFFFEF7, lr;
	s5 =	simm.s32 $0xFFFFFFFF;
	p2 =	slt.u32 s8, $0xFFFFF086  }
0x1c: {  	p1 =	slt.u32 s9, $0xF7A;
	s5 =	simm.s32 @!p2 $0x0  }
0x1d: {  	s5 =	simm.s32 @p1 $0x1;
	p0 =	seq.s32 s7, s2  }
0x1e: {  	s7 =	smul.u32 @!p0 $0xF7A, s2;
	p2 =	seq.s32 @!p0 s5, $0x0  }
0x1f: {  	s9 =	smul.u32 $0xF7A, s1;
	s8 =	simm.s32 @!p0 $0x1BF5;
	p2 =	por !p2, p0  }
0x20: {  	[sflag:s8] =	ssyncset.s32 @!p0 $0xFFFFF086;
	s6 =	sadd.s32 @!p0 s3, s7;
	s7 =	simm.s32 @!p0 $0x108  }
0x21: {  	s3 =	sadd.s32 s3, s9;
	s6 =	sadd.s32 @!p0 $0x88, s6;
	s7 =	simm.s32 @p2 $0x1082  }
0x22: {  	[simem:s7], [sflag:s8] =	dma.local @!p0 [hbm:s6], $0xF7A  }
0x23: {  	s9 =	sor.u32 $0xD0000000, s2;
	s6 =	simm.s32 $0x108;
	_ =	swait.ge @!p0 [sflag:s8], $0x0  }
0x24: {  	s3 =	sadd.s32 $0x88, s3;
	s6 =	simm.s32 @!p1 $0x1082;
	[sflag:s4] =	ssyncset.s32 $0xFFFFF086  }
0x25: {  	[simem:s6], [sflag:s4] =	dma.local [hbm:s3], $0xF7A  }
0x26: {  	[smem:$0x3F99] =	sst s1;
	(tag) =	ssettag s2;
	_ =	strace s9  }
0x27: {  	s1 =	sld [smem:$0x3FA9]  }
0x28: {  	s2 =	sld [smem:$0x3FAA]  }
0x29: {  	s4 =	sld [smem:$0x3FAC]  }
0x2a: {  	p0 =	seq.s32 s5, $0x0;
	s5 =	sld [smem:$0x3FAD]  }
0x2b: {  	s6 =	sld [smem:$0x3FAE]  }
0x2c: {  	s7 =	sld [smem:$0x3FAF]  }
0x2d: {  	s3 =	simm.s32 $0x108;
	s8 =	sld [smem:$0x3FB0]  }
0x2e: {  	s3 =	simm.s32 @!p0 $0x1082;
	s9 =	sld [smem:$0x3FB1]  }
0x2f: {  	lr =	sadd.s32 s0, s3;
	s0 =	sld [smem:$0x3FA8]  }
0x30: {  	s3 =	sld [smem:$0x3FAB]  }
0x31: {  	[smem:$0x3FB4] =	sst s10  }
0x32: {  	s10 =	sld [smem:$0x3FB2];
	_ =	sdelay $0x3  }
0x33: {  	p0 =	seq.s32 s10, $0x1;
	s10 =	sld [smem:$0x3FB4];
	_ =	sdelay $0x3  }
0x34: {  	[smem:$0x3FB4] =	sst s10  }
0x35: {  	s10 =	sld [smem:$0x3FB3];
	_ =	sdelay $0x3  }
0x36: {  	p1 =	seq.s32 s10, $0x1;
	s10 =	sld [smem:$0x3FB4];
	_ =	sdelay $0x3  }
0x37: {  	[smem:$0x3FB4] =	sst s10  }
0x38: {  	s10 =	sld [smem:$0x3FB5]  }
0x39: {  	_ = 	snop;
	(pc) =	sbr.ind lr, $3  }
0x3a: {  	_ = 	snop  }
0x3b: {  	_ = 	snop  }
0x3c: {  	p2 =	seq.s32 s10, $0x1;
	s10 =	sld [smem:$0x3FB4]  }
0x3d: {  	_ =	shalt  }
0x3e: {  	_ =	shalt  }
0x3f: {  	_ =	shalt  }
0x40: {  	_ =	shalt  }
0x41: {  	_ =	shalt  }
0x42: {  	_ =	shalt  }
0x43: {  	_ =	shalt  }
0x44: {  	_ =	shalt  }
0x45: {  	_ =	shalt  }
0x46: {  	_ =	shalt  }
0x47: {  	_ =	shalt  }
0x48: {  	_ =	shalt  }
0x49: {  	_ =	shalt  }
0x4a: {  	_ =	shalt  }
0x4b: {  	_ =	shalt  }
0x4c: {  	_ =	shalt  }
0x4d: {  	_ =	shalt  }
0x4e: {  	_ =	shalt  }
0x4f: {  	_ =	shalt  }
0x50: {  	_ =	shalt  }
0x51: {  	_ =	shalt  }
0x52: {  	_ =	shalt  }
0x53: {  	_ =	shalt  }
0x54: {  	_ =	shalt  }
0x55: {  	_ =	shalt  }
0x56: {  	_ =	shalt  }
0x57: {  	_ =	shalt  }
0x58: {  	_ =	shalt  }
0x59: {  	_ =	shalt  }
0x5a: {  	_ =	shalt  }
0x5b: {  	_ =	shalt  }
0x5c: {  	_ =	shalt  }
0x5d: {  	_ =	shalt  }
0x5e: {  	_ =	shalt  }
0x5f: {  	_ =	shalt  }
0x60: {  	_ =	shalt  }
0x61: {  	_ =	shalt  }
0x62: {  	_ =	shalt  }
0x63: {  	_ =	shalt  }
0x64: {  	_ =	shalt  }
0x65: {  	_ =	shalt  }
0x66: {  	_ =	shalt  }
0x67: {  	_ =	shalt  }
0x68: {  	_ =	shalt  }
0x69: {  	_ =	shalt  }
0x6a: {  	_ =	shalt  }
0x6b: {  	_ =	shalt  }
0x6c: {  	_ =	shalt  }
0x6d: {  	_ =	shalt  }
0x6e: {  	_ =	shalt  }
0x6f: {  	_ =	shalt  }
0x70: {  	_ =	shalt  }
0x71: {  	_ =	shalt  }
0x72: {  	_ =	shalt  }
0x73: {  	_ =	shalt  }
0x74: {  	_ =	shalt  }
0x75: {  	_ =	shalt  }
0x76: {  	_ =	shalt  }
0x77: {  	_ =	shalt  }
0x78: {  	_ =	shalt  }
0x79: {  	_ =	shalt  }
0x7a: {  	_ =	shalt  }
0x7b: {  	_ =	shalt  }
0x7c: {  	_ =	shalt  }
0x7d: {  	_ =	shalt  }
0x7e: {  	_ =	shalt  }
0x7f: {  	_ =	shalt  }
0x80: {  	_ =	shalt  }
0x81: {  	_ =	shalt  }
0x82: {  	_ =	shalt  }
0x83: {  	_ =	shalt  }
0x84: {  	_ =	shalt  }
0x85: {  	_ =	shalt  }
0x86: {  	_ =	shalt  }
0x87: {  	_ =	shalt  }
.Lfunc_end0:
.L_simem_size_0:
called_computation_lowered:
.L_overlay_start_0:
0x88: {  	s2 =	sld [smem:$0x3FD9]  }
0x89: {  	s3 =	sld [smem:$0x3FFE];
	_ =	sdelay $0x1  }
0x8a: {  	s1 =	srdreg.scid  }
0x8b: {  	s0 =	sand.u32 $0x1, s1  }
0x8c: {  	s17 =	sshll.u32 s0, $0xA;
	s2 =	sadd.s32 s3, s2  }
0x8d: {  	s2 =	sadd.s32 s2, s17  }
0x8e: {  	[smem:$0x3FC0] =	sst s2  }
0x8f: {  	_ = 	snop  }
0x90: {  	s2 =	sld [smem:$0x3FD0];
	(tm) =	ssettm $0x1  }
0x91: {  	s18 =	sld [smem:$0x3FFB];
	_ =	sdelay $0x3  }
0x92: {  	_ =	strace s18  }
0x93: {  	s3 =	sld [smem:$0x3FFC];
	_ =	sdelay $0x3  }
0x94: {  	_ =	strace s3  }
0x95: {  	s3 =	sld [smem:$0x3FFD];
	_ =	sdelay $0x3  }
0x96: {  	_ =	strace s3  }
0x97: {  	_ =	strace $0x8FFFFFFF  }
0x98: {  	s19 =	sld [smem:$0x3FDB];
	_ =	sdelay $0x1  }
0x99: {  	s4 =	simm.s32 $_scs_section_size  }
0x9a: {  	s5 =	simm.s32 $_size__tile_overlayer_lowered;
	s6 =	simm.s32 $_tile_overlayer_lowered  }
0x9b: {  	s22 =	simm.s32 $0x1BFF;
	s21 =	sshll.u32 s6, $0x1;
	s3 =	sadd.s32 s4, s19  }
0x9c: {  	s7 =	simm.s32 $0x0;
	s20 =	sshll.u32 s5, $0x1;
	s5 =	sadd.s32 s21, s3  }
0x9d: {  	[timem:s7], [sflag:s22] =	dma.local [hbm:s5], s20  }
0x9e: {  	_ =	swait.ge [sflag:s22], s20  }
0x9f: {  	s4 =	ssub.s32 $0x0, s20;
	[sflag:s22] =	ssyncset.done $0x0  }
0xa0: {  	[sflag:s22] =	ssyncadd.s32 s4;
	_ =	sdelay $0x1  }
0xa1: {  	s23 =	simm.s32 $0x1B8B  }
0xa2: {  	_ =	swait.ge [sflag:s23], $0x1  }
0xa3: {  	[sflag:s23] =	ssyncset.done $0x0  }
0xa4: {  	s25 =	simm.s32 $0x1B8E;
	s24 =	sld [smem:$0x3FFE];
	[sflag:s23] =	ssyncadd.s32 $0xFFFFFFFF  }
0xa5: {  	s26 =	simm.s32 $execute0_lowered;
	[smem:$0x3FD2] =	sst s25  }
0xa6: {  	s5 =	sshll.u32 s26, $0x1;
	_ =	strace $0x80000046;
	[dreg:$0x1] =	wrdreg $0xFFFFFFFF  }
0xa7: {  	s28 =	simm.s32 $_size_execute0_lowered;
	s3 =	sadd.s32 s3, s5;
	[dreg:$0x0] =	wrdreg $0x0  }
0xa8: {  	s5 =	sshll.u32 s28, $0x1;
	[dreg:$0x2] =	wrdreg s3  }
0xa9: {  	[dreg:$0x3] =	wrdreg s5  }
0xaa: {  	[dreg:$0x4] =	wrdreg $0xC0  }
0xab: {  	_ =	task [dreg:s7], $0x5FFFF  }
0xac: {  	[dreg:$0x1] =	wrdreg $0xFFFFFFFF  }
0xad: {  	[dreg:$0x0] =	wrdreg $0x60  }
0xae: {  	[dreg:$0x2] =	wrdreg s24  }
0xaf: {  	[dreg:$0x3] =	wrdreg s2  }
0xb0: {  	[dreg:$0x4] =	wrdreg $0x28800  }
0xb1: {  	[dreg:$0x5] =	wrdreg $0x9  }
0xb2: {  	_ =	task.clear_ibuf [dreg:s7], $0x6FFFF;
	_ =	strace $0x90000046  }
0xb3: {  	s29 =	simm.s32 $0x9;
	_ =	strace $0x80000048  }
0xb4: {  	_ =	swait.ge [sflag:s29], $0x1  }
0xb5: {  	[sflag:s29] =	ssyncadd.s32 $0xFFFFFFFF  }
0xb6: {  	_ =	strace $0x90000048  }
0xb7: {  	_ =	sfence  }
0xb8: {  	s30 =	sld [smem:$0x0];
	_ =	sdelay $0x2  }
0xb9: {  	s31 =	sshll.u32 s1, $0xD;
	s1 =	sshrl.u32 s1, $0x2  }
0xba: {  	s3 =	sand.u32 $0x4000, s31;
	s1 =	sadd.s32 s1, s30  }
0xbb: {  	s0 =	sor.u32 s3, s0;
	s1 =	sshll.u32 s1, $0x11  }
0xbc: {  	s0 =	sor.u32 s1, s0  }
0xbd: {  	s0 =	sadd.s32 $0x8F2B, s0  }
0xbe: {  	[sflag:s0] =	ssyncadd.remote.s32 $0x1  }
0xbf: {  	_ =	sfence.sel $0xFFFF  }
0xc0: {  	[dreg:$0x0] =	wrdreg $0xFFFFFFFF;
	(pc) =	sbr.abs _section_cstart, $3  }
0xc1: {  	[dreg:$0x1] =	wrdreg $0xFFFFFFFF  }
0xc2: {  	_ =	task.clear_ibuf [dreg:s7], $0x2FFFF;
	_ =	strace $0x9FFFFFFF  }
0xc3: {  	(tm) =	ssettm $0x7FFFFFFF  }
tec
execute0_lowered:
.L_overlay_start_1:
0x0: {  	(tag) =	ssettag $0x1  }
0x1: {  	s10 =	rddreg [dreg:$0x0]  }
0x2: {  	s7 =	rddreg [dreg:$0x1];
	s1 =	srdreg.scid  }
0x3: {  	s0 =	stileid.u32;
	s2 =	rddreg [dreg:$0x2]  }
0x4: {  	s3 =	simm.s32 $0x0;
	s15 =	simm.s32 $0x80;
	s16 =	simm.s32 $0x100  }
0x5: {  	s17 =	simm.s32 $0x180;
	s18 =	simm.s32 $0x1;
	s19 =	simm.s32 $0x2  }
0x6: {  	s20 =	simm.s32 $0x3;
	s21 =	simm.s32 $0x4;
	s22 =	simm.s32 $0x0  }
0x7: {  	s4 =	sand.u32 $0x1, s1;
	s5 =	sshll.u32 s0, $0x1;
	s1 =	rddreg [dreg:$0x3]  }
0x8: {  	[smem:$0x7FF] =	sst s3;
	s6 =	smul.u32 $0x280, s0;
	s31 =	sshll.u32 s0, $0x6  }
0x9: {  	s11 =	sor.u32 s4, s5;
	_ =	strace $0x80000047;
	s12 =	smul.u32 $0x2800, s4  }
0xa: {  	s8 =	ssub.s32 $0x2, s4;
	s4 =	sadd.s32 $0x2A00, s10;
	s5 =	smul.u32 $0x500, s11  }
0xb: {  	s13 =	sshrl.u32 s8, $0x1;
	s30 =	sshrl.u32 s6, $0x3;
	s14 =	sadd.s32 s6, s2  }
0xc: {  	p0 =	seq.s32 s11, $0x1F;
	s11 =	simm.s32 $0x2800;
	s8 =	ssub.s32 s8, s13  }
0xd: {  	s12 =	sadd.s32 s6, s12;
	s13 =	sor.u32 $0x1C05, s31;
	s14 =	sshrl.u32 s14, $0x3  }
0xe: {  	s9 =	sadd.s32 s5, s10;
	s5 =	sadd.s32 $0x16800, s10;
	s12 =	sshrl.u32 s12, $0x3  }
0xf: {  	s8 =	smax.u32 s8, $0x1;
	s10 =	sadd.s32 $0x16540, s10;
	s6 =	sadd.s32 s5, s30  }
0x10: {  	s7 =	sadd.s32 s7, s12;
	s9 =	sadd.s32 $0xCA40, s9;
	s12 =	simm.s32 $0x5  }
.LBB2_1:
0x11: {  	s23 =	simm.s32 @p0 $0x0;
	s24 =	simm.s32 @p0 $0x5  }
0x12: {  	[tilespmem:s23], [sflag:$0x5] =	stream.linear.gather @p0 [hbm4b:s10+s23], $0xA00, $0x38;
	[tilespmem:$0x2B00] =	vst v63  }
0x13: {  	_ =	swait.ge @p0 [sflag:s24], $0xA00  }
0x14: {  	[sflag:s24] =	ssyncset.done @p0 $0x0  }
0x15: {  	s25 =	simm.s32 @p0 $0xA00;
	[sflag:s24] =	ssyncadd.s32 @p0 $0xFFFFF600  }
0x16: {  	[tilespmem:s25], [sflag:$0x5] =	stream.linear.gather @p0 [hbm4b:s4+s23], $0x1E00, $0x38;
	[tilespmem:$0x2B00] =	vst v63  }
0x17: {  	_ =	swait.ge @p0 [sflag:s24], $0x1E00  }
0x18: {  	[sflag:s24] =	ssyncset.done @p0 $0x0  }
0x19: {  	s23 =	simm.s32 @!p0 $0x0;
	[sflag:s24] =	ssyncadd.s32 @p0 $0xFFFFE200  }
0x1a: {  	[tilespmem:s23], [sflag:$0x5] =	stream.linear.gather @!p0 [hbm4b:s9+s23], $0x2800, $0x38;
	[tilespmem:$0x2B00] =	vst v63  }
0x1b: {  	s23 =	simm.s32 @!p0 $0x5  }
0x1c: {  	_ =	swait.ge @!p0 [sflag:s23], $0x2800  }
0x1d: {  	[sflag:s23] =	ssyncset.done @!p0 $0x0  }
0x1e: {  	[sflag:s23] =	ssyncadd.s32 @!p0 $0xFFFFD800  }
0x1f: {  	[tilespmem:s11], [sflag:$0x5] =	stream.linear.gather [hbm4b:s5+s3], $0x80, $0x38;
	[tilespmem:$0x2B00] =	vst v63  }
0x20: {  	_ =	swait.ge [sflag:s12], $0x80  }
0x21: {  	[sflag:s12] =	ssyncset.done $0x0  }
0x22: {  	[sflag:s12] =	ssyncadd.s32 $0xFFFFFF80  }
0x23: {  	[spmem:s14], [sflag:s13] =	dma.local [hbm:s6], $0x50  }
0x24: {  	_ =	swait.ge [sflag:s12], $0x50  }
0x25: {  	[sflag:s12] =	ssyncset.done $0x0  }
0x26: {  	[sflag:s12] =	ssyncadd.s32 $0xFFFFFFB0  }
0x27: {  	[bflag:$0x0] =	sbarrier.arrive $0xFFFF  }
0x28: {  	[spmem:s2] =	stream.indirect.scatter.add.f32 [tilespmem:s11], [sflag:$0x1], $0x1, s3, s15, $0xb8;
	[tilespmem:$0x2B00] =	vst v63  }
0x29: {  	_ = 	snop  }
0x2a: {  	[spmem:s2] =	stream.indirect.scatter.add.f32 [tilespmem:s11], [sflag:$0x2], $0x1, s15, s15, $0xb8;
	[tilespmem:$0x2B00] =	vst v63  }
0x2b: {  	_ = 	snop  }
0x2c: {  	[spmem:s2] =	stream.indirect.scatter.add.f32 [tilespmem:s11], [sflag:$0x3], $0x1, s16, s15, $0xb8;
	[tilespmem:$0x2B00] =	vst v63  }
0x2d: {  	_ = 	snop  }
0x2e: {  	[spmem:s2] =	stream.indirect.scatter.add.f32 [tilespmem:s11], [sflag:$0x4], $0x1, s17, s15, $0xb8;
	[tilespmem:$0x2B00] =	vst v63  }
0x2f: {  	_ =	swait.ge [sflag:s18], $0x80  }
0x30: {  	[sflag:s18] =	ssyncset.done $0x0  }
0x31: {  	s29 =	simm.s32 $0x200;
	[sflag:s18] =	ssyncadd.s32 $0xFFFFFF80  }
0x32: {  	[spmem:s2] =	stream.indirect.scatter.add.f32 [tilespmem:s11], [sflag:$0x1], $0x1, s29, s15, $0xb8;
	[tilespmem:$0x2B00] =	vst v63  }
0x33: {  	_ =	swait.ge [sflag:s19], $0x80  }
0x34: {  	[sflag:s19] =	ssyncset.done $0x0  }
0x35: {  	s30 =	simm.s32 $0x280;
	[sflag:s19] =	ssyncadd.s32 $0xFFFFFF80  }
0x36: {  	[spmem:s2] =	stream.indirect.scatter.add.f32 [tilespmem:s11], [sflag:$0x2], $0x1, s30, s15, $0xb8;
	[tilespmem:$0x2B00] =	vst v63  }
0x37: {  	_ =	swait.ge [sflag:s20], $0x80  }
0x38: {  	[sflag:s20] =	ssyncset.done $0x0  }
0x39: {  	s31 =	simm.s32 $0x300;
	[sflag:s20] =	ssyncadd.s32 $0xFFFFFF80  }
0x3a: {  	[spmem:s2] =	stream.indirect.scatter.add.f32 [tilespmem:s11], [sflag:$0x3], $0x1, s31, s15, $0xb8;
	[tilespmem:$0x2B00] =	vst v63  }
0x3b: {  	_ =	swait.ge [sflag:s21], $0x80  }
0x3c: {  	[sflag:s21] =	ssyncset.done $0x0  }
0x3d: {  	s24 =	simm.s32 $0x380;
	s23 =	simm.s32 $0xFFFF7000;
	[sflag:s21] =	ssyncadd.s32 $0xFFFFFF80  }
.LBB2_2:
0x3e: {  	[spmem:s2] =	stream.indirect.scatter.add.f32 [tilespmem:s11], [sflag:$0x4], $0x1, s24, s15, $0xb8;
	[tilespmem:$0x2B00] =	vst v63  }
0x3f: {  	s24 =	smov.u32 s23  }
0x40: {  	p1 =	sne.s32 s23, $0xFFFFF800;
	s23 =	sadd.s32 $0x800, s23;
	_ =	swait.ge [sflag:s18], $0x80  }
0x41: {  	s24 =	sshra.s32 s24, $0x2;
	[sflag:s18] =	ssyncset.done $0x0  }
0x42: {  	s25 =	sadd.s32 $0x2800, s24;
	[sflag:s18] =	ssyncadd.s32 $0xFFFFFF80  }
0x43: {  	[spmem:s2] =	stream.indirect.scatter.add.f32 [tilespmem:s11], [sflag:$0x1], $0x1, s25, s15, $0xb8;
	[tilespmem:$0x2B00] =	vst v63  }
0x44: {  	_ =	swait.ge [sflag:s19], $0x80  }
0x45: {  	[sflag:s19] =	ssyncset.done $0x0  }
0x46: {  	s25 =	sadd.s32 $0x2880, s24;
	[sflag:s19] =	ssyncadd.s32 $0xFFFFFF80  }
0x47: {  	[spmem:s2] =	stream.indirect.scatter.add.f32 [tilespmem:s11], [sflag:$0x2], $0x1, s25, s15, $0xb8;
	[tilespmem:$0x2B00] =	vst v63  }
0x48: {  	_ =	swait.ge [sflag:s20], $0x80  }
0x49: {  	[sflag:s20] =	ssyncset.done $0x0  }
.Ltmp0:
0x4a: {  	s25 =	sadd.s32 $0x2900, s24;
	[sflag:s20] =	ssyncadd.s32 $0xFFFFFF80;
	(pc) =	sbr.rel @p1 .LBB2_2-.Ltmp0, $4  }
0x4b: {  	[spmem:s2] =	stream.indirect.scatter.add.f32 [tilespmem:s11], [sflag:$0x3], $0x1, s25, s15, $0xb8;
	[tilespmem:$0x2B00] =	vst v63  }
0x4c: {  	_ =	swait.ge [sflag:s21], $0x80  }
0x4d: {  	[sflag:s21] =	ssyncset.done $0x0  }
0x4e: {  	s24 =	sadd.s32 $0x2980, s24;
	[sflag:s21] =	ssyncadd.s32 $0xFFFFFF80  }
0x4f: {  	[spmem:s2] =	stream.indirect.scatter.add.f32 [tilespmem:s11], [sflag:$0x4], $0x1, s24, s15, $0xb8;
	[tilespmem:$0x2B00] =	vst v63  }
0x50: {  	_ =	swait.ge [sflag:s18], $0x80  }
0x51: {  	[sflag:s18] =	ssyncset.done $0x0  }
0x52: {  	[sflag:s18] =	ssyncadd.s32 $0xFFFFFF80  }
0x53: {  	_ =	swait.ge [sflag:s19], $0x80  }
0x54: {  	[sflag:s19] =	ssyncset.done $0x0  }
0x55: {  	[sflag:s19] =	ssyncadd.s32 $0xFFFFFF80  }
0x56: {  	_ =	swait.ge [sflag:s20], $0x80  }
0x57: {  	[sflag:s20] =	ssyncset.done $0x0  }
0x58: {  	[sflag:s20] =	ssyncadd.s32 $0xFFFFFF80  }
0x59: {  	_ =	swait.ge [sflag:s21], $0x80  }
0x5a: {  	s22 =	sadd.s32 $0x1, s22;
	[sflag:s21] =	ssyncset.done $0x0  }
0x5b: {  	p1 =	sne.s32 s22, s8;
	[sflag:s21] =	ssyncadd.s32 $0xFFFFFF80  }
.Ltmp1:
0x5c: {  	[bflag:$0x0] =	sbarrier.arrive $0xFFFF;
	(pc) =	sbr.rel @p1 .LBB2_1-.Ltmp1, $4  }
0x5d: {  	[hbm:s7], [sflag:s13] =	dma.local [spmem:s14], $0x50  }
0x5e: {  	_ =	swait.ge [sflag:s12], $0x50  }
0x5f: {  	[sflag:s12] =	ssyncset.done $0x0  }
0x60: {  	[sflag:s12] =	ssyncadd.s32 $0xFFFFFFB0  }
0x61: {  	_ =	sfence.sel $0x180000  }
0x62: {  	[bflag:$0x0] =	sbarrier.arrive $0xFFFF  }
0x63: {  	p0 =	sne.s32 s0, $0x0;
	_ =	strace $0x90000047  }
0x64: {  	s0 =	sadd.s32 @!p0 $0x100000, s1;
	[bflag:$0x2] =	sbarrier.arrive $0xFFFF  }
0x65: {  	[sflag:s0] =	ssyncadd.tile.s32 @!p0 $0x1;
	_ =	shalt  }
.Lfunc_end2:
_tile_overlayer_lowered:
.L_overlay_start_2:
0x66: {  	(tag) =	ssettag $0x2  }
0x67: {  	s0 =	rddreg [dreg:$0x0];
	s2 =	stileid.u32  }
0x68: {  	s1 =	rddreg [dreg:$0x1];
	p0 =	sne.s32 s2, $0x0  }
0x69: {  	s3 =	rddreg [dreg:$0x2];
	[bflag:$0x3] =	sbarrier.arrive $0xFFFF;
	s2 =	simm.s32 @!p0 $0x1C05  }
0x6a: {  	[timem:s3], [sflag:s2] =	dma.local @!p0 [hbm:s0], s1  }
0x6b: {  	s0 =	simm.s32 @!p0 $0x5  }
0x6c: {  	_ =	swait.ge @!p0 [sflag:s0], s1  }
0x6d: {  	s1 =	ssub.s32 @!p0 $0x0, s1;
	[sflag:s0] =	ssyncset.done @!p0 $0x0  }
0x6e: {  	[sflag:s0] =	ssyncadd.s32 @!p0 s1  }
0x6f: {  	[bflag:$0x3] =	sbarrier.arrive $0xFFFF  }
0x70: {  	_ =	shalt  }

</sc_bundles>
